<compile_context>
chip_gen: v7x
topology: tpu7x:2x2x1
jax: 0.10.2.dev20260603
libtpu: 0.0.44.dev20260713+nightly
codegen_flags: <defaults>
</compile_context>

<pallas_src>
import functools

import jax
import jax.numpy as jnp
from jax import lax
from jax.experimental import pallas as pl
from jax.experimental.pallas import tpu as pltpu
from jax.experimental.pallas import tpu_sc as plsc

N = 10000
E = 320000
D = 128
G = 512
NP = 10240
GP = 768
NC = 2
NS = 16
TILES = NC * NS
ROWS_PER_TILE = NP // TILES
ROWS_PER_SUB = NP // NS

ECHUNK = 128
NCHUNK = 80
HCHUNK = 40
NBUF = 2
EP = TILES * NCHUNK * ECHUNK

PEC = 128
PNCH = 80

_mesh = plsc.VectorSubcoreMesh(core_axis_name="c", subcore_axis_name="s")


def _wid():
    return lax.axis_index("s") * NC + lax.axis_index("c")


@functools.partial(
    pl.kernel,
    out_type=(
        jax.ShapeDtypeStruct((NP, D), jnp.float32),
        jax.ShapeDtypeStruct((NP,), jnp.float32),
        jax.ShapeDtypeStruct((NP,), jnp.float32),
    ),
    mesh=_mesh,
    scratch_types=[
        pltpu.VMEM((PNCH, PEC), jnp.int32),
        pltpu.VMEM((PEC,), jnp.float32),
        pltpu.VMEM((64,), jnp.int32),
        pltpu.VMEM((64, D), jnp.float32),
        pltpu.VMEM((64,), jnp.float32),
        pltpu.VMEM((ROWS_PER_SUB,), jnp.float32),
        pltpu.VMEM_SHARED((NP,), jnp.float32),
        pltpu.SemaphoreType.DMA,
    ],
)
def _sc_prep(srcp, xp, emb, z1h, onesh, h0_out, deg0_out, deg1_out,
             sidx, onesv, xidx, rows, z1v, dbuf, acc1, sem):
    c = lax.axis_index("c")
    s = lax.axis_index("s")
    wid = _wid()
    pltpu.sync_copy(z1h, z1v)
    pltpu.sync_copy(onesh, onesv)

    def zero_body(j, _):
        pltpu.sync_copy(z1v, acc1.at[pl.ds(s * ROWS_PER_SUB + j * 64, 64)])
        return _
    lax.fori_loop(0, ROWS_PER_SUB // 64, zero_body, None)

    def emb_body(j, _):
        base = wid * ROWS_PER_TILE + j * 64
        pltpu.sync_copy(xp.at[pl.ds(base, 64)], xidx)
        pltpu.async_copy(emb.at[xidx], rows, sem).wait()
        pltpu.sync_copy(rows, h0_out.at[pl.ds(base, 64)])
        return _
    lax.fori_loop(0, ROWS_PER_TILE // 64, emb_body, None)

    pltpu.sync_copy(srcp.at[wid], sidx)
    plsc.subcore_barrier()

    def deg_body(i, _):
        pltpu.sync_copy(onesv, acc1.at[sidx.at[i]], add=True)
        return _
    lax.fori_loop(0, PNCH, deg_body, None)

    plsc.subcore_barrier()
    sl = pl.ds(s * ROWS_PER_SUB, ROWS_PER_SUB)
    pltpu.sync_copy(acc1.at[sl], dbuf)

    @pl.when(c == 0)
    def _w0():
        pltpu.sync_copy(dbuf, deg0_out.at[sl])

    @pl.when(c == 1)
    def _w1():
        pltpu.sync_copy(dbuf, deg1_out.at[sl])


@functools.partial(
    pl.kernel,
    out_type=jax.ShapeDtypeStruct((NC, NP, D), jnp.float32),
    mesh=_mesh,
    scratch_types=[
        pltpu.VMEM((HCHUNK, ECHUNK), jnp.int32),
        pltpu.VMEM((HCHUNK, ECHUNK), jnp.int32),
        pltpu.VMEM((ECHUNK, D), jnp.float32),
        pltpu.VMEM((ECHUNK, D), jnp.float32),
        pltpu.VMEM_SHARED((NP, D), jnp.float32),
        pltpu.SemaphoreType.DMA,
        pltpu.SemaphoreType.DMA,
    ],
)
def _sc_scatter(hn, src2d, dst2d, zh, agg_out,
                sidx, didx, r0, r1, acc, g0, g1):
    c = lax.axis_index("c")
    s = lax.axis_index("s")
    wid = _wid()
    rows = (r0, r1)
    gsem = (g0, g1)
    sl = pl.ds(s * ROWS_PER_SUB, ROWS_PER_SUB)

    zr = ROWS_PER_SUB // 2
    pltpu.sync_copy(zh, acc.at[pl.ds(s * ROWS_PER_SUB, zr)])
    pltpu.sync_copy(zh, acc.at[pl.ds(s * ROWS_PER_SUB + zr, zr)])
    plsc.subcore_barrier()

    def _g_start(k, b):
        pltpu.async_copy(hn.at[sidx.at[k]], rows[b], gsem[b])

    def _g_wait(k, b):
        pltpu.make_async_copy(hn.at[sidx.at[k]], rows[b], gsem[b]).wait()

    for h in range(NCHUNK // HCHUNK):
        pltpu.sync_copy(src2d.at[wid, pl.ds(h * HCHUNK, HCHUNK)], sidx)
        pltpu.sync_copy(dst2d.at[wid, pl.ds(h * HCHUNK, HCHUNK)], didx)
        _g_start(0, 0)

        def pair(kk, _):
            e0 = 2 * kk
            _g_start(e0 + 1, 1)
            _g_wait(e0, 0)
            pltpu.sync_copy(rows[0], acc.at[didx.at[e0]], add=True)

            @pl.when(e0 + 2 < HCHUNK)
            def _prefetch():
                _g_start(e0 + 2, 0)

            _g_wait(e0 + 1, 1)
            pltpu.sync_copy(rows[1], acc.at[didx.at[e0 + 1]], add=True)
            return _
        lax.fori_loop(0, HCHUNK // 2, pair, None)

    plsc.subcore_barrier()
    pltpu.sync_copy(acc.at[sl], agg_out.at[c, sl])


_GROWS = GP // NS


@functools.partial(
    pl.kernel,
    out_type=(
        jax.ShapeDtypeStruct((NC, GP, D), jnp.float32),
        jax.ShapeDtypeStruct((GP,), jnp.float32),
        jax.ShapeDtypeStruct((GP,), jnp.float32),
    ),
    mesh=_mesh,
    scratch_types=[
        pltpu.VMEM((ROWS_PER_TILE // 64, 64), jnp.int32),
        pltpu.VMEM((64, D), jnp.float32),
        pltpu.VMEM((64,), jnp.float32),
        pltpu.VMEM((64, D), jnp.float32),
        pltpu.VMEM((_GROWS,), jnp.float32),
        pltpu.VMEM_SHARED((GP, D), jnp.float32),
        pltpu.VMEM_SHARED((GP,), jnp.float32),
    ],
)
def _sc_pool(h4, ptr2d, z2h, z1h, onesh, pooled_out, cnt0_out, cnt1_out,
             pidx, rowb, onesv, zb, z1v, acc_r, acc_c):
    c = lax.axis_index("c")
    s = lax.axis_index("s")
    wid = _wid()
    pltpu.sync_copy(z2h.at[pl.ds(0, 64)], zb)
    pltpu.sync_copy(z1h.at[pl.ds(0, _GROWS)], z1v)
    pltpu.sync_copy(onesh.at[pl.ds(0, 64)], onesv)
    sl = pl.ds(s * _GROWS, _GROWS)
    pltpu.sync_copy(zb.at[pl.ds(0, _GROWS)], acc_r.at[sl])
    pltpu.sync_copy(z1v, acc_c.at[sl])
    nch = ROWS_PER_TILE // 64
    pltpu.sync_copy(ptr2d.at[wid], pidx)
    plsc.subcore_barrier()

    def body(j, _):
        pltpu.sync_copy(h4.at[pl.ds(wid * ROWS_PER_TILE + j * 64, 64)], rowb)
        pltpu.sync_copy(rowb, acc_r.at[pidx.at[j]], add=True)
        pltpu.sync_copy(onesv, acc_c.at[pidx.at[j]], add=True)
        return _
    lax.fori_loop(0, nch, body, None)

    plsc.subcore_barrier()
    pltpu.sync_copy(acc_r.at[sl], zb.at[pl.ds(0, _GROWS)])
    pltpu.sync_copy(zb.at[pl.ds(0, _GROWS)], pooled_out.at[c, sl])
    pltpu.sync_copy(acc_c.at[sl], z1v)

    @pl.when(c == 0)
    def _w0():
        pltpu.sync_copy(z1v, cnt0_out.at[sl])

    @pl.when(c == 1)
    def _w1():
        pltpu.sync_copy(z1v, cnt1_out.at[sl])


_RB = 512
_NBLK = NP // _RB


def _tc_prep_body(h0_ref, deg0_ref, deg1_ref, hn_ref, rdeg_ref):
    dg = deg0_ref[...] + deg1_ref[...]
    r = lax.rsqrt(dg + 1.0)
    rdeg_ref[...] = r
    hn_ref[...] = h0_ref[...] * r


def _tc_prep(h0, deg0, deg1):
    return pl.pallas_call(
        _tc_prep_body,
        grid=(_NBLK,),
        in_specs=[
            pl.BlockSpec((_RB, D), lambda i: (i, 0)),
            pl.BlockSpec((_RB, 1), lambda i: (i, 0)),
            pl.BlockSpec((_RB, 1), lambda i: (i, 0)),
        ],
        out_specs=[
            pl.BlockSpec((_RB, D), lambda i: (i, 0)),
            pl.BlockSpec((_RB, 1), lambda i: (i, 0)),
        ],
        out_shape=[
            jax.ShapeDtypeStruct((NP, D), jnp.float32),
            jax.ShapeDtypeStruct((NP, 1), jnp.float32),
        ],
    )(h0, deg0, deg1)


def _tc_layer_body(agg_ref, hn_ref, w_ref, b_ref, sc_ref, out_ref):
    a = agg_ref[0] + agg_ref[1] + hn_ref[...]
    y = jnp.dot(a, w_ref[...], preferred_element_type=jnp.float32)
    y = jnp.maximum(y + b_ref[...], 0.0)
    out_ref[...] = y * sc_ref[...]


def _tc_layer(agg2, hn, w, b, scale):
    return pl.pallas_call(
        _tc_layer_body,
        grid=(_NBLK,),
        in_specs=[
            pl.BlockSpec((NC, _RB, D), lambda i: (0, i, 0)),
            pl.BlockSpec((_RB, D), lambda i: (i, 0)),
            pl.BlockSpec((D, D), lambda i: (0, 0)),
            pl.BlockSpec((1, D), lambda i: (0, 0)),
            pl.BlockSpec((_RB, 1), lambda i: (i, 0)),
        ],
        out_specs=pl.BlockSpec((_RB, D), lambda i: (i, 0)),
        out_shape=jax.ShapeDtypeStruct((NP, D), jnp.float32),
    )(agg2, hn, w, b, scale)


def _tc_mlp_body(p_ref, c0_ref, c1_ref, w0_ref, b0_ref, w1_ref, b1_ref,
                 w2_ref, b2_ref, out_ref):
    p = p_ref[0, pl.ds(0, G), :] + p_ref[1, pl.ds(0, G), :]
    cnt = c0_ref[pl.ds(0, G), :] + c1_ref[pl.ds(0, G), :]
    cnt = jnp.maximum(cnt, 1.0)
    p = p / cnt
    y = jnp.dot(p, w0_ref[...], preferred_element_type=jnp.float32)
    y = jnp.maximum(y + b0_ref[...], 0.0)
    y = jnp.dot(y, w1_ref[...], preferred_element_type=jnp.float32)
    y = jnp.maximum(y + b1_ref[...], 0.0)
    y = jnp.dot(y, w2_ref[...], preferred_element_type=jnp.float32)
    out_ref[...] = y + b2_ref[...]


def _tc_mlp(pooled2, cnt0, cnt1, w0, b0, w1, b1, w2, b2):
    return pl.pallas_call(
        _tc_mlp_body,
        out_shape=jax.ShapeDtypeStruct((G, 1), jnp.float32),
    )(pooled2, cnt0, cnt1, w0, b0, w1, b1, w2, b2)


def kernel(x, edge_index, ptr, emb, Wc0, bc0, Wc1, bc1, Wc2, bc2, Wc3, bc3,
           Wm0, bm0, Wm1, bm1, Wm2, bm2):
    f32 = jnp.float32
    x_p = jnp.concatenate([x.astype(jnp.int32), jnp.zeros((NP - N,), jnp.int32)])
    trash = jnp.full((EP - E,), NP - 1, jnp.int32)
    src = jnp.concatenate([edge_index[0].astype(jnp.int32), trash])
    dst = jnp.concatenate([edge_index[1].astype(jnp.int32), trash])
    src2d = src.reshape(TILES, NCHUNK, ECHUNK)
    dst2d = dst.reshape(TILES, NCHUNK, ECHUNK)
    srcp = src.reshape(TILES, PNCH, PEC)
    ptr2d = jnp.concatenate(
        [ptr.astype(jnp.int32), jnp.full((NP - N,), G, jnp.int32)]).reshape(
        TILES, ROWS_PER_TILE // 64, 64)
    z2h = jnp.zeros((64, D), f32)
    zh = jnp.zeros((ROWS_PER_SUB // 2, D), f32)
    z1h = jnp.zeros((64,), f32)
    onesh = jnp.ones((PEC,), f32)
    ones_scale = jnp.ones((NP, 1), f32)

    h0, deg0, deg1 = _sc_prep(srcp, x_p, emb, z1h, onesh)
    hn, rdeg = _tc_prep(h0, deg0.reshape(NP, 1), deg1.reshape(NP, 1))
    for i, (w, b) in enumerate(((Wc0, bc0), (Wc1, bc1), (Wc2, bc2), (Wc3, bc3))):
        agg2 = _sc_scatter(hn, src2d, dst2d, zh)
        scale = rdeg if i < 3 else ones_scale
        hn = _tc_layer(agg2, hn, w, b.reshape(1, D), scale)
    pooled2, cnt0, cnt1 = _sc_pool(hn, ptr2d, z2h, z1h, onesh)
    y = _tc_mlp(pooled2, cnt0.reshape(GP, 1), cnt1.reshape(GP, 1),
                Wm0, bm0.reshape(1, D // 2), Wm1, bm1.reshape(1, D // 4),
                Wm2, bm2.reshape(1, 1))
    return y

# --- scband reference (transcript-rebuilt; emitter-appended) ---
"""Pipeline reference for scband-gcn-90615220011126 (READ-ONLY COPY).

The authoritative reference and input builder live on the scoring server;
editing this copy changes nothing except your own understanding.
"""

import jax, jax.numpy as jnp
import numpy as np

N = 10000
E = 320000
D = 128
G = 512
NUM_ATOM_TYPES = 28


def setup_inputs(seed: int = 0) -> dict:
    key = jax.random.key(seed)
    ks = jax.random.split(key, 24)
    inp = {}
    inp['x'] = jax.random.randint(ks[0], (N,), 0, NUM_ATOM_TYPES, dtype=jnp.int64 if jax.config.jax_enable_x64 else jnp.int32)
    inp['edge_index'] = jax.random.randint(ks[1], (2, E), 0, N, dtype=jnp.int64 if jax.config.jax_enable_x64 else jnp.int32)
    inp['ptr'] = jnp.sort(jax.random.randint(ks[2], (N,), 0, G, dtype=jnp.int64 if jax.config.jax_enable_x64 else jnp.int32))
    # embedding table (28 atom types -> in_channels=128)
    inp['emb'] = jax.random.normal(ks[3], (NUM_ATOM_TYPES, D), dtype=jnp.float32) * 0.02
    # 4 GCN conv layers, each 128 -> 128 (in==hidden==out==128)
    for i in range(4):
        inp[f'Wc{i}'] = jax.random.normal(ks[4 + 2 * i], (D, D), dtype=jnp.float32) * (1.0 / np.sqrt(D))
        inp[f'bc{i}'] = jnp.zeros((D,), dtype=jnp.float32)
    # MLPReadout with L=2: 128 -> 64 -> 32 -> 1
    dims = [D, D // 2, D // 4, 1]
    for i in range(3):
        inp[f'Wm{i}'] = jax.random.normal(ks[12 + 2 * i], (dims[i], dims[i + 1]), dtype=jnp.float32) * (1.0 / np.sqrt(dims[i]))
        inp[f'bm{i}'] = jnp.zeros((dims[i + 1],), dtype=jnp.float32)
    return inp


def _gcn_conv(h, edge_index, W, b):
    src = edge_index[0]
    dst = edge_index[1]
    n = h.shape[0]
    deg = jnp.bincount(src, length=n).astype(h.dtype)
    degs = jnp.sqrt(deg + 1.0)
    h = h / degs[:, None]
    # message passing with 'add' aggregation: scatter-add src features into dst
    agg = jax.ops.segment_sum(h[src], dst, num_segments=n)
    # self loops: include the node's own (normalized) feature
    agg = agg + h
    return agg @ W + b


def reference(x, edge_index, ptr, emb,
              Wc0, bc0, Wc1, bc1, Wc2, bc2, Wc3, bc3,
              Wm0, bm0, Wm1, bm1, Wm2, bm2):
    h = jnp.take(emb, x, axis=0)
    for W, b in ((Wc0, bc0), (Wc1, bc1), (Wc2, bc2), (Wc3, bc3)):
        h = jax.nn.relu(_gcn_conv(h, edge_index, W, b))
    # scatter_mean over graphs
    counts = jnp.bincount(ptr, length=G).astype(h.dtype)
    counts = jnp.clip(counts, 1.0, None)
    pooled = jax.ops.segment_sum(h, ptr, num_segments=G) / counts[:, None]
    # MLP readout: Linear+ReLU x2, then final Linear
    y = jax.nn.relu(pooled @ Wm0 + bm0)
    y = jax.nn.relu(y @ Wm1 + bm1)
    y = y @ Wm2 + bm2
    return y

if __name__ == "__main__":
    import jax
    _d = setup_inputs()
    print(jax.jit(kernel)(*tuple(_d.values())))

</pallas_src>

<mosaic_0001>
#map = affine_map<(d0, d1) -> (0, 0, 0)>
#map1 = affine_map<(d0, d1) -> (0)>
#map2 = affine_map<(d0, d1) -> (0, 0)>
module attributes {stable_mosaic.version = 14 : i64} {
  func.func @_sc_prep(%arg0: i32, %arg1: i32, %arg2: memref<32x80x128xi32, #tpu.memory_space<hbm>>, %arg3: memref<10240xi32, #tpu.memory_space<hbm>>, %arg4: memref<28x128xf32, #tpu.memory_space<hbm>>, %arg5: memref<64xf32, #tpu.memory_space<hbm>>, %arg6: memref<128xf32, #tpu.memory_space<hbm>>, %arg7: memref<10240x128xf32, #tpu.memory_space<hbm>>, %arg8: memref<10240xf32, #tpu.memory_space<hbm>>, %arg9: memref<10240xf32, #tpu.memory_space<hbm>>, %arg10: memref<80x128xi32, #tpu.memory_space<vmem>>, %arg11: memref<128xf32, #tpu.memory_space<vmem>>, %arg12: memref<64xi32, #tpu.memory_space<vmem>>, %arg13: memref<64x128xf32, #tpu.memory_space<vmem>>, %arg14: memref<64xf32, #tpu.memory_space<vmem>>, %arg15: memref<640xf32, #tpu.memory_space<vmem>>, %arg16: memref<10240xf32, #tpu.memory_space<vmem_shared>>, %arg17: memref<!tpu.dma_semaphore, #tpu.memory_space<semaphore_mem>>) attributes {dimension_semantics = [#tpu.dimension_semantics<core_parallel>, #tpu.dimension_semantics<subcore_parallel>], iteration_bounds = array<i64: 2, 16>, scalar_prefetch = 0 : i64, scratch_operands = 8 : i64, tpu.core_type = #tpu.core_type<sc_vector_subcore>, window_params = [{transform_indices = #map}, {transform_indices = #map1}, {transform_indices = #map2}, {transform_indices = #map1}, {transform_indices = #map1}, {transform_indices = #map2}, {transform_indices = #map1}, {transform_indices = #map1}]} {
    %mul3A = arith.constant 2 : i32
    %mul3A_0 = arith.muli %arg1, %mul3A : i32
    %add3A = arith.addi %mul3A_0, %arg0 : i32
    "tpu.region"() ({
      %run_scoped3A = tpu.sem_alloc : memref<!tpu.dma_semaphore, #tpu.memory_space<semaphore_mem>>
      tpu.enqueue_dma source(%arg5 : memref<64xf32, #tpu.memory_space<hbm>>) target(%arg14 : memref<64xf32, #tpu.memory_space<vmem>>) target_semaphore(%run_scoped3A : memref<!tpu.dma_semaphore, #tpu.memory_space<semaphore_mem>>)
      tpu.wait_dma2 semaphore(%run_scoped3A : memref<!tpu.dma_semaphore, #tpu.memory_space<semaphore_mem>>) src(%arg5 : memref<64xf32, #tpu.memory_space<hbm>>) dst(%arg14 : memref<64xf32, #tpu.memory_space<vmem>>)
      tpu.yield
    }) : () -> ()
    "tpu.region"() ({
      %run_scoped3A = tpu.sem_alloc : memref<!tpu.dma_semaphore, #tpu.memory_space<semaphore_mem>>
      tpu.enqueue_dma source(%arg6 : memref<128xf32, #tpu.memory_space<hbm>>) target(%arg11 : memref<128xf32, #tpu.memory_space<vmem>>) target_semaphore(%run_scoped3A : memref<!tpu.dma_semaphore, #tpu.memory_space<semaphore_mem>>)
      tpu.wait_dma2 semaphore(%run_scoped3A : memref<!tpu.dma_semaphore, #tpu.memory_space<semaphore_mem>>) src(%arg6 : memref<128xf32, #tpu.memory_space<hbm>>) dst(%arg11 : memref<128xf32, #tpu.memory_space<vmem>>)
      tpu.yield
    }) : () -> ()
    %scan3A = arith.constant 0 : i32
    %scan3A_1 = arith.constant 10 : i32
    %scan3A_2 = arith.addi %scan3A, %scan3A_1 : i32
    %scan3A_3 = arith.constant 1 : i32
    scf.for %scan3A_25 = %scan3A to %scan3A_2 step %scan3A_3  : i32 {
      %mul3A_26 = arith.constant 640 : i32
      %mul3A_27 = arith.muli %arg1, %mul3A_26 : i32
      %mul3A_28 = arith.constant 64 : i32
      %mul3A_29 = arith.muli %scan3A_25, %mul3A_28 : i32
      %add3A_30 = arith.addi %mul3A_27, %mul3A_29 : i32
      "tpu.region"() ({
        %run_scoped3A = tpu.sem_alloc : memref<!tpu.dma_semaphore, #tpu.memory_space<semaphore_mem>>
        %dma_start3A = tpu.memref_slice %arg16[%add3A_30] : memref<10240xf32, #tpu.memory_space<vmem_shared>> -> memref<64xf32, #tpu.memory_space<vmem_shared>>
        %dma_start3A_31 = tpu.memref_slice %arg16[%add3A_30] : memref<10240xf32, #tpu.memory_space<vmem_shared>> -> memref<64xf32, #tpu.memory_space<vmem_shared>>
        tpu.enqueue_dma source(%arg14 : memref<64xf32, #tpu.memory_space<vmem>>) target(%dma_start3A_31 : memref<64xf32, #tpu.memory_space<vmem_shared>>) target_semaphore(%run_scoped3A : memref<!tpu.dma_semaphore, #tpu.memory_space<semaphore_mem>>)
        %dma_wait3A = tpu.memref_slice %arg16[%add3A_30] : memref<10240xf32, #tpu.memory_space<vmem_shared>> -> memref<64xf32, #tpu.memory_space<vmem_shared>>
        %dma_wait3A_32 = tpu.memref_slice %arg16[%add3A_30] : memref<10240xf32, #tpu.memory_space<vmem_shared>> -> memref<64xf32, #tpu.memory_space<vmem_shared>>
        tpu.wait_dma2 semaphore(%run_scoped3A : memref<!tpu.dma_semaphore, #tpu.memory_space<semaphore_mem>>) src(%arg14 : memref<64xf32, #tpu.memory_space<vmem>>) dst(%dma_wait3A_32 : memref<64xf32, #tpu.memory_space<vmem_shared>>)
        tpu.yield
      }) : () -> ()
    }
    %scan3A_4 = arith.constant 10 : i32
    %scan3A_5 = arith.constant 0 : i32
    %scan3A_6 = arith.constant 5 : i32
    %scan3A_7 = arith.addi %scan3A_5, %scan3A_6 : i32
    %scan3A_8 = arith.constant 1 : i32
    scf.for %scan3A_25 = %scan3A_5 to %scan3A_7 step %scan3A_8  : i32 {
      %mul3A_26 = arith.constant 320 : i32
      %mul3A_27 = arith.muli %add3A, %mul3A_26 : i32
      %mul3A_28 = arith.constant 64 : i32
      %mul3A_29 = arith.muli %scan3A_25, %mul3A_28 : i32
      %add3A_30 = arith.addi %mul3A_27, %mul3A_29 : i32
      "tpu.region"() ({
        %run_scoped3A = tpu.sem_alloc : memref<!tpu.dma_semaphore, #tpu.memory_space<semaphore_mem>>
        %dma_start3A_35 = tpu.memref_slice %arg3[%add3A_30] : memref<10240xi32, #tpu.memory_space<hbm>> -> memref<64xi32, #tpu.memory_space<hbm>>
        %dma_start3A_36 = tpu.memref_slice %arg3[%add3A_30] : memref<10240xi32, #tpu.memory_space<hbm>> -> memref<64xi32, #tpu.memory_space<hbm>>
        tpu.enqueue_dma source(%dma_start3A_36 : memref<64xi32, #tpu.memory_space<hbm>>) target(%arg12 : memref<64xi32, #tpu.memory_space<vmem>>) target_semaphore(%run_scoped3A : memref<!tpu.dma_semaphore, #tpu.memory_space<semaphore_mem>>)
        %dma_wait3A_37 = tpu.memref_slice %arg3[%add3A_30] : memref<10240xi32, #tpu.memory_space<hbm>> -> memref<64xi32, #tpu.memory_space<hbm>>
        %dma_wait3A_38 = tpu.memref_slice %arg3[%add3A_30] : memref<10240xi32, #tpu.memory_space<hbm>> -> memref<64xi32, #tpu.memory_space<hbm>>
        tpu.wait_dma2 semaphore(%run_scoped3A : memref<!tpu.dma_semaphore, #tpu.memory_space<semaphore_mem>>) src(%dma_wait3A_38 : memref<64xi32, #tpu.memory_space<hbm>>) dst(%arg12 : memref<64xi32, #tpu.memory_space<vmem>>)
        tpu.yield
      }) : () -> ()
      %dma_start3A = arith.constant 0 : i32
      %dma_start3A_31 = arith.constant 0 : i32
      %dma_start3A_32 = tpu.memref_slice %arg4[%dma_start3A, %dma_start3A_31] : memref<28x128xf32, #tpu.memory_space<hbm>> -> memref<28x128xf32, #tpu.memory_space<hbm>>
      tpu.enqueue_indirect_dma source(%dma_start3A_32 : memref<28x128xf32, #tpu.memory_space<hbm>>) target(%arg13 : memref<64x128xf32, #tpu.memory_space<vmem>>) offsets(%arg12 : memref<64xi32, #tpu.memory_space<vmem>>) semaphore(%arg17 : memref<!tpu.dma_semaphore, #tpu.memory_space<semaphore_mem>>)
      %dma_wait3A = arith.constant 0 : i32
      %dma_wait3A_33 = arith.constant 0 : i32
      %dma_wait3A_34 = tpu.memref_slice %arg4[%dma_wait3A, %dma_wait3A_33] : memref<28x128xf32, #tpu.memory_space<hbm>> -> memref<28x128xf32, #tpu.memory_space<hbm>>
      tpu.wait_indirect_dma semaphore(%arg17 : memref<!tpu.dma_semaphore, #tpu.memory_space<semaphore_mem>>) src(%dma_wait3A_34 : memref<28x128xf32, #tpu.memory_space<hbm>>) dst(%arg13 : memref<64x128xf32, #tpu.memory_space<vmem>>)
      "tpu.region"() ({
        %run_scoped3A = tpu.sem_alloc : memref<!tpu.dma_semaphore, #tpu.memory_space<semaphore_mem>>
        %dma_start3A_35 = arith.constant 0 : i32
        %dma_start3A_36 = tpu.memref_slice %arg7[%add3A_30, %dma_start3A_35] : memref<10240x128xf32, #tpu.memory_space<hbm>> -> memref<64x128xf32, #tpu.memory_space<hbm>>
        %dma_start3A_37 = arith.constant 0 : i32
        %dma_start3A_38 = tpu.memref_slice %arg7[%add3A_30, %dma_start3A_37] : memref<10240x128xf32, #tpu.memory_space<hbm>> -> memref<64x128xf32, #tpu.memory_space<hbm>>
        tpu.enqueue_dma source(%arg13 : memref<64x128xf32, #tpu.memory_space<vmem>>) target(%dma_start3A_38 : memref<64x128xf32, #tpu.memory_space<hbm>>) target_semaphore(%run_scoped3A : memref<!tpu.dma_semaphore, #tpu.memory_space<semaphore_mem>>)
        %dma_wait3A_39 = arith.constant 0 : i32
        %dma_wait3A_40 = tpu.memref_slice %arg7[%add3A_30, %dma_wait3A_39] : memref<10240x128xf32, #tpu.memory_space<hbm>> -> memref<64x128xf32, #tpu.memory_space<hbm>>
        %dma_wait3A_41 = arith.constant 0 : i32
        %dma_wait3A_42 = tpu.memref_slice %arg7[%add3A_30, %dma_wait3A_41] : memref<10240x128xf32, #tpu.memory_space<hbm>> -> memref<64x128xf32, #tpu.memory_space<hbm>>
        tpu.wait_dma2 semaphore(%run_scoped3A : memref<!tpu.dma_semaphore, #tpu.memory_space<semaphore_mem>>) src(%arg13 : memref<64x128xf32, #tpu.memory_space<vmem>>) dst(%dma_wait3A_42 : memref<64x128xf32, #tpu.memory_space<hbm>>)
        tpu.yield
      }) : () -> ()
    }
    %scan3A_9 = arith.constant 5 : i32
    "tpu.region"() ({
      %run_scoped3A = tpu.sem_alloc : memref<!tpu.dma_semaphore, #tpu.memory_space<semaphore_mem>>
      %dma_start3A = arith.constant 0 : i32
      %dma_start3A_25 = arith.constant 0 : i32
      %dma_start3A_26 = tpu.memref_slice %arg2[%add3A, %dma_start3A, %dma_start3A_25] : memref<32x80x128xi32, #tpu.memory_space<hbm>> -> memref<1x80x128xi32, #tpu.memory_space<hbm>>
      %dma_start3A_27 = tpu.memref_squeeze %dma_start3A_26 : memref<1x80x128xi32, #tpu.memory_space<hbm>> -> memref<80x128xi32, #tpu.memory_space<hbm>>
      %dma_start3A_28 = arith.constant 0 : i32
      %dma_start3A_29 = arith.constant 0 : i32
      %dma_start3A_30 = tpu.memref_slice %arg2[%add3A, %dma_start3A_28, %dma_start3A_29] : memref<32x80x128xi32, #tpu.memory_space<hbm>> -> memref<1x80x128xi32, #tpu.memory_space<hbm>>
      %dma_start3A_31 = tpu.memref_squeeze %dma_start3A_30 : memref<1x80x128xi32, #tpu.memory_space<hbm>> -> memref<80x128xi32, #tpu.memory_space<hbm>>
      tpu.enqueue_dma source(%dma_start3A_31 : memref<80x128xi32, #tpu.memory_space<hbm>>) target(%arg10 : memref<80x128xi32, #tpu.memory_space<vmem>>) target_semaphore(%run_scoped3A : memref<!tpu.dma_semaphore, #tpu.memory_space<semaphore_mem>>)
      %dma_wait3A = arith.constant 0 : i32
      %dma_wait3A_32 = arith.constant 0 : i32
      %dma_wait3A_33 = tpu.memref_slice %arg2[%add3A, %dma_wait3A, %dma_wait3A_32] : memref<32x80x128xi32, #tpu.memory_space<hbm>> -> memref<1x80x128xi32, #tpu.memory_space<hbm>>
      %dma_wait3A_34 = tpu.memref_squeeze %dma_wait3A_33 : memref<1x80x128xi32, #tpu.memory_space<hbm>> -> memref<80x128xi32, #tpu.memory_space<hbm>>
      %dma_wait3A_35 = arith.constant 0 : i32
      %dma_wait3A_36 = arith.constant 0 : i32
      %dma_wait3A_37 = tpu.memref_slice %arg2[%add3A, %dma_wait3A_35, %dma_wait3A_36] : memref<32x80x128xi32, #tpu.memory_space<hbm>> -> memref<1x80x128xi32, #tpu.memory_space<hbm>>
      %dma_wait3A_38 = tpu.memref_squeeze %dma_wait3A_37 : memref<1x80x128xi32, #tpu.memory_space<hbm>> -> memref<80x128xi32, #tpu.memory_space<hbm>>
      tpu.wait_dma2 semaphore(%run_scoped3A : memref<!tpu.dma_semaphore, #tpu.memory_space<semaphore_mem>>) src(%dma_wait3A_38 : memref<80x128xi32, #tpu.memory_space<hbm>>) dst(%arg10 : memref<80x128xi32, #tpu.memory_space<vmem>>)
      tpu.yield
    }) : () -> ()
    %barrier3A = arith.constant 0 : index
    tpu.barrier barrier_id(%barrier3A)
    %scan3A_10 = arith.constant 0 : i32
    %scan3A_11 = arith.constant 80 : i32
    %scan3A_12 = arith.addi %scan3A_10, %scan3A_11 : i32
    %scan3A_13 = arith.constant 1 : i32
    scf.for %scan3A_25 = %scan3A_10 to %scan3A_12 step %scan3A_13  : i32 {
      "tpu.region"() ({
        %run_scoped3A = tpu.sem_alloc : memref<!tpu.dma_semaphore, #tpu.memory_space<semaphore_mem>>
        %dma_start3A = arith.constant 0 : i32
        %dma_start3A_26 = tpu.memref_slice %arg10[%scan3A_25, %dma_start3A] : memref<80x128xi32, #tpu.memory_space<vmem>> -> memref<1x128xi32, #tpu.memory_space<vmem>>
        %dma_start3A_27 = tpu.memref_squeeze %dma_start3A_26 : memref<1x128xi32, #tpu.memory_space<vmem>> -> memref<128xi32, #tpu.memory_space<vmem>>
        %dma_start3A_28 = arith.constant 0 : i32
        %dma_start3A_29 = tpu.memref_slice %arg16[%dma_start3A_28] : memref<10240xf32, #tpu.memory_space<vmem_shared>> -> memref<10240xf32, #tpu.memory_space<vmem_shared>>
        tpu.enqueue_indirect_dma source(%arg11 : memref<128xf32, #tpu.memory_space<vmem>>) target(%dma_start3A_29 : memref<10240xf32, #tpu.memory_space<vmem_shared>>) offsets(%dma_start3A_27 : memref<128xi32, #tpu.memory_space<vmem>>) semaphore(%run_scoped3A : memref<!tpu.dma_semaphore, #tpu.memory_space<semaphore_mem>>) {add = true}
        %dma_wait3A = arith.constant 0 : i32
        %dma_wait3A_30 = tpu.memref_slice %arg10[%scan3A_25, %dma_wait3A] : memref<80x128xi32, #tpu.memory_space<vmem>> -> memref<1x128xi32, #tpu.memory_space<vmem>>
        %dma_wait3A_31 = tpu.memref_squeeze %dma_wait3A_30 : memref<1x128xi32, #tpu.memory_space<vmem>> -> memref<128xi32, #tpu.memory_space<vmem>>
        %dma_wait3A_32 = arith.constant 0 : i32
        %dma_wait3A_33 = tpu.memref_slice %arg16[%dma_wait3A_32] : memref<10240xf32, #tpu.memory_space<vmem_shared>> -> memref<10240xf32, #tpu.memory_space<vmem_shared>>
        tpu.wait_indirect_dma semaphore(%run_scoped3A : memref<!tpu.dma_semaphore, #tpu.memory_space<semaphore_mem>>) src(%arg11 : memref<128xf32, #tpu.memory_space<vmem>>) dst(%dma_wait3A_33 : memref<10240xf32, #tpu.memory_space<vmem_shared>>)
        tpu.yield
      }) : () -> ()
    }
    %scan3A_14 = arith.constant 80 : i32
    %barrier3A_15 = arith.constant 0 : index
    tpu.barrier barrier_id(%barrier3A_15)
    %mul3A_16 = arith.constant 640 : i32
    %mul3A_17 = arith.muli %arg1, %mul3A_16 : i32
    "tpu.region"() ({
      %run_scoped3A = tpu.sem_alloc : memref<!tpu.dma_semaphore, #tpu.memory_space<semaphore_mem>>
      %dma_start3A = tpu.memref_slice %arg16[%mul3A_17] : memref<10240xf32, #tpu.memory_space<vmem_shared>> -> memref<640xf32, #tpu.memory_space<vmem_shared>>
      %dma_start3A_25 = tpu.memref_slice %arg16[%mul3A_17] : memref<10240xf32, #tpu.memory_space<vmem_shared>> -> memref<640xf32, #tpu.memory_space<vmem_shared>>
      tpu.enqueue_dma source(%dma_start3A_25 : memref<640xf32, #tpu.memory_space<vmem_shared>>) target(%arg15 : memref<640xf32, #tpu.memory_space<vmem>>) target_semaphore(%run_scoped3A : memref<!tpu.dma_semaphore, #tpu.memory_space<semaphore_mem>>)
      %dma_wait3A = tpu.memref_slice %arg16[%mul3A_17] : memref<10240xf32, #tpu.memory_space<vmem_shared>> -> memref<640xf32, #tpu.memory_space<vmem_shared>>
      %dma_wait3A_26 = tpu.memref_slice %arg16[%mul3A_17] : memref<10240xf32, #tpu.memory_space<vmem_shared>> -> memref<640xf32, #tpu.memory_space<vmem_shared>>
      tpu.wait_dma2 semaphore(%run_scoped3A : memref<!tpu.dma_semaphore, #tpu.memory_space<semaphore_mem>>) src(%dma_wait3A_26 : memref<640xf32, #tpu.memory_space<vmem_shared>>) dst(%arg15 : memref<640xf32, #tpu.memory_space<vmem>>)
      tpu.yield
    }) : () -> ()
    %eq3A = arith.constant 0 : i32
    %eq3A_18 = arith.cmpi eq, %arg0, %eq3A : i32
    %convert_element_type3A = arith.extui %eq3A_18 : i1 to i32
    %cond3A = arith.constant 0 : i32
    %cond3A_19 = arith.cmpi ne, %convert_element_type3A, %cond3A : i32
    scf.if %cond3A_19 {
      "tpu.region"() ({
        %run_scoped3A = tpu.sem_alloc : memref<!tpu.dma_semaphore, #tpu.memory_space<semaphore_mem>>
        %dma_start3A = tpu.memref_slice %arg8[%mul3A_17] : memref<10240xf32, #tpu.memory_space<hbm>> -> memref<640xf32, #tpu.memory_space<hbm>>
        %dma_start3A_25 = tpu.memref_slice %arg8[%mul3A_17] : memref<10240xf32, #tpu.memory_space<hbm>> -> memref<640xf32, #tpu.memory_space<hbm>>
        tpu.enqueue_dma source(%arg15 : memref<640xf32, #tpu.memory_space<vmem>>) target(%dma_start3A_25 : memref<640xf32, #tpu.memory_space<hbm>>) target_semaphore(%run_scoped3A : memref<!tpu.dma_semaphore, #tpu.memory_space<semaphore_mem>>)
        %dma_wait3A = tpu.memref_slice %arg8[%mul3A_17] : memref<10240xf32, #tpu.memory_space<hbm>> -> memref<640xf32, #tpu.memory_space<hbm>>
        %dma_wait3A_26 = tpu.memref_slice %arg8[%mul3A_17] : memref<10240xf32, #tpu.memory_space<hbm>> -> memref<640xf32, #tpu.memory_space<hbm>>
        tpu.wait_dma2 semaphore(%run_scoped3A : memref<!tpu.dma_semaphore, #tpu.memory_space<semaphore_mem>>) src(%arg15 : memref<640xf32, #tpu.memory_space<vmem>>) dst(%dma_wait3A_26 : memref<640xf32, #tpu.memory_space<hbm>>)
        tpu.yield
      }) : () -> ()
    } else {
    }
    %eq3A_20 = arith.constant 1 : i32
    %eq3A_21 = arith.cmpi eq, %arg0, %eq3A_20 : i32
    %convert_element_type3A_22 = arith.extui %eq3A_21 : i1 to i32
    %cond3A_23 = arith.constant 0 : i32
    %cond3A_24 = arith.cmpi ne, %convert_element_type3A_22, %cond3A_23 : i32
    scf.if %cond3A_24 {
      "tpu.region"() ({
        %run_scoped3A = tpu.sem_alloc : memref<!tpu.dma_semaphore, #tpu.memory_space<semaphore_mem>>
        %dma_start3A = tpu.memref_slice %arg9[%mul3A_17] : memref<10240xf32, #tpu.memory_space<hbm>> -> memref<640xf32, #tpu.memory_space<hbm>>
        %dma_start3A_25 = tpu.memref_slice %arg9[%mul3A_17] : memref<10240xf32, #tpu.memory_space<hbm>> -> memref<640xf32, #tpu.memory_space<hbm>>
        tpu.enqueue_dma source(%arg15 : memref<640xf32, #tpu.memory_space<vmem>>) target(%dma_start3A_25 : memref<640xf32, #tpu.memory_space<hbm>>) target_semaphore(%run_scoped3A : memref<!tpu.dma_semaphore, #tpu.memory_space<semaphore_mem>>)
        %dma_wait3A = tpu.memref_slice %arg9[%mul3A_17] : memref<10240xf32, #tpu.memory_space<hbm>> -> memref<640xf32, #tpu.memory_space<hbm>>
        %dma_wait3A_26 = tpu.memref_slice %arg9[%mul3A_17] : memref<10240xf32, #tpu.memory_space<hbm>> -> memref<640xf32, #tpu.memory_space<hbm>>
        tpu.wait_dma2 semaphore(%run_scoped3A : memref<!tpu.dma_semaphore, #tpu.memory_space<semaphore_mem>>) src(%arg15 : memref<640xf32, #tpu.memory_space<vmem>>) dst(%dma_wait3A_26 : memref<640xf32, #tpu.memory_space<hbm>>)
        tpu.yield
      }) : () -> ()
    } else {
    }
    return
  }
}

#map = affine_map<(d0, d1) -> (0, 0)>
#map1 = affine_map<(d0, d1) -> (0, 0, 0)>
module attributes {stable_mosaic.version = 14 : i64} {
  func.func @_sc_scatter(%arg0: i32, %arg1: i32, %arg2: memref<10240x128xf32, #tpu.memory_space<hbm>>, %arg3: memref<32x80x128xi32, #tpu.memory_space<hbm>>, %arg4: memref<32x80x128xi32, #tpu.memory_space<hbm>>, %arg5: memref<320x128xf32, #tpu.memory_space<hbm>>, %arg6: memref<2x10240x128xf32, #tpu.memory_space<hbm>>, %arg7: memref<40x128xi32, #tpu.memory_space<vmem>>, %arg8: memref<40x128xi32, #tpu.memory_space<vmem>>, %arg9: memref<128x128xf32, #tpu.memory_space<vmem>>, %arg10: memref<128x128xf32, #tpu.memory_space<vmem>>, %arg11: memref<10240x128xf32, #tpu.memory_space<vmem_shared>>, %arg12: memref<!tpu.dma_semaphore, #tpu.memory_space<semaphore_mem>>, %arg13: memref<!tpu.dma_semaphore, #tpu.memory_space<semaphore_mem>>) attributes {dimension_semantics = [#tpu.dimension_semantics<core_parallel>, #tpu.dimension_semantics<subcore_parallel>], iteration_bounds = array<i64: 2, 16>, scalar_prefetch = 0 : i64, scratch_operands = 7 : i64, tpu.core_type = #tpu.core_type<sc_vector_subcore>, window_params = [{transform_indices = #map}, {transform_indices = #map1}, {transform_indices = #map1}, {transform_indices = #map}, {transform_indices = #map1}]} {
    %mul3A = arith.constant 2 : i32
    %mul3A_0 = arith.muli %arg1, %mul3A : i32
    %add3A = arith.addi %mul3A_0, %arg0 : i32
    %mul3A_1 = arith.constant 640 : i32
    %mul3A_2 = arith.muli %arg1, %mul3A_1 : i32
    %mul3A_3 = arith.constant 640 : i32
    %mul3A_4 = arith.muli %arg1, %mul3A_3 : i32
    "tpu.region"() ({
      %run_scoped3A = tpu.sem_alloc : memref<!tpu.dma_semaphore, #tpu.memory_space<semaphore_mem>>
      %dma_start3A_32 = arith.constant 0 : i32
      %dma_start3A_33 = tpu.memref_slice %arg11[%mul3A_4, %dma_start3A_32] : memref<10240x128xf32, #tpu.memory_space<vmem_shared>> -> memref<320x128xf32, #tpu.memory_space<vmem_shared>>
      tpu.enqueue_dma source(%arg5 : memref<320x128xf32, #tpu.memory_space<hbm>>) target(%dma_start3A_33 : memref<320x128xf32, #tpu.memory_space<vmem_shared>>) target_semaphore(%run_scoped3A : memref<!tpu.dma_semaphore, #tpu.memory_space<semaphore_mem>>)
      %dma_wait3A = arith.constant 0 : i32
      %dma_wait3A_34 = tpu.memref_slice %arg11[%mul3A_4, %dma_wait3A] : memref<10240x128xf32, #tpu.memory_space<vmem_shared>> -> memref<320x128xf32, #tpu.memory_space<vmem_shared>>
      tpu.wait_dma2 semaphore(%run_scoped3A : memref<!tpu.dma_semaphore, #tpu.memory_space<semaphore_mem>>) src(%arg5 : memref<320x128xf32, #tpu.memory_space<hbm>>) dst(%dma_wait3A_34 : memref<320x128xf32, #tpu.memory_space<vmem_shared>>)
      tpu.yield
    }) : () -> ()
    %mul3A_5 = arith.constant 640 : i32
    %mul3A_6 = arith.muli %arg1, %mul3A_5 : i32
    %add3A_7 = arith.constant 320 : i32
    %add3A_8 = arith.addi %mul3A_6, %add3A_7 : i32
    "tpu.region"() ({
      %run_scoped3A = tpu.sem_alloc : memref<!tpu.dma_semaphore, #tpu.memory_space<semaphore_mem>>
      %dma_start3A_32 = arith.constant 0 : i32
      %dma_start3A_33 = tpu.memref_slice %arg11[%add3A_8, %dma_start3A_32] : memref<10240x128xf32, #tpu.memory_space<vmem_shared>> -> memref<320x128xf32, #tpu.memory_space<vmem_shared>>
      tpu.enqueue_dma source(%arg5 : memref<320x128xf32, #tpu.memory_space<hbm>>) target(%dma_start3A_33 : memref<320x128xf32, #tpu.memory_space<vmem_shared>>) target_semaphore(%run_scoped3A : memref<!tpu.dma_semaphore, #tpu.memory_space<semaphore_mem>>)
      %dma_wait3A = arith.constant 0 : i32
      %dma_wait3A_34 = tpu.memref_slice %arg11[%add3A_8, %dma_wait3A] : memref<10240x128xf32, #tpu.memory_space<vmem_shared>> -> memref<320x128xf32, #tpu.memory_space<vmem_shared>>
      tpu.wait_dma2 semaphore(%run_scoped3A : memref<!tpu.dma_semaphore, #tpu.memory_space<semaphore_mem>>) src(%arg5 : memref<320x128xf32, #tpu.memory_space<hbm>>) dst(%dma_wait3A_34 : memref<320x128xf32, #tpu.memory_space<vmem_shared>>)
      tpu.yield
    }) : () -> ()
    %barrier3A = arith.constant 0 : index
    tpu.barrier barrier_id(%barrier3A)
    "tpu.region"() ({
      %run_scoped3A = tpu.sem_alloc : memref<!tpu.dma_semaphore, #tpu.memory_space<semaphore_mem>>
      %dma_start3A_32 = arith.constant 0 : i32
      %dma_start3A_33 = arith.constant 0 : i32
      %dma_start3A_34 = tpu.memref_slice %arg3[%add3A, %dma_start3A_32, %dma_start3A_33] : memref<32x80x128xi32, #tpu.memory_space<hbm>> -> memref<1x40x128xi32, #tpu.memory_space<hbm>>
      %dma_start3A_35 = tpu.memref_squeeze %dma_start3A_34 : memref<1x40x128xi32, #tpu.memory_space<hbm>> -> memref<40x128xi32, #tpu.memory_space<hbm>>
      %dma_start3A_36 = arith.constant 0 : i32
      %dma_start3A_37 = arith.constant 0 : i32
      %dma_start3A_38 = tpu.memref_slice %arg3[%add3A, %dma_start3A_36, %dma_start3A_37] : memref<32x80x128xi32, #tpu.memory_space<hbm>> -> memref<1x40x128xi32, #tpu.memory_space<hbm>>
      %dma_start3A_39 = tpu.memref_squeeze %dma_start3A_38 : memref<1x40x128xi32, #tpu.memory_space<hbm>> -> memref<40x128xi32, #tpu.memory_space<hbm>>
      tpu.enqueue_dma source(%dma_start3A_39 : memref<40x128xi32, #tpu.memory_space<hbm>>) target(%arg7 : memref<40x128xi32, #tpu.memory_space<vmem>>) target_semaphore(%run_scoped3A : memref<!tpu.dma_semaphore, #tpu.memory_space<semaphore_mem>>)
      %dma_wait3A = arith.constant 0 : i32
      %dma_wait3A_40 = arith.constant 0 : i32
      %dma_wait3A_41 = tpu.memref_slice %arg3[%add3A, %dma_wait3A, %dma_wait3A_40] : memref<32x80x128xi32, #tpu.memory_space<hbm>> -> memref<1x40x128xi32, #tpu.memory_space<hbm>>
      %dma_wait3A_42 = tpu.memref_squeeze %dma_wait3A_41 : memref<1x40x128xi32, #tpu.memory_space<hbm>> -> memref<40x128xi32, #tpu.memory_space<hbm>>
      %dma_wait3A_43 = arith.constant 0 : i32
      %dma_wait3A_44 = arith.constant 0 : i32
      %dma_wait3A_45 = tpu.memref_slice %arg3[%add3A, %dma_wait3A_43, %dma_wait3A_44] : memref<32x80x128xi32, #tpu.memory_space<hbm>> -> memref<1x40x128xi32, #tpu.memory_space<hbm>>
      %dma_wait3A_46 = tpu.memref_squeeze %dma_wait3A_45 : memref<1x40x128xi32, #tpu.memory_space<hbm>> -> memref<40x128xi32, #tpu.memory_space<hbm>>
      tpu.wait_dma2 semaphore(%run_scoped3A : memref<!tpu.dma_semaphore, #tpu.memory_space<semaphore_mem>>) src(%dma_wait3A_46 : memref<40x128xi32, #tpu.memory_space<hbm>>) dst(%arg7 : memref<40x128xi32, #tpu.memory_space<vmem>>)
      tpu.yield
    }) : () -> ()
    "tpu.region"() ({
      %run_scoped3A = tpu.sem_alloc : memref<!tpu.dma_semaphore, #tpu.memory_space<semaphore_mem>>
      %dma_start3A_32 = arith.constant 0 : i32
      %dma_start3A_33 = arith.constant 0 : i32
      %dma_start3A_34 = tpu.memref_slice %arg4[%add3A, %dma_start3A_32, %dma_start3A_33] : memref<32x80x128xi32, #tpu.memory_space<hbm>> -> memref<1x40x128xi32, #tpu.memory_space<hbm>>
      %dma_start3A_35 = tpu.memref_squeeze %dma_start3A_34 : memref<1x40x128xi32, #tpu.memory_space<hbm>> -> memref<40x128xi32, #tpu.memory_space<hbm>>
      %dma_start3A_36 = arith.constant 0 : i32
      %dma_start3A_37 = arith.constant 0 : i32
      %dma_start3A_38 = tpu.memref_slice %arg4[%add3A, %dma_start3A_36, %dma_start3A_37] : memref<32x80x128xi32, #tpu.memory_space<hbm>> -> memref<1x40x128xi32, #tpu.memory_space<hbm>>
      %dma_start3A_39 = tpu.memref_squeeze %dma_start3A_38 : memref<1x40x128xi32, #tpu.memory_space<hbm>> -> memref<40x128xi32, #tpu.memory_space<hbm>>
      tpu.enqueue_dma source(%dma_start3A_39 : memref<40x128xi32, #tpu.memory_space<hbm>>) target(%arg8 : memref<40x128xi32, #tpu.memory_space<vmem>>) target_semaphore(%run_scoped3A : memref<!tpu.dma_semaphore, #tpu.memory_space<semaphore_mem>>)
      %dma_wait3A = arith.constant 0 : i32
      %dma_wait3A_40 = arith.constant 0 : i32
      %dma_wait3A_41 = tpu.memref_slice %arg4[%add3A, %dma_wait3A, %dma_wait3A_40] : memref<32x80x128xi32, #tpu.memory_space<hbm>> -> memref<1x40x128xi32, #tpu.memory_space<hbm>>
      %dma_wait3A_42 = tpu.memref_squeeze %dma_wait3A_41 : memref<1x40x128xi32, #tpu.memory_space<hbm>> -> memref<40x128xi32, #tpu.memory_space<hbm>>
      %dma_wait3A_43 = arith.constant 0 : i32
      %dma_wait3A_44 = arith.constant 0 : i32
      %dma_wait3A_45 = tpu.memref_slice %arg4[%add3A, %dma_wait3A_43, %dma_wait3A_44] : memref<32x80x128xi32, #tpu.memory_space<hbm>> -> memref<1x40x128xi32, #tpu.memory_space<hbm>>
      %dma_wait3A_46 = tpu.memref_squeeze %dma_wait3A_45 : memref<1x40x128xi32, #tpu.memory_space<hbm>> -> memref<40x128xi32, #tpu.memory_space<hbm>>
      tpu.wait_dma2 semaphore(%run_scoped3A : memref<!tpu.dma_semaphore, #tpu.memory_space<semaphore_mem>>) src(%dma_wait3A_46 : memref<40x128xi32, #tpu.memory_space<hbm>>) dst(%arg8 : memref<40x128xi32, #tpu.memory_space<vmem>>)
      tpu.yield
    }) : () -> ()
    %dma_start3A = arith.constant 0 : i32
    %dma_start3A_9 = arith.constant 0 : i32
    %dma_start3A_10 = tpu.memref_slice %arg7[%dma_start3A, %dma_start3A_9] : memref<40x128xi32, #tpu.memory_space<vmem>> -> memref<1x128xi32, #tpu.memory_space<vmem>>
    %dma_start3A_11 = tpu.memref_squeeze %dma_start3A_10 : memref<1x128xi32, #tpu.memory_space<vmem>> -> memref<128xi32, #tpu.memory_space<vmem>>
    %dma_start3A_12 = arith.constant 0 : i32
    %dma_start3A_13 = arith.constant 0 : i32
    %dma_start3A_14 = tpu.memref_slice %arg2[%dma_start3A_12, %dma_start3A_13] : memref<10240x128xf32, #tpu.memory_space<hbm>> -> memref<10240x128xf32, #tpu.memory_space<hbm>>
    tpu.enqueue_indirect_dma source(%dma_start3A_14 : memref<10240x128xf32, #tpu.memory_space<hbm>>) target(%arg9 : memref<128x128xf32, #tpu.memory_space<vmem>>) offsets(%dma_start3A_11 : memref<128xi32, #tpu.memory_space<vmem>>) semaphore(%arg12 : memref<!tpu.dma_semaphore, #tpu.memory_space<semaphore_mem>>)
    %scan3A = arith.constant 0 : i32
    %scan3A_15 = arith.constant 20 : i32
    %scan3A_16 = arith.addi %scan3A, %scan3A_15 : i32
    %scan3A_17 = arith.constant 1 : i32
    scf.for %scan3A_32 = %scan3A to %scan3A_16 step %scan3A_17  : i32 {
      %mul3A_33 = arith.constant 2 : i32
      %mul3A_34 = arith.muli %mul3A_33, %scan3A_32 : i32
      %add3A_35 = arith.constant 1 : i32
      %add3A_36 = arith.addi %mul3A_34, %add3A_35 : i32
      %dma_start3A_37 = arith.constant 0 : i32
      %dma_start3A_38 = tpu.memref_slice %arg7[%add3A_36, %dma_start3A_37] : memref<40x128xi32, #tpu.memory_space<vmem>> -> memref<1x128xi32, #tpu.memory_space<vmem>>
      %dma_start3A_39 = tpu.memref_squeeze %dma_start3A_38 : memref<1x128xi32, #tpu.memory_space<vmem>> -> memref<128xi32, #tpu.memory_space<vmem>>
      %dma_start3A_40 = arith.constant 0 : i32
      %dma_start3A_41 = arith.constant 0 : i32
      %dma_start3A_42 = tpu.memref_slice %arg2[%dma_start3A_40, %dma_start3A_41] : memref<10240x128xf32, #tpu.memory_space<hbm>> -> memref<10240x128xf32, #tpu.memory_space<hbm>>
      tpu.enqueue_indirect_dma source(%dma_start3A_42 : memref<10240x128xf32, #tpu.memory_space<hbm>>) target(%arg10 : memref<128x128xf32, #tpu.memory_space<vmem>>) offsets(%dma_start3A_39 : memref<128xi32, #tpu.memory_space<vmem>>) semaphore(%arg13 : memref<!tpu.dma_semaphore, #tpu.memory_space<semaphore_mem>>)
      %dma_wait3A = arith.constant 0 : i32
      %dma_wait3A_43 = tpu.memref_slice %arg7[%mul3A_34, %dma_wait3A] : memref<40x128xi32, #tpu.memory_space<vmem>> -> memref<1x128xi32, #tpu.memory_space<vmem>>
      %dma_wait3A_44 = tpu.memref_squeeze %dma_wait3A_43 : memref<1x128xi32, #tpu.memory_space<vmem>> -> memref<128xi32, #tpu.memory_space<vmem>>
      %dma_wait3A_45 = arith.constant 0 : i32
      %dma_wait3A_46 = arith.constant 0 : i32
      %dma_wait3A_47 = tpu.memref_slice %arg2[%dma_wait3A_45, %dma_wait3A_46] : memref<10240x128xf32, #tpu.memory_space<hbm>> -> memref<10240x128xf32, #tpu.memory_space<hbm>>
      tpu.wait_indirect_dma semaphore(%arg12 : memref<!tpu.dma_semaphore, #tpu.memory_space<semaphore_mem>>) src(%dma_wait3A_47 : memref<10240x128xf32, #tpu.memory_space<hbm>>) dst(%arg9 : memref<128x128xf32, #tpu.memory_space<vmem>>)
      "tpu.region"() ({
        %run_scoped3A = tpu.sem_alloc : memref<!tpu.dma_semaphore, #tpu.memory_space<semaphore_mem>>
        %dma_start3A_62 = arith.constant 0 : i32
        %dma_start3A_63 = tpu.memref_slice %arg8[%mul3A_34, %dma_start3A_62] : memref<40x128xi32, #tpu.memory_space<vmem>> -> memref<1x128xi32, #tpu.memory_space<vmem>>
        %dma_start3A_64 = tpu.memref_squeeze %dma_start3A_63 : memref<1x128xi32, #tpu.memory_space<vmem>> -> memref<128xi32, #tpu.memory_space<vmem>>
        %dma_start3A_65 = arith.constant 0 : i32
        %dma_start3A_66 = arith.constant 0 : i32
        %dma_start3A_67 = tpu.memref_slice %arg11[%dma_start3A_65, %dma_start3A_66] : memref<10240x128xf32, #tpu.memory_space<vmem_shared>> -> memref<10240x128xf32, #tpu.memory_space<vmem_shared>>
        tpu.enqueue_indirect_dma source(%arg9 : memref<128x128xf32, #tpu.memory_space<vmem>>) target(%dma_start3A_67 : memref<10240x128xf32, #tpu.memory_space<vmem_shared>>) offsets(%dma_start3A_64 : memref<128xi32, #tpu.memory_space<vmem>>) semaphore(%run_scoped3A : memref<!tpu.dma_semaphore, #tpu.memory_space<semaphore_mem>>) {add = true}
        %dma_wait3A_68 = arith.constant 0 : i32
        %dma_wait3A_69 = tpu.memref_slice %arg8[%mul3A_34, %dma_wait3A_68] : memref<40x128xi32, #tpu.memory_space<vmem>> -> memref<1x128xi32, #tpu.memory_space<vmem>>
        %dma_wait3A_70 = tpu.memref_squeeze %dma_wait3A_69 : memref<1x128xi32, #tpu.memory_space<vmem>> -> memref<128xi32, #tpu.memory_space<vmem>>
        %dma_wait3A_71 = arith.constant 0 : i32
        %dma_wait3A_72 = arith.constant 0 : i32
        %dma_wait3A_73 = tpu.memref_slice %arg11[%dma_wait3A_71, %dma_wait3A_72] : memref<10240x128xf32, #tpu.memory_space<vmem_shared>> -> memref<10240x128xf32, #tpu.memory_space<vmem_shared>>
        tpu.wait_indirect_dma semaphore(%run_scoped3A : memref<!tpu.dma_semaphore, #tpu.memory_space<semaphore_mem>>) src(%arg9 : memref<128x128xf32, #tpu.memory_space<vmem>>) dst(%dma_wait3A_73 : memref<10240x128xf32, #tpu.memory_space<vmem_shared>>)
        tpu.yield
      }) : () -> ()
      %add3A_48 = arith.constant 2 : i32
      %add3A_49 = arith.addi %mul3A_34, %add3A_48 : i32
      %lt3A = arith.constant 40 : i32
      %lt3A_50 = arith.cmpi slt, %add3A_49, %lt3A : i32
      %convert_element_type3A = arith.extui %lt3A_50 : i1 to i32
      %cond3A = arith.constant 0 : i32
      %cond3A_51 = arith.cmpi ne, %convert_element_type3A, %cond3A : i32
      scf.if %cond3A_51 {
        %add3A_62 = arith.constant 2 : i32
        %add3A_63 = arith.addi %mul3A_34, %add3A_62 : i32
        %dma_start3A_64 = arith.constant 0 : i32
        %dma_start3A_65 = tpu.memref_slice %arg7[%add3A_63, %dma_start3A_64] : memref<40x128xi32, #tpu.memory_space<vmem>> -> memref<1x128xi32, #tpu.memory_space<vmem>>
        %dma_start3A_66 = tpu.memref_squeeze %dma_start3A_65 : memref<1x128xi32, #tpu.memory_space<vmem>> -> memref<128xi32, #tpu.memory_space<vmem>>
        %dma_start3A_67 = arith.constant 0 : i32
        %dma_start3A_68 = arith.constant 0 : i32
        %dma_start3A_69 = tpu.memref_slice %arg2[%dma_start3A_67, %dma_start3A_68] : memref<10240x128xf32, #tpu.memory_space<hbm>> -> memref<10240x128xf32, #tpu.memory_space<hbm>>
        tpu.enqueue_indirect_dma source(%dma_start3A_69 : memref<10240x128xf32, #tpu.memory_space<hbm>>) target(%arg9 : memref<128x128xf32, #tpu.memory_space<vmem>>) offsets(%dma_start3A_66 : memref<128xi32, #tpu.memory_space<vmem>>) semaphore(%arg12 : memref<!tpu.dma_semaphore, #tpu.memory_space<semaphore_mem>>)
      } else {
      }
      %add3A_52 = arith.constant 1 : i32
      %add3A_53 = arith.addi %mul3A_34, %add3A_52 : i32
      %dma_wait3A_54 = arith.constant 0 : i32
      %dma_wait3A_55 = tpu.memref_slice %arg7[%add3A_53, %dma_wait3A_54] : memref<40x128xi32, #tpu.memory_space<vmem>> -> memref<1x128xi32, #tpu.memory_space<vmem>>
      %dma_wait3A_56 = tpu.memref_squeeze %dma_wait3A_55 : memref<1x128xi32, #tpu.memory_space<vmem>> -> memref<128xi32, #tpu.memory_space<vmem>>
      %dma_wait3A_57 = arith.constant 0 : i32
      %dma_wait3A_58 = arith.constant 0 : i32
      %dma_wait3A_59 = tpu.memref_slice %arg2[%dma_wait3A_57, %dma_wait3A_58] : memref<10240x128xf32, #tpu.memory_space<hbm>> -> memref<10240x128xf32, #tpu.memory_space<hbm>>
      tpu.wait_indirect_dma semaphore(%arg13 : memref<!tpu.dma_semaphore, #tpu.memory_space<semaphore_mem>>) src(%dma_wait3A_59 : memref<10240x128xf32, #tpu.memory_space<hbm>>) dst(%arg10 : memref<128x128xf32, #tpu.memory_space<vmem>>)
      %add3A_60 = arith.constant 1 : i32
      %add3A_61 = arith.addi %mul3A_34, %add3A_60 : i32
      "tpu.region"() ({
        %run_scoped3A = tpu.sem_alloc : memref<!tpu.dma_semaphore, #tpu.memory_space<semaphore_mem>>
        %dma_start3A_62 = arith.constant 0 : i32
        %dma_start3A_63 = tpu.memref_slice %arg8[%add3A_61, %dma_start3A_62] : memref<40x128xi32, #tpu.memory_space<vmem>> -> memref<1x128xi32, #tpu.memory_space<vmem>>
        %dma_start3A_64 = tpu.memref_squeeze %dma_start3A_63 : memref<1x128xi32, #tpu.memory_space<vmem>> -> memref<128xi32, #tpu.memory_space<vmem>>
        %dma_start3A_65 = arith.constant 0 : i32
        %dma_start3A_66 = arith.constant 0 : i32
        %dma_start3A_67 = tpu.memref_slice %arg11[%dma_start3A_65, %dma_start3A_66] : memref<10240x128xf32, #tpu.memory_space<vmem_shared>> -> memref<10240x128xf32, #tpu.memory_space<vmem_shared>>
        tpu.enqueue_indirect_dma source(%arg10 : memref<128x128xf32, #tpu.memory_space<vmem>>) target(%dma_start3A_67 : memref<10240x128xf32, #tpu.memory_space<vmem_shared>>) offsets(%dma_start3A_64 : memref<128xi32, #tpu.memory_space<vmem>>) semaphore(%run_scoped3A : memref<!tpu.dma_semaphore, #tpu.memory_space<semaphore_mem>>) {add = true}
        %dma_wait3A_68 = arith.constant 0 : i32
        %dma_wait3A_69 = tpu.memref_slice %arg8[%add3A_61, %dma_wait3A_68] : memref<40x128xi32, #tpu.memory_space<vmem>> -> memref<1x128xi32, #tpu.memory_space<vmem>>
        %dma_wait3A_70 = tpu.memref_squeeze %dma_wait3A_69 : memref<1x128xi32, #tpu.memory_space<vmem>> -> memref<128xi32, #tpu.memory_space<vmem>>
        %dma_wait3A_71 = arith.constant 0 : i32
        %dma_wait3A_72 = arith.constant 0 : i32
        %dma_wait3A_73 = tpu.memref_slice %arg11[%dma_wait3A_71, %dma_wait3A_72] : memref<10240x128xf32, #tpu.memory_space<vmem_shared>> -> memref<10240x128xf32, #tpu.memory_space<vmem_shared>>
        tpu.wait_indirect_dma semaphore(%run_scoped3A : memref<!tpu.dma_semaphore, #tpu.memory_space<semaphore_mem>>) src(%arg10 : memref<128x128xf32, #tpu.memory_space<vmem>>) dst(%dma_wait3A_73 : memref<10240x128xf32, #tpu.memory_space<vmem_shared>>)
        tpu.yield
      }) : () -> ()
    }
    %scan3A_18 = arith.constant 20 : i32
    "tpu.region"() ({
      %run_scoped3A = tpu.sem_alloc : memref<!tpu.dma_semaphore, #tpu.memory_space<semaphore_mem>>
      %dma_start3A_32 = arith.constant 40 : i32
      %dma_start3A_33 = arith.constant 0 : i32
      %dma_start3A_34 = tpu.memref_slice %arg3[%add3A, %dma_start3A_32, %dma_start3A_33] : memref<32x80x128xi32, #tpu.memory_space<hbm>> -> memref<1x40x128xi32, #tpu.memory_space<hbm>>
      %dma_start3A_35 = tpu.memref_squeeze %dma_start3A_34 : memref<1x40x128xi32, #tpu.memory_space<hbm>> -> memref<40x128xi32, #tpu.memory_space<hbm>>
      %dma_start3A_36 = arith.constant 40 : i32
      %dma_start3A_37 = arith.constant 0 : i32
      %dma_start3A_38 = tpu.memref_slice %arg3[%add3A, %dma_start3A_36, %dma_start3A_37] : memref<32x80x128xi32, #tpu.memory_space<hbm>> -> memref<1x40x128xi32, #tpu.memory_space<hbm>>
      %dma_start3A_39 = tpu.memref_squeeze %dma_start3A_38 : memref<1x40x128xi32, #tpu.memory_space<hbm>> -> memref<40x128xi32, #tpu.memory_space<hbm>>
      tpu.enqueue_dma source(%dma_start3A_39 : memref<40x128xi32, #tpu.memory_space<hbm>>) target(%arg7 : memref<40x128xi32, #tpu.memory_space<vmem>>) target_semaphore(%run_scoped3A : memref<!tpu.dma_semaphore, #tpu.memory_space<semaphore_mem>>)
      %dma_wait3A = arith.constant 40 : i32
      %dma_wait3A_40 = arith.constant 0 : i32
      %dma_wait3A_41 = tpu.memref_slice %arg3[%add3A, %dma_wait3A, %dma_wait3A_40] : memref<32x80x128xi32, #tpu.memory_space<hbm>> -> memref<1x40x128xi32, #tpu.memory_space<hbm>>
      %dma_wait3A_42 = tpu.memref_squeeze %dma_wait3A_41 : memref<1x40x128xi32, #tpu.memory_space<hbm>> -> memref<40x128xi32, #tpu.memory_space<hbm>>
      %dma_wait3A_43 = arith.constant 40 : i32
      %dma_wait3A_44 = arith.constant 0 : i32
      %dma_wait3A_45 = tpu.memref_slice %arg3[%add3A, %dma_wait3A_43, %dma_wait3A_44] : memref<32x80x128xi32, #tpu.memory_space<hbm>> -> memref<1x40x128xi32, #tpu.memory_space<hbm>>
      %dma_wait3A_46 = tpu.memref_squeeze %dma_wait3A_45 : memref<1x40x128xi32, #tpu.memory_space<hbm>> -> memref<40x128xi32, #tpu.memory_space<hbm>>
      tpu.wait_dma2 semaphore(%run_scoped3A : memref<!tpu.dma_semaphore, #tpu.memory_space<semaphore_mem>>) src(%dma_wait3A_46 : memref<40x128xi32, #tpu.memory_space<hbm>>) dst(%arg7 : memref<40x128xi32, #tpu.memory_space<vmem>>)
      tpu.yield
    }) : () -> ()
    "tpu.region"() ({
      %run_scoped3A = tpu.sem_alloc : memref<!tpu.dma_semaphore, #tpu.memory_space<semaphore_mem>>
      %dma_start3A_32 = arith.constant 40 : i32
      %dma_start3A_33 = arith.constant 0 : i32
      %dma_start3A_34 = tpu.memref_slice %arg4[%add3A, %dma_start3A_32, %dma_start3A_33] : memref<32x80x128xi32, #tpu.memory_space<hbm>> -> memref<1x40x128xi32, #tpu.memory_space<hbm>>
      %dma_start3A_35 = tpu.memref_squeeze %dma_start3A_34 : memref<1x40x128xi32, #tpu.memory_space<hbm>> -> memref<40x128xi32, #tpu.memory_space<hbm>>
      %dma_start3A_36 = arith.constant 40 : i32
      %dma_start3A_37 = arith.constant 0 : i32
      %dma_start3A_38 = tpu.memref_slice %arg4[%add3A, %dma_start3A_36, %dma_start3A_37] : memref<32x80x128xi32, #tpu.memory_space<hbm>> -> memref<1x40x128xi32, #tpu.memory_space<hbm>>
      %dma_start3A_39 = tpu.memref_squeeze %dma_start3A_38 : memref<1x40x128xi32, #tpu.memory_space<hbm>> -> memref<40x128xi32, #tpu.memory_space<hbm>>
      tpu.enqueue_dma source(%dma_start3A_39 : memref<40x128xi32, #tpu.memory_space<hbm>>) target(%arg8 : memref<40x128xi32, #tpu.memory_space<vmem>>) target_semaphore(%run_scoped3A : memref<!tpu.dma_semaphore, #tpu.memory_space<semaphore_mem>>)
      %dma_wait3A = arith.constant 40 : i32
      %dma_wait3A_40 = arith.constant 0 : i32
      %dma_wait3A_41 = tpu.memref_slice %arg4[%add3A, %dma_wait3A, %dma_wait3A_40] : memref<32x80x128xi32, #tpu.memory_space<hbm>> -> memref<1x40x128xi32, #tpu.memory_space<hbm>>
      %dma_wait3A_42 = tpu.memref_squeeze %dma_wait3A_41 : memref<1x40x128xi32, #tpu.memory_space<hbm>> -> memref<40x128xi32, #tpu.memory_space<hbm>>
      %dma_wait3A_43 = arith.constant 40 : i32
      %dma_wait3A_44 = arith.constant 0 : i32
      %dma_wait3A_45 = tpu.memref_slice %arg4[%add3A, %dma_wait3A_43, %dma_wait3A_44] : memref<32x80x128xi32, #tpu.memory_space<hbm>> -> memref<1x40x128xi32, #tpu.memory_space<hbm>>
      %dma_wait3A_46 = tpu.memref_squeeze %dma_wait3A_45 : memref<1x40x128xi32, #tpu.memory_space<hbm>> -> memref<40x128xi32, #tpu.memory_space<hbm>>
      tpu.wait_dma2 semaphore(%run_scoped3A : memref<!tpu.dma_semaphore, #tpu.memory_space<semaphore_mem>>) src(%dma_wait3A_46 : memref<40x128xi32, #tpu.memory_space<hbm>>) dst(%arg8 : memref<40x128xi32, #tpu.memory_space<vmem>>)
      tpu.yield
    }) : () -> ()
    %dma_start3A_19 = arith.constant 0 : i32
    %dma_start3A_20 = arith.constant 0 : i32
    %dma_start3A_21 = tpu.memref_slice %arg7[%dma_start3A_19, %dma_start3A_20] : memref<40x128xi32, #tpu.memory_space<vmem>> -> memref<1x128xi32, #tpu.memory_space<vmem>>
    %dma_start3A_22 = tpu.memref_squeeze %dma_start3A_21 : memref<1x128xi32, #tpu.memory_space<vmem>> -> memref<128xi32, #tpu.memory_space<vmem>>
    %dma_start3A_23 = arith.constant 0 : i32
    %dma_start3A_24 = arith.constant 0 : i32
    %dma_start3A_25 = tpu.memref_slice %arg2[%dma_start3A_23, %dma_start3A_24] : memref<10240x128xf32, #tpu.memory_space<hbm>> -> memref<10240x128xf32, #tpu.memory_space<hbm>>
    tpu.enqueue_indirect_dma source(%dma_start3A_25 : memref<10240x128xf32, #tpu.memory_space<hbm>>) target(%arg9 : memref<128x128xf32, #tpu.memory_space<vmem>>) offsets(%dma_start3A_22 : memref<128xi32, #tpu.memory_space<vmem>>) semaphore(%arg12 : memref<!tpu.dma_semaphore, #tpu.memory_space<semaphore_mem>>)
    %scan3A_26 = arith.constant 0 : i32
    %scan3A_27 = arith.constant 20 : i32
    %scan3A_28 = arith.addi %scan3A_26, %scan3A_27 : i32
    %scan3A_29 = arith.constant 1 : i32
    scf.for %scan3A_32 = %scan3A_26 to %scan3A_28 step %scan3A_29  : i32 {
      %mul3A_33 = arith.constant 2 : i32
      %mul3A_34 = arith.muli %mul3A_33, %scan3A_32 : i32
      %add3A_35 = arith.constant 1 : i32
      %add3A_36 = arith.addi %mul3A_34, %add3A_35 : i32
      %dma_start3A_37 = arith.constant 0 : i32
      %dma_start3A_38 = tpu.memref_slice %arg7[%add3A_36, %dma_start3A_37] : memref<40x128xi32, #tpu.memory_space<vmem>> -> memref<1x128xi32, #tpu.memory_space<vmem>>
      %dma_start3A_39 = tpu.memref_squeeze %dma_start3A_38 : memref<1x128xi32, #tpu.memory_space<vmem>> -> memref<128xi32, #tpu.memory_space<vmem>>
      %dma_start3A_40 = arith.constant 0 : i32
      %dma_start3A_41 = arith.constant 0 : i32
      %dma_start3A_42 = tpu.memref_slice %arg2[%dma_start3A_40, %dma_start3A_41] : memref<10240x128xf32, #tpu.memory_space<hbm>> -> memref<10240x128xf32, #tpu.memory_space<hbm>>
      tpu.enqueue_indirect_dma source(%dma_start3A_42 : memref<10240x128xf32, #tpu.memory_space<hbm>>) target(%arg10 : memref<128x128xf32, #tpu.memory_space<vmem>>) offsets(%dma_start3A_39 : memref<128xi32, #tpu.memory_space<vmem>>) semaphore(%arg13 : memref<!tpu.dma_semaphore, #tpu.memory_space<semaphore_mem>>)
      %dma_wait3A = arith.constant 0 : i32
      %dma_wait3A_43 = tpu.memref_slice %arg7[%mul3A_34, %dma_wait3A] : memref<40x128xi32, #tpu.memory_space<vmem>> -> memref<1x128xi32, #tpu.memory_space<vmem>>
      %dma_wait3A_44 = tpu.memref_squeeze %dma_wait3A_43 : memref<1x128xi32, #tpu.memory_space<vmem>> -> memref<128xi32, #tpu.memory_space<vmem>>
      %dma_wait3A_45 = arith.constant 0 : i32
      %dma_wait3A_46 = arith.constant 0 : i32
      %dma_wait3A_47 = tpu.memref_slice %arg2[%dma_wait3A_45, %dma_wait3A_46] : memref<10240x128xf32, #tpu.memory_space<hbm>> -> memref<10240x128xf32, #tpu.memory_space<hbm>>
      tpu.wait_indirect_dma semaphore(%arg12 : memref<!tpu.dma_semaphore, #tpu.memory_space<semaphore_mem>>) src(%dma_wait3A_47 : memref<10240x128xf32, #tpu.memory_space<hbm>>) dst(%arg9 : memref<128x128xf32, #tpu.memory_space<vmem>>)
      "tpu.region"() ({
        %run_scoped3A = tpu.sem_alloc : memref<!tpu.dma_semaphore, #tpu.memory_space<semaphore_mem>>
        %dma_start3A_62 = arith.constant 0 : i32
        %dma_start3A_63 = tpu.memref_slice %arg8[%mul3A_34, %dma_start3A_62] : memref<40x128xi32, #tpu.memory_space<vmem>> -> memref<1x128xi32, #tpu.memory_space<vmem>>
        %dma_start3A_64 = tpu.memref_squeeze %dma_start3A_63 : memref<1x128xi32, #tpu.memory_space<vmem>> -> memref<128xi32, #tpu.memory_space<vmem>>
        %dma_start3A_65 = arith.constant 0 : i32
        %dma_start3A_66 = arith.constant 0 : i32
        %dma_start3A_67 = tpu.memref_slice %arg11[%dma_start3A_65, %dma_start3A_66] : memref<10240x128xf32, #tpu.memory_space<vmem_shared>> -> memref<10240x128xf32, #tpu.memory_space<vmem_shared>>
        tpu.enqueue_indirect_dma source(%arg9 : memref<128x128xf32, #tpu.memory_space<vmem>>) target(%dma_start3A_67 : memref<10240x128xf32, #tpu.memory_space<vmem_shared>>) offsets(%dma_start3A_64 : memref<128xi32, #tpu.memory_space<vmem>>) semaphore(%run_scoped3A : memref<!tpu.dma_semaphore, #tpu.memory_space<semaphore_mem>>) {add = true}
        %dma_wait3A_68 = arith.constant 0 : i32
        %dma_wait3A_69 = tpu.memref_slice %arg8[%mul3A_34, %dma_wait3A_68] : memref<40x128xi32, #tpu.memory_space<vmem>> -> memref<1x128xi32, #tpu.memory_space<vmem>>
        %dma_wait3A_70 = tpu.memref_squeeze %dma_wait3A_69 : memref<1x128xi32, #tpu.memory_space<vmem>> -> memref<128xi32, #tpu.memory_space<vmem>>
        %dma_wait3A_71 = arith.constant 0 : i32
        %dma_wait3A_72 = arith.constant 0 : i32
        %dma_wait3A_73 = tpu.memref_slice %arg11[%dma_wait3A_71, %dma_wait3A_72] : memref<10240x128xf32, #tpu.memory_space<vmem_shared>> -> memref<10240x128xf32, #tpu.memory_space<vmem_shared>>
        tpu.wait_indirect_dma semaphore(%run_scoped3A : memref<!tpu.dma_semaphore, #tpu.memory_space<semaphore_mem>>) src(%arg9 : memref<128x128xf32, #tpu.memory_space<vmem>>) dst(%dma_wait3A_73 : memref<10240x128xf32, #tpu.memory_space<vmem_shared>>)
        tpu.yield
      }) : () -> ()
      %add3A_48 = arith.constant 2 : i32
      %add3A_49 = arith.addi %mul3A_34, %add3A_48 : i32
      %lt3A = arith.constant 40 : i32
      %lt3A_50 = arith.cmpi slt, %add3A_49, %lt3A : i32
      %convert_element_type3A = arith.extui %lt3A_50 : i1 to i32
      %cond3A = arith.constant 0 : i32
      %cond3A_51 = arith.cmpi ne, %convert_element_type3A, %cond3A : i32
      scf.if %cond3A_51 {
        %add3A_62 = arith.constant 2 : i32
        %add3A_63 = arith.addi %mul3A_34, %add3A_62 : i32
        %dma_start3A_64 = arith.constant 0 : i32
        %dma_start3A_65 = tpu.memref_slice %arg7[%add3A_63, %dma_start3A_64] : memref<40x128xi32, #tpu.memory_space<vmem>> -> memref<1x128xi32, #tpu.memory_space<vmem>>
        %dma_start3A_66 = tpu.memref_squeeze %dma_start3A_65 : memref<1x128xi32, #tpu.memory_space<vmem>> -> memref<128xi32, #tpu.memory_space<vmem>>
        %dma_start3A_67 = arith.constant 0 : i32
        %dma_start3A_68 = arith.constant 0 : i32
        %dma_start3A_69 = tpu.memref_slice %arg2[%dma_start3A_67, %dma_start3A_68] : memref<10240x128xf32, #tpu.memory_space<hbm>> -> memref<10240x128xf32, #tpu.memory_space<hbm>>
        tpu.enqueue_indirect_dma source(%dma_start3A_69 : memref<10240x128xf32, #tpu.memory_space<hbm>>) target(%arg9 : memref<128x128xf32, #tpu.memory_space<vmem>>) offsets(%dma_start3A_66 : memref<128xi32, #tpu.memory_space<vmem>>) semaphore(%arg12 : memref<!tpu.dma_semaphore, #tpu.memory_space<semaphore_mem>>)
      } else {
      }
      %add3A_52 = arith.constant 1 : i32
      %add3A_53 = arith.addi %mul3A_34, %add3A_52 : i32
      %dma_wait3A_54 = arith.constant 0 : i32
      %dma_wait3A_55 = tpu.memref_slice %arg7[%add3A_53, %dma_wait3A_54] : memref<40x128xi32, #tpu.memory_space<vmem>> -> memref<1x128xi32, #tpu.memory_space<vmem>>
      %dma_wait3A_56 = tpu.memref_squeeze %dma_wait3A_55 : memref<1x128xi32, #tpu.memory_space<vmem>> -> memref<128xi32, #tpu.memory_space<vmem>>
      %dma_wait3A_57 = arith.constant 0 : i32
      %dma_wait3A_58 = arith.constant 0 : i32
      %dma_wait3A_59 = tpu.memref_slice %arg2[%dma_wait3A_57, %dma_wait3A_58] : memref<10240x128xf32, #tpu.memory_space<hbm>> -> memref<10240x128xf32, #tpu.memory_space<hbm>>
      tpu.wait_indirect_dma semaphore(%arg13 : memref<!tpu.dma_semaphore, #tpu.memory_space<semaphore_mem>>) src(%dma_wait3A_59 : memref<10240x128xf32, #tpu.memory_space<hbm>>) dst(%arg10 : memref<128x128xf32, #tpu.memory_space<vmem>>)
      %add3A_60 = arith.constant 1 : i32
      %add3A_61 = arith.addi %mul3A_34, %add3A_60 : i32
      "tpu.region"() ({
        %run_scoped3A = tpu.sem_alloc : memref<!tpu.dma_semaphore, #tpu.memory_space<semaphore_mem>>
        %dma_start3A_62 = arith.constant 0 : i32
        %dma_start3A_63 = tpu.memref_slice %arg8[%add3A_61, %dma_start3A_62] : memref<40x128xi32, #tpu.memory_space<vmem>> -> memref<1x128xi32, #tpu.memory_space<vmem>>
        %dma_start3A_64 = tpu.memref_squeeze %dma_start3A_63 : memref<1x128xi32, #tpu.memory_space<vmem>> -> memref<128xi32, #tpu.memory_space<vmem>>
        %dma_start3A_65 = arith.constant 0 : i32
        %dma_start3A_66 = arith.constant 0 : i32
        %dma_start3A_67 = tpu.memref_slice %arg11[%dma_start3A_65, %dma_start3A_66] : memref<10240x128xf32, #tpu.memory_space<vmem_shared>> -> memref<10240x128xf32, #tpu.memory_space<vmem_shared>>
        tpu.enqueue_indirect_dma source(%arg10 : memref<128x128xf32, #tpu.memory_space<vmem>>) target(%dma_start3A_67 : memref<10240x128xf32, #tpu.memory_space<vmem_shared>>) offsets(%dma_start3A_64 : memref<128xi32, #tpu.memory_space<vmem>>) semaphore(%run_scoped3A : memref<!tpu.dma_semaphore, #tpu.memory_space<semaphore_mem>>) {add = true}
        %dma_wait3A_68 = arith.constant 0 : i32
        %dma_wait3A_69 = tpu.memref_slice %arg8[%add3A_61, %dma_wait3A_68] : memref<40x128xi32, #tpu.memory_space<vmem>> -> memref<1x128xi32, #tpu.memory_space<vmem>>
        %dma_wait3A_70 = tpu.memref_squeeze %dma_wait3A_69 : memref<1x128xi32, #tpu.memory_space<vmem>> -> memref<128xi32, #tpu.memory_space<vmem>>
        %dma_wait3A_71 = arith.constant 0 : i32
        %dma_wait3A_72 = arith.constant 0 : i32
        %dma_wait3A_73 = tpu.memref_slice %arg11[%dma_wait3A_71, %dma_wait3A_72] : memref<10240x128xf32, #tpu.memory_space<vmem_shared>> -> memref<10240x128xf32, #tpu.memory_space<vmem_shared>>
        tpu.wait_indirect_dma semaphore(%run_scoped3A : memref<!tpu.dma_semaphore, #tpu.memory_space<semaphore_mem>>) src(%arg10 : memref<128x128xf32, #tpu.memory_space<vmem>>) dst(%dma_wait3A_73 : memref<10240x128xf32, #tpu.memory_space<vmem_shared>>)
        tpu.yield
      }) : () -> ()
    }
    %scan3A_30 = arith.constant 20 : i32
    %barrier3A_31 = arith.constant 0 : index
    tpu.barrier barrier_id(%barrier3A_31)
    "tpu.region"() ({
      %run_scoped3A = tpu.sem_alloc : memref<!tpu.dma_semaphore, #tpu.memory_space<semaphore_mem>>
      %dma_start3A_32 = arith.constant 0 : i32
      %dma_start3A_33 = tpu.memref_slice %arg6[%arg0, %mul3A_2, %dma_start3A_32] : memref<2x10240x128xf32, #tpu.memory_space<hbm>> -> memref<1x640x128xf32, #tpu.memory_space<hbm>>
      %dma_start3A_34 = tpu.memref_squeeze %dma_start3A_33 : memref<1x640x128xf32, #tpu.memory_space<hbm>> -> memref<640x128xf32, #tpu.memory_space<hbm>>
      %dma_start3A_35 = arith.constant 0 : i32
      %dma_start3A_36 = tpu.memref_slice %arg11[%mul3A_2, %dma_start3A_35] : memref<10240x128xf32, #tpu.memory_space<vmem_shared>> -> memref<640x128xf32, #tpu.memory_space<vmem_shared>>
      tpu.enqueue_dma source(%dma_start3A_36 : memref<640x128xf32, #tpu.memory_space<vmem_shared>>) target(%dma_start3A_34 : memref<640x128xf32, #tpu.memory_space<hbm>>) target_semaphore(%run_scoped3A : memref<!tpu.dma_semaphore, #tpu.memory_space<semaphore_mem>>)
      %dma_wait3A = arith.constant 0 : i32
      %dma_wait3A_37 = tpu.memref_slice %arg6[%arg0, %mul3A_2, %dma_wait3A] : memref<2x10240x128xf32, #tpu.memory_space<hbm>> -> memref<1x640x128xf32, #tpu.memory_space<hbm>>
      %dma_wait3A_38 = tpu.memref_squeeze %dma_wait3A_37 : memref<1x640x128xf32, #tpu.memory_space<hbm>> -> memref<640x128xf32, #tpu.memory_space<hbm>>
      %dma_wait3A_39 = arith.constant 0 : i32
      %dma_wait3A_40 = tpu.memref_slice %arg11[%mul3A_2, %dma_wait3A_39] : memref<10240x128xf32, #tpu.memory_space<vmem_shared>> -> memref<640x128xf32, #tpu.memory_space<vmem_shared>>
      tpu.wait_dma2 semaphore(%run_scoped3A : memref<!tpu.dma_semaphore, #tpu.memory_space<semaphore_mem>>) src(%dma_wait3A_40 : memref<640x128xf32, #tpu.memory_space<vmem_shared>>) dst(%dma_wait3A_38 : memref<640x128xf32, #tpu.memory_space<hbm>>)
      tpu.yield
    }) : () -> ()
    return
  }
}

#map = affine_map<(d0, d1) -> (0, 0)>
#map1 = affine_map<(d0, d1) -> (0, 0, 0)>
module attributes {stable_mosaic.version = 14 : i64} {
  func.func @_sc_scatter(%arg0: i32, %arg1: i32, %arg2: memref<10240x128xf32, #tpu.memory_space<hbm>>, %arg3: memref<32x80x128xi32, #tpu.memory_space<hbm>>, %arg4: memref<32x80x128xi32, #tpu.memory_space<hbm>>, %arg5: memref<320x128xf32, #tpu.memory_space<hbm>>, %arg6: memref<2x10240x128xf32, #tpu.memory_space<hbm>>, %arg7: memref<40x128xi32, #tpu.memory_space<vmem>>, %arg8: memref<40x128xi32, #tpu.memory_space<vmem>>, %arg9: memref<128x128xf32, #tpu.memory_space<vmem>>, %arg10: memref<128x128xf32, #tpu.memory_space<vmem>>, %arg11: memref<10240x128xf32, #tpu.memory_space<vmem_shared>>, %arg12: memref<!tpu.dma_semaphore, #tpu.memory_space<semaphore_mem>>, %arg13: memref<!tpu.dma_semaphore, #tpu.memory_space<semaphore_mem>>) attributes {dimension_semantics = [#tpu.dimension_semantics<core_parallel>, #tpu.dimension_semantics<subcore_parallel>], iteration_bounds = array<i64: 2, 16>, scalar_prefetch = 0 : i64, scratch_operands = 7 : i64, tpu.core_type = #tpu.core_type<sc_vector_subcore>, window_params = [{transform_indices = #map}, {transform_indices = #map1}, {transform_indices = #map1}, {transform_indices = #map}, {transform_indices = #map1}]} {
    %mul3A = arith.constant 2 : i32
    %mul3A_0 = arith.muli %arg1, %mul3A : i32
    %add3A = arith.addi %mul3A_0, %arg0 : i32
    %mul3A_1 = arith.constant 640 : i32
    %mul3A_2 = arith.muli %arg1, %mul3A_1 : i32
    %mul3A_3 = arith.constant 640 : i32
    %mul3A_4 = arith.muli %arg1, %mul3A_3 : i32
    "tpu.region"() ({
      %run_scoped3A = tpu.sem_alloc : memref<!tpu.dma_semaphore, #tpu.memory_space<semaphore_mem>>
      %dma_start3A_32 = arith.constant 0 : i32
      %dma_start3A_33 = tpu.memref_slice %arg11[%mul3A_4, %dma_start3A_32] : memref<10240x128xf32, #tpu.memory_space<vmem_shared>> -> memref<320x128xf32, #tpu.memory_space<vmem_shared>>
      tpu.enqueue_dma source(%arg5 : memref<320x128xf32, #tpu.memory_space<hbm>>) target(%dma_start3A_33 : memref<320x128xf32, #tpu.memory_space<vmem_shared>>) target_semaphore(%run_scoped3A : memref<!tpu.dma_semaphore, #tpu.memory_space<semaphore_mem>>)
      %dma_wait3A = arith.constant 0 : i32
      %dma_wait3A_34 = tpu.memref_slice %arg11[%mul3A_4, %dma_wait3A] : memref<10240x128xf32, #tpu.memory_space<vmem_shared>> -> memref<320x128xf32, #tpu.memory_space<vmem_shared>>
      tpu.wait_dma2 semaphore(%run_scoped3A : memref<!tpu.dma_semaphore, #tpu.memory_space<semaphore_mem>>) src(%arg5 : memref<320x128xf32, #tpu.memory_space<hbm>>) dst(%dma_wait3A_34 : memref<320x128xf32, #tpu.memory_space<vmem_shared>>)
      tpu.yield
    }) : () -> ()
    %mul3A_5 = arith.constant 640 : i32
    %mul3A_6 = arith.muli %arg1, %mul3A_5 : i32
    %add3A_7 = arith.constant 320 : i32
    %add3A_8 = arith.addi %mul3A_6, %add3A_7 : i32
    "tpu.region"() ({
      %run_scoped3A = tpu.sem_alloc : memref<!tpu.dma_semaphore, #tpu.memory_space<semaphore_mem>>
      %dma_start3A_32 = arith.constant 0 : i32
      %dma_start3A_33 = tpu.memref_slice %arg11[%add3A_8, %dma_start3A_32] : memref<10240x128xf32, #tpu.memory_space<vmem_shared>> -> memref<320x128xf32, #tpu.memory_space<vmem_shared>>
      tpu.enqueue_dma source(%arg5 : memref<320x128xf32, #tpu.memory_space<hbm>>) target(%dma_start3A_33 : memref<320x128xf32, #tpu.memory_space<vmem_shared>>) target_semaphore(%run_scoped3A : memref<!tpu.dma_semaphore, #tpu.memory_space<semaphore_mem>>)
      %dma_wait3A = arith.constant 0 : i32
      %dma_wait3A_34 = tpu.memref_slice %arg11[%add3A_8, %dma_wait3A] : memref<10240x128xf32, #tpu.memory_space<vmem_shared>> -> memref<320x128xf32, #tpu.memory_space<vmem_shared>>
      tpu.wait_dma2 semaphore(%run_scoped3A : memref<!tpu.dma_semaphore, #tpu.memory_space<semaphore_mem>>) src(%arg5 : memref<320x128xf32, #tpu.memory_space<hbm>>) dst(%dma_wait3A_34 : memref<320x128xf32, #tpu.memory_space<vmem_shared>>)
      tpu.yield
    }) : () -> ()
    %barrier3A = arith.constant 0 : index
    tpu.barrier barrier_id(%barrier3A)
    "tpu.region"() ({
      %run_scoped3A = tpu.sem_alloc : memref<!tpu.dma_semaphore, #tpu.memory_space<semaphore_mem>>
      %dma_start3A_32 = arith.constant 0 : i32
      %dma_start3A_33 = arith.constant 0 : i32
      %dma_start3A_34 = tpu.memref_slice %arg3[%add3A, %dma_start3A_32, %dma_start3A_33] : memref<32x80x128xi32, #tpu.memory_space<hbm>> -> memref<1x40x128xi32, #tpu.memory_space<hbm>>
      %dma_start3A_35 = tpu.memref_squeeze %dma_start3A_34 : memref<1x40x128xi32, #tpu.memory_space<hbm>> -> memref<40x128xi32, #tpu.memory_space<hbm>>
      %dma_start3A_36 = arith.constant 0 : i32
      %dma_start3A_37 = arith.constant 0 : i32
      %dma_start3A_38 = tpu.memref_slice %arg3[%add3A, %dma_start3A_36, %dma_start3A_37] : memref<32x80x128xi32, #tpu.memory_space<hbm>> -> memref<1x40x128xi32, #tpu.memory_space<hbm>>
      %dma_start3A_39 = tpu.memref_squeeze %dma_start3A_38 : memref<1x40x128xi32, #tpu.memory_space<hbm>> -> memref<40x128xi32, #tpu.memory_space<hbm>>
      tpu.enqueue_dma source(%dma_start3A_39 : memref<40x128xi32, #tpu.memory_space<hbm>>) target(%arg7 : memref<40x128xi32, #tpu.memory_space<vmem>>) target_semaphore(%run_scoped3A : memref<!tpu.dma_semaphore, #tpu.memory_space<semaphore_mem>>)
      %dma_wait3A = arith.constant 0 : i32
      %dma_wait3A_40 = arith.constant 0 : i32
      %dma_wait3A_41 = tpu.memref_slice %arg3[%add3A, %dma_wait3A, %dma_wait3A_40] : memref<32x80x128xi32, #tpu.memory_space<hbm>> -> memref<1x40x128xi32, #tpu.memory_space<hbm>>
      %dma_wait3A_42 = tpu.memref_squeeze %dma_wait3A_41 : memref<1x40x128xi32, #tpu.memory_space<hbm>> -> memref<40x128xi32, #tpu.memory_space<hbm>>
      %dma_wait3A_43 = arith.constant 0 : i32
      %dma_wait3A_44 = arith.constant 0 : i32
      %dma_wait3A_45 = tpu.memref_slice %arg3[%add3A, %dma_wait3A_43, %dma_wait3A_44] : memref<32x80x128xi32, #tpu.memory_space<hbm>> -> memref<1x40x128xi32, #tpu.memory_space<hbm>>
      %dma_wait3A_46 = tpu.memref_squeeze %dma_wait3A_45 : memref<1x40x128xi32, #tpu.memory_space<hbm>> -> memref<40x128xi32, #tpu.memory_space<hbm>>
      tpu.wait_dma2 semaphore(%run_scoped3A : memref<!tpu.dma_semaphore, #tpu.memory_space<semaphore_mem>>) src(%dma_wait3A_46 : memref<40x128xi32, #tpu.memory_space<hbm>>) dst(%arg7 : memref<40x128xi32, #tpu.memory_space<vmem>>)
      tpu.yield
    }) : () -> ()
    "tpu.region"() ({
      %run_scoped3A = tpu.sem_alloc : memref<!tpu.dma_semaphore, #tpu.memory_space<semaphore_mem>>
      %dma_start3A_32 = arith.constant 0 : i32
      %dma_start3A_33 = arith.constant 0 : i32
      %dma_start3A_34 = tpu.memref_slice %arg4[%add3A, %dma_start3A_32, %dma_start3A_33] : memref<32x80x128xi32, #tpu.memory_space<hbm>> -> memref<1x40x128xi32, #tpu.memory_space<hbm>>
      %dma_start3A_35 = tpu.memref_squeeze %dma_start3A_34 : memref<1x40x128xi32, #tpu.memory_space<hbm>> -> memref<40x128xi32, #tpu.memory_space<hbm>>
      %dma_start3A_36 = arith.constant 0 : i32
      %dma_start3A_37 = arith.constant 0 : i32
      %dma_start3A_38 = tpu.memref_slice %arg4[%add3A, %dma_start3A_36, %dma_start3A_37] : memref<32x80x128xi32, #tpu.memory_space<hbm>> -> memref<1x40x128xi32, #tpu.memory_space<hbm>>
      %dma_start3A_39 = tpu.memref_squeeze %dma_start3A_38 : memref<1x40x128xi32, #tpu.memory_space<hbm>> -> memref<40x128xi32, #tpu.memory_space<hbm>>
      tpu.enqueue_dma source(%dma_start3A_39 : memref<40x128xi32, #tpu.memory_space<hbm>>) target(%arg8 : memref<40x128xi32, #tpu.memory_space<vmem>>) target_semaphore(%run_scoped3A : memref<!tpu.dma_semaphore, #tpu.memory_space<semaphore_mem>>)
      %dma_wait3A = arith.constant 0 : i32
      %dma_wait3A_40 = arith.constant 0 : i32
      %dma_wait3A_41 = tpu.memref_slice %arg4[%add3A, %dma_wait3A, %dma_wait3A_40] : memref<32x80x128xi32, #tpu.memory_space<hbm>> -> memref<1x40x128xi32, #tpu.memory_space<hbm>>
      %dma_wait3A_42 = tpu.memref_squeeze %dma_wait3A_41 : memref<1x40x128xi32, #tpu.memory_space<hbm>> -> memref<40x128xi32, #tpu.memory_space<hbm>>
      %dma_wait3A_43 = arith.constant 0 : i32
      %dma_wait3A_44 = arith.constant 0 : i32
      %dma_wait3A_45 = tpu.memref_slice %arg4[%add3A, %dma_wait3A_43, %dma_wait3A_44] : memref<32x80x128xi32, #tpu.memory_space<hbm>> -> memref<1x40x128xi32, #tpu.memory_space<hbm>>
      %dma_wait3A_46 = tpu.memref_squeeze %dma_wait3A_45 : memref<1x40x128xi32, #tpu.memory_space<hbm>> -> memref<40x128xi32, #tpu.memory_space<hbm>>
      tpu.wait_dma2 semaphore(%run_scoped3A : memref<!tpu.dma_semaphore, #tpu.memory_space<semaphore_mem>>) src(%dma_wait3A_46 : memref<40x128xi32, #tpu.memory_space<hbm>>) dst(%arg8 : memref<40x128xi32, #tpu.memory_space<vmem>>)
      tpu.yield
    }) : () -> ()
    %dma_start3A = arith.constant 0 : i32
    %dma_start3A_9 = arith.constant 0 : i32
    %dma_start3A_10 = tpu.memref_slice %arg7[%dma_start3A, %dma_start3A_9] : memref<40x128xi32, #tpu.memory_space<vmem>> -> memref<1x128xi32, #tpu.memory_space<vmem>>
    %dma_start3A_11 = tpu.memref_squeeze %dma_start3A_10 : memref<1x128xi32, #tpu.memory_space<vmem>> -> memref<128xi32, #tpu.memory_space<vmem>>
    %dma_start3A_12 = arith.constant 0 : i32
    %dma_start3A_13 = arith.constant 0 : i32
    %dma_start3A_14 = tpu.memref_slice %arg2[%dma_start3A_12, %dma_start3A_13] : memref<10240x128xf32, #tpu.memory_space<hbm>> -> memref<10240x128xf32, #tpu.memory_space<hbm>>
    tpu.enqueue_indirect_dma source(%dma_start3A_14 : memref<10240x128xf32, #tpu.memory_space<hbm>>) target(%arg9 : memref<128x128xf32, #tpu.memory_space<vmem>>) offsets(%dma_start3A_11 : memref<128xi32, #tpu.memory_space<vmem>>) semaphore(%arg12 : memref<!tpu.dma_semaphore, #tpu.memory_space<semaphore_mem>>)
    %scan3A = arith.constant 0 : i32
    %scan3A_15 = arith.constant 20 : i32
    %scan3A_16 = arith.addi %scan3A, %scan3A_15 : i32
    %scan3A_17 = arith.constant 1 : i32
    scf.for %scan3A_32 = %scan3A to %scan3A_16 step %scan3A_17  : i32 {
      %mul3A_33 = arith.constant 2 : i32
      %mul3A_34 = arith.muli %mul3A_33, %scan3A_32 : i32
      %add3A_35 = arith.constant 1 : i32
      %add3A_36 = arith.addi %mul3A_34, %add3A_35 : i32
      %dma_start3A_37 = arith.constant 0 : i32
      %dma_start3A_38 = tpu.memref_slice %arg7[%add3A_36, %dma_start3A_37] : memref<40x128xi32, #tpu.memory_space<vmem>> -> memref<1x128xi32, #tpu.memory_space<vmem>>
      %dma_start3A_39 = tpu.memref_squeeze %dma_start3A_38 : memref<1x128xi32, #tpu.memory_space<vmem>> -> memref<128xi32, #tpu.memory_space<vmem>>
      %dma_start3A_40 = arith.constant 0 : i32
      %dma_start3A_41 = arith.constant 0 : i32
      %dma_start3A_42 = tpu.memref_slice %arg2[%dma_start3A_40, %dma_start3A_41] : memref<10240x128xf32, #tpu.memory_space<hbm>> -> memref<10240x128xf32, #tpu.memory_space<hbm>>
      tpu.enqueue_indirect_dma source(%dma_start3A_42 : memref<10240x128xf32, #tpu.memory_space<hbm>>) target(%arg10 : memref<128x128xf32, #tpu.memory_space<vmem>>) offsets(%dma_start3A_39 : memref<128xi32, #tpu.memory_space<vmem>>) semaphore(%arg13 : memref<!tpu.dma_semaphore, #tpu.memory_space<semaphore_mem>>)
      %dma_wait3A = arith.constant 0 : i32
      %dma_wait3A_43 = tpu.memref_slice %arg7[%mul3A_34, %dma_wait3A] : memref<40x128xi32, #tpu.memory_space<vmem>> -> memref<1x128xi32, #tpu.memory_space<vmem>>
      %dma_wait3A_44 = tpu.memref_squeeze %dma_wait3A_43 : memref<1x128xi32, #tpu.memory_space<vmem>> -> memref<128xi32, #tpu.memory_space<vmem>>
      %dma_wait3A_45 = arith.constant 0 : i32
      %dma_wait3A_46 = arith.constant 0 : i32
      %dma_wait3A_47 = tpu.memref_slice %arg2[%dma_wait3A_45, %dma_wait3A_46] : memref<10240x128xf32, #tpu.memory_space<hbm>> -> memref<10240x128xf32, #tpu.memory_space<hbm>>
      tpu.wait_indirect_dma semaphore(%arg12 : memref<!tpu.dma_semaphore, #tpu.memory_space<semaphore_mem>>) src(%dma_wait3A_47 : memref<10240x128xf32, #tpu.memory_space<hbm>>) dst(%arg9 : memref<128x128xf32, #tpu.memory_space<vmem>>)
      "tpu.region"() ({
        %run_scoped3A = tpu.sem_alloc : memref<!tpu.dma_semaphore, #tpu.memory_space<semaphore_mem>>
        %dma_start3A_62 = arith.constant 0 : i32
        %dma_start3A_63 = tpu.memref_slice %arg8[%mul3A_34, %dma_start3A_62] : memref<40x128xi32, #tpu.memory_space<vmem>> -> memref<1x128xi32, #tpu.memory_space<vmem>>
        %dma_start3A_64 = tpu.memref_squeeze %dma_start3A_63 : memref<1x128xi32, #tpu.memory_space<vmem>> -> memref<128xi32, #tpu.memory_space<vmem>>
        %dma_start3A_65 = arith.constant 0 : i32
        %dma_start3A_66 = arith.constant 0 : i32
        %dma_start3A_67 = tpu.memref_slice %arg11[%dma_start3A_65, %dma_start3A_66] : memref<10240x128xf32, #tpu.memory_space<vmem_shared>> -> memref<10240x128xf32, #tpu.memory_space<vmem_shared>>
        tpu.enqueue_indirect_dma source(%arg9 : memref<128x128xf32, #tpu.memory_space<vmem>>) target(%dma_start3A_67 : memref<10240x128xf32, #tpu.memory_space<vmem_shared>>) offsets(%dma_start3A_64 : memref<128xi32, #tpu.memory_space<vmem>>) semaphore(%run_scoped3A : memref<!tpu.dma_semaphore, #tpu.memory_space<semaphore_mem>>) {add = true}
        %dma_wait3A_68 = arith.constant 0 : i32
        %dma_wait3A_69 = tpu.memref_slice %arg8[%mul3A_34, %dma_wait3A_68] : memref<40x128xi32, #tpu.memory_space<vmem>> -> memref<1x128xi32, #tpu.memory_space<vmem>>
        %dma_wait3A_70 = tpu.memref_squeeze %dma_wait3A_69 : memref<1x128xi32, #tpu.memory_space<vmem>> -> memref<128xi32, #tpu.memory_space<vmem>>
        %dma_wait3A_71 = arith.constant 0 : i32
        %dma_wait3A_72 = arith.constant 0 : i32
        %dma_wait3A_73 = tpu.memref_slice %arg11[%dma_wait3A_71, %dma_wait3A_72] : memref<10240x128xf32, #tpu.memory_space<vmem_shared>> -> memref<10240x128xf32, #tpu.memory_space<vmem_shared>>
        tpu.wait_indirect_dma semaphore(%run_scoped3A : memref<!tpu.dma_semaphore, #tpu.memory_space<semaphore_mem>>) src(%arg9 : memref<128x128xf32, #tpu.memory_space<vmem>>) dst(%dma_wait3A_73 : memref<10240x128xf32, #tpu.memory_space<vmem_shared>>)
        tpu.yield
      }) : () -> ()
      %add3A_48 = arith.constant 2 : i32
      %add3A_49 = arith.addi %mul3A_34, %add3A_48 : i32
      %lt3A = arith.constant 40 : i32
      %lt3A_50 = arith.cmpi slt, %add3A_49, %lt3A : i32
      %convert_element_type3A = arith.extui %lt3A_50 : i1 to i32
      %cond3A = arith.constant 0 : i32
      %cond3A_51 = arith.cmpi ne, %convert_element_type3A, %cond3A : i32
      scf.if %cond3A_51 {
        %add3A_62 = arith.constant 2 : i32
        %add3A_63 = arith.addi %mul3A_34, %add3A_62 : i32
        %dma_start3A_64 = arith.constant 0 : i32
        %dma_start3A_65 = tpu.memref_slice %arg7[%add3A_63, %dma_start3A_64] : memref<40x128xi32, #tpu.memory_space<vmem>> -> memref<1x128xi32, #tpu.memory_space<vmem>>
        %dma_start3A_66 = tpu.memref_squeeze %dma_start3A_65 : memref<1x128xi32, #tpu.memory_space<vmem>> -> memref<128xi32, #tpu.memory_space<vmem>>
        %dma_start3A_67 = arith.constant 0 : i32
        %dma_start3A_68 = arith.constant 0 : i32
        %dma_start3A_69 = tpu.memref_slice %arg2[%dma_start3A_67, %dma_start3A_68] : memref<10240x128xf32, #tpu.memory_space<hbm>> -> memref<10240x128xf32, #tpu.memory_space<hbm>>
        tpu.enqueue_indirect_dma source(%dma_start3A_69 : memref<10240x128xf32, #tpu.memory_space<hbm>>) target(%arg9 : memref<128x128xf32, #tpu.memory_space<vmem>>) offsets(%dma_start3A_66 : memref<128xi32, #tpu.memory_space<vmem>>) semaphore(%arg12 : memref<!tpu.dma_semaphore, #tpu.memory_space<semaphore_mem>>)
      } else {
      }
      %add3A_52 = arith.constant 1 : i32
      %add3A_53 = arith.addi %mul3A_34, %add3A_52 : i32
      %dma_wait3A_54 = arith.constant 0 : i32
      %dma_wait3A_55 = tpu.memref_slice %arg7[%add3A_53, %dma_wait3A_54] : memref<40x128xi32, #tpu.memory_space<vmem>> -> memref<1x128xi32, #tpu.memory_space<vmem>>
      %dma_wait3A_56 = tpu.memref_squeeze %dma_wait3A_55 : memref<1x128xi32, #tpu.memory_space<vmem>> -> memref<128xi32, #tpu.memory_space<vmem>>
      %dma_wait3A_57 = arith.constant 0 : i32
      %dma_wait3A_58 = arith.constant 0 : i32
      %dma_wait3A_59 = tpu.memref_slice %arg2[%dma_wait3A_57, %dma_wait3A_58] : memref<10240x128xf32, #tpu.memory_space<hbm>> -> memref<10240x128xf32, #tpu.memory_space<hbm>>
      tpu.wait_indirect_dma semaphore(%arg13 : memref<!tpu.dma_semaphore, #tpu.memory_space<semaphore_mem>>) src(%dma_wait3A_59 : memref<10240x128xf32, #tpu.memory_space<hbm>>) dst(%arg10 : memref<128x128xf32, #tpu.memory_space<vmem>>)
      %add3A_60 = arith.constant 1 : i32
      %add3A_61 = arith.addi %mul3A_34, %add3A_60 : i32
      "tpu.region"() ({
        %run_scoped3A = tpu.sem_alloc : memref<!tpu.dma_semaphore, #tpu.memory_space<semaphore_mem>>
        %dma_start3A_62 = arith.constant 0 : i32
        %dma_start3A_63 = tpu.memref_slice %arg8[%add3A_61, %dma_start3A_62] : memref<40x128xi32, #tpu.memory_space<vmem>> -> memref<1x128xi32, #tpu.memory_space<vmem>>
        %dma_start3A_64 = tpu.memref_squeeze %dma_start3A_63 : memref<1x128xi32, #tpu.memory_space<vmem>> -> memref<128xi32, #tpu.memory_space<vmem>>
        %dma_start3A_65 = arith.constant 0 : i32
        %dma_start3A_66 = arith.constant 0 : i32
        %dma_start3A_67 = tpu.memref_slice %arg11[%dma_start3A_65, %dma_start3A_66] : memref<10240x128xf32, #tpu.memory_space<vmem_shared>> -> memref<10240x128xf32, #tpu.memory_space<vmem_shared>>
        tpu.enqueue_indirect_dma source(%arg10 : memref<128x128xf32, #tpu.memory_space<vmem>>) target(%dma_start3A_67 : memref<10240x128xf32, #tpu.memory_space<vmem_shared>>) offsets(%dma_start3A_64 : memref<128xi32, #tpu.memory_space<vmem>>) semaphore(%run_scoped3A : memref<!tpu.dma_semaphore, #tpu.memory_space<semaphore_mem>>) {add = true}
        %dma_wait3A_68 = arith.constant 0 : i32
        %dma_wait3A_69 = tpu.memref_slice %arg8[%add3A_61, %dma_wait3A_68] : memref<40x128xi32, #tpu.memory_space<vmem>> -> memref<1x128xi32, #tpu.memory_space<vmem>>
        %dma_wait3A_70 = tpu.memref_squeeze %dma_wait3A_69 : memref<1x128xi32, #tpu.memory_space<vmem>> -> memref<128xi32, #tpu.memory_space<vmem>>
        %dma_wait3A_71 = arith.constant 0 : i32
        %dma_wait3A_72 = arith.constant 0 : i32
        %dma_wait3A_73 = tpu.memref_slice %arg11[%dma_wait3A_71, %dma_wait3A_72] : memref<10240x128xf32, #tpu.memory_space<vmem_shared>> -> memref<10240x128xf32, #tpu.memory_space<vmem_shared>>
        tpu.wait_indirect_dma semaphore(%run_scoped3A : memref<!tpu.dma_semaphore, #tpu.memory_space<semaphore_mem>>) src(%arg10 : memref<128x128xf32, #tpu.memory_space<vmem>>) dst(%dma_wait3A_73 : memref<10240x128xf32, #tpu.memory_space<vmem_shared>>)
        tpu.yield
      }) : () -> ()
    }
    %scan3A_18 = arith.constant 20 : i32
    "tpu.region"() ({
      %run_scoped3A = tpu.sem_alloc : memref<!tpu.dma_semaphore, #tpu.memory_space<semaphore_mem>>
      %dma_start3A_32 = arith.constant 40 : i32
      %dma_start3A_33 = arith.constant 0 : i32
      %dma_start3A_34 = tpu.memref_slice %arg3[%add3A, %dma_start3A_32, %dma_start3A_33] : memref<32x80x128xi32, #tpu.memory_space<hbm>> -> memref<1x40x128xi32, #tpu.memory_space<hbm>>
      %dma_start3A_35 = tpu.memref_squeeze %dma_start3A_34 : memref<1x40x128xi32, #tpu.memory_space<hbm>> -> memref<40x128xi32, #tpu.memory_space<hbm>>
      %dma_start3A_36 = arith.constant 40 : i32
      %dma_start3A_37 = arith.constant 0 : i32
      %dma_start3A_38 = tpu.memref_slice %arg3[%add3A, %dma_start3A_36, %dma_start3A_37] : memref<32x80x128xi32, #tpu.memory_space<hbm>> -> memref<1x40x128xi32, #tpu.memory_space<hbm>>
      %dma_start3A_39 = tpu.memref_squeeze %dma_start3A_38 : memref<1x40x128xi32, #tpu.memory_space<hbm>> -> memref<40x128xi32, #tpu.memory_space<hbm>>
      tpu.enqueue_dma source(%dma_start3A_39 : memref<40x128xi32, #tpu.memory_space<hbm>>) target(%arg7 : memref<40x128xi32, #tpu.memory_space<vmem>>) target_semaphore(%run_scoped3A : memref<!tpu.dma_semaphore, #tpu.memory_space<semaphore_mem>>)
      %dma_wait3A = arith.constant 40 : i32
      %dma_wait3A_40 = arith.constant 0 : i32
      %dma_wait3A_41 = tpu.memref_slice %arg3[%add3A, %dma_wait3A, %dma_wait3A_40] : memref<32x80x128xi32, #tpu.memory_space<hbm>> -> memref<1x40x128xi32, #tpu.memory_space<hbm>>
      %dma_wait3A_42 = tpu.memref_squeeze %dma_wait3A_41 : memref<1x40x128xi32, #tpu.memory_space<hbm>> -> memref<40x128xi32, #tpu.memory_space<hbm>>
      %dma_wait3A_43 = arith.constant 40 : i32
      %dma_wait3A_44 = arith.constant 0 : i32
      %dma_wait3A_45 = tpu.memref_slice %arg3[%add3A, %dma_wait3A_43, %dma_wait3A_44] : memref<32x80x128xi32, #tpu.memory_space<hbm>> -> memref<1x40x128xi32, #tpu.memory_space<hbm>>
      %dma_wait3A_46 = tpu.memref_squeeze %dma_wait3A_45 : memref<1x40x128xi32, #tpu.memory_space<hbm>> -> memref<40x128xi32, #tpu.memory_space<hbm>>
      tpu.wait_dma2 semaphore(%run_scoped3A : memref<!tpu.dma_semaphore, #tpu.memory_space<semaphore_mem>>) src(%dma_wait3A_46 : memref<40x128xi32, #tpu.memory_space<hbm>>) dst(%arg7 : memref<40x128xi32, #tpu.memory_space<vmem>>)
      tpu.yield
    }) : () -> ()
    "tpu.region"() ({
      %run_scoped3A = tpu.sem_alloc : memref<!tpu.dma_semaphore, #tpu.memory_space<semaphore_mem>>
      %dma_start3A_32 = arith.constant 40 : i32
      %dma_start3A_33 = arith.constant 0 : i32
      %dma_start3A_34 = tpu.memref_slice %arg4[%add3A, %dma_start3A_32, %dma_start3A_33] : memref<32x80x128xi32, #tpu.memory_space<hbm>> -> memref<1x40x128xi32, #tpu.memory_space<hbm>>
      %dma_start3A_35 = tpu.memref_squeeze %dma_start3A_34 : memref<1x40x128xi32, #tpu.memory_space<hbm>> -> memref<40x128xi32, #tpu.memory_space<hbm>>
      %dma_start3A_36 = arith.constant 40 : i32
      %dma_start3A_37 = arith.constant 0 : i32
      %dma_start3A_38 = tpu.memref_slice %arg4[%add3A, %dma_start3A_36, %dma_start3A_37] : memref<32x80x128xi32, #tpu.memory_space<hbm>> -> memref<1x40x128xi32, #tpu.memory_space<hbm>>
      %dma_start3A_39 = tpu.memref_squeeze %dma_start3A_38 : memref<1x40x128xi32, #tpu.memory_space<hbm>> -> memref<40x128xi32, #tpu.memory_space<hbm>>
      tpu.enqueue_dma source(%dma_start3A_39 : memref<40x128xi32, #tpu.memory_space<hbm>>) target(%arg8 : memref<40x128xi32, #tpu.memory_space<vmem>>) target_semaphore(%run_scoped3A : memref<!tpu.dma_semaphore, #tpu.memory_space<semaphore_mem>>)
      %dma_wait3A = arith.constant 40 : i32
      %dma_wait3A_40 = arith.constant 0 : i32
      %dma_wait3A_41 = tpu.memref_slice %arg4[%add3A, %dma_wait3A, %dma_wait3A_40] : memref<32x80x128xi32, #tpu.memory_space<hbm>> -> memref<1x40x128xi32, #tpu.memory_space<hbm>>
      %dma_wait3A_42 = tpu.memref_squeeze %dma_wait3A_41 : memref<1x40x128xi32, #tpu.memory_space<hbm>> -> memref<40x128xi32, #tpu.memory_space<hbm>>
      %dma_wait3A_43 = arith.constant 40 : i32
      %dma_wait3A_44 = arith.constant 0 : i32
      %dma_wait3A_45 = tpu.memref_slice %arg4[%add3A, %dma_wait3A_43, %dma_wait3A_44] : memref<32x80x128xi32, #tpu.memory_space<hbm>> -> memref<1x40x128xi32, #tpu.memory_space<hbm>>
      %dma_wait3A_46 = tpu.memref_squeeze %dma_wait3A_45 : memref<1x40x128xi32, #tpu.memory_space<hbm>> -> memref<40x128xi32, #tpu.memory_space<hbm>>
      tpu.wait_dma2 semaphore(%run_scoped3A : memref<!tpu.dma_semaphore, #tpu.memory_space<semaphore_mem>>) src(%dma_wait3A_46 : memref<40x128xi32, #tpu.memory_space<hbm>>) dst(%arg8 : memref<40x128xi32, #tpu.memory_space<vmem>>)
      tpu.yield
    }) : () -> ()
    %dma_start3A_19 = arith.constant 0 : i32
    %dma_start3A_20 = arith.constant 0 : i32
    %dma_start3A_21 = tpu.memref_slice %arg7[%dma_start3A_19, %dma_start3A_20] : memref<40x128xi32, #tpu.memory_space<vmem>> -> memref<1x128xi32, #tpu.memory_space<vmem>>
    %dma_start3A_22 = tpu.memref_squeeze %dma_start3A_21 : memref<1x128xi32, #tpu.memory_space<vmem>> -> memref<128xi32, #tpu.memory_space<vmem>>
    %dma_start3A_23 = arith.constant 0 : i32
    %dma_start3A_24 = arith.constant 0 : i32
    %dma_start3A_25 = tpu.memref_slice %arg2[%dma_start3A_23, %dma_start3A_24] : memref<10240x128xf32, #tpu.memory_space<hbm>> -> memref<10240x128xf32, #tpu.memory_space<hbm>>
    tpu.enqueue_indirect_dma source(%dma_start3A_25 : memref<10240x128xf32, #tpu.memory_space<hbm>>) target(%arg9 : memref<128x128xf32, #tpu.memory_space<vmem>>) offsets(%dma_start3A_22 : memref<128xi32, #tpu.memory_space<vmem>>) semaphore(%arg12 : memref<!tpu.dma_semaphore, #tpu.memory_space<semaphore_mem>>)
    %scan3A_26 = arith.constant 0 : i32
    %scan3A_27 = arith.constant 20 : i32
    %scan3A_28 = arith.addi %scan3A_26, %scan3A_27 : i32
    %scan3A_29 = arith.constant 1 : i32
    scf.for %scan3A_32 = %scan3A_26 to %scan3A_28 step %scan3A_29  : i32 {
      %mul3A_33 = arith.constant 2 : i32
      %mul3A_34 = arith.muli %mul3A_33, %scan3A_32 : i32
      %add3A_35 = arith.constant 1 : i32
      %add3A_36 = arith.addi %mul3A_34, %add3A_35 : i32
      %dma_start3A_37 = arith.constant 0 : i32
      %dma_start3A_38 = tpu.memref_slice %arg7[%add3A_36, %dma_start3A_37] : memref<40x128xi32, #tpu.memory_space<vmem>> -> memref<1x128xi32, #tpu.memory_space<vmem>>
      %dma_start3A_39 = tpu.memref_squeeze %dma_start3A_38 : memref<1x128xi32, #tpu.memory_space<vmem>> -> memref<128xi32, #tpu.memory_space<vmem>>
      %dma_start3A_40 = arith.constant 0 : i32
      %dma_start3A_41 = arith.constant 0 : i32
      %dma_start3A_42 = tpu.memref_slice %arg2[%dma_start3A_40, %dma_start3A_41] : memref<10240x128xf32, #tpu.memory_space<hbm>> -> memref<10240x128xf32, #tpu.memory_space<hbm>>
      tpu.enqueue_indirect_dma source(%dma_start3A_42 : memref<10240x128xf32, #tpu.memory_space<hbm>>) target(%arg10 : memref<128x128xf32, #tpu.memory_space<vmem>>) offsets(%dma_start3A_39 : memref<128xi32, #tpu.memory_space<vmem>>) semaphore(%arg13 : memref<!tpu.dma_semaphore, #tpu.memory_space<semaphore_mem>>)
      %dma_wait3A = arith.constant 0 : i32
      %dma_wait3A_43 = tpu.memref_slice %arg7[%mul3A_34, %dma_wait3A] : memref<40x128xi32, #tpu.memory_space<vmem>> -> memref<1x128xi32, #tpu.memory_space<vmem>>
      %dma_wait3A_44 = tpu.memref_squeeze %dma_wait3A_43 : memref<1x128xi32, #tpu.memory_space<vmem>> -> memref<128xi32, #tpu.memory_space<vmem>>
      %dma_wait3A_45 = arith.constant 0 : i32
      %dma_wait3A_46 = arith.constant 0 : i32
      %dma_wait3A_47 = tpu.memref_slice %arg2[%dma_wait3A_45, %dma_wait3A_46] : memref<10240x128xf32, #tpu.memory_space<hbm>> -> memref<10240x128xf32, #tpu.memory_space<hbm>>
      tpu.wait_indirect_dma semaphore(%arg12 : memref<!tpu.dma_semaphore, #tpu.memory_space<semaphore_mem>>) src(%dma_wait3A_47 : memref<10240x128xf32, #tpu.memory_space<hbm>>) dst(%arg9 : memref<128x128xf32, #tpu.memory_space<vmem>>)
      "tpu.region"() ({
        %run_scoped3A = tpu.sem_alloc : memref<!tpu.dma_semaphore, #tpu.memory_space<semaphore_mem>>
        %dma_start3A_62 = arith.constant 0 : i32
        %dma_start3A_63 = tpu.memref_slice %arg8[%mul3A_34, %dma_start3A_62] : memref<40x128xi32, #tpu.memory_space<vmem>> -> memref<1x128xi32, #tpu.memory_space<vmem>>
        %dma_start3A_64 = tpu.memref_squeeze %dma_start3A_63 : memref<1x128xi32, #tpu.memory_space<vmem>> -> memref<128xi32, #tpu.memory_space<vmem>>
        %dma_start3A_65 = arith.constant 0 : i32
        %dma_start3A_66 = arith.constant 0 : i32
        %dma_start3A_67 = tpu.memref_slice %arg11[%dma_start3A_65, %dma_start3A_66] : memref<10240x128xf32, #tpu.memory_space<vmem_shared>> -> memref<10240x128xf32, #tpu.memory_space<vmem_shared>>
        tpu.enqueue_indirect_dma source(%arg9 : memref<128x128xf32, #tpu.memory_space<vmem>>) target(%dma_start3A_67 : memref<10240x128xf32, #tpu.memory_space<vmem_shared>>) offsets(%dma_start3A_64 : memref<128xi32, #tpu.memory_space<vmem>>) semaphore(%run_scoped3A : memref<!tpu.dma_semaphore, #tpu.memory_space<semaphore_mem>>) {add = true}
        %dma_wait3A_68 = arith.constant 0 : i32
        %dma_wait3A_69 = tpu.memref_slice %arg8[%mul3A_34, %dma_wait3A_68] : memref<40x128xi32, #tpu.memory_space<vmem>> -> memref<1x128xi32, #tpu.memory_space<vmem>>
        %dma_wait3A_70 = tpu.memref_squeeze %dma_wait3A_69 : memref<1x128xi32, #tpu.memory_space<vmem>> -> memref<128xi32, #tpu.memory_space<vmem>>
        %dma_wait3A_71 = arith.constant 0 : i32
        %dma_wait3A_72 = arith.constant 0 : i32
        %dma_wait3A_73 = tpu.memref_slice %arg11[%dma_wait3A_71, %dma_wait3A_72] : memref<10240x128xf32, #tpu.memory_space<vmem_shared>> -> memref<10240x128xf32, #tpu.memory_space<vmem_shared>>
        tpu.wait_indirect_dma semaphore(%run_scoped3A : memref<!tpu.dma_semaphore, #tpu.memory_space<semaphore_mem>>) src(%arg9 : memref<128x128xf32, #tpu.memory_space<vmem>>) dst(%dma_wait3A_73 : memref<10240x128xf32, #tpu.memory_space<vmem_shared>>)
        tpu.yield
      }) : () -> ()
      %add3A_48 = arith.constant 2 : i32
      %add3A_49 = arith.addi %mul3A_34, %add3A_48 : i32
      %lt3A = arith.constant 40 : i32
      %lt3A_50 = arith.cmpi slt, %add3A_49, %lt3A : i32
      %convert_element_type3A = arith.extui %lt3A_50 : i1 to i32
      %cond3A = arith.constant 0 : i32
      %cond3A_51 = arith.cmpi ne, %convert_element_type3A, %cond3A : i32
      scf.if %cond3A_51 {
        %add3A_62 = arith.constant 2 : i32
        %add3A_63 = arith.addi %mul3A_34, %add3A_62 : i32
        %dma_start3A_64 = arith.constant 0 : i32
        %dma_start3A_65 = tpu.memref_slice %arg7[%add3A_63, %dma_start3A_64] : memref<40x128xi32, #tpu.memory_space<vmem>> -> memref<1x128xi32, #tpu.memory_space<vmem>>
        %dma_start3A_66 = tpu.memref_squeeze %dma_start3A_65 : memref<1x128xi32, #tpu.memory_space<vmem>> -> memref<128xi32, #tpu.memory_space<vmem>>
        %dma_start3A_67 = arith.constant 0 : i32
        %dma_start3A_68 = arith.constant 0 : i32
        %dma_start3A_69 = tpu.memref_slice %arg2[%dma_start3A_67, %dma_start3A_68] : memref<10240x128xf32, #tpu.memory_space<hbm>> -> memref<10240x128xf32, #tpu.memory_space<hbm>>
        tpu.enqueue_indirect_dma source(%dma_start3A_69 : memref<10240x128xf32, #tpu.memory_space<hbm>>) target(%arg9 : memref<128x128xf32, #tpu.memory_space<vmem>>) offsets(%dma_start3A_66 : memref<128xi32, #tpu.memory_space<vmem>>) semaphore(%arg12 : memref<!tpu.dma_semaphore, #tpu.memory_space<semaphore_mem>>)
      } else {
      }
      %add3A_52 = arith.constant 1 : i32
      %add3A_53 = arith.addi %mul3A_34, %add3A_52 : i32
      %dma_wait3A_54 = arith.constant 0 : i32
      %dma_wait3A_55 = tpu.memref_slice %arg7[%add3A_53, %dma_wait3A_54] : memref<40x128xi32, #tpu.memory_space<vmem>> -> memref<1x128xi32, #tpu.memory_space<vmem>>
      %dma_wait3A_56 = tpu.memref_squeeze %dma_wait3A_55 : memref<1x128xi32, #tpu.memory_space<vmem>> -> memref<128xi32, #tpu.memory_space<vmem>>
      %dma_wait3A_57 = arith.constant 0 : i32
      %dma_wait3A_58 = arith.constant 0 : i32
      %dma_wait3A_59 = tpu.memref_slice %arg2[%dma_wait3A_57, %dma_wait3A_58] : memref<10240x128xf32, #tpu.memory_space<hbm>> -> memref<10240x128xf32, #tpu.memory_space<hbm>>
      tpu.wait_indirect_dma semaphore(%arg13 : memref<!tpu.dma_semaphore, #tpu.memory_space<semaphore_mem>>) src(%dma_wait3A_59 : memref<10240x128xf32, #tpu.memory_space<hbm>>) dst(%arg10 : memref<128x128xf32, #tpu.memory_space<vmem>>)
      %add3A_60 = arith.constant 1 : i32
      %add3A_61 = arith.addi %mul3A_34, %add3A_60 : i32
      "tpu.region"() ({
        %run_scoped3A = tpu.sem_alloc : memref<!tpu.dma_semaphore, #tpu.memory_space<semaphore_mem>>
        %dma_start3A_62 = arith.constant 0 : i32
        %dma_start3A_63 = tpu.memref_slice %arg8[%add3A_61, %dma_start3A_62] : memref<40x128xi32, #tpu.memory_space<vmem>> -> memref<1x128xi32, #tpu.memory_space<vmem>>
        %dma_start3A_64 = tpu.memref_squeeze %dma_start3A_63 : memref<1x128xi32, #tpu.memory_space<vmem>> -> memref<128xi32, #tpu.memory_space<vmem>>
        %dma_start3A_65 = arith.constant 0 : i32
        %dma_start3A_66 = arith.constant 0 : i32
        %dma_start3A_67 = tpu.memref_slice %arg11[%dma_start3A_65, %dma_start3A_66] : memref<10240x128xf32, #tpu.memory_space<vmem_shared>> -> memref<10240x128xf32, #tpu.memory_space<vmem_shared>>
        tpu.enqueue_indirect_dma source(%arg10 : memref<128x128xf32, #tpu.memory_space<vmem>>) target(%dma_start3A_67 : memref<10240x128xf32, #tpu.memory_space<vmem_shared>>) offsets(%dma_start3A_64 : memref<128xi32, #tpu.memory_space<vmem>>) semaphore(%run_scoped3A : memref<!tpu.dma_semaphore, #tpu.memory_space<semaphore_mem>>) {add = true}
        %dma_wait3A_68 = arith.constant 0 : i32
        %dma_wait3A_69 = tpu.memref_slice %arg8[%add3A_61, %dma_wait3A_68] : memref<40x128xi32, #tpu.memory_space<vmem>> -> memref<1x128xi32, #tpu.memory_space<vmem>>
        %dma_wait3A_70 = tpu.memref_squeeze %dma_wait3A_69 : memref<1x128xi32, #tpu.memory_space<vmem>> -> memref<128xi32, #tpu.memory_space<vmem>>
        %dma_wait3A_71 = arith.constant 0 : i32
        %dma_wait3A_72 = arith.constant 0 : i32
        %dma_wait3A_73 = tpu.memref_slice %arg11[%dma_wait3A_71, %dma_wait3A_72] : memref<10240x128xf32, #tpu.memory_space<vmem_shared>> -> memref<10240x128xf32, #tpu.memory_space<vmem_shared>>
        tpu.wait_indirect_dma semaphore(%run_scoped3A : memref<!tpu.dma_semaphore, #tpu.memory_space<semaphore_mem>>) src(%arg10 : memref<128x128xf32, #tpu.memory_space<vmem>>) dst(%dma_wait3A_73 : memref<10240x128xf32, #tpu.memory_space<vmem_shared>>)
        tpu.yield
      }) : () -> ()
    }
    %scan3A_30 = arith.constant 20 : i32
    %barrier3A_31 = arith.constant 0 : index
    tpu.barrier barrier_id(%barrier3A_31)
    "tpu.region"() ({
      %run_scoped3A = tpu.sem_alloc : memref<!tpu.dma_semaphore, #tpu.memory_space<semaphore_mem>>
      %dma_start3A_32 = arith.constant 0 : i32
      %dma_start3A_33 = tpu.memref_slice %arg6[%arg0, %mul3A_2, %dma_start3A_32] : memref<2x10240x128xf32, #tpu.memory_space<hbm>> -> memref<1x640x128xf32, #tpu.memory_space<hbm>>
      %dma_start3A_34 = tpu.memref_squeeze %dma_start3A_33 : memref<1x640x128xf32, #tpu.memory_space<hbm>> -> memref<640x128xf32, #tpu.memory_space<hbm>>
      %dma_start3A_35 = arith.constant 0 : i32
      %dma_start3A_36 = tpu.memref_slice %arg11[%mul3A_2, %dma_start3A_35] : memref<10240x128xf32, #tpu.memory_space<vmem_shared>> -> memref<640x128xf32, #tpu.memory_space<vmem_shared>>
      tpu.enqueue_dma source(%dma_start3A_36 : memref<640x128xf32, #tpu.memory_space<vmem_shared>>) target(%dma_start3A_34 : memref<640x128xf32, #tpu.memory_space<hbm>>) target_semaphore(%run_scoped3A : memref<!tpu.dma_semaphore, #tpu.memory_space<semaphore_mem>>)
      %dma_wait3A = arith.constant 0 : i32
      %dma_wait3A_37 = tpu.memref_slice %arg6[%arg0, %mul3A_2, %dma_wait3A] : memref<2x10240x128xf32, #tpu.memory_space<hbm>> -> memref<1x640x128xf32, #tpu.memory_space<hbm>>
      %dma_wait3A_38 = tpu.memref_squeeze %dma_wait3A_37 : memref<1x640x128xf32, #tpu.memory_space<hbm>> -> memref<640x128xf32, #tpu.memory_space<hbm>>
      %dma_wait3A_39 = arith.constant 0 : i32
      %dma_wait3A_40 = tpu.memref_slice %arg11[%mul3A_2, %dma_wait3A_39] : memref<10240x128xf32, #tpu.memory_space<vmem_shared>> -> memref<640x128xf32, #tpu.memory_space<vmem_shared>>
      tpu.wait_dma2 semaphore(%run_scoped3A : memref<!tpu.dma_semaphore, #tpu.memory_space<semaphore_mem>>) src(%dma_wait3A_40 : memref<640x128xf32, #tpu.memory_space<vmem_shared>>) dst(%dma_wait3A_38 : memref<640x128xf32, #tpu.memory_space<hbm>>)
      tpu.yield
    }) : () -> ()
    return
  }
}

#map = affine_map<(d0, d1) -> (0, 0)>
#map1 = affine_map<(d0, d1) -> (0, 0, 0)>
module attributes {stable_mosaic.version = 14 : i64} {
  func.func @_sc_scatter(%arg0: i32, %arg1: i32, %arg2: memref<10240x128xf32, #tpu.memory_space<hbm>>, %arg3: memref<32x80x128xi32, #tpu.memory_space<hbm>>, %arg4: memref<32x80x128xi32, #tpu.memory_space<hbm>>, %arg5: memref<320x128xf32, #tpu.memory_space<hbm>>, %arg6: memref<2x10240x128xf32, #tpu.memory_space<hbm>>, %arg7: memref<40x128xi32, #tpu.memory_space<vmem>>, %arg8: memref<40x128xi32, #tpu.memory_space<vmem>>, %arg9: memref<128x128xf32, #tpu.memory_space<vmem>>, %arg10: memref<128x128xf32, #tpu.memory_space<vmem>>, %arg11: memref<10240x128xf32, #tpu.memory_space<vmem_shared>>, %arg12: memref<!tpu.dma_semaphore, #tpu.memory_space<semaphore_mem>>, %arg13: memref<!tpu.dma_semaphore, #tpu.memory_space<semaphore_mem>>) attributes {dimension_semantics = [#tpu.dimension_semantics<core_parallel>, #tpu.dimension_semantics<subcore_parallel>], iteration_bounds = array<i64: 2, 16>, scalar_prefetch = 0 : i64, scratch_operands = 7 : i64, tpu.core_type = #tpu.core_type<sc_vector_subcore>, window_params = [{transform_indices = #map}, {transform_indices = #map1}, {transform_indices = #map1}, {transform_indices = #map}, {transform_indices = #map1}]} {
    %mul3A = arith.constant 2 : i32
    %mul3A_0 = arith.muli %arg1, %mul3A : i32
    %add3A = arith.addi %mul3A_0, %arg0 : i32
    %mul3A_1 = arith.constant 640 : i32
    %mul3A_2 = arith.muli %arg1, %mul3A_1 : i32
    %mul3A_3 = arith.constant 640 : i32
    %mul3A_4 = arith.muli %arg1, %mul3A_3 : i32
    "tpu.region"() ({
      %run_scoped3A = tpu.sem_alloc : memref<!tpu.dma_semaphore, #tpu.memory_space<semaphore_mem>>
      %dma_start3A_32 = arith.constant 0 : i32
      %dma_start3A_33 = tpu.memref_slice %arg11[%mul3A_4, %dma_start3A_32] : memref<10240x128xf32, #tpu.memory_space<vmem_shared>> -> memref<320x128xf32, #tpu.memory_space<vmem_shared>>
      tpu.enqueue_dma source(%arg5 : memref<320x128xf32, #tpu.memory_space<hbm>>) target(%dma_start3A_33 : memref<320x128xf32, #tpu.memory_space<vmem_shared>>) target_semaphore(%run_scoped3A : memref<!tpu.dma_semaphore, #tpu.memory_space<semaphore_mem>>)
      %dma_wait3A = arith.constant 0 : i32
      %dma_wait3A_34 = tpu.memref_slice %arg11[%mul3A_4, %dma_wait3A] : memref<10240x128xf32, #tpu.memory_space<vmem_shared>> -> memref<320x128xf32, #tpu.memory_space<vmem_shared>>
      tpu.wait_dma2 semaphore(%run_scoped3A : memref<!tpu.dma_semaphore, #tpu.memory_space<semaphore_mem>>) src(%arg5 : memref<320x128xf32, #tpu.memory_space<hbm>>) dst(%dma_wait3A_34 : memref<320x128xf32, #tpu.memory_space<vmem_shared>>)
      tpu.yield
    }) : () -> ()
    %mul3A_5 = arith.constant 640 : i32
    %mul3A_6 = arith.muli %arg1, %mul3A_5 : i32
    %add3A_7 = arith.constant 320 : i32
    %add3A_8 = arith.addi %mul3A_6, %add3A_7 : i32
    "tpu.region"() ({
      %run_scoped3A = tpu.sem_alloc : memref<!tpu.dma_semaphore, #tpu.memory_space<semaphore_mem>>
      %dma_start3A_32 = arith.constant 0 : i32
      %dma_start3A_33 = tpu.memref_slice %arg11[%add3A_8, %dma_start3A_32] : memref<10240x128xf32, #tpu.memory_space<vmem_shared>> -> memref<320x128xf32, #tpu.memory_space<vmem_shared>>
      tpu.enqueue_dma source(%arg5 : memref<320x128xf32, #tpu.memory_space<hbm>>) target(%dma_start3A_33 : memref<320x128xf32, #tpu.memory_space<vmem_shared>>) target_semaphore(%run_scoped3A : memref<!tpu.dma_semaphore, #tpu.memory_space<semaphore_mem>>)
      %dma_wait3A = arith.constant 0 : i32
      %dma_wait3A_34 = tpu.memref_slice %arg11[%add3A_8, %dma_wait3A] : memref<10240x128xf32, #tpu.memory_space<vmem_shared>> -> memref<320x128xf32, #tpu.memory_space<vmem_shared>>
      tpu.wait_dma2 semaphore(%run_scoped3A : memref<!tpu.dma_semaphore, #tpu.memory_space<semaphore_mem>>) src(%arg5 : memref<320x128xf32, #tpu.memory_space<hbm>>) dst(%dma_wait3A_34 : memref<320x128xf32, #tpu.memory_space<vmem_shared>>)
      tpu.yield
    }) : () -> ()
    %barrier3A = arith.constant 0 : index
    tpu.barrier barrier_id(%barrier3A)
    "tpu.region"() ({
      %run_scoped3A = tpu.sem_alloc : memref<!tpu.dma_semaphore, #tpu.memory_space<semaphore_mem>>
      %dma_start3A_32 = arith.constant 0 : i32
      %dma_start3A_33 = arith.constant 0 : i32
      %dma_start3A_34 = tpu.memref_slice %arg3[%add3A, %dma_start3A_32, %dma_start3A_33] : memref<32x80x128xi32, #tpu.memory_space<hbm>> -> memref<1x40x128xi32, #tpu.memory_space<hbm>>
      %dma_start3A_35 = tpu.memref_squeeze %dma_start3A_34 : memref<1x40x128xi32, #tpu.memory_space<hbm>> -> memref<40x128xi32, #tpu.memory_space<hbm>>
      %dma_start3A_36 = arith.constant 0 : i32
      %dma_start3A_37 = arith.constant 0 : i32
      %dma_start3A_38 = tpu.memref_slice %arg3[%add3A, %dma_start3A_36, %dma_start3A_37] : memref<32x80x128xi32, #tpu.memory_space<hbm>> -> memref<1x40x128xi32, #tpu.memory_space<hbm>>
      %dma_start3A_39 = tpu.memref_squeeze %dma_start3A_38 : memref<1x40x128xi32, #tpu.memory_space<hbm>> -> memref<40x128xi32, #tpu.memory_space<hbm>>
      tpu.enqueue_dma source(%dma_start3A_39 : memref<40x128xi32, #tpu.memory_space<hbm>>) target(%arg7 : memref<40x128xi32, #tpu.memory_space<vmem>>) target_semaphore(%run_scoped3A : memref<!tpu.dma_semaphore, #tpu.memory_space<semaphore_mem>>)
      %dma_wait3A = arith.constant 0 : i32
      %dma_wait3A_40 = arith.constant 0 : i32
      %dma_wait3A_41 = tpu.memref_slice %arg3[%add3A, %dma_wait3A, %dma_wait3A_40] : memref<32x80x128xi32, #tpu.memory_space<hbm>> -> memref<1x40x128xi32, #tpu.memory_space<hbm>>
      %dma_wait3A_42 = tpu.memref_squeeze %dma_wait3A_41 : memref<1x40x128xi32, #tpu.memory_space<hbm>> -> memref<40x128xi32, #tpu.memory_space<hbm>>
      %dma_wait3A_43 = arith.constant 0 : i32
      %dma_wait3A_44 = arith.constant 0 : i32
      %dma_wait3A_45 = tpu.memref_slice %arg3[%add3A, %dma_wait3A_43, %dma_wait3A_44] : memref<32x80x128xi32, #tpu.memory_space<hbm>> -> memref<1x40x128xi32, #tpu.memory_space<hbm>>
      %dma_wait3A_46 = tpu.memref_squeeze %dma_wait3A_45 : memref<1x40x128xi32, #tpu.memory_space<hbm>> -> memref<40x128xi32, #tpu.memory_space<hbm>>
      tpu.wait_dma2 semaphore(%run_scoped3A : memref<!tpu.dma_semaphore, #tpu.memory_space<semaphore_mem>>) src(%dma_wait3A_46 : memref<40x128xi32, #tpu.memory_space<hbm>>) dst(%arg7 : memref<40x128xi32, #tpu.memory_space<vmem>>)
      tpu.yield
    }) : () -> ()
    "tpu.region"() ({
      %run_scoped3A = tpu.sem_alloc : memref<!tpu.dma_semaphore, #tpu.memory_space<semaphore_mem>>
      %dma_start3A_32 = arith.constant 0 : i32
      %dma_start3A_33 = arith.constant 0 : i32
      %dma_start3A_34 = tpu.memref_slice %arg4[%add3A, %dma_start3A_32, %dma_start3A_33] : memref<32x80x128xi32, #tpu.memory_space<hbm>> -> memref<1x40x128xi32, #tpu.memory_space<hbm>>
      %dma_start3A_35 = tpu.memref_squeeze %dma_start3A_34 : memref<1x40x128xi32, #tpu.memory_space<hbm>> -> memref<40x128xi32, #tpu.memory_space<hbm>>
      %dma_start3A_36 = arith.constant 0 : i32
      %dma_start3A_37 = arith.constant 0 : i32
      %dma_start3A_38 = tpu.memref_slice %arg4[%add3A, %dma_start3A_36, %dma_start3A_37] : memref<32x80x128xi32, #tpu.memory_space<hbm>> -> memref<1x40x128xi32, #tpu.memory_space<hbm>>
      %dma_start3A_39 = tpu.memref_squeeze %dma_start3A_38 : memref<1x40x128xi32, #tpu.memory_space<hbm>> -> memref<40x128xi32, #tpu.memory_space<hbm>>
      tpu.enqueue_dma source(%dma_start3A_39 : memref<40x128xi32, #tpu.memory_space<hbm>>) target(%arg8 : memref<40x128xi32, #tpu.memory_space<vmem>>) target_semaphore(%run_scoped3A : memref<!tpu.dma_semaphore, #tpu.memory_space<semaphore_mem>>)
      %dma_wait3A = arith.constant 0 : i32
      %dma_wait3A_40 = arith.constant 0 : i32
      %dma_wait3A_41 = tpu.memref_slice %arg4[%add3A, %dma_wait3A, %dma_wait3A_40] : memref<32x80x128xi32, #tpu.memory_space<hbm>> -> memref<1x40x128xi32, #tpu.memory_space<hbm>>
      %dma_wait3A_42 = tpu.memref_squeeze %dma_wait3A_41 : memref<1x40x128xi32, #tpu.memory_space<hbm>> -> memref<40x128xi32, #tpu.memory_space<hbm>>
      %dma_wait3A_43 = arith.constant 0 : i32
      %dma_wait3A_44 = arith.constant 0 : i32
      %dma_wait3A_45 = tpu.memref_slice %arg4[%add3A, %dma_wait3A_43, %dma_wait3A_44] : memref<32x80x128xi32, #tpu.memory_space<hbm>> -> memref<1x40x128xi32, #tpu.memory_space<hbm>>
      %dma_wait3A_46 = tpu.memref_squeeze %dma_wait3A_45 : memref<1x40x128xi32, #tpu.memory_space<hbm>> -> memref<40x128xi32, #tpu.memory_space<hbm>>
      tpu.wait_dma2 semaphore(%run_scoped3A : memref<!tpu.dma_semaphore, #tpu.memory_space<semaphore_mem>>) src(%dma_wait3A_46 : memref<40x128xi32, #tpu.memory_space<hbm>>) dst(%arg8 : memref<40x128xi32, #tpu.memory_space<vmem>>)
      tpu.yield
    }) : () -> ()
    %dma_start3A = arith.constant 0 : i32
    %dma_start3A_9 = arith.constant 0 : i32
    %dma_start3A_10 = tpu.memref_slice %arg7[%dma_start3A, %dma_start3A_9] : memref<40x128xi32, #tpu.memory_space<vmem>> -> memref<1x128xi32, #tpu.memory_space<vmem>>
    %dma_start3A_11 = tpu.memref_squeeze %dma_start3A_10 : memref<1x128xi32, #tpu.memory_space<vmem>> -> memref<128xi32, #tpu.memory_space<vmem>>
    %dma_start3A_12 = arith.constant 0 : i32
    %dma_start3A_13 = arith.constant 0 : i32
    %dma_start3A_14 = tpu.memref_slice %arg2[%dma_start3A_12, %dma_start3A_13] : memref<10240x128xf32, #tpu.memory_space<hbm>> -> memref<10240x128xf32, #tpu.memory_space<hbm>>
    tpu.enqueue_indirect_dma source(%dma_start3A_14 : memref<10240x128xf32, #tpu.memory_space<hbm>>) target(%arg9 : memref<128x128xf32, #tpu.memory_space<vmem>>) offsets(%dma_start3A_11 : memref<128xi32, #tpu.memory_space<vmem>>) semaphore(%arg12 : memref<!tpu.dma_semaphore, #tpu.memory_space<semaphore_mem>>)
    %scan3A = arith.constant 0 : i32
    %scan3A_15 = arith.constant 20 : i32
    %scan3A_16 = arith.addi %scan3A, %scan3A_15 : i32
    %scan3A_17 = arith.constant 1 : i32
    scf.for %scan3A_32 = %scan3A to %scan3A_16 step %scan3A_17  : i32 {
      %mul3A_33 = arith.constant 2 : i32
      %mul3A_34 = arith.muli %mul3A_33, %scan3A_32 : i32
      %add3A_35 = arith.constant 1 : i32
      %add3A_36 = arith.addi %mul3A_34, %add3A_35 : i32
      %dma_start3A_37 = arith.constant 0 : i32
      %dma_start3A_38 = tpu.memref_slice %arg7[%add3A_36, %dma_start3A_37] : memref<40x128xi32, #tpu.memory_space<vmem>> -> memref<1x128xi32, #tpu.memory_space<vmem>>
      %dma_start3A_39 = tpu.memref_squeeze %dma_start3A_38 : memref<1x128xi32, #tpu.memory_space<vmem>> -> memref<128xi32, #tpu.memory_space<vmem>>
      %dma_start3A_40 = arith.constant 0 : i32
      %dma_start3A_41 = arith.constant 0 : i32
      %dma_start3A_42 = tpu.memref_slice %arg2[%dma_start3A_40, %dma_start3A_41] : memref<10240x128xf32, #tpu.memory_space<hbm>> -> memref<10240x128xf32, #tpu.memory_space<hbm>>
      tpu.enqueue_indirect_dma source(%dma_start3A_42 : memref<10240x128xf32, #tpu.memory_space<hbm>>) target(%arg10 : memref<128x128xf32, #tpu.memory_space<vmem>>) offsets(%dma_start3A_39 : memref<128xi32, #tpu.memory_space<vmem>>) semaphore(%arg13 : memref<!tpu.dma_semaphore, #tpu.memory_space<semaphore_mem>>)
      %dma_wait3A = arith.constant 0 : i32
      %dma_wait3A_43 = tpu.memref_slice %arg7[%mul3A_34, %dma_wait3A] : memref<40x128xi32, #tpu.memory_space<vmem>> -> memref<1x128xi32, #tpu.memory_space<vmem>>
      %dma_wait3A_44 = tpu.memref_squeeze %dma_wait3A_43 : memref<1x128xi32, #tpu.memory_space<vmem>> -> memref<128xi32, #tpu.memory_space<vmem>>
      %dma_wait3A_45 = arith.constant 0 : i32
      %dma_wait3A_46 = arith.constant 0 : i32
      %dma_wait3A_47 = tpu.memref_slice %arg2[%dma_wait3A_45, %dma_wait3A_46] : memref<10240x128xf32, #tpu.memory_space<hbm>> -> memref<10240x128xf32, #tpu.memory_space<hbm>>
      tpu.wait_indirect_dma semaphore(%arg12 : memref<!tpu.dma_semaphore, #tpu.memory_space<semaphore_mem>>) src(%dma_wait3A_47 : memref<10240x128xf32, #tpu.memory_space<hbm>>) dst(%arg9 : memref<128x128xf32, #tpu.memory_space<vmem>>)
      "tpu.region"() ({
        %run_scoped3A = tpu.sem_alloc : memref<!tpu.dma_semaphore, #tpu.memory_space<semaphore_mem>>
        %dma_start3A_62 = arith.constant 0 : i32
        %dma_start3A_63 = tpu.memref_slice %arg8[%mul3A_34, %dma_start3A_62] : memref<40x128xi32, #tpu.memory_space<vmem>> -> memref<1x128xi32, #tpu.memory_space<vmem>>
        %dma_start3A_64 = tpu.memref_squeeze %dma_start3A_63 : memref<1x128xi32, #tpu.memory_space<vmem>> -> memref<128xi32, #tpu.memory_space<vmem>>
        %dma_start3A_65 = arith.constant 0 : i32
        %dma_start3A_66 = arith.constant 0 : i32
        %dma_start3A_67 = tpu.memref_slice %arg11[%dma_start3A_65, %dma_start3A_66] : memref<10240x128xf32, #tpu.memory_space<vmem_shared>> -> memref<10240x128xf32, #tpu.memory_space<vmem_shared>>
        tpu.enqueue_indirect_dma source(%arg9 : memref<128x128xf32, #tpu.memory_space<vmem>>) target(%dma_start3A_67 : memref<10240x128xf32, #tpu.memory_space<vmem_shared>>) offsets(%dma_start3A_64 : memref<128xi32, #tpu.memory_space<vmem>>) semaphore(%run_scoped3A : memref<!tpu.dma_semaphore, #tpu.memory_space<semaphore_mem>>) {add = true}
        %dma_wait3A_68 = arith.constant 0 : i32
        %dma_wait3A_69 = tpu.memref_slice %arg8[%mul3A_34, %dma_wait3A_68] : memref<40x128xi32, #tpu.memory_space<vmem>> -> memref<1x128xi32, #tpu.memory_space<vmem>>
        %dma_wait3A_70 = tpu.memref_squeeze %dma_wait3A_69 : memref<1x128xi32, #tpu.memory_space<vmem>> -> memref<128xi32, #tpu.memory_space<vmem>>
        %dma_wait3A_71 = arith.constant 0 : i32
        %dma_wait3A_72 = arith.constant 0 : i32
        %dma_wait3A_73 = tpu.memref_slice %arg11[%dma_wait3A_71, %dma_wait3A_72] : memref<10240x128xf32, #tpu.memory_space<vmem_shared>> -> memref<10240x128xf32, #tpu.memory_space<vmem_shared>>
        tpu.wait_indirect_dma semaphore(%run_scoped3A : memref<!tpu.dma_semaphore, #tpu.memory_space<semaphore_mem>>) src(%arg9 : memref<128x128xf32, #tpu.memory_space<vmem>>) dst(%dma_wait3A_73 : memref<10240x128xf32, #tpu.memory_space<vmem_shared>>)
        tpu.yield
      }) : () -> ()
      %add3A_48 = arith.constant 2 : i32
      %add3A_49 = arith.addi %mul3A_34, %add3A_48 : i32
      %lt3A = arith.constant 40 : i32
      %lt3A_50 = arith.cmpi slt, %add3A_49, %lt3A : i32
      %convert_element_type3A = arith.extui %lt3A_50 : i1 to i32
      %cond3A = arith.constant 0 : i32
      %cond3A_51 = arith.cmpi ne, %convert_element_type3A, %cond3A : i32
      scf.if %cond3A_51 {
        %add3A_62 = arith.constant 2 : i32
        %add3A_63 = arith.addi %mul3A_34, %add3A_62 : i32
        %dma_start3A_64 = arith.constant 0 : i32
        %dma_start3A_65 = tpu.memref_slice %arg7[%add3A_63, %dma_start3A_64] : memref<40x128xi32, #tpu.memory_space<vmem>> -> memref<1x128xi32, #tpu.memory_space<vmem>>
        %dma_start3A_66 = tpu.memref_squeeze %dma_start3A_65 : memref<1x128xi32, #tpu.memory_space<vmem>> -> memref<128xi32, #tpu.memory_space<vmem>>
        %dma_start3A_67 = arith.constant 0 : i32
        %dma_start3A_68 = arith.constant 0 : i32
        %dma_start3A_69 = tpu.memref_slice %arg2[%dma_start3A_67, %dma_start3A_68] : memref<10240x128xf32, #tpu.memory_space<hbm>> -> memref<10240x128xf32, #tpu.memory_space<hbm>>
        tpu.enqueue_indirect_dma source(%dma_start3A_69 : memref<10240x128xf32, #tpu.memory_space<hbm>>) target(%arg9 : memref<128x128xf32, #tpu.memory_space<vmem>>) offsets(%dma_start3A_66 : memref<128xi32, #tpu.memory_space<vmem>>) semaphore(%arg12 : memref<!tpu.dma_semaphore, #tpu.memory_space<semaphore_mem>>)
      } else {
      }
      %add3A_52 = arith.constant 1 : i32
      %add3A_53 = arith.addi %mul3A_34, %add3A_52 : i32
      %dma_wait3A_54 = arith.constant 0 : i32
      %dma_wait3A_55 = tpu.memref_slice %arg7[%add3A_53, %dma_wait3A_54] : memref<40x128xi32, #tpu.memory_space<vmem>> -> memref<1x128xi32, #tpu.memory_space<vmem>>
      %dma_wait3A_56 = tpu.memref_squeeze %dma_wait3A_55 : memref<1x128xi32, #tpu.memory_space<vmem>> -> memref<128xi32, #tpu.memory_space<vmem>>
      %dma_wait3A_57 = arith.constant 0 : i32
      %dma_wait3A_58 = arith.constant 0 : i32
      %dma_wait3A_59 = tpu.memref_slice %arg2[%dma_wait3A_57, %dma_wait3A_58] : memref<10240x128xf32, #tpu.memory_space<hbm>> -> memref<10240x128xf32, #tpu.memory_space<hbm>>
      tpu.wait_indirect_dma semaphore(%arg13 : memref<!tpu.dma_semaphore, #tpu.memory_space<semaphore_mem>>) src(%dma_wait3A_59 : memref<10240x128xf32, #tpu.memory_space<hbm>>) dst(%arg10 : memref<128x128xf32, #tpu.memory_space<vmem>>)
      %add3A_60 = arith.constant 1 : i32
      %add3A_61 = arith.addi %mul3A_34, %add3A_60 : i32
      "tpu.region"() ({
        %run_scoped3A = tpu.sem_alloc : memref<!tpu.dma_semaphore, #tpu.memory_space<semaphore_mem>>
        %dma_start3A_62 = arith.constant 0 : i32
        %dma_start3A_63 = tpu.memref_slice %arg8[%add3A_61, %dma_start3A_62] : memref<40x128xi32, #tpu.memory_space<vmem>> -> memref<1x128xi32, #tpu.memory_space<vmem>>
        %dma_start3A_64 = tpu.memref_squeeze %dma_start3A_63 : memref<1x128xi32, #tpu.memory_space<vmem>> -> memref<128xi32, #tpu.memory_space<vmem>>
        %dma_start3A_65 = arith.constant 0 : i32
        %dma_start3A_66 = arith.constant 0 : i32
        %dma_start3A_67 = tpu.memref_slice %arg11[%dma_start3A_65, %dma_start3A_66] : memref<10240x128xf32, #tpu.memory_space<vmem_shared>> -> memref<10240x128xf32, #tpu.memory_space<vmem_shared>>
        tpu.enqueue_indirect_dma source(%arg10 : memref<128x128xf32, #tpu.memory_space<vmem>>) target(%dma_start3A_67 : memref<10240x128xf32, #tpu.memory_space<vmem_shared>>) offsets(%dma_start3A_64 : memref<128xi32, #tpu.memory_space<vmem>>) semaphore(%run_scoped3A : memref<!tpu.dma_semaphore, #tpu.memory_space<semaphore_mem>>) {add = true}
        %dma_wait3A_68 = arith.constant 0 : i32
        %dma_wait3A_69 = tpu.memref_slice %arg8[%add3A_61, %dma_wait3A_68] : memref<40x128xi32, #tpu.memory_space<vmem>> -> memref<1x128xi32, #tpu.memory_space<vmem>>
        %dma_wait3A_70 = tpu.memref_squeeze %dma_wait3A_69 : memref<1x128xi32, #tpu.memory_space<vmem>> -> memref<128xi32, #tpu.memory_space<vmem>>
        %dma_wait3A_71 = arith.constant 0 : i32
        %dma_wait3A_72 = arith.constant 0 : i32
        %dma_wait3A_73 = tpu.memref_slice %arg11[%dma_wait3A_71, %dma_wait3A_72] : memref<10240x128xf32, #tpu.memory_space<vmem_shared>> -> memref<10240x128xf32, #tpu.memory_space<vmem_shared>>
        tpu.wait_indirect_dma semaphore(%run_scoped3A : memref<!tpu.dma_semaphore, #tpu.memory_space<semaphore_mem>>) src(%arg10 : memref<128x128xf32, #tpu.memory_space<vmem>>) dst(%dma_wait3A_73 : memref<10240x128xf32, #tpu.memory_space<vmem_shared>>)
        tpu.yield
      }) : () -> ()
    }
    %scan3A_18 = arith.constant 20 : i32
    "tpu.region"() ({
      %run_scoped3A = tpu.sem_alloc : memref<!tpu.dma_semaphore, #tpu.memory_space<semaphore_mem>>
      %dma_start3A_32 = arith.constant 40 : i32
      %dma_start3A_33 = arith.constant 0 : i32
      %dma_start3A_34 = tpu.memref_slice %arg3[%add3A, %dma_start3A_32, %dma_start3A_33] : memref<32x80x128xi32, #tpu.memory_space<hbm>> -> memref<1x40x128xi32, #tpu.memory_space<hbm>>
      %dma_start3A_35 = tpu.memref_squeeze %dma_start3A_34 : memref<1x40x128xi32, #tpu.memory_space<hbm>> -> memref<40x128xi32, #tpu.memory_space<hbm>>
      %dma_start3A_36 = arith.constant 40 : i32
      %dma_start3A_37 = arith.constant 0 : i32
      %dma_start3A_38 = tpu.memref_slice %arg3[%add3A, %dma_start3A_36, %dma_start3A_37] : memref<32x80x128xi32, #tpu.memory_space<hbm>> -> memref<1x40x128xi32, #tpu.memory_space<hbm>>
      %dma_start3A_39 = tpu.memref_squeeze %dma_start3A_38 : memref<1x40x128xi32, #tpu.memory_space<hbm>> -> memref<40x128xi32, #tpu.memory_space<hbm>>
      tpu.enqueue_dma source(%dma_start3A_39 : memref<40x128xi32, #tpu.memory_space<hbm>>) target(%arg7 : memref<40x128xi32, #tpu.memory_space<vmem>>) target_semaphore(%run_scoped3A : memref<!tpu.dma_semaphore, #tpu.memory_space<semaphore_mem>>)
      %dma_wait3A = arith.constant 40 : i32
      %dma_wait3A_40 = arith.constant 0 : i32
      %dma_wait3A_41 = tpu.memref_slice %arg3[%add3A, %dma_wait3A, %dma_wait3A_40] : memref<32x80x128xi32, #tpu.memory_space<hbm>> -> memref<1x40x128xi32, #tpu.memory_space<hbm>>
      %dma_wait3A_42 = tpu.memref_squeeze %dma_wait3A_41 : memref<1x40x128xi32, #tpu.memory_space<hbm>> -> memref<40x128xi32, #tpu.memory_space<hbm>>
      %dma_wait3A_43 = arith.constant 40 : i32
      %dma_wait3A_44 = arith.constant 0 : i32
      %dma_wait3A_45 = tpu.memref_slice %arg3[%add3A, %dma_wait3A_43, %dma_wait3A_44] : memref<32x80x128xi32, #tpu.memory_space<hbm>> -> memref<1x40x128xi32, #tpu.memory_space<hbm>>
      %dma_wait3A_46 = tpu.memref_squeeze %dma_wait3A_45 : memref<1x40x128xi32, #tpu.memory_space<hbm>> -> memref<40x128xi32, #tpu.memory_space<hbm>>
      tpu.wait_dma2 semaphore(%run_scoped3A : memref<!tpu.dma_semaphore, #tpu.memory_space<semaphore_mem>>) src(%dma_wait3A_46 : memref<40x128xi32, #tpu.memory_space<hbm>>) dst(%arg7 : memref<40x128xi32, #tpu.memory_space<vmem>>)
      tpu.yield
    }) : () -> ()
    "tpu.region"() ({
      %run_scoped3A = tpu.sem_alloc : memref<!tpu.dma_semaphore, #tpu.memory_space<semaphore_mem>>
      %dma_start3A_32 = arith.constant 40 : i32
      %dma_start3A_33 = arith.constant 0 : i32
      %dma_start3A_34 = tpu.memref_slice %arg4[%add3A, %dma_start3A_32, %dma_start3A_33] : memref<32x80x128xi32, #tpu.memory_space<hbm>> -> memref<1x40x128xi32, #tpu.memory_space<hbm>>
      %dma_start3A_35 = tpu.memref_squeeze %dma_start3A_34 : memref<1x40x128xi32, #tpu.memory_space<hbm>> -> memref<40x128xi32, #tpu.memory_space<hbm>>
      %dma_start3A_36 = arith.constant 40 : i32
      %dma_start3A_37 = arith.constant 0 : i32
      %dma_start3A_38 = tpu.memref_slice %arg4[%add3A, %dma_start3A_36, %dma_start3A_37] : memref<32x80x128xi32, #tpu.memory_space<hbm>> -> memref<1x40x128xi32, #tpu.memory_space<hbm>>
      %dma_start3A_39 = tpu.memref_squeeze %dma_start3A_38 : memref<1x40x128xi32, #tpu.memory_space<hbm>> -> memref<40x128xi32, #tpu.memory_space<hbm>>
      tpu.enqueue_dma source(%dma_start3A_39 : memref<40x128xi32, #tpu.memory_space<hbm>>) target(%arg8 : memref<40x128xi32, #tpu.memory_space<vmem>>) target_semaphore(%run_scoped3A : memref<!tpu.dma_semaphore, #tpu.memory_space<semaphore_mem>>)
      %dma_wait3A = arith.constant 40 : i32
      %dma_wait3A_40 = arith.constant 0 : i32
      %dma_wait3A_41 = tpu.memref_slice %arg4[%add3A, %dma_wait3A, %dma_wait3A_40] : memref<32x80x128xi32, #tpu.memory_space<hbm>> -> memref<1x40x128xi32, #tpu.memory_space<hbm>>
      %dma_wait3A_42 = tpu.memref_squeeze %dma_wait3A_41 : memref<1x40x128xi32, #tpu.memory_space<hbm>> -> memref<40x128xi32, #tpu.memory_space<hbm>>
      %dma_wait3A_43 = arith.constant 40 : i32
      %dma_wait3A_44 = arith.constant 0 : i32
      %dma_wait3A_45 = tpu.memref_slice %arg4[%add3A, %dma_wait3A_43, %dma_wait3A_44] : memref<32x80x128xi32, #tpu.memory_space<hbm>> -> memref<1x40x128xi32, #tpu.memory_space<hbm>>
      %dma_wait3A_46 = tpu.memref_squeeze %dma_wait3A_45 : memref<1x40x128xi32, #tpu.memory_space<hbm>> -> memref<40x128xi32, #tpu.memory_space<hbm>>
      tpu.wait_dma2 semaphore(%run_scoped3A : memref<!tpu.dma_semaphore, #tpu.memory_space<semaphore_mem>>) src(%dma_wait3A_46 : memref<40x128xi32, #tpu.memory_space<hbm>>) dst(%arg8 : memref<40x128xi32, #tpu.memory_space<vmem>>)
      tpu.yield
    }) : () -> ()
    %dma_start3A_19 = arith.constant 0 : i32
    %dma_start3A_20 = arith.constant 0 : i32
    %dma_start3A_21 = tpu.memref_slice %arg7[%dma_start3A_19, %dma_start3A_20] : memref<40x128xi32, #tpu.memory_space<vmem>> -> memref<1x128xi32, #tpu.memory_space<vmem>>
    %dma_start3A_22 = tpu.memref_squeeze %dma_start3A_21 : memref<1x128xi32, #tpu.memory_space<vmem>> -> memref<128xi32, #tpu.memory_space<vmem>>
    %dma_start3A_23 = arith.constant 0 : i32
    %dma_start3A_24 = arith.constant 0 : i32
    %dma_start3A_25 = tpu.memref_slice %arg2[%dma_start3A_23, %dma_start3A_24] : memref<10240x128xf32, #tpu.memory_space<hbm>> -> memref<10240x128xf32, #tpu.memory_space<hbm>>
    tpu.enqueue_indirect_dma source(%dma_start3A_25 : memref<10240x128xf32, #tpu.memory_space<hbm>>) target(%arg9 : memref<128x128xf32, #tpu.memory_space<vmem>>) offsets(%dma_start3A_22 : memref<128xi32, #tpu.memory_space<vmem>>) semaphore(%arg12 : memref<!tpu.dma_semaphore, #tpu.memory_space<semaphore_mem>>)
    %scan3A_26 = arith.constant 0 : i32
    %scan3A_27 = arith.constant 20 : i32
    %scan3A_28 = arith.addi %scan3A_26, %scan3A_27 : i32
    %scan3A_29 = arith.constant 1 : i32
    scf.for %scan3A_32 = %scan3A_26 to %scan3A_28 step %scan3A_29  : i32 {
      %mul3A_33 = arith.constant 2 : i32
      %mul3A_34 = arith.muli %mul3A_33, %scan3A_32 : i32
      %add3A_35 = arith.constant 1 : i32
      %add3A_36 = arith.addi %mul3A_34, %add3A_35 : i32
      %dma_start3A_37 = arith.constant 0 : i32
      %dma_start3A_38 = tpu.memref_slice %arg7[%add3A_36, %dma_start3A_37] : memref<40x128xi32, #tpu.memory_space<vmem>> -> memref<1x128xi32, #tpu.memory_space<vmem>>
      %dma_start3A_39 = tpu.memref_squeeze %dma_start3A_38 : memref<1x128xi32, #tpu.memory_space<vmem>> -> memref<128xi32, #tpu.memory_space<vmem>>
      %dma_start3A_40 = arith.constant 0 : i32
      %dma_start3A_41 = arith.constant 0 : i32
      %dma_start3A_42 = tpu.memref_slice %arg2[%dma_start3A_40, %dma_start3A_41] : memref<10240x128xf32, #tpu.memory_space<hbm>> -> memref<10240x128xf32, #tpu.memory_space<hbm>>
      tpu.enqueue_indirect_dma source(%dma_start3A_42 : memref<10240x128xf32, #tpu.memory_space<hbm>>) target(%arg10 : memref<128x128xf32, #tpu.memory_space<vmem>>) offsets(%dma_start3A_39 : memref<128xi32, #tpu.memory_space<vmem>>) semaphore(%arg13 : memref<!tpu.dma_semaphore, #tpu.memory_space<semaphore_mem>>)
      %dma_wait3A = arith.constant 0 : i32
      %dma_wait3A_43 = tpu.memref_slice %arg7[%mul3A_34, %dma_wait3A] : memref<40x128xi32, #tpu.memory_space<vmem>> -> memref<1x128xi32, #tpu.memory_space<vmem>>
      %dma_wait3A_44 = tpu.memref_squeeze %dma_wait3A_43 : memref<1x128xi32, #tpu.memory_space<vmem>> -> memref<128xi32, #tpu.memory_space<vmem>>
      %dma_wait3A_45 = arith.constant 0 : i32
      %dma_wait3A_46 = arith.constant 0 : i32
      %dma_wait3A_47 = tpu.memref_slice %arg2[%dma_wait3A_45, %dma_wait3A_46] : memref<10240x128xf32, #tpu.memory_space<hbm>> -> memref<10240x128xf32, #tpu.memory_space<hbm>>
      tpu.wait_indirect_dma semaphore(%arg12 : memref<!tpu.dma_semaphore, #tpu.memory_space<semaphore_mem>>) src(%dma_wait3A_47 : memref<10240x128xf32, #tpu.memory_space<hbm>>) dst(%arg9 : memref<128x128xf32, #tpu.memory_space<vmem>>)
      "tpu.region"() ({
        %run_scoped3A = tpu.sem_alloc : memref<!tpu.dma_semaphore, #tpu.memory_space<semaphore_mem>>
        %dma_start3A_62 = arith.constant 0 : i32
        %dma_start3A_63 = tpu.memref_slice %arg8[%mul3A_34, %dma_start3A_62] : memref<40x128xi32, #tpu.memory_space<vmem>> -> memref<1x128xi32, #tpu.memory_space<vmem>>
        %dma_start3A_64 = tpu.memref_squeeze %dma_start3A_63 : memref<1x128xi32, #tpu.memory_space<vmem>> -> memref<128xi32, #tpu.memory_space<vmem>>
        %dma_start3A_65 = arith.constant 0 : i32
        %dma_start3A_66 = arith.constant 0 : i32
        %dma_start3A_67 = tpu.memref_slice %arg11[%dma_start3A_65, %dma_start3A_66] : memref<10240x128xf32, #tpu.memory_space<vmem_shared>> -> memref<10240x128xf32, #tpu.memory_space<vmem_shared>>
        tpu.enqueue_indirect_dma source(%arg9 : memref<128x128xf32, #tpu.memory_space<vmem>>) target(%dma_start3A_67 : memref<10240x128xf32, #tpu.memory_space<vmem_shared>>) offsets(%dma_start3A_64 : memref<128xi32, #tpu.memory_space<vmem>>) semaphore(%run_scoped3A : memref<!tpu.dma_semaphore, #tpu.memory_space<semaphore_mem>>) {add = true}
        %dma_wait3A_68 = arith.constant 0 : i32
        %dma_wait3A_69 = tpu.memref_slice %arg8[%mul3A_34, %dma_wait3A_68] : memref<40x128xi32, #tpu.memory_space<vmem>> -> memref<1x128xi32, #tpu.memory_space<vmem>>
        %dma_wait3A_70 = tpu.memref_squeeze %dma_wait3A_69 : memref<1x128xi32, #tpu.memory_space<vmem>> -> memref<128xi32, #tpu.memory_space<vmem>>
        %dma_wait3A_71 = arith.constant 0 : i32
        %dma_wait3A_72 = arith.constant 0 : i32
        %dma_wait3A_73 = tpu.memref_slice %arg11[%dma_wait3A_71, %dma_wait3A_72] : memref<10240x128xf32, #tpu.memory_space<vmem_shared>> -> memref<10240x128xf32, #tpu.memory_space<vmem_shared>>
        tpu.wait_indirect_dma semaphore(%run_scoped3A : memref<!tpu.dma_semaphore, #tpu.memory_space<semaphore_mem>>) src(%arg9 : memref<128x128xf32, #tpu.memory_space<vmem>>) dst(%dma_wait3A_73 : memref<10240x128xf32, #tpu.memory_space<vmem_shared>>)
        tpu.yield
      }) : () -> ()
      %add3A_48 = arith.constant 2 : i32
      %add3A_49 = arith.addi %mul3A_34, %add3A_48 : i32
      %lt3A = arith.constant 40 : i32
      %lt3A_50 = arith.cmpi slt, %add3A_49, %lt3A : i32
      %convert_element_type3A = arith.extui %lt3A_50 : i1 to i32
      %cond3A = arith.constant 0 : i32
      %cond3A_51 = arith.cmpi ne, %convert_element_type3A, %cond3A : i32
      scf.if %cond3A_51 {
        %add3A_62 = arith.constant 2 : i32
        %add3A_63 = arith.addi %mul3A_34, %add3A_62 : i32
        %dma_start3A_64 = arith.constant 0 : i32
        %dma_start3A_65 = tpu.memref_slice %arg7[%add3A_63, %dma_start3A_64] : memref<40x128xi32, #tpu.memory_space<vmem>> -> memref<1x128xi32, #tpu.memory_space<vmem>>
        %dma_start3A_66 = tpu.memref_squeeze %dma_start3A_65 : memref<1x128xi32, #tpu.memory_space<vmem>> -> memref<128xi32, #tpu.memory_space<vmem>>
        %dma_start3A_67 = arith.constant 0 : i32
        %dma_start3A_68 = arith.constant 0 : i32
        %dma_start3A_69 = tpu.memref_slice %arg2[%dma_start3A_67, %dma_start3A_68] : memref<10240x128xf32, #tpu.memory_space<hbm>> -> memref<10240x128xf32, #tpu.memory_space<hbm>>
        tpu.enqueue_indirect_dma source(%dma_start3A_69 : memref<10240x128xf32, #tpu.memory_space<hbm>>) target(%arg9 : memref<128x128xf32, #tpu.memory_space<vmem>>) offsets(%dma_start3A_66 : memref<128xi32, #tpu.memory_space<vmem>>) semaphore(%arg12 : memref<!tpu.dma_semaphore, #tpu.memory_space<semaphore_mem>>)
      } else {
      }
      %add3A_52 = arith.constant 1 : i32
      %add3A_53 = arith.addi %mul3A_34, %add3A_52 : i32
      %dma_wait3A_54 = arith.constant 0 : i32
      %dma_wait3A_55 = tpu.memref_slice %arg7[%add3A_53, %dma_wait3A_54] : memref<40x128xi32, #tpu.memory_space<vmem>> -> memref<1x128xi32, #tpu.memory_space<vmem>>
      %dma_wait3A_56 = tpu.memref_squeeze %dma_wait3A_55 : memref<1x128xi32, #tpu.memory_space<vmem>> -> memref<128xi32, #tpu.memory_space<vmem>>
      %dma_wait3A_57 = arith.constant 0 : i32
      %dma_wait3A_58 = arith.constant 0 : i32
      %dma_wait3A_59 = tpu.memref_slice %arg2[%dma_wait3A_57, %dma_wait3A_58] : memref<10240x128xf32, #tpu.memory_space<hbm>> -> memref<10240x128xf32, #tpu.memory_space<hbm>>
      tpu.wait_indirect_dma semaphore(%arg13 : memref<!tpu.dma_semaphore, #tpu.memory_space<semaphore_mem>>) src(%dma_wait3A_59 : memref<10240x128xf32, #tpu.memory_space<hbm>>) dst(%arg10 : memref<128x128xf32, #tpu.memory_space<vmem>>)
      %add3A_60 = arith.constant 1 : i32
      %add3A_61 = arith.addi %mul3A_34, %add3A_60 : i32
      "tpu.region"() ({
        %run_scoped3A = tpu.sem_alloc : memref<!tpu.dma_semaphore, #tpu.memory_space<semaphore_mem>>
        %dma_start3A_62 = arith.constant 0 : i32
        %dma_start3A_63 = tpu.memref_slice %arg8[%add3A_61, %dma_start3A_62] : memref<40x128xi32, #tpu.memory_space<vmem>> -> memref<1x128xi32, #tpu.memory_space<vmem>>
        %dma_start3A_64 = tpu.memref_squeeze %dma_start3A_63 : memref<1x128xi32, #tpu.memory_space<vmem>> -> memref<128xi32, #tpu.memory_space<vmem>>
        %dma_start3A_65 = arith.constant 0 : i32
        %dma_start3A_66 = arith.constant 0 : i32
        %dma_start3A_67 = tpu.memref_slice %arg11[%dma_start3A_65, %dma_start3A_66] : memref<10240x128xf32, #tpu.memory_space<vmem_shared>> -> memref<10240x128xf32, #tpu.memory_space<vmem_shared>>
        tpu.enqueue_indirect_dma source(%arg10 : memref<128x128xf32, #tpu.memory_space<vmem>>) target(%dma_start3A_67 : memref<10240x128xf32, #tpu.memory_space<vmem_shared>>) offsets(%dma_start3A_64 : memref<128xi32, #tpu.memory_space<vmem>>) semaphore(%run_scoped3A : memref<!tpu.dma_semaphore, #tpu.memory_space<semaphore_mem>>) {add = true}
        %dma_wait3A_68 = arith.constant 0 : i32
        %dma_wait3A_69 = tpu.memref_slice %arg8[%add3A_61, %dma_wait3A_68] : memref<40x128xi32, #tpu.memory_space<vmem>> -> memref<1x128xi32, #tpu.memory_space<vmem>>
        %dma_wait3A_70 = tpu.memref_squeeze %dma_wait3A_69 : memref<1x128xi32, #tpu.memory_space<vmem>> -> memref<128xi32, #tpu.memory_space<vmem>>
        %dma_wait3A_71 = arith.constant 0 : i32
        %dma_wait3A_72 = arith.constant 0 : i32
        %dma_wait3A_73 = tpu.memref_slice %arg11[%dma_wait3A_71, %dma_wait3A_72] : memref<10240x128xf32, #tpu.memory_space<vmem_shared>> -> memref<10240x128xf32, #tpu.memory_space<vmem_shared>>
        tpu.wait_indirect_dma semaphore(%run_scoped3A : memref<!tpu.dma_semaphore, #tpu.memory_space<semaphore_mem>>) src(%arg10 : memref<128x128xf32, #tpu.memory_space<vmem>>) dst(%dma_wait3A_73 : memref<10240x128xf32, #tpu.memory_space<vmem_shared>>)
        tpu.yield
      }) : () -> ()
    }
    %scan3A_30 = arith.constant 20 : i32
    %barrier3A_31 = arith.constant 0 : index
    tpu.barrier barrier_id(%barrier3A_31)
    "tpu.region"() ({
      %run_scoped3A = tpu.sem_alloc : memref<!tpu.dma_semaphore, #tpu.memory_space<semaphore_mem>>
      %dma_start3A_32 = arith.constant 0 : i32
      %dma_start3A_33 = tpu.memref_slice %arg6[%arg0, %mul3A_2, %dma_start3A_32] : memref<2x10240x128xf32, #tpu.memory_space<hbm>> -> memref<1x640x128xf32, #tpu.memory_space<hbm>>
      %dma_start3A_34 = tpu.memref_squeeze %dma_start3A_33 : memref<1x640x128xf32, #tpu.memory_space<hbm>> -> memref<640x128xf32, #tpu.memory_space<hbm>>
      %dma_start3A_35 = arith.constant 0 : i32
      %dma_start3A_36 = tpu.memref_slice %arg11[%mul3A_2, %dma_start3A_35] : memref<10240x128xf32, #tpu.memory_space<vmem_shared>> -> memref<640x128xf32, #tpu.memory_space<vmem_shared>>
      tpu.enqueue_dma source(%dma_start3A_36 : memref<640x128xf32, #tpu.memory_space<vmem_shared>>) target(%dma_start3A_34 : memref<640x128xf32, #tpu.memory_space<hbm>>) target_semaphore(%run_scoped3A : memref<!tpu.dma_semaphore, #tpu.memory_space<semaphore_mem>>)
      %dma_wait3A = arith.constant 0 : i32
      %dma_wait3A_37 = tpu.memref_slice %arg6[%arg0, %mul3A_2, %dma_wait3A] : memref<2x10240x128xf32, #tpu.memory_space<hbm>> -> memref<1x640x128xf32, #tpu.memory_space<hbm>>
      %dma_wait3A_38 = tpu.memref_squeeze %dma_wait3A_37 : memref<1x640x128xf32, #tpu.memory_space<hbm>> -> memref<640x128xf32, #tpu.memory_space<hbm>>
      %dma_wait3A_39 = arith.constant 0 : i32
      %dma_wait3A_40 = tpu.memref_slice %arg11[%mul3A_2, %dma_wait3A_39] : memref<10240x128xf32, #tpu.memory_space<vmem_shared>> -> memref<640x128xf32, #tpu.memory_space<vmem_shared>>
      tpu.wait_dma2 semaphore(%run_scoped3A : memref<!tpu.dma_semaphore, #tpu.memory_space<semaphore_mem>>) src(%dma_wait3A_40 : memref<640x128xf32, #tpu.memory_space<vmem_shared>>) dst(%dma_wait3A_38 : memref<640x128xf32, #tpu.memory_space<hbm>>)
      tpu.yield
    }) : () -> ()
    return
  }
}

#map = affine_map<(d0, d1) -> (0, 0)>
#map1 = affine_map<(d0, d1) -> (0, 0, 0)>
module attributes {stable_mosaic.version = 14 : i64} {
  func.func @_sc_scatter(%arg0: i32, %arg1: i32, %arg2: memref<10240x128xf32, #tpu.memory_space<hbm>>, %arg3: memref<32x80x128xi32, #tpu.memory_space<hbm>>, %arg4: memref<32x80x128xi32, #tpu.memory_space<hbm>>, %arg5: memref<320x128xf32, #tpu.memory_space<hbm>>, %arg6: memref<2x10240x128xf32, #tpu.memory_space<hbm>>, %arg7: memref<40x128xi32, #tpu.memory_space<vmem>>, %arg8: memref<40x128xi32, #tpu.memory_space<vmem>>, %arg9: memref<128x128xf32, #tpu.memory_space<vmem>>, %arg10: memref<128x128xf32, #tpu.memory_space<vmem>>, %arg11: memref<10240x128xf32, #tpu.memory_space<vmem_shared>>, %arg12: memref<!tpu.dma_semaphore, #tpu.memory_space<semaphore_mem>>, %arg13: memref<!tpu.dma_semaphore, #tpu.memory_space<semaphore_mem>>) attributes {dimension_semantics = [#tpu.dimension_semantics<core_parallel>, #tpu.dimension_semantics<subcore_parallel>], iteration_bounds = array<i64: 2, 16>, scalar_prefetch = 0 : i64, scratch_operands = 7 : i64, tpu.core_type = #tpu.core_type<sc_vector_subcore>, window_params = [{transform_indices = #map}, {transform_indices = #map1}, {transform_indices = #map1}, {transform_indices = #map}, {transform_indices = #map1}]} {
    %mul3A = arith.constant 2 : i32
    %mul3A_0 = arith.muli %arg1, %mul3A : i32
    %add3A = arith.addi %mul3A_0, %arg0 : i32
    %mul3A_1 = arith.constant 640 : i32
    %mul3A_2 = arith.muli %arg1, %mul3A_1 : i32
    %mul3A_3 = arith.constant 640 : i32
    %mul3A_4 = arith.muli %arg1, %mul3A_3 : i32
    "tpu.region"() ({
      %run_scoped3A = tpu.sem_alloc : memref<!tpu.dma_semaphore, #tpu.memory_space<semaphore_mem>>
      %dma_start3A_32 = arith.constant 0 : i32
      %dma_start3A_33 = tpu.memref_slice %arg11[%mul3A_4, %dma_start3A_32] : memref<10240x128xf32, #tpu.memory_space<vmem_shared>> -> memref<320x128xf32, #tpu.memory_space<vmem_shared>>
      tpu.enqueue_dma source(%arg5 : memref<320x128xf32, #tpu.memory_space<hbm>>) target(%dma_start3A_33 : memref<320x128xf32, #tpu.memory_space<vmem_shared>>) target_semaphore(%run_scoped3A : memref<!tpu.dma_semaphore, #tpu.memory_space<semaphore_mem>>)
      %dma_wait3A = arith.constant 0 : i32
      %dma_wait3A_34 = tpu.memref_slice %arg11[%mul3A_4, %dma_wait3A] : memref<10240x128xf32, #tpu.memory_space<vmem_shared>> -> memref<320x128xf32, #tpu.memory_space<vmem_shared>>
      tpu.wait_dma2 semaphore(%run_scoped3A : memref<!tpu.dma_semaphore, #tpu.memory_space<semaphore_mem>>) src(%arg5 : memref<320x128xf32, #tpu.memory_space<hbm>>) dst(%dma_wait3A_34 : memref<320x128xf32, #tpu.memory_space<vmem_shared>>)
      tpu.yield
    }) : () -> ()
    %mul3A_5 = arith.constant 640 : i32
    %mul3A_6 = arith.muli %arg1, %mul3A_5 : i32
    %add3A_7 = arith.constant 320 : i32
    %add3A_8 = arith.addi %mul3A_6, %add3A_7 : i32
    "tpu.region"() ({
      %run_scoped3A = tpu.sem_alloc : memref<!tpu.dma_semaphore, #tpu.memory_space<semaphore_mem>>
      %dma_start3A_32 = arith.constant 0 : i32
      %dma_start3A_33 = tpu.memref_slice %arg11[%add3A_8, %dma_start3A_32] : memref<10240x128xf32, #tpu.memory_space<vmem_shared>> -> memref<320x128xf32, #tpu.memory_space<vmem_shared>>
      tpu.enqueue_dma source(%arg5 : memref<320x128xf32, #tpu.memory_space<hbm>>) target(%dma_start3A_33 : memref<320x128xf32, #tpu.memory_space<vmem_shared>>) target_semaphore(%run_scoped3A : memref<!tpu.dma_semaphore, #tpu.memory_space<semaphore_mem>>)
      %dma_wait3A = arith.constant 0 : i32
      %dma_wait3A_34 = tpu.memref_slice %arg11[%add3A_8, %dma_wait3A] : memref<10240x128xf32, #tpu.memory_space<vmem_shared>> -> memref<320x128xf32, #tpu.memory_space<vmem_shared>>
      tpu.wait_dma2 semaphore(%run_scoped3A : memref<!tpu.dma_semaphore, #tpu.memory_space<semaphore_mem>>) src(%arg5 : memref<320x128xf32, #tpu.memory_space<hbm>>) dst(%dma_wait3A_34 : memref<320x128xf32, #tpu.memory_space<vmem_shared>>)
      tpu.yield
    }) : () -> ()
    %barrier3A = arith.constant 0 : index
    tpu.barrier barrier_id(%barrier3A)
    "tpu.region"() ({
      %run_scoped3A = tpu.sem_alloc : memref<!tpu.dma_semaphore, #tpu.memory_space<semaphore_mem>>
      %dma_start3A_32 = arith.constant 0 : i32
      %dma_start3A_33 = arith.constant 0 : i32
      %dma_start3A_34 = tpu.memref_slice %arg3[%add3A, %dma_start3A_32, %dma_start3A_33] : memref<32x80x128xi32, #tpu.memory_space<hbm>> -> memref<1x40x128xi32, #tpu.memory_space<hbm>>
      %dma_start3A_35 = tpu.memref_squeeze %dma_start3A_34 : memref<1x40x128xi32, #tpu.memory_space<hbm>> -> memref<40x128xi32, #tpu.memory_space<hbm>>
      %dma_start3A_36 = arith.constant 0 : i32
      %dma_start3A_37 = arith.constant 0 : i32
      %dma_start3A_38 = tpu.memref_slice %arg3[%add3A, %dma_start3A_36, %dma_start3A_37] : memref<32x80x128xi32, #tpu.memory_space<hbm>> -> memref<1x40x128xi32, #tpu.memory_space<hbm>>
      %dma_start3A_39 = tpu.memref_squeeze %dma_start3A_38 : memref<1x40x128xi32, #tpu.memory_space<hbm>> -> memref<40x128xi32, #tpu.memory_space<hbm>>
      tpu.enqueue_dma source(%dma_start3A_39 : memref<40x128xi32, #tpu.memory_space<hbm>>) target(%arg7 : memref<40x128xi32, #tpu.memory_space<vmem>>) target_semaphore(%run_scoped3A : memref<!tpu.dma_semaphore, #tpu.memory_space<semaphore_mem>>)
      %dma_wait3A = arith.constant 0 : i32
      %dma_wait3A_40 = arith.constant 0 : i32
      %dma_wait3A_41 = tpu.memref_slice %arg3[%add3A, %dma_wait3A, %dma_wait3A_40] : memref<32x80x128xi32, #tpu.memory_space<hbm>> -> memref<1x40x128xi32, #tpu.memory_space<hbm>>
      %dma_wait3A_42 = tpu.memref_squeeze %dma_wait3A_41 : memref<1x40x128xi32, #tpu.memory_space<hbm>> -> memref<40x128xi32, #tpu.memory_space<hbm>>
      %dma_wait3A_43 = arith.constant 0 : i32
      %dma_wait3A_44 = arith.constant 0 : i32
      %dma_wait3A_45 = tpu.memref_slice %arg3[%add3A, %dma_wait3A_43, %dma_wait3A_44] : memref<32x80x128xi32, #tpu.memory_space<hbm>> -> memref<1x40x128xi32, #tpu.memory_space<hbm>>
      %dma_wait3A_46 = tpu.memref_squeeze %dma_wait3A_45 : memref<1x40x128xi32, #tpu.memory_space<hbm>> -> memref<40x128xi32, #tpu.memory_space<hbm>>
      tpu.wait_dma2 semaphore(%run_scoped3A : memref<!tpu.dma_semaphore, #tpu.memory_space<semaphore_mem>>) src(%dma_wait3A_46 : memref<40x128xi32, #tpu.memory_space<hbm>>) dst(%arg7 : memref<40x128xi32, #tpu.memory_space<vmem>>)
      tpu.yield
    }) : () -> ()
    "tpu.region"() ({
      %run_scoped3A = tpu.sem_alloc : memref<!tpu.dma_semaphore, #tpu.memory_space<semaphore_mem>>
      %dma_start3A_32 = arith.constant 0 : i32
      %dma_start3A_33 = arith.constant 0 : i32
      %dma_start3A_34 = tpu.memref_slice %arg4[%add3A, %dma_start3A_32, %dma_start3A_33] : memref<32x80x128xi32, #tpu.memory_space<hbm>> -> memref<1x40x128xi32, #tpu.memory_space<hbm>>
      %dma_start3A_35 = tpu.memref_squeeze %dma_start3A_34 : memref<1x40x128xi32, #tpu.memory_space<hbm>> -> memref<40x128xi32, #tpu.memory_space<hbm>>
      %dma_start3A_36 = arith.constant 0 : i32
      %dma_start3A_37 = arith.constant 0 : i32
      %dma_start3A_38 = tpu.memref_slice %arg4[%add3A, %dma_start3A_36, %dma_start3A_37] : memref<32x80x128xi32, #tpu.memory_space<hbm>> -> memref<1x40x128xi32, #tpu.memory_space<hbm>>
      %dma_start3A_39 = tpu.memref_squeeze %dma_start3A_38 : memref<1x40x128xi32, #tpu.memory_space<hbm>> -> memref<40x128xi32, #tpu.memory_space<hbm>>
      tpu.enqueue_dma source(%dma_start3A_39 : memref<40x128xi32, #tpu.memory_space<hbm>>) target(%arg8 : memref<40x128xi32, #tpu.memory_space<vmem>>) target_semaphore(%run_scoped3A : memref<!tpu.dma_semaphore, #tpu.memory_space<semaphore_mem>>)
      %dma_wait3A = arith.constant 0 : i32
      %dma_wait3A_40 = arith.constant 0 : i32
      %dma_wait3A_41 = tpu.memref_slice %arg4[%add3A, %dma_wait3A, %dma_wait3A_40] : memref<32x80x128xi32, #tpu.memory_space<hbm>> -> memref<1x40x128xi32, #tpu.memory_space<hbm>>
      %dma_wait3A_42 = tpu.memref_squeeze %dma_wait3A_41 : memref<1x40x128xi32, #tpu.memory_space<hbm>> -> memref<40x128xi32, #tpu.memory_space<hbm>>
      %dma_wait3A_43 = arith.constant 0 : i32
      %dma_wait3A_44 = arith.constant 0 : i32
      %dma_wait3A_45 = tpu.memref_slice %arg4[%add3A, %dma_wait3A_43, %dma_wait3A_44] : memref<32x80x128xi32, #tpu.memory_space<hbm>> -> memref<1x40x128xi32, #tpu.memory_space<hbm>>
      %dma_wait3A_46 = tpu.memref_squeeze %dma_wait3A_45 : memref<1x40x128xi32, #tpu.memory_space<hbm>> -> memref<40x128xi32, #tpu.memory_space<hbm>>
      tpu.wait_dma2 semaphore(%run_scoped3A : memref<!tpu.dma_semaphore, #tpu.memory_space<semaphore_mem>>) src(%dma_wait3A_46 : memref<40x128xi32, #tpu.memory_space<hbm>>) dst(%arg8 : memref<40x128xi32, #tpu.memory_space<vmem>>)
      tpu.yield
    }) : () -> ()
    %dma_start3A = arith.constant 0 : i32
    %dma_start3A_9 = arith.constant 0 : i32
    %dma_start3A_10 = tpu.memref_slice %arg7[%dma_start3A, %dma_start3A_9] : memref<40x128xi32, #tpu.memory_space<vmem>> -> memref<1x128xi32, #tpu.memory_space<vmem>>
    %dma_start3A_11 = tpu.memref_squeeze %dma_start3A_10 : memref<1x128xi32, #tpu.memory_space<vmem>> -> memref<128xi32, #tpu.memory_space<vmem>>
    %dma_start3A_12 = arith.constant 0 : i32
    %dma_start3A_13 = arith.constant 0 : i32
    %dma_start3A_14 = tpu.memref_slice %arg2[%dma_start3A_12, %dma_start3A_13] : memref<10240x128xf32, #tpu.memory_space<hbm>> -> memref<10240x128xf32, #tpu.memory_space<hbm>>
    tpu.enqueue_indirect_dma source(%dma_start3A_14 : memref<10240x128xf32, #tpu.memory_space<hbm>>) target(%arg9 : memref<128x128xf32, #tpu.memory_space<vmem>>) offsets(%dma_start3A_11 : memref<128xi32, #tpu.memory_space<vmem>>) semaphore(%arg12 : memref<!tpu.dma_semaphore, #tpu.memory_space<semaphore_mem>>)
    %scan3A = arith.constant 0 : i32
    %scan3A_15 = arith.constant 20 : i32
    %scan3A_16 = arith.addi %scan3A, %scan3A_15 : i32
    %scan3A_17 = arith.constant 1 : i32
    scf.for %scan3A_32 = %scan3A to %scan3A_16 step %scan3A_17  : i32 {
      %mul3A_33 = arith.constant 2 : i32
      %mul3A_34 = arith.muli %mul3A_33, %scan3A_32 : i32
      %add3A_35 = arith.constant 1 : i32
      %add3A_36 = arith.addi %mul3A_34, %add3A_35 : i32
      %dma_start3A_37 = arith.constant 0 : i32
      %dma_start3A_38 = tpu.memref_slice %arg7[%add3A_36, %dma_start3A_37] : memref<40x128xi32, #tpu.memory_space<vmem>> -> memref<1x128xi32, #tpu.memory_space<vmem>>
      %dma_start3A_39 = tpu.memref_squeeze %dma_start3A_38 : memref<1x128xi32, #tpu.memory_space<vmem>> -> memref<128xi32, #tpu.memory_space<vmem>>
      %dma_start3A_40 = arith.constant 0 : i32
      %dma_start3A_41 = arith.constant 0 : i32
      %dma_start3A_42 = tpu.memref_slice %arg2[%dma_start3A_40, %dma_start3A_41] : memref<10240x128xf32, #tpu.memory_space<hbm>> -> memref<10240x128xf32, #tpu.memory_space<hbm>>
      tpu.enqueue_indirect_dma source(%dma_start3A_42 : memref<10240x128xf32, #tpu.memory_space<hbm>>) target(%arg10 : memref<128x128xf32, #tpu.memory_space<vmem>>) offsets(%dma_start3A_39 : memref<128xi32, #tpu.memory_space<vmem>>) semaphore(%arg13 : memref<!tpu.dma_semaphore, #tpu.memory_space<semaphore_mem>>)
      %dma_wait3A = arith.constant 0 : i32
      %dma_wait3A_43 = tpu.memref_slice %arg7[%mul3A_34, %dma_wait3A] : memref<40x128xi32, #tpu.memory_space<vmem>> -> memref<1x128xi32, #tpu.memory_space<vmem>>
      %dma_wait3A_44 = tpu.memref_squeeze %dma_wait3A_43 : memref<1x128xi32, #tpu.memory_space<vmem>> -> memref<128xi32, #tpu.memory_space<vmem>>
      %dma_wait3A_45 = arith.constant 0 : i32
      %dma_wait3A_46 = arith.constant 0 : i32
      %dma_wait3A_47 = tpu.memref_slice %arg2[%dma_wait3A_45, %dma_wait3A_46] : memref<10240x128xf32, #tpu.memory_space<hbm>> -> memref<10240x128xf32, #tpu.memory_space<hbm>>
      tpu.wait_indirect_dma semaphore(%arg12 : memref<!tpu.dma_semaphore, #tpu.memory_space<semaphore_mem>>) src(%dma_wait3A_47 : memref<10240x128xf32, #tpu.memory_space<hbm>>) dst(%arg9 : memref<128x128xf32, #tpu.memory_space<vmem>>)
      "tpu.region"() ({
        %run_scoped3A = tpu.sem_alloc : memref<!tpu.dma_semaphore, #tpu.memory_space<semaphore_mem>>
        %dma_start3A_62 = arith.constant 0 : i32
        %dma_start3A_63 = tpu.memref_slice %arg8[%mul3A_34, %dma_start3A_62] : memref<40x128xi32, #tpu.memory_space<vmem>> -> memref<1x128xi32, #tpu.memory_space<vmem>>
        %dma_start3A_64 = tpu.memref_squeeze %dma_start3A_63 : memref<1x128xi32, #tpu.memory_space<vmem>> -> memref<128xi32, #tpu.memory_space<vmem>>
        %dma_start3A_65 = arith.constant 0 : i32
        %dma_start3A_66 = arith.constant 0 : i32
        %dma_start3A_67 = tpu.memref_slice %arg11[%dma_start3A_65, %dma_start3A_66] : memref<10240x128xf32, #tpu.memory_space<vmem_shared>> -> memref<10240x128xf32, #tpu.memory_space<vmem_shared>>
        tpu.enqueue_indirect_dma source(%arg9 : memref<128x128xf32, #tpu.memory_space<vmem>>) target(%dma_start3A_67 : memref<10240x128xf32, #tpu.memory_space<vmem_shared>>) offsets(%dma_start3A_64 : memref<128xi32, #tpu.memory_space<vmem>>) semaphore(%run_scoped3A : memref<!tpu.dma_semaphore, #tpu.memory_space<semaphore_mem>>) {add = true}
        %dma_wait3A_68 = arith.constant 0 : i32
        %dma_wait3A_69 = tpu.memref_slice %arg8[%mul3A_34, %dma_wait3A_68] : memref<40x128xi32, #tpu.memory_space<vmem>> -> memref<1x128xi32, #tpu.memory_space<vmem>>
        %dma_wait3A_70 = tpu.memref_squeeze %dma_wait3A_69 : memref<1x128xi32, #tpu.memory_space<vmem>> -> memref<128xi32, #tpu.memory_space<vmem>>
        %dma_wait3A_71 = arith.constant 0 : i32
        %dma_wait3A_72 = arith.constant 0 : i32
        %dma_wait3A_73 = tpu.memref_slice %arg11[%dma_wait3A_71, %dma_wait3A_72] : memref<10240x128xf32, #tpu.memory_space<vmem_shared>> -> memref<10240x128xf32, #tpu.memory_space<vmem_shared>>
        tpu.wait_indirect_dma semaphore(%run_scoped3A : memref<!tpu.dma_semaphore, #tpu.memory_space<semaphore_mem>>) src(%arg9 : memref<128x128xf32, #tpu.memory_space<vmem>>) dst(%dma_wait3A_73 : memref<10240x128xf32, #tpu.memory_space<vmem_shared>>)
        tpu.yield
      }) : () -> ()
      %add3A_48 = arith.constant 2 : i32
      %add3A_49 = arith.addi %mul3A_34, %add3A_48 : i32
      %lt3A = arith.constant 40 : i32
      %lt3A_50 = arith.cmpi slt, %add3A_49, %lt3A : i32
      %convert_element_type3A = arith.extui %lt3A_50 : i1 to i32
      %cond3A = arith.constant 0 : i32
      %cond3A_51 = arith.cmpi ne, %convert_element_type3A, %cond3A : i32
      scf.if %cond3A_51 {
        %add3A_62 = arith.constant 2 : i32
        %add3A_63 = arith.addi %mul3A_34, %add3A_62 : i32
        %dma_start3A_64 = arith.constant 0 : i32
        %dma_start3A_65 = tpu.memref_slice %arg7[%add3A_63, %dma_start3A_64] : memref<40x128xi32, #tpu.memory_space<vmem>> -> memref<1x128xi32, #tpu.memory_space<vmem>>
        %dma_start3A_66 = tpu.memref_squeeze %dma_start3A_65 : memref<1x128xi32, #tpu.memory_space<vmem>> -> memref<128xi32, #tpu.memory_space<vmem>>
        %dma_start3A_67 = arith.constant 0 : i32
        %dma_start3A_68 = arith.constant 0 : i32
        %dma_start3A_69 = tpu.memref_slice %arg2[%dma_start3A_67, %dma_start3A_68] : memref<10240x128xf32, #tpu.memory_space<hbm>> -> memref<10240x128xf32, #tpu.memory_space<hbm>>
        tpu.enqueue_indirect_dma source(%dma_start3A_69 : memref<10240x128xf32, #tpu.memory_space<hbm>>) target(%arg9 : memref<128x128xf32, #tpu.memory_space<vmem>>) offsets(%dma_start3A_66 : memref<128xi32, #tpu.memory_space<vmem>>) semaphore(%arg12 : memref<!tpu.dma_semaphore, #tpu.memory_space<semaphore_mem>>)
      } else {
      }
      %add3A_52 = arith.constant 1 : i32
      %add3A_53 = arith.addi %mul3A_34, %add3A_52 : i32
      %dma_wait3A_54 = arith.constant 0 : i32
      %dma_wait3A_55 = tpu.memref_slice %arg7[%add3A_53, %dma_wait3A_54] : memref<40x128xi32, #tpu.memory_space<vmem>> -> memref<1x128xi32, #tpu.memory_space<vmem>>
      %dma_wait3A_56 = tpu.memref_squeeze %dma_wait3A_55 : memref<1x128xi32, #tpu.memory_space<vmem>> -> memref<128xi32, #tpu.memory_space<vmem>>
      %dma_wait3A_57 = arith.constant 0 : i32
      %dma_wait3A_58 = arith.constant 0 : i32
      %dma_wait3A_59 = tpu.memref_slice %arg2[%dma_wait3A_57, %dma_wait3A_58] : memref<10240x128xf32, #tpu.memory_space<hbm>> -> memref<10240x128xf32, #tpu.memory_space<hbm>>
      tpu.wait_indirect_dma semaphore(%arg13 : memref<!tpu.dma_semaphore, #tpu.memory_space<semaphore_mem>>) src(%dma_wait3A_59 : memref<10240x128xf32, #tpu.memory_space<hbm>>) dst(%arg10 : memref<128x128xf32, #tpu.memory_space<vmem>>)
      %add3A_60 = arith.constant 1 : i32
      %add3A_61 = arith.addi %mul3A_34, %add3A_60 : i32
      "tpu.region"() ({
        %run_scoped3A = tpu.sem_alloc : memref<!tpu.dma_semaphore, #tpu.memory_space<semaphore_mem>>
        %dma_start3A_62 = arith.constant 0 : i32
        %dma_start3A_63 = tpu.memref_slice %arg8[%add3A_61, %dma_start3A_62] : memref<40x128xi32, #tpu.memory_space<vmem>> -> memref<1x128xi32, #tpu.memory_space<vmem>>
        %dma_start3A_64 = tpu.memref_squeeze %dma_start3A_63 : memref<1x128xi32, #tpu.memory_space<vmem>> -> memref<128xi32, #tpu.memory_space<vmem>>
        %dma_start3A_65 = arith.constant 0 : i32
        %dma_start3A_66 = arith.constant 0 : i32
        %dma_start3A_67 = tpu.memref_slice %arg11[%dma_start3A_65, %dma_start3A_66] : memref<10240x128xf32, #tpu.memory_space<vmem_shared>> -> memref<10240x128xf32, #tpu.memory_space<vmem_shared>>
        tpu.enqueue_indirect_dma source(%arg10 : memref<128x128xf32, #tpu.memory_space<vmem>>) target(%dma_start3A_67 : memref<10240x128xf32, #tpu.memory_space<vmem_shared>>) offsets(%dma_start3A_64 : memref<128xi32, #tpu.memory_space<vmem>>) semaphore(%run_scoped3A : memref<!tpu.dma_semaphore, #tpu.memory_space<semaphore_mem>>) {add = true}
        %dma_wait3A_68 = arith.constant 0 : i32
        %dma_wait3A_69 = tpu.memref_slice %arg8[%add3A_61, %dma_wait3A_68] : memref<40x128xi32, #tpu.memory_space<vmem>> -> memref<1x128xi32, #tpu.memory_space<vmem>>
        %dma_wait3A_70 = tpu.memref_squeeze %dma_wait3A_69 : memref<1x128xi32, #tpu.memory_space<vmem>> -> memref<128xi32, #tpu.memory_space<vmem>>
        %dma_wait3A_71 = arith.constant 0 : i32
        %dma_wait3A_72 = arith.constant 0 : i32
        %dma_wait3A_73 = tpu.memref_slice %arg11[%dma_wait3A_71, %dma_wait3A_72] : memref<10240x128xf32, #tpu.memory_space<vmem_shared>> -> memref<10240x128xf32, #tpu.memory_space<vmem_shared>>
        tpu.wait_indirect_dma semaphore(%run_scoped3A : memref<!tpu.dma_semaphore, #tpu.memory_space<semaphore_mem>>) src(%arg10 : memref<128x128xf32, #tpu.memory_space<vmem>>) dst(%dma_wait3A_73 : memref<10240x128xf32, #tpu.memory_space<vmem_shared>>)
        tpu.yield
      }) : () -> ()
    }
    %scan3A_18 = arith.constant 20 : i32
    "tpu.region"() ({
      %run_scoped3A = tpu.sem_alloc : memref<!tpu.dma_semaphore, #tpu.memory_space<semaphore_mem>>
      %dma_start3A_32 = arith.constant 40 : i32
      %dma_start3A_33 = arith.constant 0 : i32
      %dma_start3A_34 = tpu.memref_slice %arg3[%add3A, %dma_start3A_32, %dma_start3A_33] : memref<32x80x128xi32, #tpu.memory_space<hbm>> -> memref<1x40x128xi32, #tpu.memory_space<hbm>>
      %dma_start3A_35 = tpu.memref_squeeze %dma_start3A_34 : memref<1x40x128xi32, #tpu.memory_space<hbm>> -> memref<40x128xi32, #tpu.memory_space<hbm>>
      %dma_start3A_36 = arith.constant 40 : i32
      %dma_start3A_37 = arith.constant 0 : i32
      %dma_start3A_38 = tpu.memref_slice %arg3[%add3A, %dma_start3A_36, %dma_start3A_37] : memref<32x80x128xi32, #tpu.memory_space<hbm>> -> memref<1x40x128xi32, #tpu.memory_space<hbm>>
      %dma_start3A_39 = tpu.memref_squeeze %dma_start3A_38 : memref<1x40x128xi32, #tpu.memory_space<hbm>> -> memref<40x128xi32, #tpu.memory_space<hbm>>
      tpu.enqueue_dma source(%dma_start3A_39 : memref<40x128xi32, #tpu.memory_space<hbm>>) target(%arg7 : memref<40x128xi32, #tpu.memory_space<vmem>>) target_semaphore(%run_scoped3A : memref<!tpu.dma_semaphore, #tpu.memory_space<semaphore_mem>>)
      %dma_wait3A = arith.constant 40 : i32
      %dma_wait3A_40 = arith.constant 0 : i32
      %dma_wait3A_41 = tpu.memref_slice %arg3[%add3A, %dma_wait3A, %dma_wait3A_40] : memref<32x80x128xi32, #tpu.memory_space<hbm>> -> memref<1x40x128xi32, #tpu.memory_space<hbm>>
      %dma_wait3A_42 = tpu.memref_squeeze %dma_wait3A_41 : memref<1x40x128xi32, #tpu.memory_space<hbm>> -> memref<40x128xi32, #tpu.memory_space<hbm>>
      %dma_wait3A_43 = arith.constant 40 : i32
      %dma_wait3A_44 = arith.constant 0 : i32
      %dma_wait3A_45 = tpu.memref_slice %arg3[%add3A, %dma_wait3A_43, %dma_wait3A_44] : memref<32x80x128xi32, #tpu.memory_space<hbm>> -> memref<1x40x128xi32, #tpu.memory_space<hbm>>
      %dma_wait3A_46 = tpu.memref_squeeze %dma_wait3A_45 : memref<1x40x128xi32, #tpu.memory_space<hbm>> -> memref<40x128xi32, #tpu.memory_space<hbm>>
      tpu.wait_dma2 semaphore(%run_scoped3A : memref<!tpu.dma_semaphore, #tpu.memory_space<semaphore_mem>>) src(%dma_wait3A_46 : memref<40x128xi32, #tpu.memory_space<hbm>>) dst(%arg7 : memref<40x128xi32, #tpu.memory_space<vmem>>)
      tpu.yield
    }) : () -> ()
    "tpu.region"() ({
      %run_scoped3A = tpu.sem_alloc : memref<!tpu.dma_semaphore, #tpu.memory_space<semaphore_mem>>
      %dma_start3A_32 = arith.constant 40 : i32
      %dma_start3A_33 = arith.constant 0 : i32
      %dma_start3A_34 = tpu.memref_slice %arg4[%add3A, %dma_start3A_32, %dma_start3A_33] : memref<32x80x128xi32, #tpu.memory_space<hbm>> -> memref<1x40x128xi32, #tpu.memory_space<hbm>>
      %dma_start3A_35 = tpu.memref_squeeze %dma_start3A_34 : memref<1x40x128xi32, #tpu.memory_space<hbm>> -> memref<40x128xi32, #tpu.memory_space<hbm>>
      %dma_start3A_36 = arith.constant 40 : i32
      %dma_start3A_37 = arith.constant 0 : i32
      %dma_start3A_38 = tpu.memref_slice %arg4[%add3A, %dma_start3A_36, %dma_start3A_37] : memref<32x80x128xi32, #tpu.memory_space<hbm>> -> memref<1x40x128xi32, #tpu.memory_space<hbm>>
      %dma_start3A_39 = tpu.memref_squeeze %dma_start3A_38 : memref<1x40x128xi32, #tpu.memory_space<hbm>> -> memref<40x128xi32, #tpu.memory_space<hbm>>
      tpu.enqueue_dma source(%dma_start3A_39 : memref<40x128xi32, #tpu.memory_space<hbm>>) target(%arg8 : memref<40x128xi32, #tpu.memory_space<vmem>>) target_semaphore(%run_scoped3A : memref<!tpu.dma_semaphore, #tpu.memory_space<semaphore_mem>>)
      %dma_wait3A = arith.constant 40 : i32
      %dma_wait3A_40 = arith.constant 0 : i32
      %dma_wait3A_41 = tpu.memref_slice %arg4[%add3A, %dma_wait3A, %dma_wait3A_40] : memref<32x80x128xi32, #tpu.memory_space<hbm>> -> memref<1x40x128xi32, #tpu.memory_space<hbm>>
      %dma_wait3A_42 = tpu.memref_squeeze %dma_wait3A_41 : memref<1x40x128xi32, #tpu.memory_space<hbm>> -> memref<40x128xi32, #tpu.memory_space<hbm>>
      %dma_wait3A_43 = arith.constant 40 : i32
      %dma_wait3A_44 = arith.constant 0 : i32
      %dma_wait3A_45 = tpu.memref_slice %arg4[%add3A, %dma_wait3A_43, %dma_wait3A_44] : memref<32x80x128xi32, #tpu.memory_space<hbm>> -> memref<1x40x128xi32, #tpu.memory_space<hbm>>
      %dma_wait3A_46 = tpu.memref_squeeze %dma_wait3A_45 : memref<1x40x128xi32, #tpu.memory_space<hbm>> -> memref<40x128xi32, #tpu.memory_space<hbm>>
      tpu.wait_dma2 semaphore(%run_scoped3A : memref<!tpu.dma_semaphore, #tpu.memory_space<semaphore_mem>>) src(%dma_wait3A_46 : memref<40x128xi32, #tpu.memory_space<hbm>>) dst(%arg8 : memref<40x128xi32, #tpu.memory_space<vmem>>)
      tpu.yield
    }) : () -> ()
    %dma_start3A_19 = arith.constant 0 : i32
    %dma_start3A_20 = arith.constant 0 : i32
    %dma_start3A_21 = tpu.memref_slice %arg7[%dma_start3A_19, %dma_start3A_20] : memref<40x128xi32, #tpu.memory_space<vmem>> -> memref<1x128xi32, #tpu.memory_space<vmem>>
    %dma_start3A_22 = tpu.memref_squeeze %dma_start3A_21 : memref<1x128xi32, #tpu.memory_space<vmem>> -> memref<128xi32, #tpu.memory_space<vmem>>
    %dma_start3A_23 = arith.constant 0 : i32
    %dma_start3A_24 = arith.constant 0 : i32
    %dma_start3A_25 = tpu.memref_slice %arg2[%dma_start3A_23, %dma_start3A_24] : memref<10240x128xf32, #tpu.memory_space<hbm>> -> memref<10240x128xf32, #tpu.memory_space<hbm>>
    tpu.enqueue_indirect_dma source(%dma_start3A_25 : memref<10240x128xf32, #tpu.memory_space<hbm>>) target(%arg9 : memref<128x128xf32, #tpu.memory_space<vmem>>) offsets(%dma_start3A_22 : memref<128xi32, #tpu.memory_space<vmem>>) semaphore(%arg12 : memref<!tpu.dma_semaphore, #tpu.memory_space<semaphore_mem>>)
    %scan3A_26 = arith.constant 0 : i32
    %scan3A_27 = arith.constant 20 : i32
    %scan3A_28 = arith.addi %scan3A_26, %scan3A_27 : i32
    %scan3A_29 = arith.constant 1 : i32
    scf.for %scan3A_32 = %scan3A_26 to %scan3A_28 step %scan3A_29  : i32 {
      %mul3A_33 = arith.constant 2 : i32
      %mul3A_34 = arith.muli %mul3A_33, %scan3A_32 : i32
      %add3A_35 = arith.constant 1 : i32
      %add3A_36 = arith.addi %mul3A_34, %add3A_35 : i32
      %dma_start3A_37 = arith.constant 0 : i32
      %dma_start3A_38 = tpu.memref_slice %arg7[%add3A_36, %dma_start3A_37] : memref<40x128xi32, #tpu.memory_space<vmem>> -> memref<1x128xi32, #tpu.memory_space<vmem>>
      %dma_start3A_39 = tpu.memref_squeeze %dma_start3A_38 : memref<1x128xi32, #tpu.memory_space<vmem>> -> memref<128xi32, #tpu.memory_space<vmem>>
      %dma_start3A_40 = arith.constant 0 : i32
      %dma_start3A_41 = arith.constant 0 : i32
      %dma_start3A_42 = tpu.memref_slice %arg2[%dma_start3A_40, %dma_start3A_41] : memref<10240x128xf32, #tpu.memory_space<hbm>> -> memref<10240x128xf32, #tpu.memory_space<hbm>>
      tpu.enqueue_indirect_dma source(%dma_start3A_42 : memref<10240x128xf32, #tpu.memory_space<hbm>>) target(%arg10 : memref<128x128xf32, #tpu.memory_space<vmem>>) offsets(%dma_start3A_39 : memref<128xi32, #tpu.memory_space<vmem>>) semaphore(%arg13 : memref<!tpu.dma_semaphore, #tpu.memory_space<semaphore_mem>>)
      %dma_wait3A = arith.constant 0 : i32
      %dma_wait3A_43 = tpu.memref_slice %arg7[%mul3A_34, %dma_wait3A] : memref<40x128xi32, #tpu.memory_space<vmem>> -> memref<1x128xi32, #tpu.memory_space<vmem>>
      %dma_wait3A_44 = tpu.memref_squeeze %dma_wait3A_43 : memref<1x128xi32, #tpu.memory_space<vmem>> -> memref<128xi32, #tpu.memory_space<vmem>>
      %dma_wait3A_45 = arith.constant 0 : i32
      %dma_wait3A_46 = arith.constant 0 : i32
      %dma_wait3A_47 = tpu.memref_slice %arg2[%dma_wait3A_45, %dma_wait3A_46] : memref<10240x128xf32, #tpu.memory_space<hbm>> -> memref<10240x128xf32, #tpu.memory_space<hbm>>
      tpu.wait_indirect_dma semaphore(%arg12 : memref<!tpu.dma_semaphore, #tpu.memory_space<semaphore_mem>>) src(%dma_wait3A_47 : memref<10240x128xf32, #tpu.memory_space<hbm>>) dst(%arg9 : memref<128x128xf32, #tpu.memory_space<vmem>>)
      "tpu.region"() ({
        %run_scoped3A = tpu.sem_alloc : memref<!tpu.dma_semaphore, #tpu.memory_space<semaphore_mem>>
        %dma_start3A_62 = arith.constant 0 : i32
        %dma_start3A_63 = tpu.memref_slice %arg8[%mul3A_34, %dma_start3A_62] : memref<40x128xi32, #tpu.memory_space<vmem>> -> memref<1x128xi32, #tpu.memory_space<vmem>>
        %dma_start3A_64 = tpu.memref_squeeze %dma_start3A_63 : memref<1x128xi32, #tpu.memory_space<vmem>> -> memref<128xi32, #tpu.memory_space<vmem>>
        %dma_start3A_65 = arith.constant 0 : i32
        %dma_start3A_66 = arith.constant 0 : i32
        %dma_start3A_67 = tpu.memref_slice %arg11[%dma_start3A_65, %dma_start3A_66] : memref<10240x128xf32, #tpu.memory_space<vmem_shared>> -> memref<10240x128xf32, #tpu.memory_space<vmem_shared>>
        tpu.enqueue_indirect_dma source(%arg9 : memref<128x128xf32, #tpu.memory_space<vmem>>) target(%dma_start3A_67 : memref<10240x128xf32, #tpu.memory_space<vmem_shared>>) offsets(%dma_start3A_64 : memref<128xi32, #tpu.memory_space<vmem>>) semaphore(%run_scoped3A : memref<!tpu.dma_semaphore, #tpu.memory_space<semaphore_mem>>) {add = true}
        %dma_wait3A_68 = arith.constant 0 : i32
        %dma_wait3A_69 = tpu.memref_slice %arg8[%mul3A_34, %dma_wait3A_68] : memref<40x128xi32, #tpu.memory_space<vmem>> -> memref<1x128xi32, #tpu.memory_space<vmem>>
        %dma_wait3A_70 = tpu.memref_squeeze %dma_wait3A_69 : memref<1x128xi32, #tpu.memory_space<vmem>> -> memref<128xi32, #tpu.memory_space<vmem>>
        %dma_wait3A_71 = arith.constant 0 : i32
        %dma_wait3A_72 = arith.constant 0 : i32
        %dma_wait3A_73 = tpu.memref_slice %arg11[%dma_wait3A_71, %dma_wait3A_72] : memref<10240x128xf32, #tpu.memory_space<vmem_shared>> -> memref<10240x128xf32, #tpu.memory_space<vmem_shared>>
        tpu.wait_indirect_dma semaphore(%run_scoped3A : memref<!tpu.dma_semaphore, #tpu.memory_space<semaphore_mem>>) src(%arg9 : memref<128x128xf32, #tpu.memory_space<vmem>>) dst(%dma_wait3A_73 : memref<10240x128xf32, #tpu.memory_space<vmem_shared>>)
        tpu.yield
      }) : () -> ()
      %add3A_48 = arith.constant 2 : i32
      %add3A_49 = arith.addi %mul3A_34, %add3A_48 : i32
      %lt3A = arith.constant 40 : i32
      %lt3A_50 = arith.cmpi slt, %add3A_49, %lt3A : i32
      %convert_element_type3A = arith.extui %lt3A_50 : i1 to i32
      %cond3A = arith.constant 0 : i32
      %cond3A_51 = arith.cmpi ne, %convert_element_type3A, %cond3A : i32
      scf.if %cond3A_51 {
        %add3A_62 = arith.constant 2 : i32
        %add3A_63 = arith.addi %mul3A_34, %add3A_62 : i32
        %dma_start3A_64 = arith.constant 0 : i32
        %dma_start3A_65 = tpu.memref_slice %arg7[%add3A_63, %dma_start3A_64] : memref<40x128xi32, #tpu.memory_space<vmem>> -> memref<1x128xi32, #tpu.memory_space<vmem>>
        %dma_start3A_66 = tpu.memref_squeeze %dma_start3A_65 : memref<1x128xi32, #tpu.memory_space<vmem>> -> memref<128xi32, #tpu.memory_space<vmem>>
        %dma_start3A_67 = arith.constant 0 : i32
        %dma_start3A_68 = arith.constant 0 : i32
        %dma_start3A_69 = tpu.memref_slice %arg2[%dma_start3A_67, %dma_start3A_68] : memref<10240x128xf32, #tpu.memory_space<hbm>> -> memref<10240x128xf32, #tpu.memory_space<hbm>>
        tpu.enqueue_indirect_dma source(%dma_start3A_69 : memref<10240x128xf32, #tpu.memory_space<hbm>>) target(%arg9 : memref<128x128xf32, #tpu.memory_space<vmem>>) offsets(%dma_start3A_66 : memref<128xi32, #tpu.memory_space<vmem>>) semaphore(%arg12 : memref<!tpu.dma_semaphore, #tpu.memory_space<semaphore_mem>>)
      } else {
      }
      %add3A_52 = arith.constant 1 : i32
      %add3A_53 = arith.addi %mul3A_34, %add3A_52 : i32
      %dma_wait3A_54 = arith.constant 0 : i32
      %dma_wait3A_55 = tpu.memref_slice %arg7[%add3A_53, %dma_wait3A_54] : memref<40x128xi32, #tpu.memory_space<vmem>> -> memref<1x128xi32, #tpu.memory_space<vmem>>
      %dma_wait3A_56 = tpu.memref_squeeze %dma_wait3A_55 : memref<1x128xi32, #tpu.memory_space<vmem>> -> memref<128xi32, #tpu.memory_space<vmem>>
      %dma_wait3A_57 = arith.constant 0 : i32
      %dma_wait3A_58 = arith.constant 0 : i32
      %dma_wait3A_59 = tpu.memref_slice %arg2[%dma_wait3A_57, %dma_wait3A_58] : memref<10240x128xf32, #tpu.memory_space<hbm>> -> memref<10240x128xf32, #tpu.memory_space<hbm>>
      tpu.wait_indirect_dma semaphore(%arg13 : memref<!tpu.dma_semaphore, #tpu.memory_space<semaphore_mem>>) src(%dma_wait3A_59 : memref<10240x128xf32, #tpu.memory_space<hbm>>) dst(%arg10 : memref<128x128xf32, #tpu.memory_space<vmem>>)
      %add3A_60 = arith.constant 1 : i32
      %add3A_61 = arith.addi %mul3A_34, %add3A_60 : i32
      "tpu.region"() ({
        %run_scoped3A = tpu.sem_alloc : memref<!tpu.dma_semaphore, #tpu.memory_space<semaphore_mem>>
        %dma_start3A_62 = arith.constant 0 : i32
        %dma_start3A_63 = tpu.memref_slice %arg8[%add3A_61, %dma_start3A_62] : memref<40x128xi32, #tpu.memory_space<vmem>> -> memref<1x128xi32, #tpu.memory_space<vmem>>
        %dma_start3A_64 = tpu.memref_squeeze %dma_start3A_63 : memref<1x128xi32, #tpu.memory_space<vmem>> -> memref<128xi32, #tpu.memory_space<vmem>>
        %dma_start3A_65 = arith.constant 0 : i32
        %dma_start3A_66 = arith.constant 0 : i32
        %dma_start3A_67 = tpu.memref_slice %arg11[%dma_start3A_65, %dma_start3A_66] : memref<10240x128xf32, #tpu.memory_space<vmem_shared>> -> memref<10240x128xf32, #tpu.memory_space<vmem_shared>>
        tpu.enqueue_indirect_dma source(%arg10 : memref<128x128xf32, #tpu.memory_space<vmem>>) target(%dma_start3A_67 : memref<10240x128xf32, #tpu.memory_space<vmem_shared>>) offsets(%dma_start3A_64 : memref<128xi32, #tpu.memory_space<vmem>>) semaphore(%run_scoped3A : memref<!tpu.dma_semaphore, #tpu.memory_space<semaphore_mem>>) {add = true}
        %dma_wait3A_68 = arith.constant 0 : i32
        %dma_wait3A_69 = tpu.memref_slice %arg8[%add3A_61, %dma_wait3A_68] : memref<40x128xi32, #tpu.memory_space<vmem>> -> memref<1x128xi32, #tpu.memory_space<vmem>>
        %dma_wait3A_70 = tpu.memref_squeeze %dma_wait3A_69 : memref<1x128xi32, #tpu.memory_space<vmem>> -> memref<128xi32, #tpu.memory_space<vmem>>
        %dma_wait3A_71 = arith.constant 0 : i32
        %dma_wait3A_72 = arith.constant 0 : i32
        %dma_wait3A_73 = tpu.memref_slice %arg11[%dma_wait3A_71, %dma_wait3A_72] : memref<10240x128xf32, #tpu.memory_space<vmem_shared>> -> memref<10240x128xf32, #tpu.memory_space<vmem_shared>>
        tpu.wait_indirect_dma semaphore(%run_scoped3A : memref<!tpu.dma_semaphore, #tpu.memory_space<semaphore_mem>>) src(%arg10 : memref<128x128xf32, #tpu.memory_space<vmem>>) dst(%dma_wait3A_73 : memref<10240x128xf32, #tpu.memory_space<vmem_shared>>)
        tpu.yield
      }) : () -> ()
    }
    %scan3A_30 = arith.constant 20 : i32
    %barrier3A_31 = arith.constant 0 : index
    tpu.barrier barrier_id(%barrier3A_31)
    "tpu.region"() ({
      %run_scoped3A = tpu.sem_alloc : memref<!tpu.dma_semaphore, #tpu.memory_space<semaphore_mem>>
      %dma_start3A_32 = arith.constant 0 : i32
      %dma_start3A_33 = tpu.memref_slice %arg6[%arg0, %mul3A_2, %dma_start3A_32] : memref<2x10240x128xf32, #tpu.memory_space<hbm>> -> memref<1x640x128xf32, #tpu.memory_space<hbm>>
      %dma_start3A_34 = tpu.memref_squeeze %dma_start3A_33 : memref<1x640x128xf32, #tpu.memory_space<hbm>> -> memref<640x128xf32, #tpu.memory_space<hbm>>
      %dma_start3A_35 = arith.constant 0 : i32
      %dma_start3A_36 = tpu.memref_slice %arg11[%mul3A_2, %dma_start3A_35] : memref<10240x128xf32, #tpu.memory_space<vmem_shared>> -> memref<640x128xf32, #tpu.memory_space<vmem_shared>>
      tpu.enqueue_dma source(%dma_start3A_36 : memref<640x128xf32, #tpu.memory_space<vmem_shared>>) target(%dma_start3A_34 : memref<640x128xf32, #tpu.memory_space<hbm>>) target_semaphore(%run_scoped3A : memref<!tpu.dma_semaphore, #tpu.memory_space<semaphore_mem>>)
      %dma_wait3A = arith.constant 0 : i32
      %dma_wait3A_37 = tpu.memref_slice %arg6[%arg0, %mul3A_2, %dma_wait3A] : memref<2x10240x128xf32, #tpu.memory_space<hbm>> -> memref<1x640x128xf32, #tpu.memory_space<hbm>>
      %dma_wait3A_38 = tpu.memref_squeeze %dma_wait3A_37 : memref<1x640x128xf32, #tpu.memory_space<hbm>> -> memref<640x128xf32, #tpu.memory_space<hbm>>
      %dma_wait3A_39 = arith.constant 0 : i32
      %dma_wait3A_40 = tpu.memref_slice %arg11[%mul3A_2, %dma_wait3A_39] : memref<10240x128xf32, #tpu.memory_space<vmem_shared>> -> memref<640x128xf32, #tpu.memory_space<vmem_shared>>
      tpu.wait_dma2 semaphore(%run_scoped3A : memref<!tpu.dma_semaphore, #tpu.memory_space<semaphore_mem>>) src(%dma_wait3A_40 : memref<640x128xf32, #tpu.memory_space<vmem_shared>>) dst(%dma_wait3A_38 : memref<640x128xf32, #tpu.memory_space<hbm>>)
      tpu.yield
    }) : () -> ()
    return
  }
}

#map = affine_map<(d0, d1) -> (0, 0)>
#map1 = affine_map<(d0, d1) -> (0, 0, 0)>
#map2 = affine_map<(d0, d1) -> (0)>
module attributes {stable_mosaic.version = 14 : i64} {
  func.func @_sc_pool(%arg0: i32, %arg1: i32, %arg2: memref<10240x128xf32, #tpu.memory_space<hbm>>, %arg3: memref<32x5x64xi32, #tpu.memory_space<hbm>>, %arg4: memref<64x128xf32, #tpu.memory_space<hbm>>, %arg5: memref<64xf32, #tpu.memory_space<hbm>>, %arg6: memref<128xf32, #tpu.memory_space<hbm>>, %arg7: memref<2x768x128xf32, #tpu.memory_space<hbm>>, %arg8: memref<768xf32, #tpu.memory_space<hbm>>, %arg9: memref<768xf32, #tpu.memory_space<hbm>>, %arg10: memref<5x64xi32, #tpu.memory_space<vmem>>, %arg11: memref<64x128xf32, #tpu.memory_space<vmem>>, %arg12: memref<64xf32, #tpu.memory_space<vmem>>, %arg13: memref<64x128xf32, #tpu.memory_space<vmem>>, %arg14: memref<48xf32, #tpu.memory_space<vmem>>, %arg15: memref<768x128xf32, #tpu.memory_space<vmem_shared>>, %arg16: memref<768xf32, #tpu.memory_space<vmem_shared>>) attributes {dimension_semantics = [#tpu.dimension_semantics<core_parallel>, #tpu.dimension_semantics<subcore_parallel>], iteration_bounds = array<i64: 2, 16>, scalar_prefetch = 0 : i64, scratch_operands = 7 : i64, tpu.core_type = #tpu.core_type<sc_vector_subcore>, window_params = [{transform_indices = #map}, {transform_indices = #map1}, {transform_indices = #map}, {transform_indices = #map2}, {transform_indices = #map2}, {transform_indices = #map1}, {transform_indices = #map2}, {transform_indices = #map2}]} {
    %mul3A = arith.constant 2 : i32
    %mul3A_0 = arith.muli %arg1, %mul3A : i32
    %add3A = arith.addi %mul3A_0, %arg0 : i32
    "tpu.region"() ({
      %run_scoped3A = tpu.sem_alloc : memref<!tpu.dma_semaphore, #tpu.memory_space<semaphore_mem>>
      %dma_start3A = arith.constant 0 : i32
      %dma_start3A_15 = arith.constant 0 : i32
      %dma_start3A_16 = tpu.memref_slice %arg4[%dma_start3A, %dma_start3A_15] : memref<64x128xf32, #tpu.memory_space<hbm>> -> memref<64x128xf32, #tpu.memory_space<hbm>>
      %dma_start3A_17 = arith.constant 0 : i32
      %dma_start3A_18 = arith.constant 0 : i32
      %dma_start3A_19 = tpu.memref_slice %arg4[%dma_start3A_17, %dma_start3A_18] : memref<64x128xf32, #tpu.memory_space<hbm>> -> memref<64x128xf32, #tpu.memory_space<hbm>>
      tpu.enqueue_dma source(%dma_start3A_19 : memref<64x128xf32, #tpu.memory_space<hbm>>) target(%arg13 : memref<64x128xf32, #tpu.memory_space<vmem>>) target_semaphore(%run_scoped3A : memref<!tpu.dma_semaphore, #tpu.memory_space<semaphore_mem>>)
      %dma_wait3A = arith.constant 0 : i32
      %dma_wait3A_20 = arith.constant 0 : i32
      %dma_wait3A_21 = tpu.memref_slice %arg4[%dma_wait3A, %dma_wait3A_20] : memref<64x128xf32, #tpu.memory_space<hbm>> -> memref<64x128xf32, #tpu.memory_space<hbm>>
      %dma_wait3A_22 = arith.constant 0 : i32
      %dma_wait3A_23 = arith.constant 0 : i32
      %dma_wait3A_24 = tpu.memref_slice %arg4[%dma_wait3A_22, %dma_wait3A_23] : memref<64x128xf32, #tpu.memory_space<hbm>> -> memref<64x128xf32, #tpu.memory_space<hbm>>
      tpu.wait_dma2 semaphore(%run_scoped3A : memref<!tpu.dma_semaphore, #tpu.memory_space<semaphore_mem>>) src(%dma_wait3A_24 : memref<64x128xf32, #tpu.memory_space<hbm>>) dst(%arg13 : memref<64x128xf32, #tpu.memory_space<vmem>>)
      tpu.yield
    }) : () -> ()
    "tpu.region"() ({
      %run_scoped3A = tpu.sem_alloc : memref<!tpu.dma_semaphore, #tpu.memory_space<semaphore_mem>>
      %dma_start3A = arith.constant 0 : i32
      %dma_start3A_15 = tpu.memref_slice %arg5[%dma_start3A] : memref<64xf32, #tpu.memory_space<hbm>> -> memref<48xf32, #tpu.memory_space<hbm>>
      %dma_start3A_16 = arith.constant 0 : i32
      %dma_start3A_17 = tpu.memref_slice %arg5[%dma_start3A_16] : memref<64xf32, #tpu.memory_space<hbm>> -> memref<48xf32, #tpu.memory_space<hbm>>
      tpu.enqueue_dma source(%dma_start3A_17 : memref<48xf32, #tpu.memory_space<hbm>>) target(%arg14 : memref<48xf32, #tpu.memory_space<vmem>>) target_semaphore(%run_scoped3A : memref<!tpu.dma_semaphore, #tpu.memory_space<semaphore_mem>>)
      %dma_wait3A = arith.constant 0 : i32
      %dma_wait3A_18 = tpu.memref_slice %arg5[%dma_wait3A] : memref<64xf32, #tpu.memory_space<hbm>> -> memref<48xf32, #tpu.memory_space<hbm>>
      %dma_wait3A_19 = arith.constant 0 : i32
      %dma_wait3A_20 = tpu.memref_slice %arg5[%dma_wait3A_19] : memref<64xf32, #tpu.memory_space<hbm>> -> memref<48xf32, #tpu.memory_space<hbm>>
      tpu.wait_dma2 semaphore(%run_scoped3A : memref<!tpu.dma_semaphore, #tpu.memory_space<semaphore_mem>>) src(%dma_wait3A_20 : memref<48xf32, #tpu.memory_space<hbm>>) dst(%arg14 : memref<48xf32, #tpu.memory_space<vmem>>)
      tpu.yield
    }) : () -> ()
    "tpu.region"() ({
      %run_scoped3A = tpu.sem_alloc : memref<!tpu.dma_semaphore, #tpu.memory_space<semaphore_mem>>
      %dma_start3A = arith.constant 0 : i32
      %dma_start3A_15 = tpu.memref_slice %arg6[%dma_start3A] : memref<128xf32, #tpu.memory_space<hbm>> -> memref<64xf32, #tpu.memory_space<hbm>>
      %dma_start3A_16 = arith.constant 0 : i32
      %dma_start3A_17 = tpu.memref_slice %arg6[%dma_start3A_16] : memref<128xf32, #tpu.memory_space<hbm>> -> memref<64xf32, #tpu.memory_space<hbm>>
      tpu.enqueue_dma source(%dma_start3A_17 : memref<64xf32, #tpu.memory_space<hbm>>) target(%arg12 : memref<64xf32, #tpu.memory_space<vmem>>) target_semaphore(%run_scoped3A : memref<!tpu.dma_semaphore, #tpu.memory_space<semaphore_mem>>)
      %dma_wait3A = arith.constant 0 : i32
      %dma_wait3A_18 = tpu.memref_slice %arg6[%dma_wait3A] : memref<128xf32, #tpu.memory_space<hbm>> -> memref<64xf32, #tpu.memory_space<hbm>>
      %dma_wait3A_19 = arith.constant 0 : i32
      %dma_wait3A_20 = tpu.memref_slice %arg6[%dma_wait3A_19] : memref<128xf32, #tpu.memory_space<hbm>> -> memref<64xf32, #tpu.memory_space<hbm>>
      tpu.wait_dma2 semaphore(%run_scoped3A : memref<!tpu.dma_semaphore, #tpu.memory_space<semaphore_mem>>) src(%dma_wait3A_20 : memref<64xf32, #tpu.memory_space<hbm>>) dst(%arg12 : memref<64xf32, #tpu.memory_space<vmem>>)
      tpu.yield
    }) : () -> ()
    %mul3A_1 = arith.constant 48 : i32
    %mul3A_2 = arith.muli %arg1, %mul3A_1 : i32
    "tpu.region"() ({
      %run_scoped3A = tpu.sem_alloc : memref<!tpu.dma_semaphore, #tpu.memory_space<semaphore_mem>>
      %dma_start3A = arith.constant 0 : i32
      %dma_start3A_15 = arith.constant 0 : i32
      %dma_start3A_16 = tpu.memref_slice %arg13[%dma_start3A, %dma_start3A_15] : memref<64x128xf32, #tpu.memory_space<vmem>> -> memref<48x128xf32, #tpu.memory_space<vmem>>
      %dma_start3A_17 = arith.constant 0 : i32
      %dma_start3A_18 = tpu.memref_slice %arg15[%mul3A_2, %dma_start3A_17] : memref<768x128xf32, #tpu.memory_space<vmem_shared>> -> memref<48x128xf32, #tpu.memory_space<vmem_shared>>
      %dma_start3A_19 = arith.constant 0 : i32
      %dma_start3A_20 = tpu.memref_slice %arg15[%mul3A_2, %dma_start3A_19] : memref<768x128xf32, #tpu.memory_space<vmem_shared>> -> memref<48x128xf32, #tpu.memory_space<vmem_shared>>
      %dma_start3A_21 = arith.constant 0 : i32
      %dma_start3A_22 = arith.constant 0 : i32
      %dma_start3A_23 = tpu.memref_slice %arg13[%dma_start3A_21, %dma_start3A_22] : memref<64x128xf32, #tpu.memory_space<vmem>> -> memref<48x128xf32, #tpu.memory_space<vmem>>
      tpu.enqueue_dma source(%dma_start3A_23 : memref<48x128xf32, #tpu.memory_space<vmem>>) target(%dma_start3A_20 : memref<48x128xf32, #tpu.memory_space<vmem_shared>>) target_semaphore(%run_scoped3A : memref<!tpu.dma_semaphore, #tpu.memory_space<semaphore_mem>>)
      %dma_wait3A = arith.constant 0 : i32
      %dma_wait3A_24 = arith.constant 0 : i32
      %dma_wait3A_25 = tpu.memref_slice %arg13[%dma_wait3A, %dma_wait3A_24] : memref<64x128xf32, #tpu.memory_space<vmem>> -> memref<48x128xf32, #tpu.memory_space<vmem>>
      %dma_wait3A_26 = arith.constant 0 : i32
      %dma_wait3A_27 = tpu.memref_slice %arg15[%mul3A_2, %dma_wait3A_26] : memref<768x128xf32, #tpu.memory_space<vmem_shared>> -> memref<48x128xf32, #tpu.memory_space<vmem_shared>>
      %dma_wait3A_28 = arith.constant 0 : i32
      %dma_wait3A_29 = tpu.memref_slice %arg15[%mul3A_2, %dma_wait3A_28] : memref<768x128xf32, #tpu.memory_space<vmem_shared>> -> memref<48x128xf32, #tpu.memory_space<vmem_shared>>
      %dma_wait3A_30 = arith.constant 0 : i32
      %dma_wait3A_31 = arith.constant 0 : i32
      %dma_wait3A_32 = tpu.memref_slice %arg13[%dma_wait3A_30, %dma_wait3A_31] : memref<64x128xf32, #tpu.memory_space<vmem>> -> memref<48x128xf32, #tpu.memory_space<vmem>>
      tpu.wait_dma2 semaphore(%run_scoped3A : memref<!tpu.dma_semaphore, #tpu.memory_space<semaphore_mem>>) src(%dma_wait3A_32 : memref<48x128xf32, #tpu.memory_space<vmem>>) dst(%dma_wait3A_29 : memref<48x128xf32, #tpu.memory_space<vmem_shared>>)
      tpu.yield
    }) : () -> ()
    "tpu.region"() ({
      %run_scoped3A = tpu.sem_alloc : memref<!tpu.dma_semaphore, #tpu.memory_space<semaphore_mem>>
      %dma_start3A = tpu.memref_slice %arg16[%mul3A_2] : memref<768xf32, #tpu.memory_space<vmem_shared>> -> memref<48xf32, #tpu.memory_space<vmem_shared>>
      %dma_start3A_15 = tpu.memref_slice %arg16[%mul3A_2] : memref<768xf32, #tpu.memory_space<vmem_shared>> -> memref<48xf32, #tpu.memory_space<vmem_shared>>
      tpu.enqueue_dma source(%arg14 : memref<48xf32, #tpu.memory_space<vmem>>) target(%dma_start3A_15 : memref<48xf32, #tpu.memory_space<vmem_shared>>) target_semaphore(%run_scoped3A : memref<!tpu.dma_semaphore, #tpu.memory_space<semaphore_mem>>)
      %dma_wait3A = tpu.memref_slice %arg16[%mul3A_2] : memref<768xf32, #tpu.memory_space<vmem_shared>> -> memref<48xf32, #tpu.memory_space<vmem_shared>>
      %dma_wait3A_16 = tpu.memref_slice %arg16[%mul3A_2] : memref<768xf32, #tpu.memory_space<vmem_shared>> -> memref<48xf32, #tpu.memory_space<vmem_shared>>
      tpu.wait_dma2 semaphore(%run_scoped3A : memref<!tpu.dma_semaphore, #tpu.memory_space<semaphore_mem>>) src(%arg14 : memref<48xf32, #tpu.memory_space<vmem>>) dst(%dma_wait3A_16 : memref<48xf32, #tpu.memory_space<vmem_shared>>)
      tpu.yield
    }) : () -> ()
    "tpu.region"() ({
      %run_scoped3A = tpu.sem_alloc : memref<!tpu.dma_semaphore, #tpu.memory_space<semaphore_mem>>
      %dma_start3A = arith.constant 0 : i32
      %dma_start3A_15 = arith.constant 0 : i32
      %dma_start3A_16 = tpu.memref_slice %arg3[%add3A, %dma_start3A, %dma_start3A_15] : memref<32x5x64xi32, #tpu.memory_space<hbm>> -> memref<1x5x64xi32, #tpu.memory_space<hbm>>
      %dma_start3A_17 = tpu.memref_squeeze %dma_start3A_16 : memref<1x5x64xi32, #tpu.memory_space<hbm>> -> memref<5x64xi32, #tpu.memory_space<hbm>>
      %dma_start3A_18 = arith.constant 0 : i32
      %dma_start3A_19 = arith.constant 0 : i32
      %dma_start3A_20 = tpu.memref_slice %arg3[%add3A, %dma_start3A_18, %dma_start3A_19] : memref<32x5x64xi32, #tpu.memory_space<hbm>> -> memref<1x5x64xi32, #tpu.memory_space<hbm>>
      %dma_start3A_21 = tpu.memref_squeeze %dma_start3A_20 : memref<1x5x64xi32, #tpu.memory_space<hbm>> -> memref<5x64xi32, #tpu.memory_space<hbm>>
      tpu.enqueue_dma source(%dma_start3A_21 : memref<5x64xi32, #tpu.memory_space<hbm>>) target(%arg10 : memref<5x64xi32, #tpu.memory_space<vmem>>) target_semaphore(%run_scoped3A : memref<!tpu.dma_semaphore, #tpu.memory_space<semaphore_mem>>)
      %dma_wait3A = arith.constant 0 : i32
      %dma_wait3A_22 = arith.constant 0 : i32
      %dma_wait3A_23 = tpu.memref_slice %arg3[%add3A, %dma_wait3A, %dma_wait3A_22] : memref<32x5x64xi32, #tpu.memory_space<hbm>> -> memref<1x5x64xi32, #tpu.memory_space<hbm>>
      %dma_wait3A_24 = tpu.memref_squeeze %dma_wait3A_23 : memref<1x5x64xi32, #tpu.memory_space<hbm>> -> memref<5x64xi32, #tpu.memory_space<hbm>>
      %dma_wait3A_25 = arith.constant 0 : i32
      %dma_wait3A_26 = arith.constant 0 : i32
      %dma_wait3A_27 = tpu.memref_slice %arg3[%add3A, %dma_wait3A_25, %dma_wait3A_26] : memref<32x5x64xi32, #tpu.memory_space<hbm>> -> memref<1x5x64xi32, #tpu.memory_space<hbm>>
      %dma_wait3A_28 = tpu.memref_squeeze %dma_wait3A_27 : memref<1x5x64xi32, #tpu.memory_space<hbm>> -> memref<5x64xi32, #tpu.memory_space<hbm>>
      tpu.wait_dma2 semaphore(%run_scoped3A : memref<!tpu.dma_semaphore, #tpu.memory_space<semaphore_mem>>) src(%dma_wait3A_28 : memref<5x64xi32, #tpu.memory_space<hbm>>) dst(%arg10 : memref<5x64xi32, #tpu.memory_space<vmem>>)
      tpu.yield
    }) : () -> ()
    %barrier3A = arith.constant 0 : index
    tpu.barrier barrier_id(%barrier3A)
    %scan3A = arith.constant 0 : i32
    %scan3A_3 = arith.constant 5 : i32
    %scan3A_4 = arith.addi %scan3A, %scan3A_3 : i32
    %scan3A_5 = arith.constant 1 : i32
    scf.for %scan3A_15 = %scan3A to %scan3A_4 step %scan3A_5  : i32 {
      %mul3A_16 = arith.constant 320 : i32
      %mul3A_17 = arith.muli %add3A, %mul3A_16 : i32
      %mul3A_18 = arith.constant 64 : i32
      %mul3A_19 = arith.muli %scan3A_15, %mul3A_18 : i32
      %add3A_20 = arith.addi %mul3A_17, %mul3A_19 : i32
      "tpu.region"() ({
        %run_scoped3A = tpu.sem_alloc : memref<!tpu.dma_semaphore, #tpu.memory_space<semaphore_mem>>
        %dma_start3A = arith.constant 0 : i32
        %dma_start3A_21 = tpu.memref_slice %arg2[%add3A_20, %dma_start3A] : memref<10240x128xf32, #tpu.memory_space<hbm>> -> memref<64x128xf32, #tpu.memory_space<hbm>>
        %dma_start3A_22 = arith.constant 0 : i32
        %dma_start3A_23 = tpu.memref_slice %arg2[%add3A_20, %dma_start3A_22] : memref<10240x128xf32, #tpu.memory_space<hbm>> -> memref<64x128xf32, #tpu.memory_space<hbm>>
        tpu.enqueue_dma source(%dma_start3A_23 : memref<64x128xf32, #tpu.memory_space<hbm>>) target(%arg11 : memref<64x128xf32, #tpu.memory_space<vmem>>) target_semaphore(%run_scoped3A : memref<!tpu.dma_semaphore, #tpu.memory_space<semaphore_mem>>)
        %dma_wait3A = arith.constant 0 : i32
        %dma_wait3A_24 = tpu.memref_slice %arg2[%add3A_20, %dma_wait3A] : memref<10240x128xf32, #tpu.memory_space<hbm>> -> memref<64x128xf32, #tpu.memory_space<hbm>>
        %dma_wait3A_25 = arith.constant 0 : i32
        %dma_wait3A_26 = tpu.memref_slice %arg2[%add3A_20, %dma_wait3A_25] : memref<10240x128xf32, #tpu.memory_space<hbm>> -> memref<64x128xf32, #tpu.memory_space<hbm>>
        tpu.wait_dma2 semaphore(%run_scoped3A : memref<!tpu.dma_semaphore, #tpu.memory_space<semaphore_mem>>) src(%dma_wait3A_26 : memref<64x128xf32, #tpu.memory_space<hbm>>) dst(%arg11 : memref<64x128xf32, #tpu.memory_space<vmem>>)
        tpu.yield
      }) : () -> ()
      "tpu.region"() ({
        %run_scoped3A = tpu.sem_alloc : memref<!tpu.dma_semaphore, #tpu.memory_space<semaphore_mem>>
        %dma_start3A = arith.constant 0 : i32
        %dma_start3A_21 = tpu.memref_slice %arg10[%scan3A_15, %dma_start3A] : memref<5x64xi32, #tpu.memory_space<vmem>> -> memref<1x64xi32, #tpu.memory_space<vmem>>
        %dma_start3A_22 = tpu.memref_squeeze %dma_start3A_21 : memref<1x64xi32, #tpu.memory_space<vmem>> -> memref<64xi32, #tpu.memory_space<vmem>>
        %dma_start3A_23 = arith.constant 0 : i32
        %dma_start3A_24 = arith.constant 0 : i32
        %dma_start3A_25 = tpu.memref_slice %arg15[%dma_start3A_23, %dma_start3A_24] : memref<768x128xf32, #tpu.memory_space<vmem_shared>> -> memref<768x128xf32, #tpu.memory_space<vmem_shared>>
        tpu.enqueue_indirect_dma source(%arg11 : memref<64x128xf32, #tpu.memory_space<vmem>>) target(%dma_start3A_25 : memref<768x128xf32, #tpu.memory_space<vmem_shared>>) offsets(%dma_start3A_22 : memref<64xi32, #tpu.memory_space<vmem>>) semaphore(%run_scoped3A : memref<!tpu.dma_semaphore, #tpu.memory_space<semaphore_mem>>) {add = true}
        %dma_wait3A = arith.constant 0 : i32
        %dma_wait3A_26 = tpu.memref_slice %arg10[%scan3A_15, %dma_wait3A] : memref<5x64xi32, #tpu.memory_space<vmem>> -> memref<1x64xi32, #tpu.memory_space<vmem>>
        %dma_wait3A_27 = tpu.memref_squeeze %dma_wait3A_26 : memref<1x64xi32, #tpu.memory_space<vmem>> -> memref<64xi32, #tpu.memory_space<vmem>>
        %dma_wait3A_28 = arith.constant 0 : i32
        %dma_wait3A_29 = arith.constant 0 : i32
        %dma_wait3A_30 = tpu.memref_slice %arg15[%dma_wait3A_28, %dma_wait3A_29] : memref<768x128xf32, #tpu.memory_space<vmem_shared>> -> memref<768x128xf32, #tpu.memory_space<vmem_shared>>
        tpu.wait_indirect_dma semaphore(%run_scoped3A : memref<!tpu.dma_semaphore, #tpu.memory_space<semaphore_mem>>) src(%arg11 : memref<64x128xf32, #tpu.memory_space<vmem>>) dst(%dma_wait3A_30 : memref<768x128xf32, #tpu.memory_space<vmem_shared>>)
        tpu.yield
      }) : () -> ()
      "tpu.region"() ({
        %run_scoped3A = tpu.sem_alloc : memref<!tpu.dma_semaphore, #tpu.memory_space<semaphore_mem>>
        %dma_start3A = arith.constant 0 : i32
        %dma_start3A_21 = tpu.memref_slice %arg10[%scan3A_15, %dma_start3A] : memref<5x64xi32, #tpu.memory_space<vmem>> -> memref<1x64xi32, #tpu.memory_space<vmem>>
        %dma_start3A_22 = tpu.memref_squeeze %dma_start3A_21 : memref<1x64xi32, #tpu.memory_space<vmem>> -> memref<64xi32, #tpu.memory_space<vmem>>
        %dma_start3A_23 = arith.constant 0 : i32
        %dma_start3A_24 = tpu.memref_slice %arg16[%dma_start3A_23] : memref<768xf32, #tpu.memory_space<vmem_shared>> -> memref<768xf32, #tpu.memory_space<vmem_shared>>
        tpu.enqueue_indirect_dma source(%arg12 : memref<64xf32, #tpu.memory_space<vmem>>) target(%dma_start3A_24 : memref<768xf32, #tpu.memory_space<vmem_shared>>) offsets(%dma_start3A_22 : memref<64xi32, #tpu.memory_space<vmem>>) semaphore(%run_scoped3A : memref<!tpu.dma_semaphore, #tpu.memory_space<semaphore_mem>>) {add = true}
        %dma_wait3A = arith.constant 0 : i32
        %dma_wait3A_25 = tpu.memref_slice %arg10[%scan3A_15, %dma_wait3A] : memref<5x64xi32, #tpu.memory_space<vmem>> -> memref<1x64xi32, #tpu.memory_space<vmem>>
        %dma_wait3A_26 = tpu.memref_squeeze %dma_wait3A_25 : memref<1x64xi32, #tpu.memory_space<vmem>> -> memref<64xi32, #tpu.memory_space<vmem>>
        %dma_wait3A_27 = arith.constant 0 : i32
        %dma_wait3A_28 = tpu.memref_slice %arg16[%dma_wait3A_27] : memref<768xf32, #tpu.memory_space<vmem_shared>> -> memref<768xf32, #tpu.memory_space<vmem_shared>>
        tpu.wait_indirect_dma semaphore(%run_scoped3A : memref<!tpu.dma_semaphore, #tpu.memory_space<semaphore_mem>>) src(%arg12 : memref<64xf32, #tpu.memory_space<vmem>>) dst(%dma_wait3A_28 : memref<768xf32, #tpu.memory_space<vmem_shared>>)
        tpu.yield
      }) : () -> ()
    }
    %scan3A_6 = arith.constant 5 : i32
    %barrier3A_7 = arith.constant 0 : index
    tpu.barrier barrier_id(%barrier3A_7)
    "tpu.region"() ({
      %run_scoped3A = tpu.sem_alloc : memref<!tpu.dma_semaphore, #tpu.memory_space<semaphore_mem>>
      %dma_start3A = arith.constant 0 : i32
      %dma_start3A_15 = arith.constant 0 : i32
      %dma_start3A_16 = tpu.memref_slice %arg13[%dma_start3A, %dma_start3A_15] : memref<64x128xf32, #tpu.memory_space<vmem>> -> memref<48x128xf32, #tpu.memory_space<vmem>>
      %dma_start3A_17 = arith.constant 0 : i32
      %dma_start3A_18 = tpu.memref_slice %arg15[%mul3A_2, %dma_start3A_17] : memref<768x128xf32, #tpu.memory_space<vmem_shared>> -> memref<48x128xf32, #tpu.memory_space<vmem_shared>>
      %dma_start3A_19 = arith.constant 0 : i32
      %dma_start3A_20 = arith.constant 0 : i32
      %dma_start3A_21 = tpu.memref_slice %arg13[%dma_start3A_19, %dma_start3A_20] : memref<64x128xf32, #tpu.memory_space<vmem>> -> memref<48x128xf32, #tpu.memory_space<vmem>>
      %dma_start3A_22 = arith.constant 0 : i32
      %dma_start3A_23 = tpu.memref_slice %arg15[%mul3A_2, %dma_start3A_22] : memref<768x128xf32, #tpu.memory_space<vmem_shared>> -> memref<48x128xf32, #tpu.memory_space<vmem_shared>>
      tpu.enqueue_dma source(%dma_start3A_23 : memref<48x128xf32, #tpu.memory_space<vmem_shared>>) target(%dma_start3A_21 : memref<48x128xf32, #tpu.memory_space<vmem>>) target_semaphore(%run_scoped3A : memref<!tpu.dma_semaphore, #tpu.memory_space<semaphore_mem>>)
      %dma_wait3A = arith.constant 0 : i32
      %dma_wait3A_24 = arith.constant 0 : i32
      %dma_wait3A_25 = tpu.memref_slice %arg13[%dma_wait3A, %dma_wait3A_24] : memref<64x128xf32, #tpu.memory_space<vmem>> -> memref<48x128xf32, #tpu.memory_space<vmem>>
      %dma_wait3A_26 = arith.constant 0 : i32
      %dma_wait3A_27 = tpu.memref_slice %arg15[%mul3A_2, %dma_wait3A_26] : memref<768x128xf32, #tpu.memory_space<vmem_shared>> -> memref<48x128xf32, #tpu.memory_space<vmem_shared>>
      %dma_wait3A_28 = arith.constant 0 : i32
      %dma_wait3A_29 = arith.constant 0 : i32
      %dma_wait3A_30 = tpu.memref_slice %arg13[%dma_wait3A_28, %dma_wait3A_29] : memref<64x128xf32, #tpu.memory_space<vmem>> -> memref<48x128xf32, #tpu.memory_space<vmem>>
      %dma_wait3A_31 = arith.constant 0 : i32
      %dma_wait3A_32 = tpu.memref_slice %arg15[%mul3A_2, %dma_wait3A_31] : memref<768x128xf32, #tpu.memory_space<vmem_shared>> -> memref<48x128xf32, #tpu.memory_space<vmem_shared>>
      tpu.wait_dma2 semaphore(%run_scoped3A : memref<!tpu.dma_semaphore, #tpu.memory_space<semaphore_mem>>) src(%dma_wait3A_32 : memref<48x128xf32, #tpu.memory_space<vmem_shared>>) dst(%dma_wait3A_30 : memref<48x128xf32, #tpu.memory_space<vmem>>)
      tpu.yield
    }) : () -> ()
    "tpu.region"() ({
      %run_scoped3A = tpu.sem_alloc : memref<!tpu.dma_semaphore, #tpu.memory_space<semaphore_mem>>
      %dma_start3A = arith.constant 0 : i32
      %dma_start3A_15 = arith.constant 0 : i32
      %dma_start3A_16 = tpu.memref_slice %arg13[%dma_start3A, %dma_start3A_15] : memref<64x128xf32, #tpu.memory_space<vmem>> -> memref<48x128xf32, #tpu.memory_space<vmem>>
      %dma_start3A_17 = arith.constant 0 : i32
      %dma_start3A_18 = tpu.memref_slice %arg7[%arg0, %mul3A_2, %dma_start3A_17] : memref<2x768x128xf32, #tpu.memory_space<hbm>> -> memref<1x48x128xf32, #tpu.memory_space<hbm>>
      %dma_start3A_19 = tpu.memref_squeeze %dma_start3A_18 : memref<1x48x128xf32, #tpu.memory_space<hbm>> -> memref<48x128xf32, #tpu.memory_space<hbm>>
      %dma_start3A_20 = arith.constant 0 : i32
      %dma_start3A_21 = tpu.memref_slice %arg7[%arg0, %mul3A_2, %dma_start3A_20] : memref<2x768x128xf32, #tpu.memory_space<hbm>> -> memref<1x48x128xf32, #tpu.memory_space<hbm>>
      %dma_start3A_22 = tpu.memref_squeeze %dma_start3A_21 : memref<1x48x128xf32, #tpu.memory_space<hbm>> -> memref<48x128xf32, #tpu.memory_space<hbm>>
      %dma_start3A_23 = arith.constant 0 : i32
      %dma_start3A_24 = arith.constant 0 : i32
      %dma_start3A_25 = tpu.memref_slice %arg13[%dma_start3A_23, %dma_start3A_24] : memref<64x128xf32, #tpu.memory_space<vmem>> -> memref<48x128xf32, #tpu.memory_space<vmem>>
      tpu.enqueue_dma source(%dma_start3A_25 : memref<48x128xf32, #tpu.memory_space<vmem>>) target(%dma_start3A_22 : memref<48x128xf32, #tpu.memory_space<hbm>>) target_semaphore(%run_scoped3A : memref<!tpu.dma_semaphore, #tpu.memory_space<semaphore_mem>>)
      %dma_wait3A = arith.constant 0 : i32
      %dma_wait3A_26 = arith.constant 0 : i32
      %dma_wait3A_27 = tpu.memref_slice %arg13[%dma_wait3A, %dma_wait3A_26] : memref<64x128xf32, #tpu.memory_space<vmem>> -> memref<48x128xf32, #tpu.memory_space<vmem>>
      %dma_wait3A_28 = arith.constant 0 : i32
      %dma_wait3A_29 = tpu.memref_slice %arg7[%arg0, %mul3A_2, %dma_wait3A_28] : memref<2x768x128xf32, #tpu.memory_space<hbm>> -> memref<1x48x128xf32, #tpu.memory_space<hbm>>
      %dma_wait3A_30 = tpu.memref_squeeze %dma_wait3A_29 : memref<1x48x128xf32, #tpu.memory_space<hbm>> -> memref<48x128xf32, #tpu.memory_space<hbm>>
      %dma_wait3A_31 = arith.constant 0 : i32
      %dma_wait3A_32 = tpu.memref_slice %arg7[%arg0, %mul3A_2, %dma_wait3A_31] : memref<2x768x128xf32, #tpu.memory_space<hbm>> -> memref<1x48x128xf32, #tpu.memory_space<hbm>>
      %dma_wait3A_33 = tpu.memref_squeeze %dma_wait3A_32 : memref<1x48x128xf32, #tpu.memory_space<hbm>> -> memref<48x128xf32, #tpu.memory_space<hbm>>
      %dma_wait3A_34 = arith.constant 0 : i32
      %dma_wait3A_35 = arith.constant 0 : i32
      %dma_wait3A_36 = tpu.memref_slice %arg13[%dma_wait3A_34, %dma_wait3A_35] : memref<64x128xf32, #tpu.memory_space<vmem>> -> memref<48x128xf32, #tpu.memory_space<vmem>>
      tpu.wait_dma2 semaphore(%run_scoped3A : memref<!tpu.dma_semaphore, #tpu.memory_space<semaphore_mem>>) src(%dma_wait3A_36 : memref<48x128xf32, #tpu.memory_space<vmem>>) dst(%dma_wait3A_33 : memref<48x128xf32, #tpu.memory_space<hbm>>)
      tpu.yield
    }) : () -> ()
    "tpu.region"() ({
      %run_scoped3A = tpu.sem_alloc : memref<!tpu.dma_semaphore, #tpu.memory_space<semaphore_mem>>
      %dma_start3A = tpu.memref_slice %arg16[%mul3A_2] : memref<768xf32, #tpu.memory_space<vmem_shared>> -> memref<48xf32, #tpu.memory_space<vmem_shared>>
      %dma_start3A_15 = tpu.memref_slice %arg16[%mul3A_2] : memref<768xf32, #tpu.memory_space<vmem_shared>> -> memref<48xf32, #tpu.memory_space<vmem_shared>>
      tpu.enqueue_dma source(%dma_start3A_15 : memref<48xf32, #tpu.memory_space<vmem_shared>>) target(%arg14 : memref<48xf32, #tpu.memory_space<vmem>>) target_semaphore(%run_scoped3A : memref<!tpu.dma_semaphore, #tpu.memory_space<semaphore_mem>>)
      %dma_wait3A = tpu.memref_slice %arg16[%mul3A_2] : memref<768xf32, #tpu.memory_space<vmem_shared>> -> memref<48xf32, #tpu.memory_space<vmem_shared>>
      %dma_wait3A_16 = tpu.memref_slice %arg16[%mul3A_2] : memref<768xf32, #tpu.memory_space<vmem_shared>> -> memref<48xf32, #tpu.memory_space<vmem_shared>>
      tpu.wait_dma2 semaphore(%run_scoped3A : memref<!tpu.dma_semaphore, #tpu.memory_space<semaphore_mem>>) src(%dma_wait3A_16 : memref<48xf32, #tpu.memory_space<vmem_shared>>) dst(%arg14 : memref<48xf32, #tpu.memory_space<vmem>>)
      tpu.yield
    }) : () -> ()
    %eq3A = arith.constant 0 : i32
    %eq3A_8 = arith.cmpi eq, %arg0, %eq3A : i32
    %convert_element_type3A = arith.extui %eq3A_8 : i1 to i32
    %cond3A = arith.constant 0 : i32
    %cond3A_9 = arith.cmpi ne, %convert_element_type3A, %cond3A : i32
    scf.if %cond3A_9 {
      "tpu.region"() ({
        %run_scoped3A = tpu.sem_alloc : memref<!tpu.dma_semaphore, #tpu.memory_space<semaphore_mem>>
        %dma_start3A = tpu.memref_slice %arg8[%mul3A_2] : memref<768xf32, #tpu.memory_space<hbm>> -> memref<48xf32, #tpu.memory_space<hbm>>
        %dma_start3A_15 = tpu.memref_slice %arg8[%mul3A_2] : memref<768xf32, #tpu.memory_space<hbm>> -> memref<48xf32, #tpu.memory_space<hbm>>
        tpu.enqueue_dma source(%arg14 : memref<48xf32, #tpu.memory_space<vmem>>) target(%dma_start3A_15 : memref<48xf32, #tpu.memory_space<hbm>>) target_semaphore(%run_scoped3A : memref<!tpu.dma_semaphore, #tpu.memory_space<semaphore_mem>>)
        %dma_wait3A = tpu.memref_slice %arg8[%mul3A_2] : memref<768xf32, #tpu.memory_space<hbm>> -> memref<48xf32, #tpu.memory_space<hbm>>
        %dma_wait3A_16 = tpu.memref_slice %arg8[%mul3A_2] : memref<768xf32, #tpu.memory_space<hbm>> -> memref<48xf32, #tpu.memory_space<hbm>>
        tpu.wait_dma2 semaphore(%run_scoped3A : memref<!tpu.dma_semaphore, #tpu.memory_space<semaphore_mem>>) src(%arg14 : memref<48xf32, #tpu.memory_space<vmem>>) dst(%dma_wait3A_16 : memref<48xf32, #tpu.memory_space<hbm>>)
        tpu.yield
      }) : () -> ()
    } else {
    }
    %eq3A_10 = arith.constant 1 : i32
    %eq3A_11 = arith.cmpi eq, %arg0, %eq3A_10 : i32
    %convert_element_type3A_12 = arith.extui %eq3A_11 : i1 to i32
    %cond3A_13 = arith.constant 0 : i32
    %cond3A_14 = arith.cmpi ne, %convert_element_type3A_12, %cond3A_13 : i32
    scf.if %cond3A_14 {
      "tpu.region"() ({
        %run_scoped3A = tpu.sem_alloc : memref<!tpu.dma_semaphore, #tpu.memory_space<semaphore_mem>>
        %dma_start3A = tpu.memref_slice %arg9[%mul3A_2] : memref<768xf32, #tpu.memory_space<hbm>> -> memref<48xf32, #tpu.memory_space<hbm>>
        %dma_start3A_15 = tpu.memref_slice %arg9[%mul3A_2] : memref<768xf32, #tpu.memory_space<hbm>> -> memref<48xf32, #tpu.memory_space<hbm>>
        tpu.enqueue_dma source(%arg14 : memref<48xf32, #tpu.memory_space<vmem>>) target(%dma_start3A_15 : memref<48xf32, #tpu.memory_space<hbm>>) target_semaphore(%run_scoped3A : memref<!tpu.dma_semaphore, #tpu.memory_space<semaphore_mem>>)
        %dma_wait3A = tpu.memref_slice %arg9[%mul3A_2] : memref<768xf32, #tpu.memory_space<hbm>> -> memref<48xf32, #tpu.memory_space<hbm>>
        %dma_wait3A_16 = tpu.memref_slice %arg9[%mul3A_2] : memref<768xf32, #tpu.memory_space<hbm>> -> memref<48xf32, #tpu.memory_space<hbm>>
        tpu.wait_dma2 semaphore(%run_scoped3A : memref<!tpu.dma_semaphore, #tpu.memory_space<semaphore_mem>>) src(%arg14 : memref<48xf32, #tpu.memory_space<vmem>>) dst(%dma_wait3A_16 : memref<48xf32, #tpu.memory_space<hbm>>)
        tpu.yield
      }) : () -> ()
    } else {
    }
    return
  }
}

module attributes {stable_mosaic.version = 14 : i64} {
  func.func @_tc_prep_body(%arg0: i32, %arg1: memref<512x128xf32, #tpu.memory_space<vmem>>, %arg2: memref<512x1xf32, #tpu.memory_space<vmem>>, %arg3: memref<512x1xf32, #tpu.memory_space<vmem>>, %arg4: memref<512x128xf32, #tpu.memory_space<vmem>>, %arg5: memref<512x1xf32, #tpu.memory_space<vmem>>) attributes {dimension_semantics = [#tpu.dimension_semantics<arbitrary>], iteration_bounds = array<i64: 20>, scalar_prefetch = 0 : i64, scratch_operands = 0 : i64, tpu.core_type = #tpu.core_type<tc>, window_params = [{transform_indices = @transform_0, window_bounds = array<i64: 512, 128>}, {transform_indices = @transform_1, window_bounds = array<i64: 512, 1>}, {transform_indices = @transform_2, window_bounds = array<i64: 512, 1>}, {transform_indices = @transform_3, window_bounds = array<i64: 512, 128>}, {transform_indices = @transform_4, window_bounds = array<i64: 512, 1>}]} {
    %get3A = arith.constant 0 : index
    %get3A_0 = arith.constant 0 : index
    %get3A_1 = vector.load %arg2[%get3A, %get3A_0] : memref<512x1xf32, #tpu.memory_space<vmem>>, vector<512x1xf32>
    %get3A_2 = arith.constant 0 : index
    %get3A_3 = arith.constant 0 : index
    %get3A_4 = vector.load %arg3[%get3A_2, %get3A_3] : memref<512x1xf32, #tpu.memory_space<vmem>>, vector<512x1xf32>
    %add3A = arith.addf %get3A_1, %get3A_4 : vector<512x1xf32>
    %add3A_5 = arith.constant 1.000000e+00 : f32
    %add3A_6 = vector.broadcast %add3A_5 : f32 to vector<512x1xf32>
    %add3A_7 = arith.addf %add3A, %add3A_6 : vector<512x1xf32>
    %rsqrt3A = math.rsqrt %add3A_7 : vector<512x1xf32>
    %swap3A = arith.constant 0 : index
    %swap3A_8 = arith.constant 0 : index
    %swap3A_9 = vector.load %arg5[%swap3A, %swap3A_8] : memref<512x1xf32, #tpu.memory_space<vmem>>, vector<512x1xf32>
    tpu.vector_store %arg5[%swap3A, %swap3A_8], %rsqrt3A {strides = array<i32>} : memref<512x1xf32, #tpu.memory_space<vmem>>, vector<512x1xf32>,
    %get3A_10 = arith.constant 0 : index
    %get3A_11 = arith.constant 0 : index
    %get3A_12 = vector.load %arg1[%get3A_10, %get3A_11] : memref<512x128xf32, #tpu.memory_space<vmem>>, vector<512x128xf32>
    %mul3A = vector.broadcast %rsqrt3A : vector<512x1xf32> to vector<512x128xf32>
    %mul3A_13 = arith.mulf %get3A_12, %mul3A : vector<512x128xf32>
    %swap3A_14 = arith.constant 0 : index
    %swap3A_15 = arith.constant 0 : index
    %swap3A_16 = vector.load %arg4[%swap3A_14, %swap3A_15] : memref<512x128xf32, #tpu.memory_space<vmem>>, vector<512x128xf32>
    tpu.vector_store %arg4[%swap3A_14, %swap3A_15], %mul3A_13 {strides = array<i32>} : memref<512x128xf32, #tpu.memory_space<vmem>>, vector<512x128xf32>,
    return
  }
  func.func @transform_0(%arg0: i32) -> (i32, i32) {
    %c0_i32 = arith.constant 0 : i32
    %c0_i32_0 = arith.constant 0 : i32
    return %arg0, %c0_i32 : i32, i32
  }
  func.func @transform_1(%arg0: i32) -> (i32, i32) {
    %c0_i32 = arith.constant 0 : i32
    %c0_i32_0 = arith.constant 0 : i32
    return %arg0, %c0_i32 : i32, i32
  }
  func.func @transform_2(%arg0: i32) -> (i32, i32) {
    %c0_i32 = arith.constant 0 : i32
    %c0_i32_0 = arith.constant 0 : i32
    return %arg0, %c0_i32 : i32, i32
  }
  func.func @transform_3(%arg0: i32) -> (i32, i32) {
    %c0_i32 = arith.constant 0 : i32
    %c0_i32_0 = arith.constant 0 : i32
    return %arg0, %c0_i32 : i32, i32
  }
  func.func @transform_4(%arg0: i32) -> (i32, i32) {
    %c0_i32 = arith.constant 0 : i32
    %c0_i32_0 = arith.constant 0 : i32
    return %arg0, %c0_i32 : i32, i32
  }
}

module attributes {stable_mosaic.version = 14 : i64} {
  func.func @_tc_layer_body(%arg0: i32, %arg1: memref<2x512x128xf32, #tpu.memory_space<vmem>>, %arg2: memref<512x128xf32, #tpu.memory_space<vmem>>, %arg3: memref<128x128xf32, #tpu.memory_space<vmem>>, %arg4: memref<1x128xf32, #tpu.memory_space<vmem>>, %arg5: memref<512x1xf32, #tpu.memory_space<vmem>>, %arg6: memref<512x128xf32, #tpu.memory_space<vmem>>) attributes {dimension_semantics = [#tpu.dimension_semantics<arbitrary>], iteration_bounds = array<i64: 20>, scalar_prefetch = 0 : i64, scratch_operands = 0 : i64, tpu.core_type = #tpu.core_type<tc>, window_params = [{transform_indices = @transform_0, window_bounds = array<i64: 2, 512, 128>}, {transform_indices = @transform_1, window_bounds = array<i64: 512, 128>}, {pipeline_mode = #tpu.pipeline_mode<synchronous>, transform_indices = @transform_2, window_bounds = array<i64: 128, 128>}, {pipeline_mode = #tpu.pipeline_mode<synchronous>, transform_indices = @transform_3, window_bounds = array<i64: 1, 128>}, {transform_indices = @transform_4, window_bounds = array<i64: 512, 1>}, {transform_indices = @transform_5, window_bounds = array<i64: 512, 128>}]} {
    %get3A = arith.constant 0 : index
    %get3A_0 = arith.constant 0 : index
    %get3A_1 = arith.constant 0 : index
    %get3A_2 = vector.load %arg1[%get3A, %get3A_0, %get3A_1] : memref<2x512x128xf32, #tpu.memory_space<vmem>>, vector<1x512x128xf32>
    %get3A_3 = vector.shape_cast %get3A_2 : vector<1x512x128xf32> to vector<512x128xf32>
    %get3A_4 = arith.constant 1 : index
    %get3A_5 = arith.constant 0 : index
    %get3A_6 = arith.constant 0 : index
    %get3A_7 = vector.load %arg1[%get3A_4, %get3A_5, %get3A_6] : memref<2x512x128xf32, #tpu.memory_space<vmem>>, vector<1x512x128xf32>
    %get3A_8 = vector.shape_cast %get3A_7 : vector<1x512x128xf32> to vector<512x128xf32>
    %add3A = arith.addf %get3A_3, %get3A_8 : vector<512x128xf32>
    %get3A_9 = arith.constant 0 : index
    %get3A_10 = arith.constant 0 : index
    %get3A_11 = vector.load %arg2[%get3A_9, %get3A_10] : memref<512x128xf32, #tpu.memory_space<vmem>>, vector<512x128xf32>
    %add3A_12 = arith.addf %add3A, %get3A_11 : vector<512x128xf32>
    %get3A_13 = arith.constant 0 : index
    %get3A_14 = arith.constant 0 : index
    %get3A_15 = vector.load %arg3[%get3A_13, %get3A_14] : memref<128x128xf32, #tpu.memory_space<vmem>>, vector<128x128xf32>
    %dot_general3A = arith.constant dense<0.000000e+00> : vector<512x128xf32>
    %dot_general3A_16 = tpu.matmul %add3A_12, %get3A_15, %dot_general3A {dimension_numbers = #tpu.dot_dimension_numbers<[1], [0], [0], [1], [0, 0, 1, 1], [], []>, transpose_lhs_hint = false} : vector<512x128xf32>, vector<128x128xf32>, vector<512x128xf32> -> vector<512x128xf32>
    %get3A_17 = arith.constant 0 : index
    %get3A_18 = arith.constant 0 : index
    %get3A_19 = vector.load %arg4[%get3A_17, %get3A_18] : memref<1x128xf32, #tpu.memory_space<vmem>>, vector<1x128xf32>
    %add3A_20 = vector.broadcast %get3A_19 : vector<1x128xf32> to vector<512x128xf32>
    %add3A_21 = arith.addf %dot_general3A_16, %add3A_20 : vector<512x128xf32>
    %max3A = arith.constant 0.000000e+00 : f32
    %max3A_22 = vector.broadcast %max3A : f32 to vector<512x128xf32>
    %max3A_23 = arith.maximumf %add3A_21, %max3A_22 : vector<512x128xf32>
    %get3A_24 = arith.constant 0 : index
    %get3A_25 = arith.constant 0 : index
    %get3A_26 = vector.load %arg5[%get3A_24, %get3A_25] : memref<512x1xf32, #tpu.memory_space<vmem>>, vector<512x1xf32>
    %mul3A = vector.broadcast %get3A_26 : vector<512x1xf32> to vector<512x128xf32>
    %mul3A_27 = arith.mulf %max3A_23, %mul3A : vector<512x128xf32>
    %swap3A = arith.constant 0 : index
    %swap3A_28 = arith.constant 0 : index
    %swap3A_29 = vector.load %arg6[%swap3A, %swap3A_28] : memref<512x128xf32, #tpu.memory_space<vmem>>, vector<512x128xf32>
    tpu.vector_store %arg6[%swap3A, %swap3A_28], %mul3A_27 {strides = array<i32>} : memref<512x128xf32, #tpu.memory_space<vmem>>, vector<512x128xf32>,
    return
  }
  func.func @transform_0(%arg0: i32) -> (i32, i32, i32) {
    %c0_i32 = arith.constant 0 : i32
    %c0_i32_0 = arith.constant 0 : i32
    %c0_i32_1 = arith.constant 0 : i32
    return %c0_i32, %arg0, %c0_i32_0 : i32, i32, i32
  }
  func.func @transform_1(%arg0: i32) -> (i32, i32) {
    %c0_i32 = arith.constant 0 : i32
    %c0_i32_0 = arith.constant 0 : i32
    return %arg0, %c0_i32 : i32, i32
  }
  func.func @transform_2(%arg0: i32) -> (i32, i32) {
    %c0_i32 = arith.constant 0 : i32
    %c0_i32_0 = arith.constant 0 : i32
    %c0_i32_1 = arith.constant 0 : i32
    return %c0_i32, %c0_i32_0 : i32, i32
  }
  func.func @transform_3(%arg0: i32) -> (i32, i32) {
    %c0_i32 = arith.constant 0 : i32
    %c0_i32_0 = arith.constant 0 : i32
    %c0_i32_1 = arith.constant 0 : i32
    return %c0_i32, %c0_i32_0 : i32, i32
  }
  func.func @transform_4(%arg0: i32) -> (i32, i32) {
    %c0_i32 = arith.constant 0 : i32
    %c0_i32_0 = arith.constant 0 : i32
    return %arg0, %c0_i32 : i32, i32
  }
  func.func @transform_5(%arg0: i32) -> (i32, i32) {
    %c0_i32 = arith.constant 0 : i32
    %c0_i32_0 = arith.constant 0 : i32
    return %arg0, %c0_i32 : i32, i32
  }
}

module attributes {stable_mosaic.version = 14 : i64} {
  func.func @_tc_mlp_body(%arg0: memref<2x768x128xf32, #tpu.memory_space<vmem>>, %arg1: memref<768x1xf32, #tpu.memory_space<vmem>>, %arg2: memref<768x1xf32, #tpu.memory_space<vmem>>, %arg3: memref<128x64xf32, #tpu.memory_space<vmem>>, %arg4: memref<1x64xf32, #tpu.memory_space<vmem>>, %arg5: memref<64x32xf32, #tpu.memory_space<vmem>>, %arg6: memref<1x32xf32, #tpu.memory_space<vmem>>, %arg7: memref<32x1xf32, #tpu.memory_space<vmem>>, %arg8: memref<1x1xf32, #tpu.memory_space<vmem>>, %arg9: memref<512x1xf32, #tpu.memory_space<vmem>>) attributes {dimension_semantics = [], scalar_prefetch = 0 : i64, scratch_operands = 0 : i64, tpu.core_type = #tpu.core_type<tc>} {
    %get3A = arith.constant 0 : index
    %get3A_0 = arith.constant 0 : index
    %get3A_1 = arith.constant 0 : index
    %get3A_2 = vector.load %arg0[%get3A, %get3A_0, %get3A_1] : memref<2x768x128xf32, #tpu.memory_space<vmem>>, vector<1x512x128xf32>
    %get3A_3 = vector.shape_cast %get3A_2 : vector<1x512x128xf32> to vector<512x128xf32>
    %get3A_4 = arith.constant 1 : index
    %get3A_5 = arith.constant 0 : index
    %get3A_6 = arith.constant 0 : index
    %get3A_7 = vector.load %arg0[%get3A_4, %get3A_5, %get3A_6] : memref<2x768x128xf32, #tpu.memory_space<vmem>>, vector<1x512x128xf32>
    %get3A_8 = vector.shape_cast %get3A_7 : vector<1x512x128xf32> to vector<512x128xf32>
    %add3A = arith.addf %get3A_3, %get3A_8 : vector<512x128xf32>
    %get3A_9 = arith.constant 0 : index
    %get3A_10 = arith.constant 0 : index
    %get3A_11 = vector.load %arg1[%get3A_9, %get3A_10] : memref<768x1xf32, #tpu.memory_space<vmem>>, vector<512x1xf32>
    %get3A_12 = arith.constant 0 : index
    %get3A_13 = arith.constant 0 : index
    %get3A_14 = vector.load %arg2[%get3A_12, %get3A_13] : memref<768x1xf32, #tpu.memory_space<vmem>>, vector<512x1xf32>
    %add3A_15 = arith.addf %get3A_11, %get3A_14 : vector<512x1xf32>
    %max3A = arith.constant 1.000000e+00 : f32
    %max3A_16 = vector.broadcast %max3A : f32 to vector<512x1xf32>
    %max3A_17 = arith.maximumf %add3A_15, %max3A_16 : vector<512x1xf32>
    %div3A = vector.broadcast %max3A_17 : vector<512x1xf32> to vector<512x128xf32>
    %div3A_18 = arith.divf %add3A, %div3A : vector<512x128xf32>
    %get3A_19 = arith.constant 0 : index
    %get3A_20 = arith.constant 0 : index
    %get3A_21 = vector.load %arg3[%get3A_19, %get3A_20] : memref<128x64xf32, #tpu.memory_space<vmem>>, vector<128x64xf32>
    %dot_general3A = arith.constant dense<0.000000e+00> : vector<512x64xf32>
    %dot_general3A_22 = tpu.matmul %div3A_18, %get3A_21, %dot_general3A {dimension_numbers = #tpu.dot_dimension_numbers<[1], [0], [0], [1], [0, 0, 1, 1], [], []>, transpose_lhs_hint = false} : vector<512x128xf32>, vector<128x64xf32>, vector<512x64xf32> -> vector<512x64xf32>
    %get3A_23 = arith.constant 0 : index
    %get3A_24 = arith.constant 0 : index
    %get3A_25 = vector.load %arg4[%get3A_23, %get3A_24] : memref<1x64xf32, #tpu.memory_space<vmem>>, vector<1x64xf32>
    %add3A_26 = vector.broadcast %get3A_25 : vector<1x64xf32> to vector<512x64xf32>
    %add3A_27 = arith.addf %dot_general3A_22, %add3A_26 : vector<512x64xf32>
    %max3A_28 = arith.constant 0.000000e+00 : f32
    %max3A_29 = vector.broadcast %max3A_28 : f32 to vector<512x64xf32>
    %max3A_30 = arith.maximumf %add3A_27, %max3A_29 : vector<512x64xf32>
    %get3A_31 = arith.constant 0 : index
    %get3A_32 = arith.constant 0 : index
    %get3A_33 = vector.load %arg5[%get3A_31, %get3A_32] : memref<64x32xf32, #tpu.memory_space<vmem>>, vector<64x32xf32>
    %dot_general3A_34 = arith.constant dense<0.000000e+00> : vector<512x32xf32>
    %dot_general3A_35 = tpu.matmul %max3A_30, %get3A_33, %dot_general3A_34 {dimension_numbers = #tpu.dot_dimension_numbers<[1], [0], [0], [1], [0, 0, 1, 1], [], []>, transpose_lhs_hint = false} : vector<512x64xf32>, vector<64x32xf32>, vector<512x32xf32> -> vector<512x32xf32>
    %get3A_36 = arith.constant 0 : index
    %get3A_37 = arith.constant 0 : index
    %get3A_38 = vector.load %arg6[%get3A_36, %get3A_37] : memref<1x32xf32, #tpu.memory_space<vmem>>, vector<1x32xf32>
    %add3A_39 = vector.broadcast %get3A_38 : vector<1x32xf32> to vector<512x32xf32>
    %add3A_40 = arith.addf %dot_general3A_35, %add3A_39 : vector<512x32xf32>
    %max3A_41 = arith.constant 0.000000e+00 : f32
    %max3A_42 = vector.broadcast %max3A_41 : f32 to vector<512x32xf32>
    %max3A_43 = arith.maximumf %add3A_40, %max3A_42 : vector<512x32xf32>
    %get3A_44 = arith.constant 0 : index
    %get3A_45 = arith.constant 0 : index
    %get3A_46 = vector.load %arg7[%get3A_44, %get3A_45] : memref<32x1xf32, #tpu.memory_space<vmem>>, vector<32x1xf32>
    %dot_general3A_47 = arith.constant dense<0.000000e+00> : vector<512x1xf32>
    %dot_general3A_48 = tpu.matmul %max3A_43, %get3A_46, %dot_general3A_47 {dimension_numbers = #tpu.dot_dimension_numbers<[1], [0], [0], [1], [0, 0, 1, 1], [], []>, transpose_lhs_hint = false} : vector<512x32xf32>, vector<32x1xf32>, vector<512x1xf32> -> vector<512x1xf32>
    %get3A_49 = arith.constant 0 : index
    %get3A_50 = arith.constant 0 : index
    %get3A_51 = vector.load %arg8[%get3A_49, %get3A_50] : memref<1x1xf32, #tpu.memory_space<vmem>>, vector<1x1xf32>
    %add3A_52 = vector.broadcast %get3A_51 : vector<1x1xf32> to vector<512x1xf32>
    %add3A_53 = arith.addf %dot_general3A_48, %add3A_52 : vector<512x1xf32>
    %swap3A = arith.constant 0 : index
    %swap3A_54 = arith.constant 0 : index
    %swap3A_55 = vector.load %arg9[%swap3A, %swap3A_54] : memref<512x1xf32, #tpu.memory_space<vmem>>, vector<512x1xf32>
    tpu.vector_store %arg9[%swap3A, %swap3A_54], %add3A_53 {strides = array<i32>} : memref<512x1xf32, #tpu.memory_space<vmem>>, vector<512x1xf32>,
    return
  }
}

</mosaic_0001>

<sc_bundles>
// kernel: kernel.14.cloned.1.call-start
scs
__scs_entry_jumppad:
0x0: {  	(pc) =	sbr.rel $0x88, $3  }
0x1: {  	(tag) =	ssettag $0x0;
	lr =	simm.s32 $0x1  }
0x2: {  	[smem:$0x3F8F] =	sst lr;
	_ =	strace $0xD0000000  }
0x3: {  	_ = 	snop  }
0x4: {  	_ = 	snop  }
0x5: {  	_ = 	snop  }
0x6: {  	_ = 	snop  }
0x7: {  	_ = 	snop  }
__scs_overlays_trampoline_lowered:
0x8: {  	[smem:$0x3F9E] =	sst s0  }
0x9: {  	[smem:$0x3F9F] =	sst s1  }
0xa: {  	[smem:$0x3FA0] =	sst s2  }
0xb: {  	[smem:$0x3FA1] =	sst s3  }
0xc: {  	[smem:$0x3FA2] =	sst s4  }
0xd: {  	[smem:$0x3FA3] =	sst s5  }
0xe: {  	[smem:$0x3FA4] =	sst s6  }
0xf: {  	[smem:$0x3FA5] =	sst s7  }
0x10: {  	[smem:$0x3FA6] =	sst s8  }
0x11: {  	[smem:$0x3FA7] =	sst s9;
	s0 =	simm.s32 @!p0 $0x0  }
0x12: {  	s1 =	sld [smem:$0x3F8D];
	s0 =	simm.s32 @p0 $0x1  }
0x13: {  	[smem:$0x3FA8] =	sst s0;
	s0 =	simm.s32 @!p1 $0x0  }
0x14: {  	s2 =	sld [smem:$0x3F8C];
	s0 =	simm.s32 @p1 $0x1  }
0x15: {  	[smem:$0x3FA9] =	sst s0;
	s0 =	simm.s32 @!p2 $0x0  }
0x16: {  	s3 =	sld [smem:$0x3FDB];
	s0 =	simm.s32 @p2 $0x1  }
0x17: {  	s4 =	simm.s32 $0x1BF5;
	[smem:$0x3FAB] =	sst s0  }
0x18: {  	s0 =	sld [smem:$0x3F8E];
	_ =	swait.ge [sflag:s4], $0x0  }
0x19: {  	s7 =	sld [smem:$0x3F8F]  }
0x1a: {  	s8 =	sadd.s32 $0xFFFFE003, lr  }
0x1b: {  	s9 =	sadd.s32 $0xFFFFFEF7, lr;
	s5 =	simm.s32 $0xFFFFFFFF;
	p2 =	slt.u32 s8, $0xFFFFF086  }
0x1c: {  	p1 =	slt.u32 s9, $0xF7A;
	s5 =	simm.s32 @!p2 $0x0  }
0x1d: {  	s5 =	simm.s32 @p1 $0x1;
	p0 =	seq.s32 s7, s2  }
0x1e: {  	s7 =	smul.u32 @!p0 $0xF7A, s2;
	p2 =	seq.s32 @!p0 s5, $0x0  }
0x1f: {  	s9 =	smul.u32 $0xF7A, s1;
	s8 =	simm.s32 @!p0 $0x1BF5;
	p2 =	por !p2, p0  }
0x20: {  	[sflag:s8] =	ssyncset.s32 @!p0 $0xFFFFF086;
	s6 =	sadd.s32 @!p0 s3, s7;
	s7 =	simm.s32 @!p0 $0x108  }
0x21: {  	s3 =	sadd.s32 s3, s9;
	s6 =	sadd.s32 @!p0 $0x88, s6;
	s7 =	simm.s32 @p2 $0x1082  }
0x22: {  	[simem:s7], [sflag:s8] =	dma.local @!p0 [hbm:s6], $0xF7A  }
0x23: {  	s9 =	sor.u32 $0xD0000000, s2;
	s6 =	simm.s32 $0x108;
	_ =	swait.ge @!p0 [sflag:s8], $0x0  }
0x24: {  	s3 =	sadd.s32 $0x88, s3;
	s6 =	simm.s32 @!p1 $0x1082;
	[sflag:s4] =	ssyncset.s32 $0xFFFFF086  }
0x25: {  	[simem:s6], [sflag:s4] =	dma.local [hbm:s3], $0xF7A  }
0x26: {  	[smem:$0x3F8F] =	sst s1;
	(tag) =	ssettag s2;
	_ =	strace s9  }
0x27: {  	s1 =	sld [smem:$0x3F9F]  }
0x28: {  	s2 =	sld [smem:$0x3FA0]  }
0x29: {  	s4 =	sld [smem:$0x3FA2]  }
0x2a: {  	p0 =	seq.s32 s5, $0x0;
	s5 =	sld [smem:$0x3FA3]  }
0x2b: {  	s6 =	sld [smem:$0x3FA4]  }
0x2c: {  	s7 =	sld [smem:$0x3FA5]  }
0x2d: {  	s3 =	simm.s32 $0x108;
	s8 =	sld [smem:$0x3FA6]  }
0x2e: {  	s3 =	simm.s32 @!p0 $0x1082;
	s9 =	sld [smem:$0x3FA7]  }
0x2f: {  	lr =	sadd.s32 s0, s3;
	s0 =	sld [smem:$0x3F9E]  }
0x30: {  	s3 =	sld [smem:$0x3FA1]  }
0x31: {  	[smem:$0x3FAA] =	sst s10  }
0x32: {  	s10 =	sld [smem:$0x3FA8];
	_ =	sdelay $0x3  }
0x33: {  	p0 =	seq.s32 s10, $0x1;
	s10 =	sld [smem:$0x3FAA];
	_ =	sdelay $0x3  }
0x34: {  	[smem:$0x3FAA] =	sst s10  }
0x35: {  	s10 =	sld [smem:$0x3FA9];
	_ =	sdelay $0x3  }
0x36: {  	p1 =	seq.s32 s10, $0x1;
	s10 =	sld [smem:$0x3FAA];
	_ =	sdelay $0x3  }
0x37: {  	[smem:$0x3FAA] =	sst s10  }
0x38: {  	s10 =	sld [smem:$0x3FAB]  }
0x39: {  	_ = 	snop;
	(pc) =	sbr.ind lr, $3  }
0x3a: {  	_ = 	snop  }
0x3b: {  	_ = 	snop  }
0x3c: {  	p2 =	seq.s32 s10, $0x1;
	s10 =	sld [smem:$0x3FAA]  }
0x3d: {  	_ =	shalt  }
0x3e: {  	_ =	shalt  }
0x3f: {  	_ =	shalt  }
0x40: {  	_ =	shalt  }
0x41: {  	_ =	shalt  }
0x42: {  	_ =	shalt  }
0x43: {  	_ =	shalt  }
0x44: {  	_ =	shalt  }
0x45: {  	_ =	shalt  }
0x46: {  	_ =	shalt  }
0x47: {  	_ =	shalt  }
0x48: {  	_ =	shalt  }
0x49: {  	_ =	shalt  }
0x4a: {  	_ =	shalt  }
0x4b: {  	_ =	shalt  }
0x4c: {  	_ =	shalt  }
0x4d: {  	_ =	shalt  }
0x4e: {  	_ =	shalt  }
0x4f: {  	_ =	shalt  }
0x50: {  	_ =	shalt  }
0x51: {  	_ =	shalt  }
0x52: {  	_ =	shalt  }
0x53: {  	_ =	shalt  }
0x54: {  	_ =	shalt  }
0x55: {  	_ =	shalt  }
0x56: {  	_ =	shalt  }
0x57: {  	_ =	shalt  }
0x58: {  	_ =	shalt  }
0x59: {  	_ =	shalt  }
0x5a: {  	_ =	shalt  }
0x5b: {  	_ =	shalt  }
0x5c: {  	_ =	shalt  }
0x5d: {  	_ =	shalt  }
0x5e: {  	_ =	shalt  }
0x5f: {  	_ =	shalt  }
0x60: {  	_ =	shalt  }
0x61: {  	_ =	shalt  }
0x62: {  	_ =	shalt  }
0x63: {  	_ =	shalt  }
0x64: {  	_ =	shalt  }
0x65: {  	_ =	shalt  }
0x66: {  	_ =	shalt  }
0x67: {  	_ =	shalt  }
0x68: {  	_ =	shalt  }
0x69: {  	_ =	shalt  }
0x6a: {  	_ =	shalt  }
0x6b: {  	_ =	shalt  }
0x6c: {  	_ =	shalt  }
0x6d: {  	_ =	shalt  }
0x6e: {  	_ =	shalt  }
0x6f: {  	_ =	shalt  }
0x70: {  	_ =	shalt  }
0x71: {  	_ =	shalt  }
0x72: {  	_ =	shalt  }
0x73: {  	_ =	shalt  }
0x74: {  	_ =	shalt  }
0x75: {  	_ =	shalt  }
0x76: {  	_ =	shalt  }
0x77: {  	_ =	shalt  }
0x78: {  	_ =	shalt  }
0x79: {  	_ =	shalt  }
0x7a: {  	_ =	shalt  }
0x7b: {  	_ =	shalt  }
0x7c: {  	_ =	shalt  }
0x7d: {  	_ =	shalt  }
0x7e: {  	_ =	shalt  }
0x7f: {  	_ =	shalt  }
0x80: {  	_ =	shalt  }
0x81: {  	_ =	shalt  }
0x82: {  	_ =	shalt  }
0x83: {  	_ =	shalt  }
0x84: {  	_ =	shalt  }
0x85: {  	_ =	shalt  }
0x86: {  	_ =	shalt  }
0x87: {  	_ =	shalt  }
.Lfunc_end0:
.L_simem_size_0:
called_computation_lowered:
.L_overlay_start_0:
0x88: {  	s2 =	sld [smem:$0x3FD9]  }
0x89: {  	s3 =	sld [smem:$0x3FFE];
	_ =	sdelay $0x1  }
0x8a: {  	s1 =	srdreg.scid  }
0x8b: {  	s0 =	sand.u32 $0x1, s1  }
0x8c: {  	s17 =	sshll.u32 s0, $0xA;
	s2 =	sadd.s32 s3, s2  }
0x8d: {  	s2 =	sadd.s32 s2, s17  }
0x8e: {  	[smem:$0x3FB6] =	sst s2  }
0x8f: {  	_ = 	snop  }
0x90: {  	s2 =	sld [smem:$0x3FC6]  }
0x91: {  	s18 =	sld [smem:$0x3FD0];
	(tm) =	ssettm $0x1  }
0x92: {  	s4 =	sld [smem:$0x3FFB];
	_ =	sdelay $0x3  }
0x93: {  	_ =	strace s4  }
0x94: {  	s4 =	sld [smem:$0x3FFC];
	_ =	sdelay $0x3  }
0x95: {  	_ =	strace s4  }
0x96: {  	s4 =	sld [smem:$0x3FFD];
	_ =	sdelay $0x3  }
0x97: {  	_ =	strace s4  }
0x98: {  	_ =	strace $0x8FFFFFFF  }
0x99: {  	s19 =	sld [smem:$0x3FDB];
	_ =	sdelay $0x1  }
0x9a: {  	s5 =	simm.s32 $_scs_section_size  }
0x9b: {  	s6 =	simm.s32 $_size__tile_overlayer_lowered;
	s7 =	simm.s32 $_tile_overlayer_lowered  }
0x9c: {  	s22 =	simm.s32 $0x1BFF;
	s21 =	sshll.u32 s7, $0x1;
	s4 =	sadd.s32 s5, s19  }
0x9d: {  	s8 =	simm.s32 $0x0;
	s20 =	sshll.u32 s6, $0x1;
	s6 =	sadd.s32 s21, s4  }
0x9e: {  	[timem:s8], [sflag:s22] =	dma.local [hbm:s6], s20  }
0x9f: {  	_ =	swait.ge [sflag:s22], s20  }
0xa0: {  	s5 =	ssub.s32 $0x0, s20;
	[sflag:s22] =	ssyncset.done $0x0  }
0xa1: {  	[sflag:s22] =	ssyncadd.s32 s5;
	_ =	sdelay $0x1  }
0xa2: {  	s23 =	simm.s32 $0x1B8B  }
0xa3: {  	_ =	swait.ge [sflag:s23], $0x1  }
0xa4: {  	[sflag:s23] =	ssyncset.done $0x0  }
0xa5: {  	s25 =	simm.s32 $0x1B8E;
	s24 =	sld [smem:$0x3FFE];
	[sflag:s23] =	ssyncadd.s32 $0xFFFFFFFF  }
0xa6: {  	s26 =	simm.s32 $execute0_lowered;
	[smem:$0x3FD2] =	sst s25  }
0xa7: {  	s6 =	sshll.u32 s26, $0x1;
	_ =	strace $0x80000046;
	[dreg:$0x1] =	wrdreg $0xFFFFFFFF  }
0xa8: {  	s28 =	simm.s32 $_size_execute0_lowered;
	s4 =	sadd.s32 s4, s6;
	[dreg:$0x0] =	wrdreg $0x0  }
0xa9: {  	s6 =	sshll.u32 s28, $0x1;
	[dreg:$0x2] =	wrdreg s4  }
0xaa: {  	[dreg:$0x3] =	wrdreg s6  }
0xab: {  	[dreg:$0x4] =	wrdreg $0xC0  }
0xac: {  	_ =	task [dreg:s8], $0x5FFFF  }
0xad: {  	[dreg:$0x1] =	wrdreg $0xFFFFFFFF  }
0xae: {  	[dreg:$0x0] =	wrdreg $0x60  }
0xaf: {  	[dreg:$0x2] =	wrdreg s24  }
0xb0: {  	[dreg:$0x3] =	wrdreg s2  }
0xb1: {  	[dreg:$0x4] =	wrdreg s18  }
0xb2: {  	[dreg:$0x5] =	wrdreg $0x4C000  }
0xb3: {  	[dreg:$0x6] =	wrdreg $0x9  }
0xb4: {  	_ =	task.clear_ibuf [dreg:s8], $0x7FFFF;
	_ =	strace $0x90000046  }
0xb5: {  	s29 =	simm.s32 $0x9;
	_ =	strace $0x80000048  }
0xb6: {  	_ =	swait.ge [sflag:s29], $0x1  }
0xb7: {  	[sflag:s29] =	ssyncadd.s32 $0xFFFFFFFF  }
0xb8: {  	_ =	strace $0x90000048  }
0xb9: {  	_ =	sfence  }
0xba: {  	s30 =	sld [smem:$0x0];
	_ =	sdelay $0x2  }
0xbb: {  	s31 =	sshll.u32 s1, $0xD;
	s1 =	sshrl.u32 s1, $0x2  }
0xbc: {  	s3 =	sand.u32 $0x4000, s31;
	s1 =	sadd.s32 s1, s30  }
0xbd: {  	s0 =	sor.u32 s3, s0;
	s1 =	sshll.u32 s1, $0x11  }
0xbe: {  	s0 =	sor.u32 s1, s0  }
0xbf: {  	s0 =	sadd.s32 $0x8F2B, s0  }
0xc0: {  	[sflag:s0] =	ssyncadd.remote.s32 $0x1  }
0xc1: {  	_ =	sfence.sel $0xFFFF  }
0xc2: {  	[dreg:$0x0] =	wrdreg $0xFFFFFFFF;
	(pc) =	sbr.abs _section_cstart, $3  }
0xc3: {  	[dreg:$0x1] =	wrdreg $0xFFFFFFFF  }
0xc4: {  	_ =	task.clear_ibuf [dreg:s8], $0x2FFFF;
	_ =	strace $0x9FFFFFFF  }
0xc5: {  	(tm) =	ssettm $0x7FFFFFFF  }
tec
execute0_lowered:
.L_overlay_start_1:
0x0: {  	(tag) =	ssettag $0x1  }
0x1: {  	s0 =	rddreg [dreg:$0x0]  }
0x2: {  	s1 =	rddreg [dreg:$0x1]  }
0x3: {  	s2 =	srdreg.scid;
	s12 =	stileid.u32  }
0x4: {  	s4 =	rddreg [dreg:$0x3];
	s5 =	simm.s32 $0x0;
	s2 =	sand.u32 $0x1, s2  }
0x5: {  	s3 =	sshll.u32 s12, $0x1;
	[smem:$0x7FF] =	sst s5;
	s9 =	smul.u32 $0xA00, s12  }
0x6: {  	s8 =	sadd.s32 $0xF000, s0;
	s10 =	sadd.s32 $0xF600, s0;
	s24 =	smul.u32 $0x280, s12  }
0x7: {  	s12 =	simm.s32 $0x4980;
	s3 =	sor.u32 s2, s3;
	_ =	strace $0x80000047  }
0x8: {  	s7 =	ssub.s32 $0x2, s2;
	[dreg:$0x5] =	wrdreg s10;
	s10 =	sadd.s32 $0x10400, s0  }
0x9: {  	p0 =	seq.s32 s2, $0x1;
	s6 =	smul.u32 $0x500, s3;
	s11 =	sshrl.u32 s7, $0x1  }
0xa: {  	s23 =	sshrl.u32 s9, $0x2;
	s25 =	smul.u32 $0x140, s3;
	s26 =	sadd.s32 s24, s4  }
0xb: {  	s2 =	sshrl.u32 s24, $0x3;
	s3 =	smul.u32 $0x1400, s3;
	s9 =	simm.s32 $0x2900  }
0xc: {  	s11 =	ssub.s32 s7, s11;
	s7 =	sadd.s32 s23, s4;
	[dreg:$0x7] =	wrdreg s26  }
0xd: {  	s6 =	sadd.s32 s6, s0;
	s13 =	smax.u32 s11, $0x1;
	s14 =	sshrl.u32 s25, $0x3  }
0xe: {  	s15 =	sadd.s32 $0x40, s7;
	s16 =	sadd.s32 $0x40, s25;
	s3 =	sadd.s32 s10, s3  }
0xf: {  	s18 =	sadd.s32 $0x80, s25;
	s21 =	sadd.s32 $0xC0, s25;
	s24 =	sadd.s32 $0x100, s25  }
0x10: {  	s28 =	sadd.s32 $0x180, s7;
	s29 =	sadd.s32 $0x1C0, s7;
	[dreg:$0x8] =	wrdreg s13  }
0x11: {  	s30 =	sadd.s32 $0x200, s7;
	s31 =	sadd.s32 $0x240, s7;
	[dreg:$0x9] =	wrdreg s15  }
0x12: {  	s11 =	simm.s32 $0x80;
	s6 =	sadd.s32 $0x5000, s6;
	[dreg:$0xb] =	wrdreg s3  }
0x13: {  	s17 =	sshrl.u32 s16, $0x3;
	s19 =	sshll.u32 s16, $0x4;
	s20 =	sshrl.u32 s18, $0x3  }
0x14: {  	s22 =	sshll.u32 s18, $0x4;
	s23 =	sshrl.u32 s21, $0x3;
	s25 =	sshrl.u32 s24, $0x3  }
0x15: {  	s26 =	sshll.u32 s24, $0x4;
	s13 =	simm.s32 $0x0;
	[dreg:$0x6] =	wrdreg s6  }
0x16: {  	s6 =	sadd.s32 s8, s14;
	s3 =	sadd.s32 s8, s17;
	s16 =	sadd.s32 s8, s20  }
0x17: {  	s17 =	sadd.s32 s10, s22;
	s18 =	sadd.s32 s8, s23;
	[dreg:$0xa] =	wrdreg s6  }
0x18: {  	s22 =	sadd.s32 $0x80, s7;
	s23 =	sadd.s32 $0xC0, s7;
	[dreg:$0xc] =	wrdreg s3  }
0x19: {  	s3 =	sadd.s32 s10, s19;
	s19 =	sadd.s32 s8, s25;
	s6 =	simm.s32 $0xFE00  }
0x1a: {  	s25 =	sadd.s32 $0x100, s7;
	s8 =	simm.s32 $0x40;
	[dreg:$0xd] =	wrdreg s3  }
0x1b: {  	s3 =	sshll.u32 s21, $0x4;
	s6 =	simm.s32 @!p0 $0xF800;
	s21 =	sadd.s32 s10, s26  }
0x1c: {  	s26 =	sadd.s32 $0x140, s7;
	s20 =	sadd.s32 s10, s3;
	s0 =	sadd.s32 s6, s0  }
0x1d: {  	s3 =	simm.s32 $0x2800;
	s6 =	simm.s32 $0x2880;
	s10 =	simm.s32 $0x1  }
0x1e: {  	s24 =	sadd.s32 s0, s2;
	s2 =	simm.s32 $0x4900;
	s0 =	simm.s32 $0x2  }
.LBB2_1:
0x1f: {  	s14 =	rddreg [dreg:$0x2]  }
0x20: {  	[tilespmem:s2], [sflag:$0x2] =	stream.linear.gather [hbm4b:s14+s5], $0x80, $0x38;
	[tilespmem:$0x4E80] =	vst v63  }
0x21: {  	_ =	swait.ge [sflag:s0], $0x80  }
0x22: {  	[sflag:s0] =	ssyncset.done $0x0  }
0x23: {  	s15 =	rddreg [dreg:$0x5];
	[sflag:s0] =	ssyncadd.s32 $0xFFFFFF80  }
0x24: {  	[tilespmem:s3], [sflag:$0x2] =	stream.linear.gather [hbm4b:s15+s5], $0x80, $0x38;
	[tilespmem:$0x4E80] =	vst v63  }
0x25: {  	_ =	swait.ge [sflag:s0], $0x80  }
0x26: {  	[sflag:s0] =	ssyncset.done $0x0  }
0x27: {  	[sflag:s0] =	ssyncadd.s32 $0xFFFFFF80  }
0x28: {  	[spmem:s7] =	stream.linear.scatter [tilespmem:s2], [sflag:$0x2], $0x40, $0x38;
	[tilespmem:$0x4E80] =	vst v63  }
0x29: {  	_ =	swait.ge [sflag:s0], $0x40  }
0x2a: {  	[sflag:s0] =	ssyncset.done $0x0  }
0x2b: {  	s15 =	rddreg [dreg:$0x9];
	[sflag:s0] =	ssyncadd.s32 $0xFFFFFFC0  }
0x2c: {  	[spmem:s15] =	stream.linear.scatter [tilespmem:s2], [sflag:$0x2], $0x40, $0x38;
	[tilespmem:$0x4E80] =	vst v63  }
0x2d: {  	_ =	swait.ge [sflag:s0], $0x40  }
0x2e: {  	[sflag:s0] =	ssyncset.done $0x0  }
0x2f: {  	[sflag:s0] =	ssyncadd.s32 $0xFFFFFFC0  }
0x30: {  	[spmem:s22] =	stream.linear.scatter [tilespmem:s2], [sflag:$0x2], $0x40, $0x38;
	[tilespmem:$0x4E80] =	vst v63  }
0x31: {  	_ =	swait.ge [sflag:s0], $0x40  }
0x32: {  	[sflag:s0] =	ssyncset.done $0x0  }
0x33: {  	[sflag:s0] =	ssyncadd.s32 $0xFFFFFFC0  }
0x34: {  	[spmem:s23] =	stream.linear.scatter [tilespmem:s2], [sflag:$0x2], $0x40, $0x38;
	[tilespmem:$0x4E80] =	vst v63  }
0x35: {  	_ =	swait.ge [sflag:s0], $0x40  }
0x36: {  	[sflag:s0] =	ssyncset.done $0x0  }
0x37: {  	[sflag:s0] =	ssyncadd.s32 $0xFFFFFFC0  }
0x38: {  	[spmem:s25] =	stream.linear.scatter [tilespmem:s2], [sflag:$0x2], $0x40, $0x38;
	[tilespmem:$0x4E80] =	vst v63  }
0x39: {  	_ =	swait.ge [sflag:s0], $0x40  }
0x3a: {  	[sflag:s0] =	ssyncset.done $0x0  }
0x3b: {  	[sflag:s0] =	ssyncadd.s32 $0xFFFFFFC0  }
0x3c: {  	[spmem:s26] =	stream.linear.scatter [tilespmem:s2], [sflag:$0x2], $0x40, $0x38;
	[tilespmem:$0x4E80] =	vst v63  }
0x3d: {  	_ =	swait.ge [sflag:s0], $0x40  }
0x3e: {  	[sflag:s0] =	ssyncset.done $0x0  }
0x3f: {  	[sflag:s0] =	ssyncadd.s32 $0xFFFFFFC0  }
0x40: {  	[spmem:s28] =	stream.linear.scatter [tilespmem:s2], [sflag:$0x2], $0x40, $0x38;
	[tilespmem:$0x4E80] =	vst v63  }
0x41: {  	_ =	swait.ge [sflag:s0], $0x40  }
0x42: {  	[sflag:s0] =	ssyncset.done $0x0  }
0x43: {  	[sflag:s0] =	ssyncadd.s32 $0xFFFFFFC0  }
0x44: {  	[spmem:s29] =	stream.linear.scatter [tilespmem:s2], [sflag:$0x2], $0x40, $0x38;
	[tilespmem:$0x4E80] =	vst v63  }
0x45: {  	_ =	swait.ge [sflag:s0], $0x40  }
0x46: {  	[sflag:s0] =	ssyncset.done $0x0  }
0x47: {  	[sflag:s0] =	ssyncadd.s32 $0xFFFFFFC0  }
0x48: {  	[spmem:s30] =	stream.linear.scatter [tilespmem:s2], [sflag:$0x2], $0x40, $0x38;
	[tilespmem:$0x4E80] =	vst v63  }
0x49: {  	_ =	swait.ge [sflag:s0], $0x40  }
0x4a: {  	[sflag:s0] =	ssyncset.done $0x0  }
0x4b: {  	[sflag:s0] =	ssyncadd.s32 $0xFFFFFFC0  }
0x4c: {  	[spmem:s31] =	stream.linear.scatter [tilespmem:s2], [sflag:$0x2], $0x40, $0x38;
	[tilespmem:$0x4E80] =	vst v63  }
0x4d: {  	_ =	swait.ge [sflag:s0], $0x40  }
0x4e: {  	[sflag:s0] =	ssyncset.done $0x0  }
0x4f: {  	s15 =	rddreg [dreg:$0xa];
	[sflag:s0] =	ssyncadd.s32 $0xFFFFFFC0  }
0x50: {  	[tilespmem:s6], [sflag:$0x2] =	stream.linear.gather [hbm4b:s15+s5], $0x40, $0x38;
	[tilespmem:$0x4E80] =	vst v63  }
0x51: {  	_ =	swait.ge [sflag:s0], $0x40  }
0x52: {  	[sflag:s0] =	ssyncset.done $0x0  }
0x53: {  	[sflag:s0] =	ssyncadd.s32 $0xFFFFFFC0  }
0x54: {  	[tilespmem:s9], [sflag:$0x1] =	stream.indirect.gather [hbm4b:s1+s8], $0x80, s6, s8, $0xb8;
	[tilespmem:$0x4E80] =	vst v63  }
0x55: {  	_ =	swait.ge [sflag:s10], $0x2000  }
0x56: {  	[sflag:s10] =	ssyncset.done $0x0  }
0x57: {  	s15 =	rddreg [dreg:$0xb];
	[sflag:s10] =	ssyncadd.s32 $0xFFFFE000  }
0x58: {  	[hbm4b:s15+s5] =	stream.linear.scatter [tilespmem:s9], [sflag:$0x2], $0x2000, $0x38;
	[tilespmem:$0x4E80] =	vst v63  }
0x59: {  	_ =	swait.ge [sflag:s0], $0x2000  }
0x5a: {  	[sflag:s0] =	ssyncset.done $0x0  }
0x5b: {  	s15 =	rddreg [dreg:$0xc];
	[sflag:s0] =	ssyncadd.s32 $0xFFFFE000  }
0x5c: {  	[tilespmem:s6], [sflag:$0x2] =	stream.linear.gather [hbm4b:s15+s5], $0x40, $0x38;
	[tilespmem:$0x4E80] =	vst v63  }
0x5d: {  	_ =	swait.ge [sflag:s0], $0x40  }
0x5e: {  	[sflag:s0] =	ssyncset.done $0x0  }
0x5f: {  	[sflag:s0] =	ssyncadd.s32 $0xFFFFFFC0  }
0x60: {  	[tilespmem:s9], [sflag:$0x1] =	stream.indirect.gather [hbm4b:s1+s8], $0x80, s6, s8, $0xb8;
	[tilespmem:$0x4E80] =	vst v63  }
0x61: {  	_ =	swait.ge [sflag:s10], $0x2000  }
0x62: {  	[sflag:s10] =	ssyncset.done $0x0  }
0x63: {  	s15 =	rddreg [dreg:$0xd];
	[sflag:s10] =	ssyncadd.s32 $0xFFFFE000  }
0x64: {  	[hbm4b:s15+s5] =	stream.linear.scatter [tilespmem:s9], [sflag:$0x2], $0x2000, $0x38;
	[tilespmem:$0x4E80] =	vst v63  }
0x65: {  	_ =	swait.ge [sflag:s0], $0x2000  }
0x66: {  	[sflag:s0] =	ssyncset.done $0x0  }
0x67: {  	[sflag:s0] =	ssyncadd.s32 $0xFFFFE000  }
0x68: {  	[tilespmem:s6], [sflag:$0x2] =	stream.linear.gather [hbm4b:s16+s5], $0x40, $0x38;
	[tilespmem:$0x4E80] =	vst v63  }
0x69: {  	_ =	swait.ge [sflag:s0], $0x40  }
0x6a: {  	[sflag:s0] =	ssyncset.done $0x0  }
0x6b: {  	[sflag:s0] =	ssyncadd.s32 $0xFFFFFFC0  }
0x6c: {  	[tilespmem:s9], [sflag:$0x1] =	stream.indirect.gather [hbm4b:s1+s8], $0x80, s6, s8, $0xb8;
	[tilespmem:$0x4E80] =	vst v63  }
0x6d: {  	_ =	swait.ge [sflag:s10], $0x2000  }
0x6e: {  	[sflag:s10] =	ssyncset.done $0x0  }
0x6f: {  	[sflag:s10] =	ssyncadd.s32 $0xFFFFE000  }
0x70: {  	[hbm4b:s17+s5] =	stream.linear.scatter [tilespmem:s9], [sflag:$0x2], $0x2000, $0x38;
	[tilespmem:$0x4E80] =	vst v63  }
0x71: {  	_ =	swait.ge [sflag:s0], $0x2000  }
0x72: {  	[sflag:s0] =	ssyncset.done $0x0  }
0x73: {  	[sflag:s0] =	ssyncadd.s32 $0xFFFFE000  }
0x74: {  	[tilespmem:s6], [sflag:$0x2] =	stream.linear.gather [hbm4b:s18+s5], $0x40, $0x38;
	[tilespmem:$0x4E80] =	vst v63  }
0x75: {  	_ =	swait.ge [sflag:s0], $0x40  }
0x76: {  	[sflag:s0] =	ssyncset.done $0x0  }
0x77: {  	[sflag:s0] =	ssyncadd.s32 $0xFFFFFFC0  }
0x78: {  	[tilespmem:s9], [sflag:$0x1] =	stream.indirect.gather [hbm4b:s1+s8], $0x80, s6, s8, $0xb8;
	[tilespmem:$0x4E80] =	vst v63  }
0x79: {  	_ =	swait.ge [sflag:s10], $0x2000  }
0x7a: {  	[sflag:s10] =	ssyncset.done $0x0  }
0x7b: {  	[sflag:s10] =	ssyncadd.s32 $0xFFFFE000  }
0x7c: {  	[hbm4b:s20+s5] =	stream.linear.scatter [tilespmem:s9], [sflag:$0x2], $0x2000, $0x38;
	[tilespmem:$0x4E80] =	vst v63  }
0x7d: {  	_ =	swait.ge [sflag:s0], $0x2000  }
0x7e: {  	[sflag:s0] =	ssyncset.done $0x0  }
0x7f: {  	[sflag:s0] =	ssyncadd.s32 $0xFFFFE000  }
0x80: {  	[tilespmem:s6], [sflag:$0x2] =	stream.linear.gather [hbm4b:s19+s5], $0x40, $0x38;
	[tilespmem:$0x4E80] =	vst v63  }
0x81: {  	_ =	swait.ge [sflag:s0], $0x40  }
0x82: {  	[sflag:s0] =	ssyncset.done $0x0  }
0x83: {  	[sflag:s0] =	ssyncadd.s32 $0xFFFFFFC0  }
0x84: {  	[tilespmem:s9], [sflag:$0x1] =	stream.indirect.gather [hbm4b:s1+s8], $0x80, s6, s8, $0xb8;
	[tilespmem:$0x4E80] =	vst v63  }
0x85: {  	_ =	swait.ge [sflag:s10], $0x2000  }
0x86: {  	[sflag:s10] =	ssyncset.done $0x0  }
0x87: {  	[sflag:s10] =	ssyncadd.s32 $0xFFFFE000  }
0x88: {  	[hbm4b:s21+s5] =	stream.linear.scatter [tilespmem:s9], [sflag:$0x2], $0x2000, $0x38;
	[tilespmem:$0x4E80] =	vst v63  }
0x89: {  	_ =	swait.ge [sflag:s0], $0x2000  }
0x8a: {  	[sflag:s0] =	ssyncset.done $0x0  }
0x8b: {  	s15 =	rddreg [dreg:$0x6];
	[sflag:s0] =	ssyncadd.s32 $0xFFFFE000  }
0x8c: {  	[tilespmem:s5], [sflag:$0x2] =	stream.linear.gather [hbm4b:s15+s5], $0x2800, $0x38;
	[tilespmem:$0x4E80] =	vst v63  }
0x8d: {  	_ =	swait.ge [sflag:s0], $0x2800  }
0x8e: {  	[sflag:s0] =	ssyncset.done $0x0  }
0x8f: {  	[sflag:s0] =	ssyncadd.s32 $0xFFFFD800  }
0x90: {  	s15 =	simm.s32 $0x0;
	[bflag:$0x0] =	sbarrier.arrive $0xFFFF  }
0x91: {  	[spmem:s4] =	stream.indirect.scatter.add.f32 [tilespmem:s3], [sflag:$0x2], $0x1, s15, s11, $0xb8;
	[tilespmem:$0x4E80] =	vst v63  }
0x92: {  	_ =	swait.ge [sflag:s0], $0x80  }
0x93: {  	s14 =	simm.s32 $0x200;
	[sflag:s0] =	ssyncset.done $0x0  }
.LBB2_2:
0x94: {  	s15 =	sshra.s32 s14, $0x2;
	[sflag:s0] =	ssyncadd.s32 $0xFFFFFF80;
	p0 =	sne.s32 s14, $0x9E00  }
0x95: {  	[spmem:s4] =	stream.indirect.scatter.add.f32 [tilespmem:s3], [sflag:$0x2], $0x1, s15, s11, $0xb8;
	[tilespmem:$0x4E80] =	vst v63  }
.Ltmp0:
0x96: {  	_ = 	snop;
	(pc) =	sbr.rel @p0 .LBB2_2-.Ltmp0, $4  }
0x97: {  	_ = 	snop  }
0x98: {  	s14 =	sadd.s32 $0x200, s14  }
0x99: {  	_ =	swait.ge [sflag:s0], $0x80  }
0x9a: {  	[sflag:s0] =	ssyncset.done $0x0  }
0x9b: {  	[sflag:s0] =	ssyncadd.s32 $0xFFFFFF80  }
0x9c: {  	[bflag:$0x0] =	sbarrier.arrive $0xFFFF  }
0x9d: {  	s14 =	rddreg [dreg:$0x7]  }
0x9e: {  	[tilespmem:s12], [sflag:$0x2] =	stream.linear.gather [spmem:s14], $0x280, $0x38;
	[tilespmem:$0x4E80] =	vst v63  }
0x9f: {  	_ =	swait.ge [sflag:s0], $0x280  }
0xa0: {  	[sflag:s0] =	ssyncset.done $0x0  }
0xa1: {  	[sflag:s0] =	ssyncadd.s32 $0xFFFFFD80  }
0xa2: {  	[hbm4b:s24+s5] =	stream.linear.scatter [tilespmem:s12], [sflag:$0x2], $0x280, $0x38;
	[tilespmem:$0x4E80] =	vst v63  }
0xa3: {  	_ =	swait.ge [sflag:s0], $0x280  }
0xa4: {  	s13 =	sadd.s32 $0x1, s13;
	s15 =	rddreg [dreg:$0x8]  }
0xa5: {  	p0 =	sne.s32 s13, s15  }
.Ltmp1:
0xa6: {  	_ = 	snop;
	(pc) =	sbr.rel @p0 .LBB2_1-.Ltmp1, $3  }
0xa7: {  	_ =	sdelay $0x1  }
0xa8: {  	[sflag:s0] =	ssyncset.done $0x0  }
0xa9: {  	[sflag:s0] =	ssyncadd.s32 $0xFFFFFD80  }
0xaa: {  	_ =	sfence.sel $0x180000  }
0xab: {  	[bflag:$0x0] =	sbarrier.arrive $0xFFFF  }
0xac: {  	_ =	strace $0x90000047  }
0xad: {  	s0 =	stileid.u32;
	[bflag:$0x2] =	sbarrier.arrive $0xFFFF  }
0xae: {  	p0 =	sne.s32 s0, $0x0;
	s0 =	rddreg [dreg:$0x4]  }
0xaf: {  	s0 =	sadd.s32 @!p0 $0x100000, s0  }
0xb0: {  	[sflag:s0] =	ssyncadd.tile.s32 @!p0 $0x1;
	_ =	shalt  }
.Lfunc_end2:
_tile_overlayer_lowered:
.L_overlay_start_2:
0xb1: {  	(tag) =	ssettag $0x2  }
0xb2: {  	s0 =	rddreg [dreg:$0x0];
	s2 =	stileid.u32  }
0xb3: {  	s1 =	rddreg [dreg:$0x1];
	p0 =	sne.s32 s2, $0x0  }
0xb4: {  	s3 =	rddreg [dreg:$0x2];
	[bflag:$0x3] =	sbarrier.arrive $0xFFFF;
	s2 =	simm.s32 @!p0 $0x1C02  }
0xb5: {  	[timem:s3], [sflag:s2] =	dma.local @!p0 [hbm:s0], s1  }
0xb6: {  	s0 =	simm.s32 @!p0 $0x2  }
0xb7: {  	_ =	swait.ge @!p0 [sflag:s0], s1  }
0xb8: {  	s1 =	ssub.s32 @!p0 $0x0, s1;
	[sflag:s0] =	ssyncset.done @!p0 $0x0  }
0xb9: {  	[sflag:s0] =	ssyncadd.s32 @!p0 s1  }
0xba: {  	[bflag:$0x3] =	sbarrier.arrive $0xFFFF  }
0xbb: {  	_ =	shalt  }

// kernel: kernel.17.cloned.1.call-start
scs
__scs_entry_jumppad:
0x0: {  	(pc) =	sbr.rel $0x88, $3  }
0x1: {  	(tag) =	ssettag $0x0;
	lr =	simm.s32 $0x1  }
0x2: {  	[smem:$0x3F8F] =	sst lr;
	_ =	strace $0xD0000000  }
0x3: {  	_ = 	snop  }
0x4: {  	_ = 	snop  }
0x5: {  	_ = 	snop  }
0x6: {  	_ = 	snop  }
0x7: {  	_ = 	snop  }
__scs_overlays_trampoline_lowered:
0x8: {  	[smem:$0x3F9E] =	sst s0  }
0x9: {  	[smem:$0x3F9F] =	sst s1  }
0xa: {  	[smem:$0x3FA0] =	sst s2  }
0xb: {  	[smem:$0x3FA1] =	sst s3  }
0xc: {  	[smem:$0x3FA2] =	sst s4  }
0xd: {  	[smem:$0x3FA3] =	sst s5  }
0xe: {  	[smem:$0x3FA4] =	sst s6  }
0xf: {  	[smem:$0x3FA5] =	sst s7  }
0x10: {  	[smem:$0x3FA6] =	sst s8  }
0x11: {  	[smem:$0x3FA7] =	sst s9;
	s0 =	simm.s32 @!p0 $0x0  }
0x12: {  	s1 =	sld [smem:$0x3F8D];
	s0 =	simm.s32 @p0 $0x1  }
0x13: {  	[smem:$0x3FA8] =	sst s0;
	s0 =	simm.s32 @!p1 $0x0  }
0x14: {  	s2 =	sld [smem:$0x3F8C];
	s0 =	simm.s32 @p1 $0x1  }
0x15: {  	[smem:$0x3FA9] =	sst s0;
	s0 =	simm.s32 @!p2 $0x0  }
0x16: {  	s3 =	sld [smem:$0x3FDB];
	s0 =	simm.s32 @p2 $0x1  }
0x17: {  	s4 =	simm.s32 $0x1BF5;
	[smem:$0x3FAB] =	sst s0  }
0x18: {  	s0 =	sld [smem:$0x3F8E];
	_ =	swait.ge [sflag:s4], $0x0  }
0x19: {  	s7 =	sld [smem:$0x3F8F]  }
0x1a: {  	s8 =	sadd.s32 $0xFFFFE003, lr  }
0x1b: {  	s9 =	sadd.s32 $0xFFFFFEF7, lr;
	s5 =	simm.s32 $0xFFFFFFFF;
	p2 =	slt.u32 s8, $0xFFFFF086  }
0x1c: {  	p1 =	slt.u32 s9, $0xF7A;
	s5 =	simm.s32 @!p2 $0x0  }
0x1d: {  	s5 =	simm.s32 @p1 $0x1;
	p0 =	seq.s32 s7, s2  }
0x1e: {  	s7 =	smul.u32 @!p0 $0xF7A, s2;
	p2 =	seq.s32 @!p0 s5, $0x0  }
0x1f: {  	s9 =	smul.u32 $0xF7A, s1;
	s8 =	simm.s32 @!p0 $0x1BF5;
	p2 =	por !p2, p0  }
0x20: {  	[sflag:s8] =	ssyncset.s32 @!p0 $0xFFFFF086;
	s6 =	sadd.s32 @!p0 s3, s7;
	s7 =	simm.s32 @!p0 $0x108  }
0x21: {  	s3 =	sadd.s32 s3, s9;
	s6 =	sadd.s32 @!p0 $0x88, s6;
	s7 =	simm.s32 @p2 $0x1082  }
0x22: {  	[simem:s7], [sflag:s8] =	dma.local @!p0 [hbm:s6], $0xF7A  }
0x23: {  	s9 =	sor.u32 $0xD0000000, s2;
	s6 =	simm.s32 $0x108;
	_ =	swait.ge @!p0 [sflag:s8], $0x0  }
0x24: {  	s3 =	sadd.s32 $0x88, s3;
	s6 =	simm.s32 @!p1 $0x1082;
	[sflag:s4] =	ssyncset.s32 $0xFFFFF086  }
0x25: {  	[simem:s6], [sflag:s4] =	dma.local [hbm:s3], $0xF7A  }
0x26: {  	[smem:$0x3F8F] =	sst s1;
	(tag) =	ssettag s2;
	_ =	strace s9  }
0x27: {  	s1 =	sld [smem:$0x3F9F]  }
0x28: {  	s2 =	sld [smem:$0x3FA0]  }
0x29: {  	s4 =	sld [smem:$0x3FA2]  }
0x2a: {  	p0 =	seq.s32 s5, $0x0;
	s5 =	sld [smem:$0x3FA3]  }
0x2b: {  	s6 =	sld [smem:$0x3FA4]  }
0x2c: {  	s7 =	sld [smem:$0x3FA5]  }
0x2d: {  	s3 =	simm.s32 $0x108;
	s8 =	sld [smem:$0x3FA6]  }
0x2e: {  	s3 =	simm.s32 @!p0 $0x1082;
	s9 =	sld [smem:$0x3FA7]  }
0x2f: {  	lr =	sadd.s32 s0, s3;
	s0 =	sld [smem:$0x3F9E]  }
0x30: {  	s3 =	sld [smem:$0x3FA1]  }
0x31: {  	[smem:$0x3FAA] =	sst s10  }
0x32: {  	s10 =	sld [smem:$0x3FA8];
	_ =	sdelay $0x3  }
0x33: {  	p0 =	seq.s32 s10, $0x1;
	s10 =	sld [smem:$0x3FAA];
	_ =	sdelay $0x3  }
0x34: {  	[smem:$0x3FAA] =	sst s10  }
0x35: {  	s10 =	sld [smem:$0x3FA9];
	_ =	sdelay $0x3  }
0x36: {  	p1 =	seq.s32 s10, $0x1;
	s10 =	sld [smem:$0x3FAA];
	_ =	sdelay $0x3  }
0x37: {  	[smem:$0x3FAA] =	sst s10  }
0x38: {  	s10 =	sld [smem:$0x3FAB]  }
0x39: {  	_ = 	snop;
	(pc) =	sbr.ind lr, $3  }
0x3a: {  	_ = 	snop  }
0x3b: {  	_ = 	snop  }
0x3c: {  	p2 =	seq.s32 s10, $0x1;
	s10 =	sld [smem:$0x3FAA]  }
0x3d: {  	_ =	shalt  }
0x3e: {  	_ =	shalt  }
0x3f: {  	_ =	shalt  }
0x40: {  	_ =	shalt  }
0x41: {  	_ =	shalt  }
0x42: {  	_ =	shalt  }
0x43: {  	_ =	shalt  }
0x44: {  	_ =	shalt  }
0x45: {  	_ =	shalt  }
0x46: {  	_ =	shalt  }
0x47: {  	_ =	shalt  }
0x48: {  	_ =	shalt  }
0x49: {  	_ =	shalt  }
0x4a: {  	_ =	shalt  }
0x4b: {  	_ =	shalt  }
0x4c: {  	_ =	shalt  }
0x4d: {  	_ =	shalt  }
0x4e: {  	_ =	shalt  }
0x4f: {  	_ =	shalt  }
0x50: {  	_ =	shalt  }
0x51: {  	_ =	shalt  }
0x52: {  	_ =	shalt  }
0x53: {  	_ =	shalt  }
0x54: {  	_ =	shalt  }
0x55: {  	_ =	shalt  }
0x56: {  	_ =	shalt  }
0x57: {  	_ =	shalt  }
0x58: {  	_ =	shalt  }
0x59: {  	_ =	shalt  }
0x5a: {  	_ =	shalt  }
0x5b: {  	_ =	shalt  }
0x5c: {  	_ =	shalt  }
0x5d: {  	_ =	shalt  }
0x5e: {  	_ =	shalt  }
0x5f: {  	_ =	shalt  }
0x60: {  	_ =	shalt  }
0x61: {  	_ =	shalt  }
0x62: {  	_ =	shalt  }
0x63: {  	_ =	shalt  }
0x64: {  	_ =	shalt  }
0x65: {  	_ =	shalt  }
0x66: {  	_ =	shalt  }
0x67: {  	_ =	shalt  }
0x68: {  	_ =	shalt  }
0x69: {  	_ =	shalt  }
0x6a: {  	_ =	shalt  }
0x6b: {  	_ =	shalt  }
0x6c: {  	_ =	shalt  }
0x6d: {  	_ =	shalt  }
0x6e: {  	_ =	shalt  }
0x6f: {  	_ =	shalt  }
0x70: {  	_ =	shalt  }
0x71: {  	_ =	shalt  }
0x72: {  	_ =	shalt  }
0x73: {  	_ =	shalt  }
0x74: {  	_ =	shalt  }
0x75: {  	_ =	shalt  }
0x76: {  	_ =	shalt  }
0x77: {  	_ =	shalt  }
0x78: {  	_ =	shalt  }
0x79: {  	_ =	shalt  }
0x7a: {  	_ =	shalt  }
0x7b: {  	_ =	shalt  }
0x7c: {  	_ =	shalt  }
0x7d: {  	_ =	shalt  }
0x7e: {  	_ =	shalt  }
0x7f: {  	_ =	shalt  }
0x80: {  	_ =	shalt  }
0x81: {  	_ =	shalt  }
0x82: {  	_ =	shalt  }
0x83: {  	_ =	shalt  }
0x84: {  	_ =	shalt  }
0x85: {  	_ =	shalt  }
0x86: {  	_ =	shalt  }
0x87: {  	_ =	shalt  }
.Lfunc_end0:
.L_simem_size_0:
called_computation.1_lowered:
.L_overlay_start_0:
0x88: {  	s2 =	sld [smem:$0x3FD9]  }
0x89: {  	s3 =	sld [smem:$0x3FFE];
	_ =	sdelay $0x1  }
0x8a: {  	s1 =	srdreg.scid  }
0x8b: {  	s0 =	sand.u32 $0x1, s1  }
0x8c: {  	s16 =	sshll.u32 s0, $0xA;
	s2 =	sadd.s32 s3, s2  }
0x8d: {  	s2 =	sadd.s32 s2, s16  }
0x8e: {  	[smem:$0x3FB6] =	sst s2  }
0x8f: {  	_ = 	snop  }
0x90: {  	(tm) =	ssettm $0x1  }
0x91: {  	s17 =	sld [smem:$0x3FFB];
	_ =	sdelay $0x3  }
0x92: {  	_ =	strace s17  }
0x93: {  	s2 =	sld [smem:$0x3FFC];
	_ =	sdelay $0x3  }
0x94: {  	_ =	strace s2  }
0x95: {  	s2 =	sld [smem:$0x3FFD];
	_ =	sdelay $0x3  }
0x96: {  	_ =	strace s2  }
0x97: {  	_ =	strace $0x8FFFFFFF  }
0x98: {  	s18 =	sld [smem:$0x3FDB];
	_ =	sdelay $0x1  }
0x99: {  	s19 =	simm.s32 $_scs_section_size  }
0x9a: {  	s4 =	simm.s32 $_size__tile_overlayer_lowered;
	s5 =	simm.s32 $_tile_overlayer_lowered  }
0x9b: {  	s22 =	simm.s32 $0x1BFF;
	s21 =	sshll.u32 s5, $0x1;
	s2 =	sadd.s32 s19, s18  }
0x9c: {  	s6 =	simm.s32 $0x0;
	s20 =	sshll.u32 s4, $0x1;
	s4 =	sadd.s32 s21, s2  }
0x9d: {  	[timem:s6], [sflag:s22] =	dma.local [hbm:s4], s20  }
0x9e: {  	_ =	swait.ge [sflag:s22], s20  }
0x9f: {  	s3 =	ssub.s32 $0x0, s20;
	[sflag:s22] =	ssyncset.done $0x0  }
0xa0: {  	[sflag:s22] =	ssyncadd.s32 s3;
	_ =	sdelay $0x1  }
0xa1: {  	s23 =	simm.s32 $0x1B8B  }
0xa2: {  	_ =	swait.ge [sflag:s23], $0x1  }
0xa3: {  	[sflag:s23] =	ssyncset.done $0x0  }
0xa4: {  	s25 =	simm.s32 $0x1B8E;
	s24 =	sld [smem:$0x3FFE];
	[sflag:s23] =	ssyncadd.s32 $0xFFFFFFFF  }
0xa5: {  	s26 =	simm.s32 $execute0_lowered;
	[smem:$0x3FD2] =	sst s25  }
0xa6: {  	s4 =	sshll.u32 s26, $0x1;
	_ =	strace $0x80000049;
	[dreg:$0x1] =	wrdreg $0xFFFFFFFF  }
0xa7: {  	s28 =	simm.s32 $_size_execute0_lowered;
	s2 =	sadd.s32 s2, s4;
	[dreg:$0x0] =	wrdreg $0x0  }
0xa8: {  	s4 =	sshll.u32 s28, $0x1;
	[dreg:$0x2] =	wrdreg s2  }
0xa9: {  	[dreg:$0x3] =	wrdreg s4  }
0xaa: {  	[dreg:$0x4] =	wrdreg $0xC0  }
0xab: {  	_ =	task [dreg:s6], $0x5FFFF  }
0xac: {  	[dreg:$0x1] =	wrdreg $0xFFFFFFFF  }
0xad: {  	[dreg:$0x0] =	wrdreg $0x60  }
0xae: {  	[dreg:$0x2] =	wrdreg s24  }
0xaf: {  	[dreg:$0x3] =	wrdreg $0xA8000  }
0xb0: {  	[dreg:$0x4] =	wrdreg $0x9  }
0xb1: {  	_ =	task.clear_ibuf [dreg:s6], $0x5FFFF;
	_ =	strace $0x90000049  }
0xb2: {  	s29 =	simm.s32 $0x9;
	_ =	strace $0x8000004B  }
0xb3: {  	_ =	swait.ge [sflag:s29], $0x1  }
0xb4: {  	[sflag:s29] =	ssyncadd.s32 $0xFFFFFFFF  }
0xb5: {  	_ =	strace $0x9000004B  }
0xb6: {  	_ =	sfence  }
0xb7: {  	s30 =	sld [smem:$0x0];
	_ =	sdelay $0x2  }
0xb8: {  	s31 =	sshll.u32 s1, $0xD;
	s1 =	sshrl.u32 s1, $0x2  }
0xb9: {  	s3 =	sand.u32 $0x4000, s31;
	s1 =	sadd.s32 s1, s30  }
0xba: {  	s0 =	sor.u32 s3, s0;
	s1 =	sshll.u32 s1, $0x11  }
0xbb: {  	s0 =	sor.u32 s1, s0  }
0xbc: {  	s0 =	sadd.s32 $0x8F2B, s0  }
0xbd: {  	[sflag:s0] =	ssyncadd.remote.s32 $0x1  }
0xbe: {  	_ =	sfence.sel $0xFFFF  }
0xbf: {  	[dreg:$0x0] =	wrdreg $0xFFFFFFFF;
	(pc) =	sbr.abs _section_cstart, $3  }
0xc0: {  	[dreg:$0x1] =	wrdreg $0xFFFFFFFF  }
0xc1: {  	_ =	task.clear_ibuf [dreg:s6], $0x2FFFF;
	_ =	strace $0x9FFFFFFF  }
0xc2: {  	(tm) =	ssettm $0x7FFFFFFF  }
0xc3: {  	_ =	shalt  }
tec
execute0_lowered:
.L_overlay_start_1:
0x0: {  	(tag) =	ssettag $0x1  }
0x1: {  	s6 =	rddreg [dreg:$0x0]  }
0x2: {  	s1 =	rddreg [dreg:$0x1];
	s2 =	srdreg.scid  }
0x3: {  	s0 =	rddreg [dreg:$0x2];
	s3 =	simm.s32 $0x0;
	s16 =	simm.s32 $0x1400  }
0x4: {  	s17 =	simm.s32 $0x80;
	s18 =	simm.s32 $0x2800;
	s19 =	simm.s32 $0x6800  }
0x5: {  	s20 =	simm.s32 $0x1;
	s21 =	simm.s32 $0x2;
	s22 =	simm.s32 $0x1380  }
0x6: {  	s23 =	simm.s32 $0x2700;
	s24 =	simm.s32 $0x2780;
	s7 =	sand.u32 $0x1, s2  }
0x7: {  	s2 =	stileid.u32;
	[smem:$0x7FF] =	sst s3;
	s4 =	sadd.s32 $0xF800, s6  }
0x8: {  	s9 =	sadd.s32 $0x5000, s6;
	s10 =	sadd.s32 $0x38400, s6;
	s5 =	smul.u32 $0x140000, s7  }
0x9: {  	s8 =	smul.u32 $0x14000, s2;
	_ =	strace $0x8000004A;
	s11 =	sshll.u32 s2, $0x1  }
0xa: {  	s12 =	ssub.s32 $0x2, s7;
	s25 =	smul.u32 $0x50000, s2;
	s29 =	sshll.u32 s2, $0x6  }
0xb: {  	s7 =	sor.u32 s7, s11;
	s26 =	sshrl.u32 s12, $0x1;
	s8 =	sadd.s32 s8, s5  }
0xc: {  	s5 =	sadd.s32 $0x42400, s6;
	s7 =	smul.u32 $0x2800, s7;
	s12 =	ssub.s32 s12, s26  }
0xd: {  	s28 =	sshrl.u32 s25, $0x2;
	s25 =	simm.s32 $0x0;
	s8 =	sshrl.u32 s8, $0x3  }
0xe: {  	s14 =	sadd.s32 s28, s1;
	s12 =	smax.u32 s12, $0x1;
	s13 =	sadd.s32 s8, s6  }
0xf: {  	s6 =	sor.u32 $0x1C03, s29;
	s30 =	sshrl.u32 s7, $0x3;
	s15 =	sadd.s32 $0xA000, s14  }
0x10: {  	s7 =	sadd.s32 s9, s30;
	s31 =	sadd.s32 $0x280, s30;
	s8 =	sadd.s32 s10, s30  }
0x11: {  	s11 =	sadd.s32 $0x43800, s13;
	s13 =	sshrl.u32 s14, $0x3;
	s14 =	simm.s32 $0x3  }
0x12: {  	s15 =	sshrl.u32 s15, $0x3;
	s9 =	sadd.s32 s9, s31;
	s10 =	sadd.s32 s10, s31  }
.LBB2_1:
0x13: {  	[spmem:s13], [sflag:s6] =	dma.local [hbm:s5], $0x1400  }
0x14: {  	_ =	swait.ge [sflag:s14], $0x1400  }
0x15: {  	[sflag:s14] =	ssyncset.done $0x0  }
0x16: {  	[sflag:s14] =	ssyncadd.s32 $0xFFFFEC00  }
0x17: {  	[spmem:s15], [sflag:s6] =	dma.local [hbm:s5], $0x1400  }
0x18: {  	_ =	swait.ge [sflag:s14], $0x1400  }
0x19: {  	[sflag:s14] =	ssyncset.done $0x0  }
0x1a: {  	[sflag:s14] =	ssyncadd.s32 $0xFFFFEC00  }
0x1b: {  	[bflag:$0x0] =	sbarrier.arrive $0xFFFF  }
0x1c: {  	[tilespmem:s3], [sflag:$0x3] =	stream.linear.gather [hbm4b:s7+s3], $0x1400, $0x38;
	[tilespmem:$0x1E800] =	vst v63  }
0x1d: {  	_ =	swait.ge [sflag:s14], $0x1400  }
0x1e: {  	[sflag:s14] =	ssyncset.done $0x0  }
0x1f: {  	[sflag:s14] =	ssyncadd.s32 $0xFFFFEC00  }
0x20: {  	[tilespmem:s16], [sflag:$0x3] =	stream.linear.gather [hbm4b:s8+s3], $0x1400, $0x38;
	[tilespmem:$0x1E800] =	vst v63  }
0x21: {  	_ =	swait.ge [sflag:s14], $0x1400  }
0x22: {  	[sflag:s14] =	ssyncset.done $0x0  }
0x23: {  	[sflag:s14] =	ssyncadd.s32 $0xFFFFEC00  }
0x24: {  	[tilespmem:s18], [sflag:$0x1] =	stream.indirect.gather [hbm4b:s4+s17], $0x80, s3, s17, $0xb8;
	[tilespmem:$0x1E800] =	vst v63  }
0x25: {  	s26 =	simm.s32 $0x80  }
0x26: {  	[tilespmem:s19], [sflag:$0x2] =	stream.indirect.gather [hbm4b:s4+s17], $0x80, s26, s17, $0xb8;
	[tilespmem:$0x1E800] =	vst v63  }
0x27: {  	_ =	swait.ge [sflag:s20], $0x4000  }
0x28: {  	[sflag:s20] =	ssyncset.done $0x0  }
0x29: {  	s29 =	simm.s32 $0x1400;
	[sflag:s20] =	ssyncadd.s32 $0xFFFFC000  }
0x2a: {  	[spmem:s1] =	stream.indirect.scatter.add.f32 [tilespmem:s18], [sflag:$0x3], $0x80, s29, s17, $0xb8;
	[tilespmem:$0x1E800] =	vst v63  }
0x2b: {  	_ =	swait.ge [sflag:s14], $0x4000  }
0x2c: {  	[sflag:s14] =	ssyncset.done $0x0  }
0x2d: {  	s30 =	simm.s32 $0x100;
	[sflag:s14] =	ssyncadd.s32 $0xFFFFC000  }
0x2e: {  	[tilespmem:s18], [sflag:$0x1] =	stream.indirect.gather [hbm4b:s4+s17], $0x80, s30, s17, $0xb8;
	[tilespmem:$0x1E800] =	vst v63  }
0x2f: {  	_ =	swait.ge [sflag:s21], $0x4000  }
0x30: {  	[sflag:s21] =	ssyncset.done $0x0  }
0x31: {  	s31 =	simm.s32 $0x1480;
	[sflag:s21] =	ssyncadd.s32 $0xFFFFC000  }
0x32: {  	[spmem:s1] =	stream.indirect.scatter.add.f32 [tilespmem:s19], [sflag:$0x3], $0x80, s31, s17, $0xb8;
	[tilespmem:$0x1E800] =	vst v63  }
0x33: {  	_ =	swait.ge [sflag:s14], $0x4000  }
0x34: {  	s28 =	simm.s32 $0x800;
	s26 =	simm.s32 $0x100;
	[sflag:s14] =	ssyncset.done $0x0  }
.LBB2_2:
0x35: {  	s29 =	sadd.s32 $0x80, s26  }
0x36: {  	[sflag:s14] =	ssyncadd.s32 $0xFFFFC000;
	s30 =	smov.u32 s28;
	s31 =	sadd.s32 $0x400, s28  }
0x37: {  	[tilespmem:s19], [sflag:$0x2] =	stream.indirect.gather [hbm4b:s4+s17], $0x80, s29, s17, $0xb8;
	[tilespmem:$0x1E800] =	vst v63  }
0x38: {  	p0 =	sne.s32 s28, $0x4800;
	_ =	swait.ge [sflag:s20], $0x4000  }
0x39: {  	[sflag:s20] =	ssyncset.done $0x0  }
0x3a: {  	s28 =	sadd.s32 $0x1400, s26;
	[sflag:s20] =	ssyncadd.s32 $0xFFFFC000  }
0x3b: {  	[spmem:s1] =	stream.indirect.scatter.add.f32 [tilespmem:s18], [sflag:$0x3], $0x80, s28, s17, $0xb8;
	[tilespmem:$0x1E800] =	vst v63  }
0x3c: {  	_ =	swait.ge [sflag:s14], $0x4000  }
0x3d: {  	[sflag:s14] =	ssyncset.done $0x0  }
0x3e: {  	s28 =	sadd.s32 $0x100, s26;
	[sflag:s14] =	ssyncadd.s32 $0xFFFFC000  }
0x3f: {  	[tilespmem:s18], [sflag:$0x1] =	stream.indirect.gather [hbm4b:s4+s17], $0x80, s28, s17, $0xb8;
	[tilespmem:$0x1E800] =	vst v63  }
0x40: {  	_ =	swait.ge [sflag:s21], $0x4000  }
.Ltmp0:
0x41: {  	[sflag:s21] =	ssyncset.done $0x0;
	(pc) =	sbr.rel @p0 .LBB2_2-.Ltmp0, $4  }
0x42: {  	s26 =	sadd.s32 $0x1480, s26;
	[sflag:s21] =	ssyncadd.s32 $0xFFFFC000  }
0x43: {  	[spmem:s1] =	stream.indirect.scatter.add.f32 [tilespmem:s19], [sflag:$0x3], $0x80, s26, s17, $0xb8;
	[tilespmem:$0x1E800] =	vst v63  }
0x44: {  	_ =	swait.ge [sflag:s14], $0x4000  }
0x45: {  	s28 =	smov.u32 s31;
	s26 =	sshra.s32 s30, $0x2;
	[sflag:s14] =	ssyncset.done $0x0  }
0x46: {  	s28 =	sadd.s32 $0x80, s26;
	[sflag:s14] =	ssyncadd.s32 $0xFFFFC000  }
0x47: {  	[tilespmem:s19], [sflag:$0x2] =	stream.indirect.gather [hbm4b:s4+s17], $0x80, s28, s17, $0xb8;
	[tilespmem:$0x1E800] =	vst v63  }
0x48: {  	_ =	swait.ge [sflag:s20], $0x4000  }
0x49: {  	[sflag:s20] =	ssyncset.done $0x0  }
0x4a: {  	s28 =	sadd.s32 $0x1400, s26;
	[sflag:s20] =	ssyncadd.s32 $0xFFFFC000  }
0x4b: {  	[spmem:s1] =	stream.indirect.scatter.add.f32 [tilespmem:s18], [sflag:$0x3], $0x80, s28, s17, $0xb8;
	[tilespmem:$0x1E800] =	vst v63  }
0x4c: {  	_ =	swait.ge [sflag:s14], $0x4000  }
0x4d: {  	[sflag:s14] =	ssyncset.done $0x0  }
0x4e: {  	s28 =	sadd.s32 $0x100, s26;
	[sflag:s14] =	ssyncadd.s32 $0xFFFFC000  }
0x4f: {  	[tilespmem:s18], [sflag:$0x1] =	stream.indirect.gather [hbm4b:s4+s17], $0x80, s28, s17, $0xb8;
	[tilespmem:$0x1E800] =	vst v63  }
0x50: {  	_ =	swait.ge [sflag:s21], $0x4000  }
0x51: {  	[sflag:s21] =	ssyncset.done $0x0  }
0x52: {  	s29 =	sadd.s32 $0x1480, s26;
	[sflag:s21] =	ssyncadd.s32 $0xFFFFC000  }
0x53: {  	[spmem:s1] =	stream.indirect.scatter.add.f32 [tilespmem:s19], [sflag:$0x3], $0x80, s29, s17, $0xb8;
	[tilespmem:$0x1E800] =	vst v63  }
0x54: {  	_ =	swait.ge [sflag:s14], $0x4000  }
0x55: {  	[sflag:s14] =	ssyncset.done $0x0  }
0x56: {  	[sflag:s14] =	ssyncadd.s32 $0xFFFFC000  }
0x57: {  	[tilespmem:s19], [sflag:$0x2] =	stream.indirect.gather [hbm4b:s4+s17], $0x80, s22, s17, $0xb8;
	[tilespmem:$0x1E800] =	vst v63  }
0x58: {  	_ =	swait.ge [sflag:s20], $0x4000  }
0x59: {  	[sflag:s20] =	ssyncset.done $0x0  }
0x5a: {  	[sflag:s20] =	ssyncadd.s32 $0xFFFFC000  }
0x5b: {  	[spmem:s1] =	stream.indirect.scatter.add.f32 [tilespmem:s18], [sflag:$0x3], $0x80, s23, s17, $0xb8;
	[tilespmem:$0x1E800] =	vst v63  }
0x5c: {  	_ =	swait.ge [sflag:s14], $0x4000  }
0x5d: {  	[sflag:s14] =	ssyncset.done $0x0  }
0x5e: {  	[sflag:s14] =	ssyncadd.s32 $0xFFFFC000  }
0x5f: {  	_ =	swait.ge [sflag:s21], $0x4000  }
0x60: {  	[sflag:s21] =	ssyncset.done $0x0  }
0x61: {  	[sflag:s21] =	ssyncadd.s32 $0xFFFFC000  }
0x62: {  	[spmem:s1] =	stream.indirect.scatter.add.f32 [tilespmem:s19], [sflag:$0x3], $0x80, s24, s17, $0xb8;
	[tilespmem:$0x1E800] =	vst v63  }
0x63: {  	_ =	swait.ge [sflag:s14], $0x4000  }
0x64: {  	[sflag:s14] =	ssyncset.done $0x0  }
0x65: {  	s30 =	simm.s32 $0x0;
	[sflag:s14] =	ssyncadd.s32 $0xFFFFC000  }
0x66: {  	[tilespmem:s30], [sflag:$0x3] =	stream.linear.gather [hbm4b:s9+s30], $0x1400, $0x38;
	[tilespmem:$0x1E800] =	vst v63  }
0x67: {  	_ =	swait.ge [sflag:s14], $0x1400  }
0x68: {  	[sflag:s14] =	ssyncset.done $0x0  }
0x69: {  	[sflag:s14] =	ssyncadd.s32 $0xFFFFEC00  }
0x6a: {  	[tilespmem:s16], [sflag:$0x3] =	stream.linear.gather [hbm4b:s10+s30], $0x1400, $0x38;
	[tilespmem:$0x1E800] =	vst v63  }
0x6b: {  	_ =	swait.ge [sflag:s14], $0x1400  }
0x6c: {  	[sflag:s14] =	ssyncset.done $0x0  }
0x6d: {  	[sflag:s14] =	ssyncadd.s32 $0xFFFFEC00  }
0x6e: {  	[tilespmem:s18], [sflag:$0x1] =	stream.indirect.gather [hbm4b:s4+s17], $0x80, s30, s17, $0xb8;
	[tilespmem:$0x1E800] =	vst v63  }
0x6f: {  	s31 =	simm.s32 $0x80  }
0x70: {  	[tilespmem:s19], [sflag:$0x2] =	stream.indirect.gather [hbm4b:s4+s17], $0x80, s31, s17, $0xb8;
	[tilespmem:$0x1E800] =	vst v63  }
0x71: {  	_ =	swait.ge [sflag:s20], $0x4000  }
0x72: {  	[sflag:s20] =	ssyncset.done $0x0  }
0x73: {  	s29 =	simm.s32 $0x1400;
	[sflag:s20] =	ssyncadd.s32 $0xFFFFC000  }
0x74: {  	[spmem:s1] =	stream.indirect.scatter.add.f32 [tilespmem:s18], [sflag:$0x3], $0x80, s29, s17, $0xb8;
	[tilespmem:$0x1E800] =	vst v63  }
0x75: {  	_ =	swait.ge [sflag:s14], $0x4000  }
0x76: {  	[sflag:s14] =	ssyncset.done $0x0  }
0x77: {  	s30 =	simm.s32 $0x100;
	[sflag:s14] =	ssyncadd.s32 $0xFFFFC000  }
0x78: {  	[tilespmem:s18], [sflag:$0x1] =	stream.indirect.gather [hbm4b:s4+s17], $0x80, s30, s17, $0xb8;
	[tilespmem:$0x1E800] =	vst v63  }
0x79: {  	_ =	swait.ge [sflag:s21], $0x4000  }
0x7a: {  	[sflag:s21] =	ssyncset.done $0x0  }
0x7b: {  	s31 =	simm.s32 $0x1480;
	[sflag:s21] =	ssyncadd.s32 $0xFFFFC000  }
0x7c: {  	[spmem:s1] =	stream.indirect.scatter.add.f32 [tilespmem:s19], [sflag:$0x3], $0x80, s31, s17, $0xb8;
	[tilespmem:$0x1E800] =	vst v63  }
0x7d: {  	_ =	swait.ge [sflag:s14], $0x4000  }
0x7e: {  	s26 =	simm.s32 $0x100;
	s28 =	simm.s32 $0x800;
	[sflag:s14] =	ssyncset.done $0x0  }
.LBB2_4:
0x7f: {  	s29 =	sadd.s32 $0x80, s26  }
0x80: {  	[sflag:s14] =	ssyncadd.s32 $0xFFFFC000;
	s30 =	smov.u32 s28;
	s31 =	sadd.s32 $0x400, s28  }
0x81: {  	[tilespmem:s19], [sflag:$0x2] =	stream.indirect.gather [hbm4b:s4+s17], $0x80, s29, s17, $0xb8;
	[tilespmem:$0x1E800] =	vst v63  }
0x82: {  	p0 =	sne.s32 s28, $0x4800;
	_ =	swait.ge [sflag:s20], $0x4000  }
0x83: {  	[sflag:s20] =	ssyncset.done $0x0  }
0x84: {  	s28 =	sadd.s32 $0x1400, s26;
	[sflag:s20] =	ssyncadd.s32 $0xFFFFC000  }
0x85: {  	[spmem:s1] =	stream.indirect.scatter.add.f32 [tilespmem:s18], [sflag:$0x3], $0x80, s28, s17, $0xb8;
	[tilespmem:$0x1E800] =	vst v63  }
0x86: {  	_ =	swait.ge [sflag:s14], $0x4000  }
0x87: {  	[sflag:s14] =	ssyncset.done $0x0  }
0x88: {  	s28 =	sadd.s32 $0x100, s26;
	[sflag:s14] =	ssyncadd.s32 $0xFFFFC000  }
0x89: {  	[tilespmem:s18], [sflag:$0x1] =	stream.indirect.gather [hbm4b:s4+s17], $0x80, s28, s17, $0xb8;
	[tilespmem:$0x1E800] =	vst v63  }
0x8a: {  	_ =	swait.ge [sflag:s21], $0x4000  }
.Ltmp1:
0x8b: {  	[sflag:s21] =	ssyncset.done $0x0;
	(pc) =	sbr.rel @p0 .LBB2_4-.Ltmp1, $4  }
0x8c: {  	s26 =	sadd.s32 $0x1480, s26;
	[sflag:s21] =	ssyncadd.s32 $0xFFFFC000  }
0x8d: {  	[spmem:s1] =	stream.indirect.scatter.add.f32 [tilespmem:s19], [sflag:$0x3], $0x80, s26, s17, $0xb8;
	[tilespmem:$0x1E800] =	vst v63  }
0x8e: {  	_ =	swait.ge [sflag:s14], $0x4000  }
0x8f: {  	s28 =	smov.u32 s31;
	s26 =	sshra.s32 s30, $0x2;
	[sflag:s14] =	ssyncset.done $0x0  }
0x90: {  	s28 =	sadd.s32 $0x80, s26;
	[sflag:s14] =	ssyncadd.s32 $0xFFFFC000  }
0x91: {  	[tilespmem:s19], [sflag:$0x2] =	stream.indirect.gather [hbm4b:s4+s17], $0x80, s28, s17, $0xb8;
	[tilespmem:$0x1E800] =	vst v63  }
0x92: {  	_ =	swait.ge [sflag:s20], $0x4000  }
0x93: {  	[sflag:s20] =	ssyncset.done $0x0  }
0x94: {  	s29 =	sadd.s32 $0x1400, s26;
	[sflag:s20] =	ssyncadd.s32 $0xFFFFC000  }
0x95: {  	[spmem:s1] =	stream.indirect.scatter.add.f32 [tilespmem:s18], [sflag:$0x3], $0x80, s29, s17, $0xb8;
	[tilespmem:$0x1E800] =	vst v63  }
0x96: {  	_ =	swait.ge [sflag:s14], $0x4000  }
0x97: {  	[sflag:s14] =	ssyncset.done $0x0  }
0x98: {  	s30 =	sadd.s32 $0x100, s26;
	[sflag:s14] =	ssyncadd.s32 $0xFFFFC000  }
0x99: {  	[tilespmem:s18], [sflag:$0x1] =	stream.indirect.gather [hbm4b:s4+s17], $0x80, s30, s17, $0xb8;
	[tilespmem:$0x1E800] =	vst v63  }
0x9a: {  	_ =	swait.ge [sflag:s21], $0x4000  }
0x9b: {  	[sflag:s21] =	ssyncset.done $0x0  }
0x9c: {  	s31 =	sadd.s32 $0x1480, s26;
	[sflag:s21] =	ssyncadd.s32 $0xFFFFC000  }
0x9d: {  	[spmem:s1] =	stream.indirect.scatter.add.f32 [tilespmem:s19], [sflag:$0x3], $0x80, s31, s17, $0xb8;
	[tilespmem:$0x1E800] =	vst v63  }
0x9e: {  	_ =	swait.ge [sflag:s14], $0x4000  }
0x9f: {  	[sflag:s14] =	ssyncset.done $0x0  }
0xa0: {  	[sflag:s14] =	ssyncadd.s32 $0xFFFFC000  }
0xa1: {  	[tilespmem:s19], [sflag:$0x2] =	stream.indirect.gather [hbm4b:s4+s17], $0x80, s22, s17, $0xb8;
	[tilespmem:$0x1E800] =	vst v63  }
0xa2: {  	_ =	swait.ge [sflag:s20], $0x4000  }
0xa3: {  	[sflag:s20] =	ssyncset.done $0x0  }
0xa4: {  	[sflag:s20] =	ssyncadd.s32 $0xFFFFC000  }
0xa5: {  	[spmem:s1] =	stream.indirect.scatter.add.f32 [tilespmem:s18], [sflag:$0x3], $0x80, s23, s17, $0xb8;
	[tilespmem:$0x1E800] =	vst v63  }
0xa6: {  	_ =	swait.ge [sflag:s14], $0x4000  }
0xa7: {  	[sflag:s14] =	ssyncset.done $0x0  }
0xa8: {  	[sflag:s14] =	ssyncadd.s32 $0xFFFFC000  }
0xa9: {  	_ =	swait.ge [sflag:s21], $0x4000  }
0xaa: {  	[sflag:s21] =	ssyncset.done $0x0  }
0xab: {  	[sflag:s21] =	ssyncadd.s32 $0xFFFFC000  }
0xac: {  	[spmem:s1] =	stream.indirect.scatter.add.f32 [tilespmem:s19], [sflag:$0x3], $0x80, s24, s17, $0xb8;
	[tilespmem:$0x1E800] =	vst v63  }
0xad: {  	_ =	swait.ge [sflag:s14], $0x4000  }
0xae: {  	s25 =	sadd.s32 $0x1, s25;
	[sflag:s14] =	ssyncset.done $0x0  }
0xaf: {  	p0 =	sne.s32 s25, s12;
	[sflag:s14] =	ssyncadd.s32 $0xFFFFC000  }
.Ltmp2:
0xb0: {  	[bflag:$0x0] =	sbarrier.arrive $0xFFFF;
	(pc) =	sbr.rel @p0 .LBB2_1-.Ltmp2, $4  }
0xb1: {  	[hbm:s11], [sflag:s6] =	dma.local [spmem:s13], $0x2800  }
0xb2: {  	_ =	swait.ge [sflag:s14], $0x2800  }
0xb3: {  	[sflag:s14] =	ssyncset.done $0x0  }
0xb4: {  	[sflag:s14] =	ssyncadd.s32 $0xFFFFD800  }
0xb5: {  	_ =	sfence.sel $0x180000  }
0xb6: {  	[bflag:$0x0] =	sbarrier.arrive $0xFFFF  }
0xb7: {  	p0 =	sne.s32 s2, $0x0;
	_ =	strace $0x9000004A  }
0xb8: {  	s0 =	sadd.s32 @!p0 $0x100000, s0;
	[bflag:$0x2] =	sbarrier.arrive $0xFFFF  }
0xb9: {  	[sflag:s0] =	ssyncadd.tile.s32 @!p0 $0x1;
	_ =	shalt  }
.Lfunc_end2:
_tile_overlayer_lowered:
.L_overlay_start_2:
0xba: {  	(tag) =	ssettag $0x2  }
0xbb: {  	s0 =	rddreg [dreg:$0x0];
	s2 =	stileid.u32  }
0xbc: {  	s1 =	rddreg [dreg:$0x1];
	p0 =	sne.s32 s2, $0x0  }
0xbd: {  	s3 =	rddreg [dreg:$0x2];
	[bflag:$0x3] =	sbarrier.arrive $0xFFFF;
	s2 =	simm.s32 @!p0 $0x1C03  }
0xbe: {  	[timem:s3], [sflag:s2] =	dma.local @!p0 [hbm:s0], s1  }
0xbf: {  	s0 =	simm.s32 @!p0 $0x3  }
0xc0: {  	_ =	swait.ge @!p0 [sflag:s0], s1  }
0xc1: {  	s1 =	ssub.s32 @!p0 $0x0, s1;
	[sflag:s0] =	ssyncset.done @!p0 $0x0  }
0xc2: {  	[sflag:s0] =	ssyncadd.s32 @!p0 s1  }
0xc3: {  	[bflag:$0x3] =	sbarrier.arrive $0xFFFF  }
0xc4: {  	_ =	shalt  }

// kernel: kernel.20.cloned.1.call-start
scs
__scs_entry_jumppad:
0x0: {  	(pc) =	sbr.rel $0x88, $3  }
0x1: {  	(tag) =	ssettag $0x0;
	lr =	simm.s32 $0x1  }
0x2: {  	[smem:$0x3F8F] =	sst lr;
	_ =	strace $0xD0000000  }
0x3: {  	_ = 	snop  }
0x4: {  	_ = 	snop  }
0x5: {  	_ = 	snop  }
0x6: {  	_ = 	snop  }
0x7: {  	_ = 	snop  }
__scs_overlays_trampoline_lowered:
0x8: {  	[smem:$0x3F9E] =	sst s0  }
0x9: {  	[smem:$0x3F9F] =	sst s1  }
0xa: {  	[smem:$0x3FA0] =	sst s2  }
0xb: {  	[smem:$0x3FA1] =	sst s3  }
0xc: {  	[smem:$0x3FA2] =	sst s4  }
0xd: {  	[smem:$0x3FA3] =	sst s5  }
0xe: {  	[smem:$0x3FA4] =	sst s6  }
0xf: {  	[smem:$0x3FA5] =	sst s7  }
0x10: {  	[smem:$0x3FA6] =	sst s8  }
0x11: {  	[smem:$0x3FA7] =	sst s9;
	s0 =	simm.s32 @!p0 $0x0  }
0x12: {  	s1 =	sld [smem:$0x3F8D];
	s0 =	simm.s32 @p0 $0x1  }
0x13: {  	[smem:$0x3FA8] =	sst s0;
	s0 =	simm.s32 @!p1 $0x0  }
0x14: {  	s2 =	sld [smem:$0x3F8C];
	s0 =	simm.s32 @p1 $0x1  }
0x15: {  	[smem:$0x3FA9] =	sst s0;
	s0 =	simm.s32 @!p2 $0x0  }
0x16: {  	s3 =	sld [smem:$0x3FDB];
	s0 =	simm.s32 @p2 $0x1  }
0x17: {  	s4 =	simm.s32 $0x1BF5;
	[smem:$0x3FAB] =	sst s0  }
0x18: {  	s0 =	sld [smem:$0x3F8E];
	_ =	swait.ge [sflag:s4], $0x0  }
0x19: {  	s7 =	sld [smem:$0x3F8F]  }
0x1a: {  	s8 =	sadd.s32 $0xFFFFE003, lr  }
0x1b: {  	s9 =	sadd.s32 $0xFFFFFEF7, lr;
	s5 =	simm.s32 $0xFFFFFFFF;
	p2 =	slt.u32 s8, $0xFFFFF086  }
0x1c: {  	p1 =	slt.u32 s9, $0xF7A;
	s5 =	simm.s32 @!p2 $0x0  }
0x1d: {  	s5 =	simm.s32 @p1 $0x1;
	p0 =	seq.s32 s7, s2  }
0x1e: {  	s7 =	smul.u32 @!p0 $0xF7A, s2;
	p2 =	seq.s32 @!p0 s5, $0x0  }
0x1f: {  	s9 =	smul.u32 $0xF7A, s1;
	s8 =	simm.s32 @!p0 $0x1BF5;
	p2 =	por !p2, p0  }
0x20: {  	[sflag:s8] =	ssyncset.s32 @!p0 $0xFFFFF086;
	s6 =	sadd.s32 @!p0 s3, s7;
	s7 =	simm.s32 @!p0 $0x108  }
0x21: {  	s3 =	sadd.s32 s3, s9;
	s6 =	sadd.s32 @!p0 $0x88, s6;
	s7 =	simm.s32 @p2 $0x1082  }
0x22: {  	[simem:s7], [sflag:s8] =	dma.local @!p0 [hbm:s6], $0xF7A  }
0x23: {  	s9 =	sor.u32 $0xD0000000, s2;
	s6 =	simm.s32 $0x108;
	_ =	swait.ge @!p0 [sflag:s8], $0x0  }
0x24: {  	s3 =	sadd.s32 $0x88, s3;
	s6 =	simm.s32 @!p1 $0x1082;
	[sflag:s4] =	ssyncset.s32 $0xFFFFF086  }
0x25: {  	[simem:s6], [sflag:s4] =	dma.local [hbm:s3], $0xF7A  }
0x26: {  	[smem:$0x3F8F] =	sst s1;
	(tag) =	ssettag s2;
	_ =	strace s9  }
0x27: {  	s1 =	sld [smem:$0x3F9F]  }
0x28: {  	s2 =	sld [smem:$0x3FA0]  }
0x29: {  	s4 =	sld [smem:$0x3FA2]  }
0x2a: {  	p0 =	seq.s32 s5, $0x0;
	s5 =	sld [smem:$0x3FA3]  }
0x2b: {  	s6 =	sld [smem:$0x3FA4]  }
0x2c: {  	s7 =	sld [smem:$0x3FA5]  }
0x2d: {  	s3 =	simm.s32 $0x108;
	s8 =	sld [smem:$0x3FA6]  }
0x2e: {  	s3 =	simm.s32 @!p0 $0x1082;
	s9 =	sld [smem:$0x3FA7]  }
0x2f: {  	lr =	sadd.s32 s0, s3;
	s0 =	sld [smem:$0x3F9E]  }
0x30: {  	s3 =	sld [smem:$0x3FA1]  }
0x31: {  	[smem:$0x3FAA] =	sst s10  }
0x32: {  	s10 =	sld [smem:$0x3FA8];
	_ =	sdelay $0x3  }
0x33: {  	p0 =	seq.s32 s10, $0x1;
	s10 =	sld [smem:$0x3FAA];
	_ =	sdelay $0x3  }
0x34: {  	[smem:$0x3FAA] =	sst s10  }
0x35: {  	s10 =	sld [smem:$0x3FA9];
	_ =	sdelay $0x3  }
0x36: {  	p1 =	seq.s32 s10, $0x1;
	s10 =	sld [smem:$0x3FAA];
	_ =	sdelay $0x3  }
0x37: {  	[smem:$0x3FAA] =	sst s10  }
0x38: {  	s10 =	sld [smem:$0x3FAB]  }
0x39: {  	_ = 	snop;
	(pc) =	sbr.ind lr, $3  }
0x3a: {  	_ = 	snop  }
0x3b: {  	_ = 	snop  }
0x3c: {  	p2 =	seq.s32 s10, $0x1;
	s10 =	sld [smem:$0x3FAA]  }
0x3d: {  	_ =	shalt  }
0x3e: {  	_ =	shalt  }
0x3f: {  	_ =	shalt  }
0x40: {  	_ =	shalt  }
0x41: {  	_ =	shalt  }
0x42: {  	_ =	shalt  }
0x43: {  	_ =	shalt  }
0x44: {  	_ =	shalt  }
0x45: {  	_ =	shalt  }
0x46: {  	_ =	shalt  }
0x47: {  	_ =	shalt  }
0x48: {  	_ =	shalt  }
0x49: {  	_ =	shalt  }
0x4a: {  	_ =	shalt  }
0x4b: {  	_ =	shalt  }
0x4c: {  	_ =	shalt  }
0x4d: {  	_ =	shalt  }
0x4e: {  	_ =	shalt  }
0x4f: {  	_ =	shalt  }
0x50: {  	_ =	shalt  }
0x51: {  	_ =	shalt  }
0x52: {  	_ =	shalt  }
0x53: {  	_ =	shalt  }
0x54: {  	_ =	shalt  }
0x55: {  	_ =	shalt  }
0x56: {  	_ =	shalt  }
0x57: {  	_ =	shalt  }
0x58: {  	_ =	shalt  }
0x59: {  	_ =	shalt  }
0x5a: {  	_ =	shalt  }
0x5b: {  	_ =	shalt  }
0x5c: {  	_ =	shalt  }
0x5d: {  	_ =	shalt  }
0x5e: {  	_ =	shalt  }
0x5f: {  	_ =	shalt  }
0x60: {  	_ =	shalt  }
0x61: {  	_ =	shalt  }
0x62: {  	_ =	shalt  }
0x63: {  	_ =	shalt  }
0x64: {  	_ =	shalt  }
0x65: {  	_ =	shalt  }
0x66: {  	_ =	shalt  }
0x67: {  	_ =	shalt  }
0x68: {  	_ =	shalt  }
0x69: {  	_ =	shalt  }
0x6a: {  	_ =	shalt  }
0x6b: {  	_ =	shalt  }
0x6c: {  	_ =	shalt  }
0x6d: {  	_ =	shalt  }
0x6e: {  	_ =	shalt  }
0x6f: {  	_ =	shalt  }
0x70: {  	_ =	shalt  }
0x71: {  	_ =	shalt  }
0x72: {  	_ =	shalt  }
0x73: {  	_ =	shalt  }
0x74: {  	_ =	shalt  }
0x75: {  	_ =	shalt  }
0x76: {  	_ =	shalt  }
0x77: {  	_ =	shalt  }
0x78: {  	_ =	shalt  }
0x79: {  	_ =	shalt  }
0x7a: {  	_ =	shalt  }
0x7b: {  	_ =	shalt  }
0x7c: {  	_ =	shalt  }
0x7d: {  	_ =	shalt  }
0x7e: {  	_ =	shalt  }
0x7f: {  	_ =	shalt  }
0x80: {  	_ =	shalt  }
0x81: {  	_ =	shalt  }
0x82: {  	_ =	shalt  }
0x83: {  	_ =	shalt  }
0x84: {  	_ =	shalt  }
0x85: {  	_ =	shalt  }
0x86: {  	_ =	shalt  }
0x87: {  	_ =	shalt  }
.Lfunc_end0:
.L_simem_size_0:
called_computation.2_lowered:
.L_overlay_start_0:
0x88: {  	s2 =	sld [smem:$0x3FD9]  }
0x89: {  	s3 =	sld [smem:$0x3FFE];
	_ =	sdelay $0x1  }
0x8a: {  	s1 =	srdreg.scid  }
0x8b: {  	s0 =	sand.u32 $0x1, s1  }
0x8c: {  	s16 =	sshll.u32 s0, $0xA;
	s2 =	sadd.s32 s3, s2  }
0x8d: {  	s2 =	sadd.s32 s2, s16  }
0x8e: {  	[smem:$0x3FB6] =	sst s2  }
0x8f: {  	_ = 	snop  }
0x90: {  	(tm) =	ssettm $0x1  }
0x91: {  	s17 =	sld [smem:$0x3FFB];
	_ =	sdelay $0x3  }
0x92: {  	_ =	strace s17  }
0x93: {  	s2 =	sld [smem:$0x3FFC];
	_ =	sdelay $0x3  }
0x94: {  	_ =	strace s2  }
0x95: {  	s2 =	sld [smem:$0x3FFD];
	_ =	sdelay $0x3  }
0x96: {  	_ =	strace s2  }
0x97: {  	_ =	strace $0x8FFFFFFF  }
0x98: {  	s18 =	sld [smem:$0x3FDB];
	_ =	sdelay $0x1  }
0x99: {  	s19 =	simm.s32 $_scs_section_size  }
0x9a: {  	s4 =	simm.s32 $_size__tile_overlayer_lowered;
	s5 =	simm.s32 $_tile_overlayer_lowered  }
0x9b: {  	s22 =	simm.s32 $0x1BFF;
	s21 =	sshll.u32 s5, $0x1;
	s2 =	sadd.s32 s19, s18  }
0x9c: {  	s6 =	simm.s32 $0x0;
	s20 =	sshll.u32 s4, $0x1;
	s4 =	sadd.s32 s21, s2  }
0x9d: {  	[timem:s6], [sflag:s22] =	dma.local [hbm:s4], s20  }
0x9e: {  	_ =	swait.ge [sflag:s22], s20  }
0x9f: {  	s3 =	ssub.s32 $0x0, s20;
	[sflag:s22] =	ssyncset.done $0x0  }
0xa0: {  	[sflag:s22] =	ssyncadd.s32 s3;
	_ =	sdelay $0x1  }
0xa1: {  	s23 =	simm.s32 $0x1B8B  }
0xa2: {  	_ =	swait.ge [sflag:s23], $0x1  }
0xa3: {  	[sflag:s23] =	ssyncset.done $0x0  }
0xa4: {  	s25 =	simm.s32 $0x1B8E;
	s24 =	sld [smem:$0x3FFE];
	[sflag:s23] =	ssyncadd.s32 $0xFFFFFFFF  }
0xa5: {  	s26 =	simm.s32 $execute0_lowered;
	[smem:$0x3FD2] =	sst s25  }
0xa6: {  	s4 =	sshll.u32 s26, $0x1;
	_ =	strace $0x8000004C;
	[dreg:$0x1] =	wrdreg $0xFFFFFFFF  }
0xa7: {  	s28 =	simm.s32 $_size_execute0_lowered;
	s2 =	sadd.s32 s2, s4;
	[dreg:$0x0] =	wrdreg $0x0  }
0xa8: {  	s4 =	sshll.u32 s28, $0x1;
	[dreg:$0x2] =	wrdreg s2  }
0xa9: {  	[dreg:$0x3] =	wrdreg s4  }
0xaa: {  	[dreg:$0x4] =	wrdreg $0xC0  }
0xab: {  	_ =	task [dreg:s6], $0x5FFFF  }
0xac: {  	[dreg:$0x1] =	wrdreg $0xFFFFFFFF  }
0xad: {  	[dreg:$0x0] =	wrdreg $0x60  }
0xae: {  	[dreg:$0x2] =	wrdreg s24  }
0xaf: {  	[dreg:$0x3] =	wrdreg $0xA8000  }
0xb0: {  	[dreg:$0x4] =	wrdreg $0x9  }
0xb1: {  	_ =	task.clear_ibuf [dreg:s6], $0x5FFFF;
	_ =	strace $0x9000004C  }
0xb2: {  	s29 =	simm.s32 $0x9;
	_ =	strace $0x8000004E  }
0xb3: {  	_ =	swait.ge [sflag:s29], $0x1  }
0xb4: {  	[sflag:s29] =	ssyncadd.s32 $0xFFFFFFFF  }
0xb5: {  	_ =	strace $0x9000004E  }
0xb6: {  	_ =	sfence  }
0xb7: {  	s30 =	sld [smem:$0x0];
	_ =	sdelay $0x2  }
0xb8: {  	s31 =	sshll.u32 s1, $0xD;
	s1 =	sshrl.u32 s1, $0x2  }
0xb9: {  	s3 =	sand.u32 $0x4000, s31;
	s1 =	sadd.s32 s1, s30  }
0xba: {  	s0 =	sor.u32 s3, s0;
	s1 =	sshll.u32 s1, $0x11  }
0xbb: {  	s0 =	sor.u32 s1, s0  }
0xbc: {  	s0 =	sadd.s32 $0x8F2B, s0  }
0xbd: {  	[sflag:s0] =	ssyncadd.remote.s32 $0x1  }
0xbe: {  	_ =	sfence.sel $0xFFFF  }
0xbf: {  	[dreg:$0x0] =	wrdreg $0xFFFFFFFF;
	(pc) =	sbr.abs _section_cstart, $3  }
0xc0: {  	[dreg:$0x1] =	wrdreg $0xFFFFFFFF  }
0xc1: {  	_ =	task.clear_ibuf [dreg:s6], $0x2FFFF;
	_ =	strace $0x9FFFFFFF  }
0xc2: {  	(tm) =	ssettm $0x7FFFFFFF  }
0xc3: {  	_ =	shalt  }
tec
execute0_lowered:
.L_overlay_start_1:
0x0: {  	(tag) =	ssettag $0x1  }
0x1: {  	s6 =	rddreg [dreg:$0x0]  }
0x2: {  	s1 =	rddreg [dreg:$0x1];
	s2 =	srdreg.scid  }
0x3: {  	s0 =	rddreg [dreg:$0x2];
	s3 =	simm.s32 $0x0;
	s16 =	simm.s32 $0x1400  }
0x4: {  	s17 =	simm.s32 $0x80;
	s18 =	simm.s32 $0x2800;
	s19 =	simm.s32 $0x6800  }
0x5: {  	s20 =	simm.s32 $0x1;
	s21 =	simm.s32 $0x2;
	s22 =	simm.s32 $0x1380  }
0x6: {  	s23 =	simm.s32 $0x2700;
	s24 =	simm.s32 $0x2780;
	s7 =	sand.u32 $0x1, s2  }
0x7: {  	s2 =	stileid.u32;
	[smem:$0x7FF] =	sst s3;
	s4 =	sadd.s32 $0xF800, s6  }
0x8: {  	s9 =	sadd.s32 $0x5000, s6;
	s10 =	sadd.s32 $0x38400, s6;
	s5 =	smul.u32 $0x140000, s7  }
0x9: {  	s8 =	smul.u32 $0x14000, s2;
	_ =	strace $0x8000004D;
	s11 =	sshll.u32 s2, $0x1  }
0xa: {  	s12 =	ssub.s32 $0x2, s7;
	s25 =	smul.u32 $0x50000, s2;
	s29 =	sshll.u32 s2, $0x6  }
0xb: {  	s7 =	sor.u32 s7, s11;
	s26 =	sshrl.u32 s12, $0x1;
	s8 =	sadd.s32 s8, s5  }
0xc: {  	s5 =	sadd.s32 $0x42400, s6;
	s7 =	smul.u32 $0x2800, s7;
	s12 =	ssub.s32 s12, s26  }
0xd: {  	s28 =	sshrl.u32 s25, $0x2;
	s25 =	simm.s32 $0x0;
	s8 =	sshrl.u32 s8, $0x3  }
0xe: {  	s14 =	sadd.s32 s28, s1;
	s12 =	smax.u32 s12, $0x1;
	s13 =	sadd.s32 s8, s6  }
0xf: {  	s6 =	sor.u32 $0x1C03, s29;
	s30 =	sshrl.u32 s7, $0x3;
	s15 =	sadd.s32 $0xA000, s14  }
0x10: {  	s7 =	sadd.s32 s9, s30;
	s31 =	sadd.s32 $0x280, s30;
	s8 =	sadd.s32 s10, s30  }
0x11: {  	s11 =	sadd.s32 $0x43800, s13;
	s13 =	sshrl.u32 s14, $0x3;
	s14 =	simm.s32 $0x3  }
0x12: {  	s15 =	sshrl.u32 s15, $0x3;
	s9 =	sadd.s32 s9, s31;
	s10 =	sadd.s32 s10, s31  }
.LBB2_1:
0x13: {  	[spmem:s13], [sflag:s6] =	dma.local [hbm:s5], $0x1400  }
0x14: {  	_ =	swait.ge [sflag:s14], $0x1400  }
0x15: {  	[sflag:s14] =	ssyncset.done $0x0  }
0x16: {  	[sflag:s14] =	ssyncadd.s32 $0xFFFFEC00  }
0x17: {  	[spmem:s15], [sflag:s6] =	dma.local [hbm:s5], $0x1400  }
0x18: {  	_ =	swait.ge [sflag:s14], $0x1400  }
0x19: {  	[sflag:s14] =	ssyncset.done $0x0  }
0x1a: {  	[sflag:s14] =	ssyncadd.s32 $0xFFFFEC00  }
0x1b: {  	[bflag:$0x0] =	sbarrier.arrive $0xFFFF  }
0x1c: {  	[tilespmem:s3], [sflag:$0x3] =	stream.linear.gather [hbm4b:s7+s3], $0x1400, $0x38;
	[tilespmem:$0x1E800] =	vst v63  }
0x1d: {  	_ =	swait.ge [sflag:s14], $0x1400  }
0x1e: {  	[sflag:s14] =	ssyncset.done $0x0  }
0x1f: {  	[sflag:s14] =	ssyncadd.s32 $0xFFFFEC00  }
0x20: {  	[tilespmem:s16], [sflag:$0x3] =	stream.linear.gather [hbm4b:s8+s3], $0x1400, $0x38;
	[tilespmem:$0x1E800] =	vst v63  }
0x21: {  	_ =	swait.ge [sflag:s14], $0x1400  }
0x22: {  	[sflag:s14] =	ssyncset.done $0x0  }
0x23: {  	[sflag:s14] =	ssyncadd.s32 $0xFFFFEC00  }
0x24: {  	[tilespmem:s18], [sflag:$0x1] =	stream.indirect.gather [hbm4b:s4+s17], $0x80, s3, s17, $0xb8;
	[tilespmem:$0x1E800] =	vst v63  }
0x25: {  	s26 =	simm.s32 $0x80  }
0x26: {  	[tilespmem:s19], [sflag:$0x2] =	stream.indirect.gather [hbm4b:s4+s17], $0x80, s26, s17, $0xb8;
	[tilespmem:$0x1E800] =	vst v63  }
0x27: {  	_ =	swait.ge [sflag:s20], $0x4000  }
0x28: {  	[sflag:s20] =	ssyncset.done $0x0  }
0x29: {  	s29 =	simm.s32 $0x1400;
	[sflag:s20] =	ssyncadd.s32 $0xFFFFC000  }
0x2a: {  	[spmem:s1] =	stream.indirect.scatter.add.f32 [tilespmem:s18], [sflag:$0x3], $0x80, s29, s17, $0xb8;
	[tilespmem:$0x1E800] =	vst v63  }
0x2b: {  	_ =	swait.ge [sflag:s14], $0x4000  }
0x2c: {  	[sflag:s14] =	ssyncset.done $0x0  }
0x2d: {  	s30 =	simm.s32 $0x100;
	[sflag:s14] =	ssyncadd.s32 $0xFFFFC000  }
0x2e: {  	[tilespmem:s18], [sflag:$0x1] =	stream.indirect.gather [hbm4b:s4+s17], $0x80, s30, s17, $0xb8;
	[tilespmem:$0x1E800] =	vst v63  }
0x2f: {  	_ =	swait.ge [sflag:s21], $0x4000  }
0x30: {  	[sflag:s21] =	ssyncset.done $0x0  }
0x31: {  	s31 =	simm.s32 $0x1480;
	[sflag:s21] =	ssyncadd.s32 $0xFFFFC000  }
0x32: {  	[spmem:s1] =	stream.indirect.scatter.add.f32 [tilespmem:s19], [sflag:$0x3], $0x80, s31, s17, $0xb8;
	[tilespmem:$0x1E800] =	vst v63  }
0x33: {  	_ =	swait.ge [sflag:s14], $0x4000  }
0x34: {  	s28 =	simm.s32 $0x800;
	s26 =	simm.s32 $0x100;
	[sflag:s14] =	ssyncset.done $0x0  }
.LBB2_2:
0x35: {  	s29 =	sadd.s32 $0x80, s26  }
0x36: {  	[sflag:s14] =	ssyncadd.s32 $0xFFFFC000;
	s30 =	smov.u32 s28;
	s31 =	sadd.s32 $0x400, s28  }
0x37: {  	[tilespmem:s19], [sflag:$0x2] =	stream.indirect.gather [hbm4b:s4+s17], $0x80, s29, s17, $0xb8;
	[tilespmem:$0x1E800] =	vst v63  }
0x38: {  	p0 =	sne.s32 s28, $0x4800;
	_ =	swait.ge [sflag:s20], $0x4000  }
0x39: {  	[sflag:s20] =	ssyncset.done $0x0  }
0x3a: {  	s28 =	sadd.s32 $0x1400, s26;
	[sflag:s20] =	ssyncadd.s32 $0xFFFFC000  }
0x3b: {  	[spmem:s1] =	stream.indirect.scatter.add.f32 [tilespmem:s18], [sflag:$0x3], $0x80, s28, s17, $0xb8;
	[tilespmem:$0x1E800] =	vst v63  }
0x3c: {  	_ =	swait.ge [sflag:s14], $0x4000  }
0x3d: {  	[sflag:s14] =	ssyncset.done $0x0  }
0x3e: {  	s28 =	sadd.s32 $0x100, s26;
	[sflag:s14] =	ssyncadd.s32 $0xFFFFC000  }
0x3f: {  	[tilespmem:s18], [sflag:$0x1] =	stream.indirect.gather [hbm4b:s4+s17], $0x80, s28, s17, $0xb8;
	[tilespmem:$0x1E800] =	vst v63  }
0x40: {  	_ =	swait.ge [sflag:s21], $0x4000  }
.Ltmp0:
0x41: {  	[sflag:s21] =	ssyncset.done $0x0;
	(pc) =	sbr.rel @p0 .LBB2_2-.Ltmp0, $4  }
0x42: {  	s26 =	sadd.s32 $0x1480, s26;
	[sflag:s21] =	ssyncadd.s32 $0xFFFFC000  }
0x43: {  	[spmem:s1] =	stream.indirect.scatter.add.f32 [tilespmem:s19], [sflag:$0x3], $0x80, s26, s17, $0xb8;
	[tilespmem:$0x1E800] =	vst v63  }
0x44: {  	_ =	swait.ge [sflag:s14], $0x4000  }
0x45: {  	s28 =	smov.u32 s31;
	s26 =	sshra.s32 s30, $0x2;
	[sflag:s14] =	ssyncset.done $0x0  }
0x46: {  	s28 =	sadd.s32 $0x80, s26;
	[sflag:s14] =	ssyncadd.s32 $0xFFFFC000  }
0x47: {  	[tilespmem:s19], [sflag:$0x2] =	stream.indirect.gather [hbm4b:s4+s17], $0x80, s28, s17, $0xb8;
	[tilespmem:$0x1E800] =	vst v63  }
0x48: {  	_ =	swait.ge [sflag:s20], $0x4000  }
0x49: {  	[sflag:s20] =	ssyncset.done $0x0  }
0x4a: {  	s28 =	sadd.s32 $0x1400, s26;
	[sflag:s20] =	ssyncadd.s32 $0xFFFFC000  }
0x4b: {  	[spmem:s1] =	stream.indirect.scatter.add.f32 [tilespmem:s18], [sflag:$0x3], $0x80, s28, s17, $0xb8;
	[tilespmem:$0x1E800] =	vst v63  }
0x4c: {  	_ =	swait.ge [sflag:s14], $0x4000  }
0x4d: {  	[sflag:s14] =	ssyncset.done $0x0  }
0x4e: {  	s28 =	sadd.s32 $0x100, s26;
	[sflag:s14] =	ssyncadd.s32 $0xFFFFC000  }
0x4f: {  	[tilespmem:s18], [sflag:$0x1] =	stream.indirect.gather [hbm4b:s4+s17], $0x80, s28, s17, $0xb8;
	[tilespmem:$0x1E800] =	vst v63  }
0x50: {  	_ =	swait.ge [sflag:s21], $0x4000  }
0x51: {  	[sflag:s21] =	ssyncset.done $0x0  }
0x52: {  	s29 =	sadd.s32 $0x1480, s26;
	[sflag:s21] =	ssyncadd.s32 $0xFFFFC000  }
0x53: {  	[spmem:s1] =	stream.indirect.scatter.add.f32 [tilespmem:s19], [sflag:$0x3], $0x80, s29, s17, $0xb8;
	[tilespmem:$0x1E800] =	vst v63  }
0x54: {  	_ =	swait.ge [sflag:s14], $0x4000  }
0x55: {  	[sflag:s14] =	ssyncset.done $0x0  }
0x56: {  	[sflag:s14] =	ssyncadd.s32 $0xFFFFC000  }
0x57: {  	[tilespmem:s19], [sflag:$0x2] =	stream.indirect.gather [hbm4b:s4+s17], $0x80, s22, s17, $0xb8;
	[tilespmem:$0x1E800] =	vst v63  }
0x58: {  	_ =	swait.ge [sflag:s20], $0x4000  }
0x59: {  	[sflag:s20] =	ssyncset.done $0x0  }
0x5a: {  	[sflag:s20] =	ssyncadd.s32 $0xFFFFC000  }
0x5b: {  	[spmem:s1] =	stream.indirect.scatter.add.f32 [tilespmem:s18], [sflag:$0x3], $0x80, s23, s17, $0xb8;
	[tilespmem:$0x1E800] =	vst v63  }
0x5c: {  	_ =	swait.ge [sflag:s14], $0x4000  }
0x5d: {  	[sflag:s14] =	ssyncset.done $0x0  }
0x5e: {  	[sflag:s14] =	ssyncadd.s32 $0xFFFFC000  }
0x5f: {  	_ =	swait.ge [sflag:s21], $0x4000  }
0x60: {  	[sflag:s21] =	ssyncset.done $0x0  }
0x61: {  	[sflag:s21] =	ssyncadd.s32 $0xFFFFC000  }
0x62: {  	[spmem:s1] =	stream.indirect.scatter.add.f32 [tilespmem:s19], [sflag:$0x3], $0x80, s24, s17, $0xb8;
	[tilespmem:$0x1E800] =	vst v63  }
0x63: {  	_ =	swait.ge [sflag:s14], $0x4000  }
0x64: {  	[sflag:s14] =	ssyncset.done $0x0  }
0x65: {  	s30 =	simm.s32 $0x0;
	[sflag:s14] =	ssyncadd.s32 $0xFFFFC000  }
0x66: {  	[tilespmem:s30], [sflag:$0x3] =	stream.linear.gather [hbm4b:s9+s30], $0x1400, $0x38;
	[tilespmem:$0x1E800] =	vst v63  }
0x67: {  	_ =	swait.ge [sflag:s14], $0x1400  }
0x68: {  	[sflag:s14] =	ssyncset.done $0x0  }
0x69: {  	[sflag:s14] =	ssyncadd.s32 $0xFFFFEC00  }
0x6a: {  	[tilespmem:s16], [sflag:$0x3] =	stream.linear.gather [hbm4b:s10+s30], $0x1400, $0x38;
	[tilespmem:$0x1E800] =	vst v63  }
0x6b: {  	_ =	swait.ge [sflag:s14], $0x1400  }
0x6c: {  	[sflag:s14] =	ssyncset.done $0x0  }
0x6d: {  	[sflag:s14] =	ssyncadd.s32 $0xFFFFEC00  }
0x6e: {  	[tilespmem:s18], [sflag:$0x1] =	stream.indirect.gather [hbm4b:s4+s17], $0x80, s30, s17, $0xb8;
	[tilespmem:$0x1E800] =	vst v63  }
0x6f: {  	s31 =	simm.s32 $0x80  }
0x70: {  	[tilespmem:s19], [sflag:$0x2] =	stream.indirect.gather [hbm4b:s4+s17], $0x80, s31, s17, $0xb8;
	[tilespmem:$0x1E800] =	vst v63  }
0x71: {  	_ =	swait.ge [sflag:s20], $0x4000  }
0x72: {  	[sflag:s20] =	ssyncset.done $0x0  }
0x73: {  	s29 =	simm.s32 $0x1400;
	[sflag:s20] =	ssyncadd.s32 $0xFFFFC000  }
0x74: {  	[spmem:s1] =	stream.indirect.scatter.add.f32 [tilespmem:s18], [sflag:$0x3], $0x80, s29, s17, $0xb8;
	[tilespmem:$0x1E800] =	vst v63  }
0x75: {  	_ =	swait.ge [sflag:s14], $0x4000  }
0x76: {  	[sflag:s14] =	ssyncset.done $0x0  }
0x77: {  	s30 =	simm.s32 $0x100;
	[sflag:s14] =	ssyncadd.s32 $0xFFFFC000  }
0x78: {  	[tilespmem:s18], [sflag:$0x1] =	stream.indirect.gather [hbm4b:s4+s17], $0x80, s30, s17, $0xb8;
	[tilespmem:$0x1E800] =	vst v63  }
0x79: {  	_ =	swait.ge [sflag:s21], $0x4000  }
0x7a: {  	[sflag:s21] =	ssyncset.done $0x0  }
0x7b: {  	s31 =	simm.s32 $0x1480;
	[sflag:s21] =	ssyncadd.s32 $0xFFFFC000  }
0x7c: {  	[spmem:s1] =	stream.indirect.scatter.add.f32 [tilespmem:s19], [sflag:$0x3], $0x80, s31, s17, $0xb8;
	[tilespmem:$0x1E800] =	vst v63  }
0x7d: {  	_ =	swait.ge [sflag:s14], $0x4000  }
0x7e: {  	s26 =	simm.s32 $0x100;
	s28 =	simm.s32 $0x800;
	[sflag:s14] =	ssyncset.done $0x0  }
.LBB2_4:
0x7f: {  	s29 =	sadd.s32 $0x80, s26  }
0x80: {  	[sflag:s14] =	ssyncadd.s32 $0xFFFFC000;
	s30 =	smov.u32 s28;
	s31 =	sadd.s32 $0x400, s28  }
0x81: {  	[tilespmem:s19], [sflag:$0x2] =	stream.indirect.gather [hbm4b:s4+s17], $0x80, s29, s17, $0xb8;
	[tilespmem:$0x1E800] =	vst v63  }
0x82: {  	p0 =	sne.s32 s28, $0x4800;
	_ =	swait.ge [sflag:s20], $0x4000  }
0x83: {  	[sflag:s20] =	ssyncset.done $0x0  }
0x84: {  	s28 =	sadd.s32 $0x1400, s26;
	[sflag:s20] =	ssyncadd.s32 $0xFFFFC000  }
0x85: {  	[spmem:s1] =	stream.indirect.scatter.add.f32 [tilespmem:s18], [sflag:$0x3], $0x80, s28, s17, $0xb8;
	[tilespmem:$0x1E800] =	vst v63  }
0x86: {  	_ =	swait.ge [sflag:s14], $0x4000  }
0x87: {  	[sflag:s14] =	ssyncset.done $0x0  }
0x88: {  	s28 =	sadd.s32 $0x100, s26;
	[sflag:s14] =	ssyncadd.s32 $0xFFFFC000  }
0x89: {  	[tilespmem:s18], [sflag:$0x1] =	stream.indirect.gather [hbm4b:s4+s17], $0x80, s28, s17, $0xb8;
	[tilespmem:$0x1E800] =	vst v63  }
0x8a: {  	_ =	swait.ge [sflag:s21], $0x4000  }
.Ltmp1:
0x8b: {  	[sflag:s21] =	ssyncset.done $0x0;
	(pc) =	sbr.rel @p0 .LBB2_4-.Ltmp1, $4  }
0x8c: {  	s26 =	sadd.s32 $0x1480, s26;
	[sflag:s21] =	ssyncadd.s32 $0xFFFFC000  }
0x8d: {  	[spmem:s1] =	stream.indirect.scatter.add.f32 [tilespmem:s19], [sflag:$0x3], $0x80, s26, s17, $0xb8;
	[tilespmem:$0x1E800] =	vst v63  }
0x8e: {  	_ =	swait.ge [sflag:s14], $0x4000  }
0x8f: {  	s28 =	smov.u32 s31;
	s26 =	sshra.s32 s30, $0x2;
	[sflag:s14] =	ssyncset.done $0x0  }
0x90: {  	s28 =	sadd.s32 $0x80, s26;
	[sflag:s14] =	ssyncadd.s32 $0xFFFFC000  }
0x91: {  	[tilespmem:s19], [sflag:$0x2] =	stream.indirect.gather [hbm4b:s4+s17], $0x80, s28, s17, $0xb8;
	[tilespmem:$0x1E800] =	vst v63  }
0x92: {  	_ =	swait.ge [sflag:s20], $0x4000  }
0x93: {  	[sflag:s20] =	ssyncset.done $0x0  }
0x94: {  	s29 =	sadd.s32 $0x1400, s26;
	[sflag:s20] =	ssyncadd.s32 $0xFFFFC000  }
0x95: {  	[spmem:s1] =	stream.indirect.scatter.add.f32 [tilespmem:s18], [sflag:$0x3], $0x80, s29, s17, $0xb8;
	[tilespmem:$0x1E800] =	vst v63  }
0x96: {  	_ =	swait.ge [sflag:s14], $0x4000  }
0x97: {  	[sflag:s14] =	ssyncset.done $0x0  }
0x98: {  	s30 =	sadd.s32 $0x100, s26;
	[sflag:s14] =	ssyncadd.s32 $0xFFFFC000  }
0x99: {  	[tilespmem:s18], [sflag:$0x1] =	stream.indirect.gather [hbm4b:s4+s17], $0x80, s30, s17, $0xb8;
	[tilespmem:$0x1E800] =	vst v63  }
0x9a: {  	_ =	swait.ge [sflag:s21], $0x4000  }
0x9b: {  	[sflag:s21] =	ssyncset.done $0x0  }
0x9c: {  	s31 =	sadd.s32 $0x1480, s26;
	[sflag:s21] =	ssyncadd.s32 $0xFFFFC000  }
0x9d: {  	[spmem:s1] =	stream.indirect.scatter.add.f32 [tilespmem:s19], [sflag:$0x3], $0x80, s31, s17, $0xb8;
	[tilespmem:$0x1E800] =	vst v63  }
0x9e: {  	_ =	swait.ge [sflag:s14], $0x4000  }
0x9f: {  	[sflag:s14] =	ssyncset.done $0x0  }
0xa0: {  	[sflag:s14] =	ssyncadd.s32 $0xFFFFC000  }
0xa1: {  	[tilespmem:s19], [sflag:$0x2] =	stream.indirect.gather [hbm4b:s4+s17], $0x80, s22, s17, $0xb8;
	[tilespmem:$0x1E800] =	vst v63  }
0xa2: {  	_ =	swait.ge [sflag:s20], $0x4000  }
0xa3: {  	[sflag:s20] =	ssyncset.done $0x0  }
0xa4: {  	[sflag:s20] =	ssyncadd.s32 $0xFFFFC000  }
0xa5: {  	[spmem:s1] =	stream.indirect.scatter.add.f32 [tilespmem:s18], [sflag:$0x3], $0x80, s23, s17, $0xb8;
	[tilespmem:$0x1E800] =	vst v63  }
0xa6: {  	_ =	swait.ge [sflag:s14], $0x4000  }
0xa7: {  	[sflag:s14] =	ssyncset.done $0x0  }
0xa8: {  	[sflag:s14] =	ssyncadd.s32 $0xFFFFC000  }
0xa9: {  	_ =	swait.ge [sflag:s21], $0x4000  }
0xaa: {  	[sflag:s21] =	ssyncset.done $0x0  }
0xab: {  	[sflag:s21] =	ssyncadd.s32 $0xFFFFC000  }
0xac: {  	[spmem:s1] =	stream.indirect.scatter.add.f32 [tilespmem:s19], [sflag:$0x3], $0x80, s24, s17, $0xb8;
	[tilespmem:$0x1E800] =	vst v63  }
0xad: {  	_ =	swait.ge [sflag:s14], $0x4000  }
0xae: {  	s25 =	sadd.s32 $0x1, s25;
	[sflag:s14] =	ssyncset.done $0x0  }
0xaf: {  	p0 =	sne.s32 s25, s12;
	[sflag:s14] =	ssyncadd.s32 $0xFFFFC000  }
.Ltmp2:
0xb0: {  	[bflag:$0x0] =	sbarrier.arrive $0xFFFF;
	(pc) =	sbr.rel @p0 .LBB2_1-.Ltmp2, $4  }
0xb1: {  	[hbm:s11], [sflag:s6] =	dma.local [spmem:s13], $0x2800  }
0xb2: {  	_ =	swait.ge [sflag:s14], $0x2800  }
0xb3: {  	[sflag:s14] =	ssyncset.done $0x0  }
0xb4: {  	[sflag:s14] =	ssyncadd.s32 $0xFFFFD800  }
0xb5: {  	_ =	sfence.sel $0x180000  }
0xb6: {  	[bflag:$0x0] =	sbarrier.arrive $0xFFFF  }
0xb7: {  	p0 =	sne.s32 s2, $0x0;
	_ =	strace $0x9000004D  }
0xb8: {  	s0 =	sadd.s32 @!p0 $0x100000, s0;
	[bflag:$0x2] =	sbarrier.arrive $0xFFFF  }
0xb9: {  	[sflag:s0] =	ssyncadd.tile.s32 @!p0 $0x1;
	_ =	shalt  }
.Lfunc_end2:
_tile_overlayer_lowered:
.L_overlay_start_2:
0xba: {  	(tag) =	ssettag $0x2  }
0xbb: {  	s0 =	rddreg [dreg:$0x0];
	s2 =	stileid.u32  }
0xbc: {  	s1 =	rddreg [dreg:$0x1];
	p0 =	sne.s32 s2, $0x0  }
0xbd: {  	s3 =	rddreg [dreg:$0x2];
	[bflag:$0x3] =	sbarrier.arrive $0xFFFF;
	s2 =	simm.s32 @!p0 $0x1C03  }
0xbe: {  	[timem:s3], [sflag:s2] =	dma.local @!p0 [hbm:s0], s1  }
0xbf: {  	s0 =	simm.s32 @!p0 $0x3  }
0xc0: {  	_ =	swait.ge @!p0 [sflag:s0], s1  }
0xc1: {  	s1 =	ssub.s32 @!p0 $0x0, s1;
	[sflag:s0] =	ssyncset.done @!p0 $0x0  }
0xc2: {  	[sflag:s0] =	ssyncadd.s32 @!p0 s1  }
0xc3: {  	[bflag:$0x3] =	sbarrier.arrive $0xFFFF  }
0xc4: {  	_ =	shalt  }

// kernel: kernel.23.cloned.1.call-start
scs
__scs_entry_jumppad:
0x0: {  	(pc) =	sbr.rel $0x88, $3  }
0x1: {  	(tag) =	ssettag $0x0;
	lr =	simm.s32 $0x1  }
0x2: {  	[smem:$0x3F8F] =	sst lr;
	_ =	strace $0xD0000000  }
0x3: {  	_ = 	snop  }
0x4: {  	_ = 	snop  }
0x5: {  	_ = 	snop  }
0x6: {  	_ = 	snop  }
0x7: {  	_ = 	snop  }
__scs_overlays_trampoline_lowered:
0x8: {  	[smem:$0x3F9E] =	sst s0  }
0x9: {  	[smem:$0x3F9F] =	sst s1  }
0xa: {  	[smem:$0x3FA0] =	sst s2  }
0xb: {  	[smem:$0x3FA1] =	sst s3  }
0xc: {  	[smem:$0x3FA2] =	sst s4  }
0xd: {  	[smem:$0x3FA3] =	sst s5  }
0xe: {  	[smem:$0x3FA4] =	sst s6  }
0xf: {  	[smem:$0x3FA5] =	sst s7  }
0x10: {  	[smem:$0x3FA6] =	sst s8  }
0x11: {  	[smem:$0x3FA7] =	sst s9;
	s0 =	simm.s32 @!p0 $0x0  }
0x12: {  	s1 =	sld [smem:$0x3F8D];
	s0 =	simm.s32 @p0 $0x1  }
0x13: {  	[smem:$0x3FA8] =	sst s0;
	s0 =	simm.s32 @!p1 $0x0  }
0x14: {  	s2 =	sld [smem:$0x3F8C];
	s0 =	simm.s32 @p1 $0x1  }
0x15: {  	[smem:$0x3FA9] =	sst s0;
	s0 =	simm.s32 @!p2 $0x0  }
0x16: {  	s3 =	sld [smem:$0x3FDB];
	s0 =	simm.s32 @p2 $0x1  }
0x17: {  	s4 =	simm.s32 $0x1BF5;
	[smem:$0x3FAB] =	sst s0  }
0x18: {  	s0 =	sld [smem:$0x3F8E];
	_ =	swait.ge [sflag:s4], $0x0  }
0x19: {  	s7 =	sld [smem:$0x3F8F]  }
0x1a: {  	s8 =	sadd.s32 $0xFFFFE003, lr  }
0x1b: {  	s9 =	sadd.s32 $0xFFFFFEF7, lr;
	s5 =	simm.s32 $0xFFFFFFFF;
	p2 =	slt.u32 s8, $0xFFFFF086  }
0x1c: {  	p1 =	slt.u32 s9, $0xF7A;
	s5 =	simm.s32 @!p2 $0x0  }
0x1d: {  	s5 =	simm.s32 @p1 $0x1;
	p0 =	seq.s32 s7, s2  }
0x1e: {  	s7 =	smul.u32 @!p0 $0xF7A, s2;
	p2 =	seq.s32 @!p0 s5, $0x0  }
0x1f: {  	s9 =	smul.u32 $0xF7A, s1;
	s8 =	simm.s32 @!p0 $0x1BF5;
	p2 =	por !p2, p0  }
0x20: {  	[sflag:s8] =	ssyncset.s32 @!p0 $0xFFFFF086;
	s6 =	sadd.s32 @!p0 s3, s7;
	s7 =	simm.s32 @!p0 $0x108  }
0x21: {  	s3 =	sadd.s32 s3, s9;
	s6 =	sadd.s32 @!p0 $0x88, s6;
	s7 =	simm.s32 @p2 $0x1082  }
0x22: {  	[simem:s7], [sflag:s8] =	dma.local @!p0 [hbm:s6], $0xF7A  }
0x23: {  	s9 =	sor.u32 $0xD0000000, s2;
	s6 =	simm.s32 $0x108;
	_ =	swait.ge @!p0 [sflag:s8], $0x0  }
0x24: {  	s3 =	sadd.s32 $0x88, s3;
	s6 =	simm.s32 @!p1 $0x1082;
	[sflag:s4] =	ssyncset.s32 $0xFFFFF086  }
0x25: {  	[simem:s6], [sflag:s4] =	dma.local [hbm:s3], $0xF7A  }
0x26: {  	[smem:$0x3F8F] =	sst s1;
	(tag) =	ssettag s2;
	_ =	strace s9  }
0x27: {  	s1 =	sld [smem:$0x3F9F]  }
0x28: {  	s2 =	sld [smem:$0x3FA0]  }
0x29: {  	s4 =	sld [smem:$0x3FA2]  }
0x2a: {  	p0 =	seq.s32 s5, $0x0;
	s5 =	sld [smem:$0x3FA3]  }
0x2b: {  	s6 =	sld [smem:$0x3FA4]  }
0x2c: {  	s7 =	sld [smem:$0x3FA5]  }
0x2d: {  	s3 =	simm.s32 $0x108;
	s8 =	sld [smem:$0x3FA6]  }
0x2e: {  	s3 =	simm.s32 @!p0 $0x1082;
	s9 =	sld [smem:$0x3FA7]  }
0x2f: {  	lr =	sadd.s32 s0, s3;
	s0 =	sld [smem:$0x3F9E]  }
0x30: {  	s3 =	sld [smem:$0x3FA1]  }
0x31: {  	[smem:$0x3FAA] =	sst s10  }
0x32: {  	s10 =	sld [smem:$0x3FA8];
	_ =	sdelay $0x3  }
0x33: {  	p0 =	seq.s32 s10, $0x1;
	s10 =	sld [smem:$0x3FAA];
	_ =	sdelay $0x3  }
0x34: {  	[smem:$0x3FAA] =	sst s10  }
0x35: {  	s10 =	sld [smem:$0x3FA9];
	_ =	sdelay $0x3  }
0x36: {  	p1 =	seq.s32 s10, $0x1;
	s10 =	sld [smem:$0x3FAA];
	_ =	sdelay $0x3  }
0x37: {  	[smem:$0x3FAA] =	sst s10  }
0x38: {  	s10 =	sld [smem:$0x3FAB]  }
0x39: {  	_ = 	snop;
	(pc) =	sbr.ind lr, $3  }
0x3a: {  	_ = 	snop  }
0x3b: {  	_ = 	snop  }
0x3c: {  	p2 =	seq.s32 s10, $0x1;
	s10 =	sld [smem:$0x3FAA]  }
0x3d: {  	_ =	shalt  }
0x3e: {  	_ =	shalt  }
0x3f: {  	_ =	shalt  }
0x40: {  	_ =	shalt  }
0x41: {  	_ =	shalt  }
0x42: {  	_ =	shalt  }
0x43: {  	_ =	shalt  }
0x44: {  	_ =	shalt  }
0x45: {  	_ =	shalt  }
0x46: {  	_ =	shalt  }
0x47: {  	_ =	shalt  }
0x48: {  	_ =	shalt  }
0x49: {  	_ =	shalt  }
0x4a: {  	_ =	shalt  }
0x4b: {  	_ =	shalt  }
0x4c: {  	_ =	shalt  }
0x4d: {  	_ =	shalt  }
0x4e: {  	_ =	shalt  }
0x4f: {  	_ =	shalt  }
0x50: {  	_ =	shalt  }
0x51: {  	_ =	shalt  }
0x52: {  	_ =	shalt  }
0x53: {  	_ =	shalt  }
0x54: {  	_ =	shalt  }
0x55: {  	_ =	shalt  }
0x56: {  	_ =	shalt  }
0x57: {  	_ =	shalt  }
0x58: {  	_ =	shalt  }
0x59: {  	_ =	shalt  }
0x5a: {  	_ =	shalt  }
0x5b: {  	_ =	shalt  }
0x5c: {  	_ =	shalt  }
0x5d: {  	_ =	shalt  }
0x5e: {  	_ =	shalt  }
0x5f: {  	_ =	shalt  }
0x60: {  	_ =	shalt  }
0x61: {  	_ =	shalt  }
0x62: {  	_ =	shalt  }
0x63: {  	_ =	shalt  }
0x64: {  	_ =	shalt  }
0x65: {  	_ =	shalt  }
0x66: {  	_ =	shalt  }
0x67: {  	_ =	shalt  }
0x68: {  	_ =	shalt  }
0x69: {  	_ =	shalt  }
0x6a: {  	_ =	shalt  }
0x6b: {  	_ =	shalt  }
0x6c: {  	_ =	shalt  }
0x6d: {  	_ =	shalt  }
0x6e: {  	_ =	shalt  }
0x6f: {  	_ =	shalt  }
0x70: {  	_ =	shalt  }
0x71: {  	_ =	shalt  }
0x72: {  	_ =	shalt  }
0x73: {  	_ =	shalt  }
0x74: {  	_ =	shalt  }
0x75: {  	_ =	shalt  }
0x76: {  	_ =	shalt  }
0x77: {  	_ =	shalt  }
0x78: {  	_ =	shalt  }
0x79: {  	_ =	shalt  }
0x7a: {  	_ =	shalt  }
0x7b: {  	_ =	shalt  }
0x7c: {  	_ =	shalt  }
0x7d: {  	_ =	shalt  }
0x7e: {  	_ =	shalt  }
0x7f: {  	_ =	shalt  }
0x80: {  	_ =	shalt  }
0x81: {  	_ =	shalt  }
0x82: {  	_ =	shalt  }
0x83: {  	_ =	shalt  }
0x84: {  	_ =	shalt  }
0x85: {  	_ =	shalt  }
0x86: {  	_ =	shalt  }
0x87: {  	_ =	shalt  }
.Lfunc_end0:
.L_simem_size_0:
called_computation.3_lowered:
.L_overlay_start_0:
0x88: {  	s2 =	sld [smem:$0x3FD9]  }
0x89: {  	s3 =	sld [smem:$0x3FFE];
	_ =	sdelay $0x1  }
0x8a: {  	s1 =	srdreg.scid  }
0x8b: {  	s0 =	sand.u32 $0x1, s1  }
0x8c: {  	s16 =	sshll.u32 s0, $0xA;
	s2 =	sadd.s32 s3, s2  }
0x8d: {  	s2 =	sadd.s32 s2, s16  }
0x8e: {  	[smem:$0x3FB6] =	sst s2  }
0x8f: {  	_ = 	snop  }
0x90: {  	(tm) =	ssettm $0x1  }
0x91: {  	s17 =	sld [smem:$0x3FFB];
	_ =	sdelay $0x3  }
0x92: {  	_ =	strace s17  }
0x93: {  	s2 =	sld [smem:$0x3FFC];
	_ =	sdelay $0x3  }
0x94: {  	_ =	strace s2  }
0x95: {  	s2 =	sld [smem:$0x3FFD];
	_ =	sdelay $0x3  }
0x96: {  	_ =	strace s2  }
0x97: {  	_ =	strace $0x8FFFFFFF  }
0x98: {  	s18 =	sld [smem:$0x3FDB];
	_ =	sdelay $0x1  }
0x99: {  	s19 =	simm.s32 $_scs_section_size  }
0x9a: {  	s4 =	simm.s32 $_size__tile_overlayer_lowered;
	s5 =	simm.s32 $_tile_overlayer_lowered  }
0x9b: {  	s22 =	simm.s32 $0x1BFF;
	s21 =	sshll.u32 s5, $0x1;
	s2 =	sadd.s32 s19, s18  }
0x9c: {  	s6 =	simm.s32 $0x0;
	s20 =	sshll.u32 s4, $0x1;
	s4 =	sadd.s32 s21, s2  }
0x9d: {  	[timem:s6], [sflag:s22] =	dma.local [hbm:s4], s20  }
0x9e: {  	_ =	swait.ge [sflag:s22], s20  }
0x9f: {  	s3 =	ssub.s32 $0x0, s20;
	[sflag:s22] =	ssyncset.done $0x0  }
0xa0: {  	[sflag:s22] =	ssyncadd.s32 s3;
	_ =	sdelay $0x1  }
0xa1: {  	s23 =	simm.s32 $0x1B8B  }
0xa2: {  	_ =	swait.ge [sflag:s23], $0x1  }
0xa3: {  	[sflag:s23] =	ssyncset.done $0x0  }
0xa4: {  	s25 =	simm.s32 $0x1B8E;
	s24 =	sld [smem:$0x3FFE];
	[sflag:s23] =	ssyncadd.s32 $0xFFFFFFFF  }
0xa5: {  	s26 =	simm.s32 $execute0_lowered;
	[smem:$0x3FD2] =	sst s25  }
0xa6: {  	s4 =	sshll.u32 s26, $0x1;
	_ =	strace $0x8000004F;
	[dreg:$0x1] =	wrdreg $0xFFFFFFFF  }
0xa7: {  	s28 =	simm.s32 $_size_execute0_lowered;
	s2 =	sadd.s32 s2, s4;
	[dreg:$0x0] =	wrdreg $0x0  }
0xa8: {  	s4 =	sshll.u32 s28, $0x1;
	[dreg:$0x2] =	wrdreg s2  }
0xa9: {  	[dreg:$0x3] =	wrdreg s4  }
0xaa: {  	[dreg:$0x4] =	wrdreg $0xC0  }
0xab: {  	_ =	task [dreg:s6], $0x5FFFF  }
0xac: {  	[dreg:$0x1] =	wrdreg $0xFFFFFFFF  }
0xad: {  	[dreg:$0x0] =	wrdreg $0x60  }
0xae: {  	[dreg:$0x2] =	wrdreg s24  }
0xaf: {  	[dreg:$0x3] =	wrdreg $0xA8000  }
0xb0: {  	[dreg:$0x4] =	wrdreg $0x9  }
0xb1: {  	_ =	task.clear_ibuf [dreg:s6], $0x5FFFF;
	_ =	strace $0x9000004F  }
0xb2: {  	s29 =	simm.s32 $0x9;
	_ =	strace $0x80000051  }
0xb3: {  	_ =	swait.ge [sflag:s29], $0x1  }
0xb4: {  	[sflag:s29] =	ssyncadd.s32 $0xFFFFFFFF  }
0xb5: {  	_ =	strace $0x90000051  }
0xb6: {  	_ =	sfence  }
0xb7: {  	s30 =	sld [smem:$0x0];
	_ =	sdelay $0x2  }
0xb8: {  	s31 =	sshll.u32 s1, $0xD;
	s1 =	sshrl.u32 s1, $0x2  }
0xb9: {  	s3 =	sand.u32 $0x4000, s31;
	s1 =	sadd.s32 s1, s30  }
0xba: {  	s0 =	sor.u32 s3, s0;
	s1 =	sshll.u32 s1, $0x11  }
0xbb: {  	s0 =	sor.u32 s1, s0  }
0xbc: {  	s0 =	sadd.s32 $0x8F2B, s0  }
0xbd: {  	[sflag:s0] =	ssyncadd.remote.s32 $0x1  }
0xbe: {  	_ =	sfence.sel $0xFFFF  }
0xbf: {  	[dreg:$0x0] =	wrdreg $0xFFFFFFFF;
	(pc) =	sbr.abs _section_cstart, $3  }
0xc0: {  	[dreg:$0x1] =	wrdreg $0xFFFFFFFF  }
0xc1: {  	_ =	task.clear_ibuf [dreg:s6], $0x2FFFF;
	_ =	strace $0x9FFFFFFF  }
0xc2: {  	(tm) =	ssettm $0x7FFFFFFF  }
0xc3: {  	_ =	shalt  }
tec
execute0_lowered:
.L_overlay_start_1:
0x0: {  	(tag) =	ssettag $0x1  }
0x1: {  	s6 =	rddreg [dreg:$0x0]  }
0x2: {  	s1 =	rddreg [dreg:$0x1];
	s2 =	srdreg.scid  }
0x3: {  	s0 =	rddreg [dreg:$0x2];
	s3 =	simm.s32 $0x0;
	s16 =	simm.s32 $0x1400  }
0x4: {  	s17 =	simm.s32 $0x80;
	s18 =	simm.s32 $0x2800;
	s19 =	simm.s32 $0x6800  }
0x5: {  	s20 =	simm.s32 $0x1;
	s21 =	simm.s32 $0x2;
	s22 =	simm.s32 $0x1380  }
0x6: {  	s23 =	simm.s32 $0x2700;
	s24 =	simm.s32 $0x2780;
	s7 =	sand.u32 $0x1, s2  }
0x7: {  	s2 =	stileid.u32;
	[smem:$0x7FF] =	sst s3;
	s4 =	sadd.s32 $0xF800, s6  }
0x8: {  	s9 =	sadd.s32 $0x5000, s6;
	s10 =	sadd.s32 $0x38400, s6;
	s5 =	smul.u32 $0x140000, s7  }
0x9: {  	s8 =	smul.u32 $0x14000, s2;
	_ =	strace $0x80000050;
	s11 =	sshll.u32 s2, $0x1  }
0xa: {  	s12 =	ssub.s32 $0x2, s7;
	s25 =	smul.u32 $0x50000, s2;
	s29 =	sshll.u32 s2, $0x6  }
0xb: {  	s7 =	sor.u32 s7, s11;
	s26 =	sshrl.u32 s12, $0x1;
	s8 =	sadd.s32 s8, s5  }
0xc: {  	s5 =	sadd.s32 $0x42400, s6;
	s7 =	smul.u32 $0x2800, s7;
	s12 =	ssub.s32 s12, s26  }
0xd: {  	s28 =	sshrl.u32 s25, $0x2;
	s25 =	simm.s32 $0x0;
	s8 =	sshrl.u32 s8, $0x3  }
0xe: {  	s14 =	sadd.s32 s28, s1;
	s12 =	smax.u32 s12, $0x1;
	s13 =	sadd.s32 s8, s6  }
0xf: {  	s6 =	sor.u32 $0x1C03, s29;
	s30 =	sshrl.u32 s7, $0x3;
	s15 =	sadd.s32 $0xA000, s14  }
0x10: {  	s7 =	sadd.s32 s9, s30;
	s31 =	sadd.s32 $0x280, s30;
	s8 =	sadd.s32 s10, s30  }
0x11: {  	s11 =	sadd.s32 $0x43800, s13;
	s13 =	sshrl.u32 s14, $0x3;
	s14 =	simm.s32 $0x3  }
0x12: {  	s15 =	sshrl.u32 s15, $0x3;
	s9 =	sadd.s32 s9, s31;
	s10 =	sadd.s32 s10, s31  }
.LBB2_1:
0x13: {  	[spmem:s13], [sflag:s6] =	dma.local [hbm:s5], $0x1400  }
0x14: {  	_ =	swait.ge [sflag:s14], $0x1400  }
0x15: {  	[sflag:s14] =	ssyncset.done $0x0  }
0x16: {  	[sflag:s14] =	ssyncadd.s32 $0xFFFFEC00  }
0x17: {  	[spmem:s15], [sflag:s6] =	dma.local [hbm:s5], $0x1400  }
0x18: {  	_ =	swait.ge [sflag:s14], $0x1400  }
0x19: {  	[sflag:s14] =	ssyncset.done $0x0  }
0x1a: {  	[sflag:s14] =	ssyncadd.s32 $0xFFFFEC00  }
0x1b: {  	[bflag:$0x0] =	sbarrier.arrive $0xFFFF  }
0x1c: {  	[tilespmem:s3], [sflag:$0x3] =	stream.linear.gather [hbm4b:s7+s3], $0x1400, $0x38;
	[tilespmem:$0x1E800] =	vst v63  }
0x1d: {  	_ =	swait.ge [sflag:s14], $0x1400  }
0x1e: {  	[sflag:s14] =	ssyncset.done $0x0  }
0x1f: {  	[sflag:s14] =	ssyncadd.s32 $0xFFFFEC00  }
0x20: {  	[tilespmem:s16], [sflag:$0x3] =	stream.linear.gather [hbm4b:s8+s3], $0x1400, $0x38;
	[tilespmem:$0x1E800] =	vst v63  }
0x21: {  	_ =	swait.ge [sflag:s14], $0x1400  }
0x22: {  	[sflag:s14] =	ssyncset.done $0x0  }
0x23: {  	[sflag:s14] =	ssyncadd.s32 $0xFFFFEC00  }
0x24: {  	[tilespmem:s18], [sflag:$0x1] =	stream.indirect.gather [hbm4b:s4+s17], $0x80, s3, s17, $0xb8;
	[tilespmem:$0x1E800] =	vst v63  }
0x25: {  	s26 =	simm.s32 $0x80  }
0x26: {  	[tilespmem:s19], [sflag:$0x2] =	stream.indirect.gather [hbm4b:s4+s17], $0x80, s26, s17, $0xb8;
	[tilespmem:$0x1E800] =	vst v63  }
0x27: {  	_ =	swait.ge [sflag:s20], $0x4000  }
0x28: {  	[sflag:s20] =	ssyncset.done $0x0  }
0x29: {  	s29 =	simm.s32 $0x1400;
	[sflag:s20] =	ssyncadd.s32 $0xFFFFC000  }
0x2a: {  	[spmem:s1] =	stream.indirect.scatter.add.f32 [tilespmem:s18], [sflag:$0x3], $0x80, s29, s17, $0xb8;
	[tilespmem:$0x1E800] =	vst v63  }
0x2b: {  	_ =	swait.ge [sflag:s14], $0x4000  }
0x2c: {  	[sflag:s14] =	ssyncset.done $0x0  }
0x2d: {  	s30 =	simm.s32 $0x100;
	[sflag:s14] =	ssyncadd.s32 $0xFFFFC000  }
0x2e: {  	[tilespmem:s18], [sflag:$0x1] =	stream.indirect.gather [hbm4b:s4+s17], $0x80, s30, s17, $0xb8;
	[tilespmem:$0x1E800] =	vst v63  }
0x2f: {  	_ =	swait.ge [sflag:s21], $0x4000  }
0x30: {  	[sflag:s21] =	ssyncset.done $0x0  }
0x31: {  	s31 =	simm.s32 $0x1480;
	[sflag:s21] =	ssyncadd.s32 $0xFFFFC000  }
0x32: {  	[spmem:s1] =	stream.indirect.scatter.add.f32 [tilespmem:s19], [sflag:$0x3], $0x80, s31, s17, $0xb8;
	[tilespmem:$0x1E800] =	vst v63  }
0x33: {  	_ =	swait.ge [sflag:s14], $0x4000  }
0x34: {  	s28 =	simm.s32 $0x800;
	s26 =	simm.s32 $0x100;
	[sflag:s14] =	ssyncset.done $0x0  }
.LBB2_2:
0x35: {  	s29 =	sadd.s32 $0x80, s26  }
0x36: {  	[sflag:s14] =	ssyncadd.s32 $0xFFFFC000;
	s30 =	smov.u32 s28;
	s31 =	sadd.s32 $0x400, s28  }
0x37: {  	[tilespmem:s19], [sflag:$0x2] =	stream.indirect.gather [hbm4b:s4+s17], $0x80, s29, s17, $0xb8;
	[tilespmem:$0x1E800] =	vst v63  }
0x38: {  	p0 =	sne.s32 s28, $0x4800;
	_ =	swait.ge [sflag:s20], $0x4000  }
0x39: {  	[sflag:s20] =	ssyncset.done $0x0  }
0x3a: {  	s28 =	sadd.s32 $0x1400, s26;
	[sflag:s20] =	ssyncadd.s32 $0xFFFFC000  }
0x3b: {  	[spmem:s1] =	stream.indirect.scatter.add.f32 [tilespmem:s18], [sflag:$0x3], $0x80, s28, s17, $0xb8;
	[tilespmem:$0x1E800] =	vst v63  }
0x3c: {  	_ =	swait.ge [sflag:s14], $0x4000  }
0x3d: {  	[sflag:s14] =	ssyncset.done $0x0  }
0x3e: {  	s28 =	sadd.s32 $0x100, s26;
	[sflag:s14] =	ssyncadd.s32 $0xFFFFC000  }
0x3f: {  	[tilespmem:s18], [sflag:$0x1] =	stream.indirect.gather [hbm4b:s4+s17], $0x80, s28, s17, $0xb8;
	[tilespmem:$0x1E800] =	vst v63  }
0x40: {  	_ =	swait.ge [sflag:s21], $0x4000  }
.Ltmp0:
0x41: {  	[sflag:s21] =	ssyncset.done $0x0;
	(pc) =	sbr.rel @p0 .LBB2_2-.Ltmp0, $4  }
0x42: {  	s26 =	sadd.s32 $0x1480, s26;
	[sflag:s21] =	ssyncadd.s32 $0xFFFFC000  }
0x43: {  	[spmem:s1] =	stream.indirect.scatter.add.f32 [tilespmem:s19], [sflag:$0x3], $0x80, s26, s17, $0xb8;
	[tilespmem:$0x1E800] =	vst v63  }
0x44: {  	_ =	swait.ge [sflag:s14], $0x4000  }
0x45: {  	s28 =	smov.u32 s31;
	s26 =	sshra.s32 s30, $0x2;
	[sflag:s14] =	ssyncset.done $0x0  }
0x46: {  	s28 =	sadd.s32 $0x80, s26;
	[sflag:s14] =	ssyncadd.s32 $0xFFFFC000  }
0x47: {  	[tilespmem:s19], [sflag:$0x2] =	stream.indirect.gather [hbm4b:s4+s17], $0x80, s28, s17, $0xb8;
	[tilespmem:$0x1E800] =	vst v63  }
0x48: {  	_ =	swait.ge [sflag:s20], $0x4000  }
0x49: {  	[sflag:s20] =	ssyncset.done $0x0  }
0x4a: {  	s28 =	sadd.s32 $0x1400, s26;
	[sflag:s20] =	ssyncadd.s32 $0xFFFFC000  }
0x4b: {  	[spmem:s1] =	stream.indirect.scatter.add.f32 [tilespmem:s18], [sflag:$0x3], $0x80, s28, s17, $0xb8;
	[tilespmem:$0x1E800] =	vst v63  }
0x4c: {  	_ =	swait.ge [sflag:s14], $0x4000  }
0x4d: {  	[sflag:s14] =	ssyncset.done $0x0  }
0x4e: {  	s28 =	sadd.s32 $0x100, s26;
	[sflag:s14] =	ssyncadd.s32 $0xFFFFC000  }
0x4f: {  	[tilespmem:s18], [sflag:$0x1] =	stream.indirect.gather [hbm4b:s4+s17], $0x80, s28, s17, $0xb8;
	[tilespmem:$0x1E800] =	vst v63  }
0x50: {  	_ =	swait.ge [sflag:s21], $0x4000  }
0x51: {  	[sflag:s21] =	ssyncset.done $0x0  }
0x52: {  	s29 =	sadd.s32 $0x1480, s26;
	[sflag:s21] =	ssyncadd.s32 $0xFFFFC000  }
0x53: {  	[spmem:s1] =	stream.indirect.scatter.add.f32 [tilespmem:s19], [sflag:$0x3], $0x80, s29, s17, $0xb8;
	[tilespmem:$0x1E800] =	vst v63  }
0x54: {  	_ =	swait.ge [sflag:s14], $0x4000  }
0x55: {  	[sflag:s14] =	ssyncset.done $0x0  }
0x56: {  	[sflag:s14] =	ssyncadd.s32 $0xFFFFC000  }
0x57: {  	[tilespmem:s19], [sflag:$0x2] =	stream.indirect.gather [hbm4b:s4+s17], $0x80, s22, s17, $0xb8;
	[tilespmem:$0x1E800] =	vst v63  }
0x58: {  	_ =	swait.ge [sflag:s20], $0x4000  }
0x59: {  	[sflag:s20] =	ssyncset.done $0x0  }
0x5a: {  	[sflag:s20] =	ssyncadd.s32 $0xFFFFC000  }
0x5b: {  	[spmem:s1] =	stream.indirect.scatter.add.f32 [tilespmem:s18], [sflag:$0x3], $0x80, s23, s17, $0xb8;
	[tilespmem:$0x1E800] =	vst v63  }
0x5c: {  	_ =	swait.ge [sflag:s14], $0x4000  }
0x5d: {  	[sflag:s14] =	ssyncset.done $0x0  }
0x5e: {  	[sflag:s14] =	ssyncadd.s32 $0xFFFFC000  }
0x5f: {  	_ =	swait.ge [sflag:s21], $0x4000  }
0x60: {  	[sflag:s21] =	ssyncset.done $0x0  }
0x61: {  	[sflag:s21] =	ssyncadd.s32 $0xFFFFC000  }
0x62: {  	[spmem:s1] =	stream.indirect.scatter.add.f32 [tilespmem:s19], [sflag:$0x3], $0x80, s24, s17, $0xb8;
	[tilespmem:$0x1E800] =	vst v63  }
0x63: {  	_ =	swait.ge [sflag:s14], $0x4000  }
0x64: {  	[sflag:s14] =	ssyncset.done $0x0  }
0x65: {  	s30 =	simm.s32 $0x0;
	[sflag:s14] =	ssyncadd.s32 $0xFFFFC000  }
0x66: {  	[tilespmem:s30], [sflag:$0x3] =	stream.linear.gather [hbm4b:s9+s30], $0x1400, $0x38;
	[tilespmem:$0x1E800] =	vst v63  }
0x67: {  	_ =	swait.ge [sflag:s14], $0x1400  }
0x68: {  	[sflag:s14] =	ssyncset.done $0x0  }
0x69: {  	[sflag:s14] =	ssyncadd.s32 $0xFFFFEC00  }
0x6a: {  	[tilespmem:s16], [sflag:$0x3] =	stream.linear.gather [hbm4b:s10+s30], $0x1400, $0x38;
	[tilespmem:$0x1E800] =	vst v63  }
0x6b: {  	_ =	swait.ge [sflag:s14], $0x1400  }
0x6c: {  	[sflag:s14] =	ssyncset.done $0x0  }
0x6d: {  	[sflag:s14] =	ssyncadd.s32 $0xFFFFEC00  }
0x6e: {  	[tilespmem:s18], [sflag:$0x1] =	stream.indirect.gather [hbm4b:s4+s17], $0x80, s30, s17, $0xb8;
	[tilespmem:$0x1E800] =	vst v63  }
0x6f: {  	s31 =	simm.s32 $0x80  }
0x70: {  	[tilespmem:s19], [sflag:$0x2] =	stream.indirect.gather [hbm4b:s4+s17], $0x80, s31, s17, $0xb8;
	[tilespmem:$0x1E800] =	vst v63  }
0x71: {  	_ =	swait.ge [sflag:s20], $0x4000  }
0x72: {  	[sflag:s20] =	ssyncset.done $0x0  }
0x73: {  	s29 =	simm.s32 $0x1400;
	[sflag:s20] =	ssyncadd.s32 $0xFFFFC000  }
0x74: {  	[spmem:s1] =	stream.indirect.scatter.add.f32 [tilespmem:s18], [sflag:$0x3], $0x80, s29, s17, $0xb8;
	[tilespmem:$0x1E800] =	vst v63  }
0x75: {  	_ =	swait.ge [sflag:s14], $0x4000  }
0x76: {  	[sflag:s14] =	ssyncset.done $0x0  }
0x77: {  	s30 =	simm.s32 $0x100;
	[sflag:s14] =	ssyncadd.s32 $0xFFFFC000  }
0x78: {  	[tilespmem:s18], [sflag:$0x1] =	stream.indirect.gather [hbm4b:s4+s17], $0x80, s30, s17, $0xb8;
	[tilespmem:$0x1E800] =	vst v63  }
0x79: {  	_ =	swait.ge [sflag:s21], $0x4000  }
0x7a: {  	[sflag:s21] =	ssyncset.done $0x0  }
0x7b: {  	s31 =	simm.s32 $0x1480;
	[sflag:s21] =	ssyncadd.s32 $0xFFFFC000  }
0x7c: {  	[spmem:s1] =	stream.indirect.scatter.add.f32 [tilespmem:s19], [sflag:$0x3], $0x80, s31, s17, $0xb8;
	[tilespmem:$0x1E800] =	vst v63  }
0x7d: {  	_ =	swait.ge [sflag:s14], $0x4000  }
0x7e: {  	s26 =	simm.s32 $0x100;
	s28 =	simm.s32 $0x800;
	[sflag:s14] =	ssyncset.done $0x0  }
.LBB2_4:
0x7f: {  	s29 =	sadd.s32 $0x80, s26  }
0x80: {  	[sflag:s14] =	ssyncadd.s32 $0xFFFFC000;
	s30 =	smov.u32 s28;
	s31 =	sadd.s32 $0x400, s28  }
0x81: {  	[tilespmem:s19], [sflag:$0x2] =	stream.indirect.gather [hbm4b:s4+s17], $0x80, s29, s17, $0xb8;
	[tilespmem:$0x1E800] =	vst v63  }
0x82: {  	p0 =	sne.s32 s28, $0x4800;
	_ =	swait.ge [sflag:s20], $0x4000  }
0x83: {  	[sflag:s20] =	ssyncset.done $0x0  }
0x84: {  	s28 =	sadd.s32 $0x1400, s26;
	[sflag:s20] =	ssyncadd.s32 $0xFFFFC000  }
0x85: {  	[spmem:s1] =	stream.indirect.scatter.add.f32 [tilespmem:s18], [sflag:$0x3], $0x80, s28, s17, $0xb8;
	[tilespmem:$0x1E800] =	vst v63  }
0x86: {  	_ =	swait.ge [sflag:s14], $0x4000  }
0x87: {  	[sflag:s14] =	ssyncset.done $0x0  }
0x88: {  	s28 =	sadd.s32 $0x100, s26;
	[sflag:s14] =	ssyncadd.s32 $0xFFFFC000  }
0x89: {  	[tilespmem:s18], [sflag:$0x1] =	stream.indirect.gather [hbm4b:s4+s17], $0x80, s28, s17, $0xb8;
	[tilespmem:$0x1E800] =	vst v63  }
0x8a: {  	_ =	swait.ge [sflag:s21], $0x4000  }
.Ltmp1:
0x8b: {  	[sflag:s21] =	ssyncset.done $0x0;
	(pc) =	sbr.rel @p0 .LBB2_4-.Ltmp1, $4  }
0x8c: {  	s26 =	sadd.s32 $0x1480, s26;
	[sflag:s21] =	ssyncadd.s32 $0xFFFFC000  }
0x8d: {  	[spmem:s1] =	stream.indirect.scatter.add.f32 [tilespmem:s19], [sflag:$0x3], $0x80, s26, s17, $0xb8;
	[tilespmem:$0x1E800] =	vst v63  }
0x8e: {  	_ =	swait.ge [sflag:s14], $0x4000  }
0x8f: {  	s28 =	smov.u32 s31;
	s26 =	sshra.s32 s30, $0x2;
	[sflag:s14] =	ssyncset.done $0x0  }
0x90: {  	s28 =	sadd.s32 $0x80, s26;
	[sflag:s14] =	ssyncadd.s32 $0xFFFFC000  }
0x91: {  	[tilespmem:s19], [sflag:$0x2] =	stream.indirect.gather [hbm4b:s4+s17], $0x80, s28, s17, $0xb8;
	[tilespmem:$0x1E800] =	vst v63  }
0x92: {  	_ =	swait.ge [sflag:s20], $0x4000  }
0x93: {  	[sflag:s20] =	ssyncset.done $0x0  }
0x94: {  	s29 =	sadd.s32 $0x1400, s26;
	[sflag:s20] =	ssyncadd.s32 $0xFFFFC000  }
0x95: {  	[spmem:s1] =	stream.indirect.scatter.add.f32 [tilespmem:s18], [sflag:$0x3], $0x80, s29, s17, $0xb8;
	[tilespmem:$0x1E800] =	vst v63  }
0x96: {  	_ =	swait.ge [sflag:s14], $0x4000  }
0x97: {  	[sflag:s14] =	ssyncset.done $0x0  }
0x98: {  	s30 =	sadd.s32 $0x100, s26;
	[sflag:s14] =	ssyncadd.s32 $0xFFFFC000  }
0x99: {  	[tilespmem:s18], [sflag:$0x1] =	stream.indirect.gather [hbm4b:s4+s17], $0x80, s30, s17, $0xb8;
	[tilespmem:$0x1E800] =	vst v63  }
0x9a: {  	_ =	swait.ge [sflag:s21], $0x4000  }
0x9b: {  	[sflag:s21] =	ssyncset.done $0x0  }
0x9c: {  	s31 =	sadd.s32 $0x1480, s26;
	[sflag:s21] =	ssyncadd.s32 $0xFFFFC000  }
0x9d: {  	[spmem:s1] =	stream.indirect.scatter.add.f32 [tilespmem:s19], [sflag:$0x3], $0x80, s31, s17, $0xb8;
	[tilespmem:$0x1E800] =	vst v63  }
0x9e: {  	_ =	swait.ge [sflag:s14], $0x4000  }
0x9f: {  	[sflag:s14] =	ssyncset.done $0x0  }
0xa0: {  	[sflag:s14] =	ssyncadd.s32 $0xFFFFC000  }
0xa1: {  	[tilespmem:s19], [sflag:$0x2] =	stream.indirect.gather [hbm4b:s4+s17], $0x80, s22, s17, $0xb8;
	[tilespmem:$0x1E800] =	vst v63  }
0xa2: {  	_ =	swait.ge [sflag:s20], $0x4000  }
0xa3: {  	[sflag:s20] =	ssyncset.done $0x0  }
0xa4: {  	[sflag:s20] =	ssyncadd.s32 $0xFFFFC000  }
0xa5: {  	[spmem:s1] =	stream.indirect.scatter.add.f32 [tilespmem:s18], [sflag:$0x3], $0x80, s23, s17, $0xb8;
	[tilespmem:$0x1E800] =	vst v63  }
0xa6: {  	_ =	swait.ge [sflag:s14], $0x4000  }
0xa7: {  	[sflag:s14] =	ssyncset.done $0x0  }
0xa8: {  	[sflag:s14] =	ssyncadd.s32 $0xFFFFC000  }
0xa9: {  	_ =	swait.ge [sflag:s21], $0x4000  }
0xaa: {  	[sflag:s21] =	ssyncset.done $0x0  }
0xab: {  	[sflag:s21] =	ssyncadd.s32 $0xFFFFC000  }
0xac: {  	[spmem:s1] =	stream.indirect.scatter.add.f32 [tilespmem:s19], [sflag:$0x3], $0x80, s24, s17, $0xb8;
	[tilespmem:$0x1E800] =	vst v63  }
0xad: {  	_ =	swait.ge [sflag:s14], $0x4000  }
0xae: {  	s25 =	sadd.s32 $0x1, s25;
	[sflag:s14] =	ssyncset.done $0x0  }
0xaf: {  	p0 =	sne.s32 s25, s12;
	[sflag:s14] =	ssyncadd.s32 $0xFFFFC000  }
.Ltmp2:
0xb0: {  	[bflag:$0x0] =	sbarrier.arrive $0xFFFF;
	(pc) =	sbr.rel @p0 .LBB2_1-.Ltmp2, $4  }
0xb1: {  	[hbm:s11], [sflag:s6] =	dma.local [spmem:s13], $0x2800  }
0xb2: {  	_ =	swait.ge [sflag:s14], $0x2800  }
0xb3: {  	[sflag:s14] =	ssyncset.done $0x0  }
0xb4: {  	[sflag:s14] =	ssyncadd.s32 $0xFFFFD800  }
0xb5: {  	_ =	sfence.sel $0x180000  }
0xb6: {  	[bflag:$0x0] =	sbarrier.arrive $0xFFFF  }
0xb7: {  	p0 =	sne.s32 s2, $0x0;
	_ =	strace $0x90000050  }
0xb8: {  	s0 =	sadd.s32 @!p0 $0x100000, s0;
	[bflag:$0x2] =	sbarrier.arrive $0xFFFF  }
0xb9: {  	[sflag:s0] =	ssyncadd.tile.s32 @!p0 $0x1;
	_ =	shalt  }
.Lfunc_end2:
_tile_overlayer_lowered:
.L_overlay_start_2:
0xba: {  	(tag) =	ssettag $0x2  }
0xbb: {  	s0 =	rddreg [dreg:$0x0];
	s2 =	stileid.u32  }
0xbc: {  	s1 =	rddreg [dreg:$0x1];
	p0 =	sne.s32 s2, $0x0  }
0xbd: {  	s3 =	rddreg [dreg:$0x2];
	[bflag:$0x3] =	sbarrier.arrive $0xFFFF;
	s2 =	simm.s32 @!p0 $0x1C03  }
0xbe: {  	[timem:s3], [sflag:s2] =	dma.local @!p0 [hbm:s0], s1  }
0xbf: {  	s0 =	simm.s32 @!p0 $0x3  }
0xc0: {  	_ =	swait.ge @!p0 [sflag:s0], s1  }
0xc1: {  	s1 =	ssub.s32 @!p0 $0x0, s1;
	[sflag:s0] =	ssyncset.done @!p0 $0x0  }
0xc2: {  	[sflag:s0] =	ssyncadd.s32 @!p0 s1  }
0xc3: {  	[bflag:$0x3] =	sbarrier.arrive $0xFFFF  }
0xc4: {  	_ =	shalt  }

// kernel: kernel.26.cloned.1.call-start
scs
__scs_entry_jumppad:
0x0: {  	(pc) =	sbr.rel $0x88, $3  }
0x1: {  	(tag) =	ssettag $0x0;
	lr =	simm.s32 $0x1  }
0x2: {  	[smem:$0x3F8F] =	sst lr;
	_ =	strace $0xD0000000  }
0x3: {  	_ = 	snop  }
0x4: {  	_ = 	snop  }
0x5: {  	_ = 	snop  }
0x6: {  	_ = 	snop  }
0x7: {  	_ = 	snop  }
__scs_overlays_trampoline_lowered:
0x8: {  	[smem:$0x3F9E] =	sst s0  }
0x9: {  	[smem:$0x3F9F] =	sst s1  }
0xa: {  	[smem:$0x3FA0] =	sst s2  }
0xb: {  	[smem:$0x3FA1] =	sst s3  }
0xc: {  	[smem:$0x3FA2] =	sst s4  }
0xd: {  	[smem:$0x3FA3] =	sst s5  }
0xe: {  	[smem:$0x3FA4] =	sst s6  }
0xf: {  	[smem:$0x3FA5] =	sst s7  }
0x10: {  	[smem:$0x3FA6] =	sst s8  }
0x11: {  	[smem:$0x3FA7] =	sst s9;
	s0 =	simm.s32 @!p0 $0x0  }
0x12: {  	s1 =	sld [smem:$0x3F8D];
	s0 =	simm.s32 @p0 $0x1  }
0x13: {  	[smem:$0x3FA8] =	sst s0;
	s0 =	simm.s32 @!p1 $0x0  }
0x14: {  	s2 =	sld [smem:$0x3F8C];
	s0 =	simm.s32 @p1 $0x1  }
0x15: {  	[smem:$0x3FA9] =	sst s0;
	s0 =	simm.s32 @!p2 $0x0  }
0x16: {  	s3 =	sld [smem:$0x3FDB];
	s0 =	simm.s32 @p2 $0x1  }
0x17: {  	s4 =	simm.s32 $0x1BF5;
	[smem:$0x3FAB] =	sst s0  }
0x18: {  	s0 =	sld [smem:$0x3F8E];
	_ =	swait.ge [sflag:s4], $0x0  }
0x19: {  	s7 =	sld [smem:$0x3F8F]  }
0x1a: {  	s8 =	sadd.s32 $0xFFFFE003, lr  }
0x1b: {  	s9 =	sadd.s32 $0xFFFFFEF7, lr;
	s5 =	simm.s32 $0xFFFFFFFF;
	p2 =	slt.u32 s8, $0xFFFFF086  }
0x1c: {  	p1 =	slt.u32 s9, $0xF7A;
	s5 =	simm.s32 @!p2 $0x0  }
0x1d: {  	s5 =	simm.s32 @p1 $0x1;
	p0 =	seq.s32 s7, s2  }
0x1e: {  	s7 =	smul.u32 @!p0 $0xF7A, s2;
	p2 =	seq.s32 @!p0 s5, $0x0  }
0x1f: {  	s9 =	smul.u32 $0xF7A, s1;
	s8 =	simm.s32 @!p0 $0x1BF5;
	p2 =	por !p2, p0  }
0x20: {  	[sflag:s8] =	ssyncset.s32 @!p0 $0xFFFFF086;
	s6 =	sadd.s32 @!p0 s3, s7;
	s7 =	simm.s32 @!p0 $0x108  }
0x21: {  	s3 =	sadd.s32 s3, s9;
	s6 =	sadd.s32 @!p0 $0x88, s6;
	s7 =	simm.s32 @p2 $0x1082  }
0x22: {  	[simem:s7], [sflag:s8] =	dma.local @!p0 [hbm:s6], $0xF7A  }
0x23: {  	s9 =	sor.u32 $0xD0000000, s2;
	s6 =	simm.s32 $0x108;
	_ =	swait.ge @!p0 [sflag:s8], $0x0  }
0x24: {  	s3 =	sadd.s32 $0x88, s3;
	s6 =	simm.s32 @!p1 $0x1082;
	[sflag:s4] =	ssyncset.s32 $0xFFFFF086  }
0x25: {  	[simem:s6], [sflag:s4] =	dma.local [hbm:s3], $0xF7A  }
0x26: {  	[smem:$0x3F8F] =	sst s1;
	(tag) =	ssettag s2;
	_ =	strace s9  }
0x27: {  	s1 =	sld [smem:$0x3F9F]  }
0x28: {  	s2 =	sld [smem:$0x3FA0]  }
0x29: {  	s4 =	sld [smem:$0x3FA2]  }
0x2a: {  	p0 =	seq.s32 s5, $0x0;
	s5 =	sld [smem:$0x3FA3]  }
0x2b: {  	s6 =	sld [smem:$0x3FA4]  }
0x2c: {  	s7 =	sld [smem:$0x3FA5]  }
0x2d: {  	s3 =	simm.s32 $0x108;
	s8 =	sld [smem:$0x3FA6]  }
0x2e: {  	s3 =	simm.s32 @!p0 $0x1082;
	s9 =	sld [smem:$0x3FA7]  }
0x2f: {  	lr =	sadd.s32 s0, s3;
	s0 =	sld [smem:$0x3F9E]  }
0x30: {  	s3 =	sld [smem:$0x3FA1]  }
0x31: {  	[smem:$0x3FAA] =	sst s10  }
0x32: {  	s10 =	sld [smem:$0x3FA8];
	_ =	sdelay $0x3  }
0x33: {  	p0 =	seq.s32 s10, $0x1;
	s10 =	sld [smem:$0x3FAA];
	_ =	sdelay $0x3  }
0x34: {  	[smem:$0x3FAA] =	sst s10  }
0x35: {  	s10 =	sld [smem:$0x3FA9];
	_ =	sdelay $0x3  }
0x36: {  	p1 =	seq.s32 s10, $0x1;
	s10 =	sld [smem:$0x3FAA];
	_ =	sdelay $0x3  }
0x37: {  	[smem:$0x3FAA] =	sst s10  }
0x38: {  	s10 =	sld [smem:$0x3FAB]  }
0x39: {  	_ = 	snop;
	(pc) =	sbr.ind lr, $3  }
0x3a: {  	_ = 	snop  }
0x3b: {  	_ = 	snop  }
0x3c: {  	p2 =	seq.s32 s10, $0x1;
	s10 =	sld [smem:$0x3FAA]  }
0x3d: {  	_ =	shalt  }
0x3e: {  	_ =	shalt  }
0x3f: {  	_ =	shalt  }
0x40: {  	_ =	shalt  }
0x41: {  	_ =	shalt  }
0x42: {  	_ =	shalt  }
0x43: {  	_ =	shalt  }
0x44: {  	_ =	shalt  }
0x45: {  	_ =	shalt  }
0x46: {  	_ =	shalt  }
0x47: {  	_ =	shalt  }
0x48: {  	_ =	shalt  }
0x49: {  	_ =	shalt  }
0x4a: {  	_ =	shalt  }
0x4b: {  	_ =	shalt  }
0x4c: {  	_ =	shalt  }
0x4d: {  	_ =	shalt  }
0x4e: {  	_ =	shalt  }
0x4f: {  	_ =	shalt  }
0x50: {  	_ =	shalt  }
0x51: {  	_ =	shalt  }
0x52: {  	_ =	shalt  }
0x53: {  	_ =	shalt  }
0x54: {  	_ =	shalt  }
0x55: {  	_ =	shalt  }
0x56: {  	_ =	shalt  }
0x57: {  	_ =	shalt  }
0x58: {  	_ =	shalt  }
0x59: {  	_ =	shalt  }
0x5a: {  	_ =	shalt  }
0x5b: {  	_ =	shalt  }
0x5c: {  	_ =	shalt  }
0x5d: {  	_ =	shalt  }
0x5e: {  	_ =	shalt  }
0x5f: {  	_ =	shalt  }
0x60: {  	_ =	shalt  }
0x61: {  	_ =	shalt  }
0x62: {  	_ =	shalt  }
0x63: {  	_ =	shalt  }
0x64: {  	_ =	shalt  }
0x65: {  	_ =	shalt  }
0x66: {  	_ =	shalt  }
0x67: {  	_ =	shalt  }
0x68: {  	_ =	shalt  }
0x69: {  	_ =	shalt  }
0x6a: {  	_ =	shalt  }
0x6b: {  	_ =	shalt  }
0x6c: {  	_ =	shalt  }
0x6d: {  	_ =	shalt  }
0x6e: {  	_ =	shalt  }
0x6f: {  	_ =	shalt  }
0x70: {  	_ =	shalt  }
0x71: {  	_ =	shalt  }
0x72: {  	_ =	shalt  }
0x73: {  	_ =	shalt  }
0x74: {  	_ =	shalt  }
0x75: {  	_ =	shalt  }
0x76: {  	_ =	shalt  }
0x77: {  	_ =	shalt  }
0x78: {  	_ =	shalt  }
0x79: {  	_ =	shalt  }
0x7a: {  	_ =	shalt  }
0x7b: {  	_ =	shalt  }
0x7c: {  	_ =	shalt  }
0x7d: {  	_ =	shalt  }
0x7e: {  	_ =	shalt  }
0x7f: {  	_ =	shalt  }
0x80: {  	_ =	shalt  }
0x81: {  	_ =	shalt  }
0x82: {  	_ =	shalt  }
0x83: {  	_ =	shalt  }
0x84: {  	_ =	shalt  }
0x85: {  	_ =	shalt  }
0x86: {  	_ =	shalt  }
0x87: {  	_ =	shalt  }
.Lfunc_end0:
.L_simem_size_0:
called_computation.4_lowered:
.L_overlay_start_0:
0x88: {  	s2 =	sld [smem:$0x3FD9]  }
0x89: {  	s3 =	sld [smem:$0x3FFE];
	_ =	sdelay $0x1  }
0x8a: {  	s1 =	srdreg.scid  }
0x8b: {  	s0 =	sand.u32 $0x1, s1  }
0x8c: {  	s16 =	sshll.u32 s0, $0xA;
	s2 =	sadd.s32 s3, s2  }
0x8d: {  	s2 =	sadd.s32 s2, s16  }
0x8e: {  	[smem:$0x3FB6] =	sst s2  }
0x8f: {  	_ = 	snop  }
0x90: {  	(tm) =	ssettm $0x1  }
0x91: {  	s17 =	sld [smem:$0x3FFB];
	_ =	sdelay $0x3  }
0x92: {  	_ =	strace s17  }
0x93: {  	s2 =	sld [smem:$0x3FFC];
	_ =	sdelay $0x3  }
0x94: {  	_ =	strace s2  }
0x95: {  	s2 =	sld [smem:$0x3FFD];
	_ =	sdelay $0x3  }
0x96: {  	_ =	strace s2  }
0x97: {  	_ =	strace $0x8FFFFFFF  }
0x98: {  	s18 =	sld [smem:$0x3FDB];
	_ =	sdelay $0x1  }
0x99: {  	s19 =	simm.s32 $_scs_section_size  }
0x9a: {  	s4 =	simm.s32 $_size__tile_overlayer_lowered;
	s5 =	simm.s32 $_tile_overlayer_lowered  }
0x9b: {  	s22 =	simm.s32 $0x1BFF;
	s21 =	sshll.u32 s5, $0x1;
	s2 =	sadd.s32 s19, s18  }
0x9c: {  	s6 =	simm.s32 $0x0;
	s20 =	sshll.u32 s4, $0x1;
	s4 =	sadd.s32 s21, s2  }
0x9d: {  	[timem:s6], [sflag:s22] =	dma.local [hbm:s4], s20  }
0x9e: {  	_ =	swait.ge [sflag:s22], s20  }
0x9f: {  	s3 =	ssub.s32 $0x0, s20;
	[sflag:s22] =	ssyncset.done $0x0  }
0xa0: {  	[sflag:s22] =	ssyncadd.s32 s3;
	_ =	sdelay $0x1  }
0xa1: {  	s23 =	simm.s32 $0x1B8B  }
0xa2: {  	_ =	swait.ge [sflag:s23], $0x1  }
0xa3: {  	[sflag:s23] =	ssyncset.done $0x0  }
0xa4: {  	s25 =	simm.s32 $0x1B8E;
	s24 =	sld [smem:$0x3FFE];
	[sflag:s23] =	ssyncadd.s32 $0xFFFFFFFF  }
0xa5: {  	s26 =	simm.s32 $execute0_lowered;
	[smem:$0x3FD2] =	sst s25  }
0xa6: {  	s4 =	sshll.u32 s26, $0x1;
	_ =	strace $0x80000052;
	[dreg:$0x1] =	wrdreg $0xFFFFFFFF  }
0xa7: {  	s28 =	simm.s32 $_size_execute0_lowered;
	s2 =	sadd.s32 s2, s4;
	[dreg:$0x0] =	wrdreg $0x0  }
0xa8: {  	s4 =	sshll.u32 s28, $0x1;
	[dreg:$0x2] =	wrdreg s2  }
0xa9: {  	[dreg:$0x3] =	wrdreg s4  }
0xaa: {  	[dreg:$0x4] =	wrdreg $0xC0  }
0xab: {  	_ =	task [dreg:s6], $0x5FFFF  }
0xac: {  	[dreg:$0x1] =	wrdreg $0xFFFFFFFF  }
0xad: {  	[dreg:$0x0] =	wrdreg $0x60  }
0xae: {  	[dreg:$0x2] =	wrdreg s24  }
0xaf: {  	[dreg:$0x3] =	wrdreg $0xA8000  }
0xb0: {  	[dreg:$0x4] =	wrdreg $0x9  }
0xb1: {  	_ =	task.clear_ibuf [dreg:s6], $0x5FFFF;
	_ =	strace $0x90000052  }
0xb2: {  	s29 =	simm.s32 $0x9;
	_ =	strace $0x80000054  }
0xb3: {  	_ =	swait.ge [sflag:s29], $0x1  }
0xb4: {  	[sflag:s29] =	ssyncadd.s32 $0xFFFFFFFF  }
0xb5: {  	_ =	strace $0x90000054  }
0xb6: {  	_ =	sfence  }
0xb7: {  	s30 =	sld [smem:$0x0];
	_ =	sdelay $0x2  }
0xb8: {  	s31 =	sshll.u32 s1, $0xD;
	s1 =	sshrl.u32 s1, $0x2  }
0xb9: {  	s3 =	sand.u32 $0x4000, s31;
	s1 =	sadd.s32 s1, s30  }
0xba: {  	s0 =	sor.u32 s3, s0;
	s1 =	sshll.u32 s1, $0x11  }
0xbb: {  	s0 =	sor.u32 s1, s0  }
0xbc: {  	s0 =	sadd.s32 $0x8F2B, s0  }
0xbd: {  	[sflag:s0] =	ssyncadd.remote.s32 $0x1  }
0xbe: {  	_ =	sfence.sel $0xFFFF  }
0xbf: {  	[dreg:$0x0] =	wrdreg $0xFFFFFFFF;
	(pc) =	sbr.abs _section_cstart, $3  }
0xc0: {  	[dreg:$0x1] =	wrdreg $0xFFFFFFFF  }
0xc1: {  	_ =	task.clear_ibuf [dreg:s6], $0x2FFFF;
	_ =	strace $0x9FFFFFFF  }
0xc2: {  	(tm) =	ssettm $0x7FFFFFFF  }
0xc3: {  	_ =	shalt  }
tec
execute0_lowered:
.L_overlay_start_1:
0x0: {  	(tag) =	ssettag $0x1  }
0x1: {  	s6 =	rddreg [dreg:$0x0]  }
0x2: {  	s1 =	rddreg [dreg:$0x1];
	s2 =	srdreg.scid  }
0x3: {  	s0 =	rddreg [dreg:$0x2];
	s3 =	simm.s32 $0x0;
	s16 =	simm.s32 $0x1400  }
0x4: {  	s17 =	simm.s32 $0x80;
	s18 =	simm.s32 $0x2800;
	s19 =	simm.s32 $0x6800  }
0x5: {  	s20 =	simm.s32 $0x1;
	s21 =	simm.s32 $0x2;
	s22 =	simm.s32 $0x1380  }
0x6: {  	s23 =	simm.s32 $0x2700;
	s24 =	simm.s32 $0x2780;
	s7 =	sand.u32 $0x1, s2  }
0x7: {  	s2 =	stileid.u32;
	[smem:$0x7FF] =	sst s3;
	s4 =	sadd.s32 $0xF800, s6  }
0x8: {  	s9 =	sadd.s32 $0x5000, s6;
	s10 =	sadd.s32 $0x38400, s6;
	s5 =	smul.u32 $0x140000, s7  }
0x9: {  	s8 =	smul.u32 $0x14000, s2;
	_ =	strace $0x80000053;
	s11 =	sshll.u32 s2, $0x1  }
0xa: {  	s12 =	ssub.s32 $0x2, s7;
	s25 =	smul.u32 $0x50000, s2;
	s29 =	sshll.u32 s2, $0x6  }
0xb: {  	s7 =	sor.u32 s7, s11;
	s26 =	sshrl.u32 s12, $0x1;
	s8 =	sadd.s32 s8, s5  }
0xc: {  	s5 =	sadd.s32 $0x42400, s6;
	s7 =	smul.u32 $0x2800, s7;
	s12 =	ssub.s32 s12, s26  }
0xd: {  	s28 =	sshrl.u32 s25, $0x2;
	s25 =	simm.s32 $0x0;
	s8 =	sshrl.u32 s8, $0x3  }
0xe: {  	s14 =	sadd.s32 s28, s1;
	s12 =	smax.u32 s12, $0x1;
	s13 =	sadd.s32 s8, s6  }
0xf: {  	s6 =	sor.u32 $0x1C03, s29;
	s30 =	sshrl.u32 s7, $0x3;
	s15 =	sadd.s32 $0xA000, s14  }
0x10: {  	s7 =	sadd.s32 s9, s30;
	s31 =	sadd.s32 $0x280, s30;
	s8 =	sadd.s32 s10, s30  }
0x11: {  	s11 =	sadd.s32 $0x43800, s13;
	s13 =	sshrl.u32 s14, $0x3;
	s14 =	simm.s32 $0x3  }
0x12: {  	s15 =	sshrl.u32 s15, $0x3;
	s9 =	sadd.s32 s9, s31;
	s10 =	sadd.s32 s10, s31  }
.LBB2_1:
0x13: {  	[spmem:s13], [sflag:s6] =	dma.local [hbm:s5], $0x1400  }
0x14: {  	_ =	swait.ge [sflag:s14], $0x1400  }
0x15: {  	[sflag:s14] =	ssyncset.done $0x0  }
0x16: {  	[sflag:s14] =	ssyncadd.s32 $0xFFFFEC00  }
0x17: {  	[spmem:s15], [sflag:s6] =	dma.local [hbm:s5], $0x1400  }
0x18: {  	_ =	swait.ge [sflag:s14], $0x1400  }
0x19: {  	[sflag:s14] =	ssyncset.done $0x0  }
0x1a: {  	[sflag:s14] =	ssyncadd.s32 $0xFFFFEC00  }
0x1b: {  	[bflag:$0x0] =	sbarrier.arrive $0xFFFF  }
0x1c: {  	[tilespmem:s3], [sflag:$0x3] =	stream.linear.gather [hbm4b:s7+s3], $0x1400, $0x38;
	[tilespmem:$0x1E800] =	vst v63  }
0x1d: {  	_ =	swait.ge [sflag:s14], $0x1400  }
0x1e: {  	[sflag:s14] =	ssyncset.done $0x0  }
0x1f: {  	[sflag:s14] =	ssyncadd.s32 $0xFFFFEC00  }
0x20: {  	[tilespmem:s16], [sflag:$0x3] =	stream.linear.gather [hbm4b:s8+s3], $0x1400, $0x38;
	[tilespmem:$0x1E800] =	vst v63  }
0x21: {  	_ =	swait.ge [sflag:s14], $0x1400  }
0x22: {  	[sflag:s14] =	ssyncset.done $0x0  }
0x23: {  	[sflag:s14] =	ssyncadd.s32 $0xFFFFEC00  }
0x24: {  	[tilespmem:s18], [sflag:$0x1] =	stream.indirect.gather [hbm4b:s4+s17], $0x80, s3, s17, $0xb8;
	[tilespmem:$0x1E800] =	vst v63  }
0x25: {  	s26 =	simm.s32 $0x80  }
0x26: {  	[tilespmem:s19], [sflag:$0x2] =	stream.indirect.gather [hbm4b:s4+s17], $0x80, s26, s17, $0xb8;
	[tilespmem:$0x1E800] =	vst v63  }
0x27: {  	_ =	swait.ge [sflag:s20], $0x4000  }
0x28: {  	[sflag:s20] =	ssyncset.done $0x0  }
0x29: {  	s29 =	simm.s32 $0x1400;
	[sflag:s20] =	ssyncadd.s32 $0xFFFFC000  }
0x2a: {  	[spmem:s1] =	stream.indirect.scatter.add.f32 [tilespmem:s18], [sflag:$0x3], $0x80, s29, s17, $0xb8;
	[tilespmem:$0x1E800] =	vst v63  }
0x2b: {  	_ =	swait.ge [sflag:s14], $0x4000  }
0x2c: {  	[sflag:s14] =	ssyncset.done $0x0  }
0x2d: {  	s30 =	simm.s32 $0x100;
	[sflag:s14] =	ssyncadd.s32 $0xFFFFC000  }
0x2e: {  	[tilespmem:s18], [sflag:$0x1] =	stream.indirect.gather [hbm4b:s4+s17], $0x80, s30, s17, $0xb8;
	[tilespmem:$0x1E800] =	vst v63  }
0x2f: {  	_ =	swait.ge [sflag:s21], $0x4000  }
0x30: {  	[sflag:s21] =	ssyncset.done $0x0  }
0x31: {  	s31 =	simm.s32 $0x1480;
	[sflag:s21] =	ssyncadd.s32 $0xFFFFC000  }
0x32: {  	[spmem:s1] =	stream.indirect.scatter.add.f32 [tilespmem:s19], [sflag:$0x3], $0x80, s31, s17, $0xb8;
	[tilespmem:$0x1E800] =	vst v63  }
0x33: {  	_ =	swait.ge [sflag:s14], $0x4000  }
0x34: {  	s28 =	simm.s32 $0x800;
	s26 =	simm.s32 $0x100;
	[sflag:s14] =	ssyncset.done $0x0  }
.LBB2_2:
0x35: {  	s29 =	sadd.s32 $0x80, s26  }
0x36: {  	[sflag:s14] =	ssyncadd.s32 $0xFFFFC000;
	s30 =	smov.u32 s28;
	s31 =	sadd.s32 $0x400, s28  }
0x37: {  	[tilespmem:s19], [sflag:$0x2] =	stream.indirect.gather [hbm4b:s4+s17], $0x80, s29, s17, $0xb8;
	[tilespmem:$0x1E800] =	vst v63  }
0x38: {  	p0 =	sne.s32 s28, $0x4800;
	_ =	swait.ge [sflag:s20], $0x4000  }
0x39: {  	[sflag:s20] =	ssyncset.done $0x0  }
0x3a: {  	s28 =	sadd.s32 $0x1400, s26;
	[sflag:s20] =	ssyncadd.s32 $0xFFFFC000  }
0x3b: {  	[spmem:s1] =	stream.indirect.scatter.add.f32 [tilespmem:s18], [sflag:$0x3], $0x80, s28, s17, $0xb8;
	[tilespmem:$0x1E800] =	vst v63  }
0x3c: {  	_ =	swait.ge [sflag:s14], $0x4000  }
0x3d: {  	[sflag:s14] =	ssyncset.done $0x0  }
0x3e: {  	s28 =	sadd.s32 $0x100, s26;
	[sflag:s14] =	ssyncadd.s32 $0xFFFFC000  }
0x3f: {  	[tilespmem:s18], [sflag:$0x1] =	stream.indirect.gather [hbm4b:s4+s17], $0x80, s28, s17, $0xb8;
	[tilespmem:$0x1E800] =	vst v63  }
0x40: {  	_ =	swait.ge [sflag:s21], $0x4000  }
.Ltmp0:
0x41: {  	[sflag:s21] =	ssyncset.done $0x0;
	(pc) =	sbr.rel @p0 .LBB2_2-.Ltmp0, $4  }
0x42: {  	s26 =	sadd.s32 $0x1480, s26;
	[sflag:s21] =	ssyncadd.s32 $0xFFFFC000  }
0x43: {  	[spmem:s1] =	stream.indirect.scatter.add.f32 [tilespmem:s19], [sflag:$0x3], $0x80, s26, s17, $0xb8;
	[tilespmem:$0x1E800] =	vst v63  }
0x44: {  	_ =	swait.ge [sflag:s14], $0x4000  }
0x45: {  	s28 =	smov.u32 s31;
	s26 =	sshra.s32 s30, $0x2;
	[sflag:s14] =	ssyncset.done $0x0  }
0x46: {  	s28 =	sadd.s32 $0x80, s26;
	[sflag:s14] =	ssyncadd.s32 $0xFFFFC000  }
0x47: {  	[tilespmem:s19], [sflag:$0x2] =	stream.indirect.gather [hbm4b:s4+s17], $0x80, s28, s17, $0xb8;
	[tilespmem:$0x1E800] =	vst v63  }
0x48: {  	_ =	swait.ge [sflag:s20], $0x4000  }
0x49: {  	[sflag:s20] =	ssyncset.done $0x0  }
0x4a: {  	s28 =	sadd.s32 $0x1400, s26;
	[sflag:s20] =	ssyncadd.s32 $0xFFFFC000  }
0x4b: {  	[spmem:s1] =	stream.indirect.scatter.add.f32 [tilespmem:s18], [sflag:$0x3], $0x80, s28, s17, $0xb8;
	[tilespmem:$0x1E800] =	vst v63  }
0x4c: {  	_ =	swait.ge [sflag:s14], $0x4000  }
0x4d: {  	[sflag:s14] =	ssyncset.done $0x0  }
0x4e: {  	s28 =	sadd.s32 $0x100, s26;
	[sflag:s14] =	ssyncadd.s32 $0xFFFFC000  }
0x4f: {  	[tilespmem:s18], [sflag:$0x1] =	stream.indirect.gather [hbm4b:s4+s17], $0x80, s28, s17, $0xb8;
	[tilespmem:$0x1E800] =	vst v63  }
0x50: {  	_ =	swait.ge [sflag:s21], $0x4000  }
0x51: {  	[sflag:s21] =	ssyncset.done $0x0  }
0x52: {  	s29 =	sadd.s32 $0x1480, s26;
	[sflag:s21] =	ssyncadd.s32 $0xFFFFC000  }
0x53: {  	[spmem:s1] =	stream.indirect.scatter.add.f32 [tilespmem:s19], [sflag:$0x3], $0x80, s29, s17, $0xb8;
	[tilespmem:$0x1E800] =	vst v63  }
0x54: {  	_ =	swait.ge [sflag:s14], $0x4000  }
0x55: {  	[sflag:s14] =	ssyncset.done $0x0  }
0x56: {  	[sflag:s14] =	ssyncadd.s32 $0xFFFFC000  }
0x57: {  	[tilespmem:s19], [sflag:$0x2] =	stream.indirect.gather [hbm4b:s4+s17], $0x80, s22, s17, $0xb8;
	[tilespmem:$0x1E800] =	vst v63  }
0x58: {  	_ =	swait.ge [sflag:s20], $0x4000  }
0x59: {  	[sflag:s20] =	ssyncset.done $0x0  }
0x5a: {  	[sflag:s20] =	ssyncadd.s32 $0xFFFFC000  }
0x5b: {  	[spmem:s1] =	stream.indirect.scatter.add.f32 [tilespmem:s18], [sflag:$0x3], $0x80, s23, s17, $0xb8;
	[tilespmem:$0x1E800] =	vst v63  }
0x5c: {  	_ =	swait.ge [sflag:s14], $0x4000  }
0x5d: {  	[sflag:s14] =	ssyncset.done $0x0  }
0x5e: {  	[sflag:s14] =	ssyncadd.s32 $0xFFFFC000  }
0x5f: {  	_ =	swait.ge [sflag:s21], $0x4000  }
0x60: {  	[sflag:s21] =	ssyncset.done $0x0  }
0x61: {  	[sflag:s21] =	ssyncadd.s32 $0xFFFFC000  }
0x62: {  	[spmem:s1] =	stream.indirect.scatter.add.f32 [tilespmem:s19], [sflag:$0x3], $0x80, s24, s17, $0xb8;
	[tilespmem:$0x1E800] =	vst v63  }
0x63: {  	_ =	swait.ge [sflag:s14], $0x4000  }
0x64: {  	[sflag:s14] =	ssyncset.done $0x0  }
0x65: {  	s30 =	simm.s32 $0x0;
	[sflag:s14] =	ssyncadd.s32 $0xFFFFC000  }
0x66: {  	[tilespmem:s30], [sflag:$0x3] =	stream.linear.gather [hbm4b:s9+s30], $0x1400, $0x38;
	[tilespmem:$0x1E800] =	vst v63  }
0x67: {  	_ =	swait.ge [sflag:s14], $0x1400  }
0x68: {  	[sflag:s14] =	ssyncset.done $0x0  }
0x69: {  	[sflag:s14] =	ssyncadd.s32 $0xFFFFEC00  }
0x6a: {  	[tilespmem:s16], [sflag:$0x3] =	stream.linear.gather [hbm4b:s10+s30], $0x1400, $0x38;
	[tilespmem:$0x1E800] =	vst v63  }
0x6b: {  	_ =	swait.ge [sflag:s14], $0x1400  }
0x6c: {  	[sflag:s14] =	ssyncset.done $0x0  }
0x6d: {  	[sflag:s14] =	ssyncadd.s32 $0xFFFFEC00  }
0x6e: {  	[tilespmem:s18], [sflag:$0x1] =	stream.indirect.gather [hbm4b:s4+s17], $0x80, s30, s17, $0xb8;
	[tilespmem:$0x1E800] =	vst v63  }
0x6f: {  	s31 =	simm.s32 $0x80  }
0x70: {  	[tilespmem:s19], [sflag:$0x2] =	stream.indirect.gather [hbm4b:s4+s17], $0x80, s31, s17, $0xb8;
	[tilespmem:$0x1E800] =	vst v63  }
0x71: {  	_ =	swait.ge [sflag:s20], $0x4000  }
0x72: {  	[sflag:s20] =	ssyncset.done $0x0  }
0x73: {  	s29 =	simm.s32 $0x1400;
	[sflag:s20] =	ssyncadd.s32 $0xFFFFC000  }
0x74: {  	[spmem:s1] =	stream.indirect.scatter.add.f32 [tilespmem:s18], [sflag:$0x3], $0x80, s29, s17, $0xb8;
	[tilespmem:$0x1E800] =	vst v63  }
0x75: {  	_ =	swait.ge [sflag:s14], $0x4000  }
0x76: {  	[sflag:s14] =	ssyncset.done $0x0  }
0x77: {  	s30 =	simm.s32 $0x100;
	[sflag:s14] =	ssyncadd.s32 $0xFFFFC000  }
0x78: {  	[tilespmem:s18], [sflag:$0x1] =	stream.indirect.gather [hbm4b:s4+s17], $0x80, s30, s17, $0xb8;
	[tilespmem:$0x1E800] =	vst v63  }
0x79: {  	_ =	swait.ge [sflag:s21], $0x4000  }
0x7a: {  	[sflag:s21] =	ssyncset.done $0x0  }
0x7b: {  	s31 =	simm.s32 $0x1480;
	[sflag:s21] =	ssyncadd.s32 $0xFFFFC000  }
0x7c: {  	[spmem:s1] =	stream.indirect.scatter.add.f32 [tilespmem:s19], [sflag:$0x3], $0x80, s31, s17, $0xb8;
	[tilespmem:$0x1E800] =	vst v63  }
0x7d: {  	_ =	swait.ge [sflag:s14], $0x4000  }
0x7e: {  	s26 =	simm.s32 $0x100;
	s28 =	simm.s32 $0x800;
	[sflag:s14] =	ssyncset.done $0x0  }
.LBB2_4:
0x7f: {  	s29 =	sadd.s32 $0x80, s26  }
0x80: {  	[sflag:s14] =	ssyncadd.s32 $0xFFFFC000;
	s30 =	smov.u32 s28;
	s31 =	sadd.s32 $0x400, s28  }
0x81: {  	[tilespmem:s19], [sflag:$0x2] =	stream.indirect.gather [hbm4b:s4+s17], $0x80, s29, s17, $0xb8;
	[tilespmem:$0x1E800] =	vst v63  }
0x82: {  	p0 =	sne.s32 s28, $0x4800;
	_ =	swait.ge [sflag:s20], $0x4000  }
0x83: {  	[sflag:s20] =	ssyncset.done $0x0  }
0x84: {  	s28 =	sadd.s32 $0x1400, s26;
	[sflag:s20] =	ssyncadd.s32 $0xFFFFC000  }
0x85: {  	[spmem:s1] =	stream.indirect.scatter.add.f32 [tilespmem:s18], [sflag:$0x3], $0x80, s28, s17, $0xb8;
	[tilespmem:$0x1E800] =	vst v63  }
0x86: {  	_ =	swait.ge [sflag:s14], $0x4000  }
0x87: {  	[sflag:s14] =	ssyncset.done $0x0  }
0x88: {  	s28 =	sadd.s32 $0x100, s26;
	[sflag:s14] =	ssyncadd.s32 $0xFFFFC000  }
0x89: {  	[tilespmem:s18], [sflag:$0x1] =	stream.indirect.gather [hbm4b:s4+s17], $0x80, s28, s17, $0xb8;
	[tilespmem:$0x1E800] =	vst v63  }
0x8a: {  	_ =	swait.ge [sflag:s21], $0x4000  }
.Ltmp1:
0x8b: {  	[sflag:s21] =	ssyncset.done $0x0;
	(pc) =	sbr.rel @p0 .LBB2_4-.Ltmp1, $4  }
0x8c: {  	s26 =	sadd.s32 $0x1480, s26;
	[sflag:s21] =	ssyncadd.s32 $0xFFFFC000  }
0x8d: {  	[spmem:s1] =	stream.indirect.scatter.add.f32 [tilespmem:s19], [sflag:$0x3], $0x80, s26, s17, $0xb8;
	[tilespmem:$0x1E800] =	vst v63  }
0x8e: {  	_ =	swait.ge [sflag:s14], $0x4000  }
0x8f: {  	s28 =	smov.u32 s31;
	s26 =	sshra.s32 s30, $0x2;
	[sflag:s14] =	ssyncset.done $0x0  }
0x90: {  	s28 =	sadd.s32 $0x80, s26;
	[sflag:s14] =	ssyncadd.s32 $0xFFFFC000  }
0x91: {  	[tilespmem:s19], [sflag:$0x2] =	stream.indirect.gather [hbm4b:s4+s17], $0x80, s28, s17, $0xb8;
	[tilespmem:$0x1E800] =	vst v63  }
0x92: {  	_ =	swait.ge [sflag:s20], $0x4000  }
0x93: {  	[sflag:s20] =	ssyncset.done $0x0  }
0x94: {  	s29 =	sadd.s32 $0x1400, s26;
	[sflag:s20] =	ssyncadd.s32 $0xFFFFC000  }
0x95: {  	[spmem:s1] =	stream.indirect.scatter.add.f32 [tilespmem:s18], [sflag:$0x3], $0x80, s29, s17, $0xb8;
	[tilespmem:$0x1E800] =	vst v63  }
0x96: {  	_ =	swait.ge [sflag:s14], $0x4000  }
0x97: {  	[sflag:s14] =	ssyncset.done $0x0  }
0x98: {  	s30 =	sadd.s32 $0x100, s26;
	[sflag:s14] =	ssyncadd.s32 $0xFFFFC000  }
0x99: {  	[tilespmem:s18], [sflag:$0x1] =	stream.indirect.gather [hbm4b:s4+s17], $0x80, s30, s17, $0xb8;
	[tilespmem:$0x1E800] =	vst v63  }
0x9a: {  	_ =	swait.ge [sflag:s21], $0x4000  }
0x9b: {  	[sflag:s21] =	ssyncset.done $0x0  }
0x9c: {  	s31 =	sadd.s32 $0x1480, s26;
	[sflag:s21] =	ssyncadd.s32 $0xFFFFC000  }
0x9d: {  	[spmem:s1] =	stream.indirect.scatter.add.f32 [tilespmem:s19], [sflag:$0x3], $0x80, s31, s17, $0xb8;
	[tilespmem:$0x1E800] =	vst v63  }
0x9e: {  	_ =	swait.ge [sflag:s14], $0x4000  }
0x9f: {  	[sflag:s14] =	ssyncset.done $0x0  }
0xa0: {  	[sflag:s14] =	ssyncadd.s32 $0xFFFFC000  }
0xa1: {  	[tilespmem:s19], [sflag:$0x2] =	stream.indirect.gather [hbm4b:s4+s17], $0x80, s22, s17, $0xb8;
	[tilespmem:$0x1E800] =	vst v63  }
0xa2: {  	_ =	swait.ge [sflag:s20], $0x4000  }
0xa3: {  	[sflag:s20] =	ssyncset.done $0x0  }
0xa4: {  	[sflag:s20] =	ssyncadd.s32 $0xFFFFC000  }
0xa5: {  	[spmem:s1] =	stream.indirect.scatter.add.f32 [tilespmem:s18], [sflag:$0x3], $0x80, s23, s17, $0xb8;
	[tilespmem:$0x1E800] =	vst v63  }
0xa6: {  	_ =	swait.ge [sflag:s14], $0x4000  }
0xa7: {  	[sflag:s14] =	ssyncset.done $0x0  }
0xa8: {  	[sflag:s14] =	ssyncadd.s32 $0xFFFFC000  }
0xa9: {  	_ =	swait.ge [sflag:s21], $0x4000  }
0xaa: {  	[sflag:s21] =	ssyncset.done $0x0  }
0xab: {  	[sflag:s21] =	ssyncadd.s32 $0xFFFFC000  }
0xac: {  	[spmem:s1] =	stream.indirect.scatter.add.f32 [tilespmem:s19], [sflag:$0x3], $0x80, s24, s17, $0xb8;
	[tilespmem:$0x1E800] =	vst v63  }
0xad: {  	_ =	swait.ge [sflag:s14], $0x4000  }
0xae: {  	s25 =	sadd.s32 $0x1, s25;
	[sflag:s14] =	ssyncset.done $0x0  }
0xaf: {  	p0 =	sne.s32 s25, s12;
	[sflag:s14] =	ssyncadd.s32 $0xFFFFC000  }
.Ltmp2:
0xb0: {  	[bflag:$0x0] =	sbarrier.arrive $0xFFFF;
	(pc) =	sbr.rel @p0 .LBB2_1-.Ltmp2, $4  }
0xb1: {  	[hbm:s11], [sflag:s6] =	dma.local [spmem:s13], $0x2800  }
0xb2: {  	_ =	swait.ge [sflag:s14], $0x2800  }
0xb3: {  	[sflag:s14] =	ssyncset.done $0x0  }
0xb4: {  	[sflag:s14] =	ssyncadd.s32 $0xFFFFD800  }
0xb5: {  	_ =	sfence.sel $0x180000  }
0xb6: {  	[bflag:$0x0] =	sbarrier.arrive $0xFFFF  }
0xb7: {  	p0 =	sne.s32 s2, $0x0;
	_ =	strace $0x90000053  }
0xb8: {  	s0 =	sadd.s32 @!p0 $0x100000, s0;
	[bflag:$0x2] =	sbarrier.arrive $0xFFFF  }
0xb9: {  	[sflag:s0] =	ssyncadd.tile.s32 @!p0 $0x1;
	_ =	shalt  }
.Lfunc_end2:
_tile_overlayer_lowered:
.L_overlay_start_2:
0xba: {  	(tag) =	ssettag $0x2  }
0xbb: {  	s0 =	rddreg [dreg:$0x0];
	s2 =	stileid.u32  }
0xbc: {  	s1 =	rddreg [dreg:$0x1];
	p0 =	sne.s32 s2, $0x0  }
0xbd: {  	s3 =	rddreg [dreg:$0x2];
	[bflag:$0x3] =	sbarrier.arrive $0xFFFF;
	s2 =	simm.s32 @!p0 $0x1C03  }
0xbe: {  	[timem:s3], [sflag:s2] =	dma.local @!p0 [hbm:s0], s1  }
0xbf: {  	s0 =	simm.s32 @!p0 $0x3  }
0xc0: {  	_ =	swait.ge @!p0 [sflag:s0], s1  }
0xc1: {  	s1 =	ssub.s32 @!p0 $0x0, s1;
	[sflag:s0] =	ssyncset.done @!p0 $0x0  }
0xc2: {  	[sflag:s0] =	ssyncadd.s32 @!p0 s1  }
0xc3: {  	[bflag:$0x3] =	sbarrier.arrive $0xFFFF  }
0xc4: {  	_ =	shalt  }

// kernel: kernel.29.cloned.1.call-start
scs
__scs_entry_jumppad:
0x0: {  	(pc) =	sbr.rel $0x88, $3  }
0x1: {  	(tag) =	ssettag $0x0;
	lr =	simm.s32 $0x1  }
0x2: {  	[smem:$0x3F8F] =	sst lr;
	_ =	strace $0xD0000000  }
0x3: {  	_ = 	snop  }
0x4: {  	_ = 	snop  }
0x5: {  	_ = 	snop  }
0x6: {  	_ = 	snop  }
0x7: {  	_ = 	snop  }
__scs_overlays_trampoline_lowered:
0x8: {  	[smem:$0x3F9E] =	sst s0  }
0x9: {  	[smem:$0x3F9F] =	sst s1  }
0xa: {  	[smem:$0x3FA0] =	sst s2  }
0xb: {  	[smem:$0x3FA1] =	sst s3  }
0xc: {  	[smem:$0x3FA2] =	sst s4  }
0xd: {  	[smem:$0x3FA3] =	sst s5  }
0xe: {  	[smem:$0x3FA4] =	sst s6  }
0xf: {  	[smem:$0x3FA5] =	sst s7  }
0x10: {  	[smem:$0x3FA6] =	sst s8  }
0x11: {  	[smem:$0x3FA7] =	sst s9;
	s0 =	simm.s32 @!p0 $0x0  }
0x12: {  	s1 =	sld [smem:$0x3F8D];
	s0 =	simm.s32 @p0 $0x1  }
0x13: {  	[smem:$0x3FA8] =	sst s0;
	s0 =	simm.s32 @!p1 $0x0  }
0x14: {  	s2 =	sld [smem:$0x3F8C];
	s0 =	simm.s32 @p1 $0x1  }
0x15: {  	[smem:$0x3FA9] =	sst s0;
	s0 =	simm.s32 @!p2 $0x0  }
0x16: {  	s3 =	sld [smem:$0x3FDB];
	s0 =	simm.s32 @p2 $0x1  }
0x17: {  	s4 =	simm.s32 $0x1BF5;
	[smem:$0x3FAB] =	sst s0  }
0x18: {  	s0 =	sld [smem:$0x3F8E];
	_ =	swait.ge [sflag:s4], $0x0  }
0x19: {  	s7 =	sld [smem:$0x3F8F]  }
0x1a: {  	s8 =	sadd.s32 $0xFFFFE003, lr  }
0x1b: {  	s9 =	sadd.s32 $0xFFFFFEF7, lr;
	s5 =	simm.s32 $0xFFFFFFFF;
	p2 =	slt.u32 s8, $0xFFFFF086  }
0x1c: {  	p1 =	slt.u32 s9, $0xF7A;
	s5 =	simm.s32 @!p2 $0x0  }
0x1d: {  	s5 =	simm.s32 @p1 $0x1;
	p0 =	seq.s32 s7, s2  }
0x1e: {  	s7 =	smul.u32 @!p0 $0xF7A, s2;
	p2 =	seq.s32 @!p0 s5, $0x0  }
0x1f: {  	s9 =	smul.u32 $0xF7A, s1;
	s8 =	simm.s32 @!p0 $0x1BF5;
	p2 =	por !p2, p0  }
0x20: {  	[sflag:s8] =	ssyncset.s32 @!p0 $0xFFFFF086;
	s6 =	sadd.s32 @!p0 s3, s7;
	s7 =	simm.s32 @!p0 $0x108  }
0x21: {  	s3 =	sadd.s32 s3, s9;
	s6 =	sadd.s32 @!p0 $0x88, s6;
	s7 =	simm.s32 @p2 $0x1082  }
0x22: {  	[simem:s7], [sflag:s8] =	dma.local @!p0 [hbm:s6], $0xF7A  }
0x23: {  	s9 =	sor.u32 $0xD0000000, s2;
	s6 =	simm.s32 $0x108;
	_ =	swait.ge @!p0 [sflag:s8], $0x0  }
0x24: {  	s3 =	sadd.s32 $0x88, s3;
	s6 =	simm.s32 @!p1 $0x1082;
	[sflag:s4] =	ssyncset.s32 $0xFFFFF086  }
0x25: {  	[simem:s6], [sflag:s4] =	dma.local [hbm:s3], $0xF7A  }
0x26: {  	[smem:$0x3F8F] =	sst s1;
	(tag) =	ssettag s2;
	_ =	strace s9  }
0x27: {  	s1 =	sld [smem:$0x3F9F]  }
0x28: {  	s2 =	sld [smem:$0x3FA0]  }
0x29: {  	s4 =	sld [smem:$0x3FA2]  }
0x2a: {  	p0 =	seq.s32 s5, $0x0;
	s5 =	sld [smem:$0x3FA3]  }
0x2b: {  	s6 =	sld [smem:$0x3FA4]  }
0x2c: {  	s7 =	sld [smem:$0x3FA5]  }
0x2d: {  	s3 =	simm.s32 $0x108;
	s8 =	sld [smem:$0x3FA6]  }
0x2e: {  	s3 =	simm.s32 @!p0 $0x1082;
	s9 =	sld [smem:$0x3FA7]  }
0x2f: {  	lr =	sadd.s32 s0, s3;
	s0 =	sld [smem:$0x3F9E]  }
0x30: {  	s3 =	sld [smem:$0x3FA1]  }
0x31: {  	[smem:$0x3FAA] =	sst s10  }
0x32: {  	s10 =	sld [smem:$0x3FA8];
	_ =	sdelay $0x3  }
0x33: {  	p0 =	seq.s32 s10, $0x1;
	s10 =	sld [smem:$0x3FAA];
	_ =	sdelay $0x3  }
0x34: {  	[smem:$0x3FAA] =	sst s10  }
0x35: {  	s10 =	sld [smem:$0x3FA9];
	_ =	sdelay $0x3  }
0x36: {  	p1 =	seq.s32 s10, $0x1;
	s10 =	sld [smem:$0x3FAA];
	_ =	sdelay $0x3  }
0x37: {  	[smem:$0x3FAA] =	sst s10  }
0x38: {  	s10 =	sld [smem:$0x3FAB]  }
0x39: {  	_ = 	snop;
	(pc) =	sbr.ind lr, $3  }
0x3a: {  	_ = 	snop  }
0x3b: {  	_ = 	snop  }
0x3c: {  	p2 =	seq.s32 s10, $0x1;
	s10 =	sld [smem:$0x3FAA]  }
0x3d: {  	_ =	shalt  }
0x3e: {  	_ =	shalt  }
0x3f: {  	_ =	shalt  }
0x40: {  	_ =	shalt  }
0x41: {  	_ =	shalt  }
0x42: {  	_ =	shalt  }
0x43: {  	_ =	shalt  }
0x44: {  	_ =	shalt  }
0x45: {  	_ =	shalt  }
0x46: {  	_ =	shalt  }
0x47: {  	_ =	shalt  }
0x48: {  	_ =	shalt  }
0x49: {  	_ =	shalt  }
0x4a: {  	_ =	shalt  }
0x4b: {  	_ =	shalt  }
0x4c: {  	_ =	shalt  }
0x4d: {  	_ =	shalt  }
0x4e: {  	_ =	shalt  }
0x4f: {  	_ =	shalt  }
0x50: {  	_ =	shalt  }
0x51: {  	_ =	shalt  }
0x52: {  	_ =	shalt  }
0x53: {  	_ =	shalt  }
0x54: {  	_ =	shalt  }
0x55: {  	_ =	shalt  }
0x56: {  	_ =	shalt  }
0x57: {  	_ =	shalt  }
0x58: {  	_ =	shalt  }
0x59: {  	_ =	shalt  }
0x5a: {  	_ =	shalt  }
0x5b: {  	_ =	shalt  }
0x5c: {  	_ =	shalt  }
0x5d: {  	_ =	shalt  }
0x5e: {  	_ =	shalt  }
0x5f: {  	_ =	shalt  }
0x60: {  	_ =	shalt  }
0x61: {  	_ =	shalt  }
0x62: {  	_ =	shalt  }
0x63: {  	_ =	shalt  }
0x64: {  	_ =	shalt  }
0x65: {  	_ =	shalt  }
0x66: {  	_ =	shalt  }
0x67: {  	_ =	shalt  }
0x68: {  	_ =	shalt  }
0x69: {  	_ =	shalt  }
0x6a: {  	_ =	shalt  }
0x6b: {  	_ =	shalt  }
0x6c: {  	_ =	shalt  }
0x6d: {  	_ =	shalt  }
0x6e: {  	_ =	shalt  }
0x6f: {  	_ =	shalt  }
0x70: {  	_ =	shalt  }
0x71: {  	_ =	shalt  }
0x72: {  	_ =	shalt  }
0x73: {  	_ =	shalt  }
0x74: {  	_ =	shalt  }
0x75: {  	_ =	shalt  }
0x76: {  	_ =	shalt  }
0x77: {  	_ =	shalt  }
0x78: {  	_ =	shalt  }
0x79: {  	_ =	shalt  }
0x7a: {  	_ =	shalt  }
0x7b: {  	_ =	shalt  }
0x7c: {  	_ =	shalt  }
0x7d: {  	_ =	shalt  }
0x7e: {  	_ =	shalt  }
0x7f: {  	_ =	shalt  }
0x80: {  	_ =	shalt  }
0x81: {  	_ =	shalt  }
0x82: {  	_ =	shalt  }
0x83: {  	_ =	shalt  }
0x84: {  	_ =	shalt  }
0x85: {  	_ =	shalt  }
0x86: {  	_ =	shalt  }
0x87: {  	_ =	shalt  }
.Lfunc_end0:
.L_simem_size_0:
called_computation.5_lowered:
.L_overlay_start_0:
0x88: {  	s2 =	sld [smem:$0x3FD9]  }
0x89: {  	s3 =	sld [smem:$0x3FFE];
	_ =	sdelay $0x1  }
0x8a: {  	s1 =	srdreg.scid  }
0x8b: {  	s0 =	sand.u32 $0x1, s1  }
0x8c: {  	s17 =	sshll.u32 s0, $0xA;
	s2 =	sadd.s32 s3, s2  }
0x8d: {  	s2 =	sadd.s32 s2, s17  }
0x8e: {  	[smem:$0x3FB6] =	sst s2  }
0x8f: {  	_ = 	snop  }
0x90: {  	s2 =	sld [smem:$0x3FD0];
	(tm) =	ssettm $0x1  }
0x91: {  	s18 =	sld [smem:$0x3FFB];
	_ =	sdelay $0x3  }
0x92: {  	_ =	strace s18  }
0x93: {  	s3 =	sld [smem:$0x3FFC];
	_ =	sdelay $0x3  }
0x94: {  	_ =	strace s3  }
0x95: {  	s3 =	sld [smem:$0x3FFD];
	_ =	sdelay $0x3  }
0x96: {  	_ =	strace s3  }
0x97: {  	_ =	strace $0x8FFFFFFF  }
0x98: {  	s19 =	sld [smem:$0x3FDB];
	_ =	sdelay $0x1  }
0x99: {  	s4 =	simm.s32 $_scs_section_size  }
0x9a: {  	s5 =	simm.s32 $_size__tile_overlayer_lowered;
	s6 =	simm.s32 $_tile_overlayer_lowered  }
0x9b: {  	s22 =	simm.s32 $0x1BFF;
	s21 =	sshll.u32 s6, $0x1;
	s3 =	sadd.s32 s4, s19  }
0x9c: {  	s7 =	simm.s32 $0x0;
	s20 =	sshll.u32 s5, $0x1;
	s5 =	sadd.s32 s21, s3  }
0x9d: {  	[timem:s7], [sflag:s22] =	dma.local [hbm:s5], s20  }
0x9e: {  	_ =	swait.ge [sflag:s22], s20  }
0x9f: {  	s4 =	ssub.s32 $0x0, s20;
	[sflag:s22] =	ssyncset.done $0x0  }
0xa0: {  	[sflag:s22] =	ssyncadd.s32 s4;
	_ =	sdelay $0x1  }
0xa1: {  	s23 =	simm.s32 $0x1B8B  }
0xa2: {  	_ =	swait.ge [sflag:s23], $0x1  }
0xa3: {  	[sflag:s23] =	ssyncset.done $0x0  }
0xa4: {  	s25 =	simm.s32 $0x1B8E;
	s24 =	sld [smem:$0x3FFE];
	[sflag:s23] =	ssyncadd.s32 $0xFFFFFFFF  }
0xa5: {  	s26 =	simm.s32 $execute0_lowered;
	[smem:$0x3FD2] =	sst s25  }
0xa6: {  	s5 =	sshll.u32 s26, $0x1;
	_ =	strace $0x80000055;
	[dreg:$0x1] =	wrdreg $0xFFFFFFFF  }
0xa7: {  	s28 =	simm.s32 $_size_execute0_lowered;
	s3 =	sadd.s32 s3, s5;
	[dreg:$0x0] =	wrdreg $0x0  }
0xa8: {  	s5 =	sshll.u32 s28, $0x1;
	[dreg:$0x2] =	wrdreg s3  }
0xa9: {  	[dreg:$0x3] =	wrdreg s5  }
0xaa: {  	[dreg:$0x4] =	wrdreg $0xC0  }
0xab: {  	_ =	task [dreg:s7], $0x5FFFF  }
0xac: {  	[dreg:$0x1] =	wrdreg $0xFFFFFFFF  }
0xad: {  	[dreg:$0x0] =	wrdreg $0x60  }
0xae: {  	[dreg:$0x2] =	wrdreg s24  }
0xaf: {  	[dreg:$0x3] =	wrdreg s2  }
0xb0: {  	[dreg:$0x4] =	wrdreg $0x45000  }
0xb1: {  	[dreg:$0x5] =	wrdreg $0x5D000  }
0xb2: {  	[dreg:$0x6] =	wrdreg $0x9  }
0xb3: {  	_ =	task.clear_ibuf [dreg:s7], $0x7FFFF;
	_ =	strace $0x90000055  }
0xb4: {  	s29 =	simm.s32 $0x9;
	_ =	strace $0x80000057  }
0xb5: {  	_ =	swait.ge [sflag:s29], $0x1  }
0xb6: {  	[sflag:s29] =	ssyncadd.s32 $0xFFFFFFFF  }
0xb7: {  	_ =	strace $0x90000057  }
0xb8: {  	_ =	sfence  }
0xb9: {  	s30 =	sld [smem:$0x0];
	_ =	sdelay $0x2  }
0xba: {  	s31 =	sshll.u32 s1, $0xD;
	s1 =	sshrl.u32 s1, $0x2  }
0xbb: {  	s3 =	sand.u32 $0x4000, s31;
	s1 =	sadd.s32 s1, s30  }
0xbc: {  	s0 =	sor.u32 s3, s0;
	s1 =	sshll.u32 s1, $0x11  }
0xbd: {  	s0 =	sor.u32 s1, s0  }
0xbe: {  	s0 =	sadd.s32 $0x8F2B, s0  }
0xbf: {  	[sflag:s0] =	ssyncadd.remote.s32 $0x1  }
0xc0: {  	_ =	sfence.sel $0xFFFF  }
0xc1: {  	[dreg:$0x0] =	wrdreg $0xFFFFFFFF;
	(pc) =	sbr.abs _section_cstart, $3  }
0xc2: {  	[dreg:$0x1] =	wrdreg $0xFFFFFFFF  }
0xc3: {  	_ =	task.clear_ibuf [dreg:s7], $0x2FFFF;
	_ =	strace $0x9FFFFFFF  }
0xc4: {  	(tm) =	ssettm $0x7FFFFFFF  }
0xc5: {  	_ =	shalt  }
tec
execute0_lowered:
.L_overlay_start_1:
0x0: {  	(tag) =	ssettag $0x1  }
0x1: {  	s28 =	rddreg [dreg:$0x0]  }
0x2: {  	s1 =	rddreg [dreg:$0x1]  }
0x3: {  	s2 =	rddreg [dreg:$0x2]  }
0x4: {  	s3 =	rddreg [dreg:$0x3];
	s4 =	simm.s32 $0x0  }
0x5: {  	s7 =	simm.s32 $0x2480;
	[smem:$0x7FF] =	sst s4  }
0x6: {  	s6 =	simm.s32 $0x1;
	s5 =	sadd.s32 $0x5000, s28;
	_ =	strace $0x80000056  }
0x7: {  	[tilespmem:s7], [sflag:$0x1] =	stream.linear.gather [hbm4b:s5+s4], $0x2000, $0x38;
	[tilespmem:$0x5D30] =	vst v63  }
0x8: {  	_ =	swait.ge [sflag:s6], $0x2000  }
0x9: {  	[sflag:s6] =	ssyncset.done $0x0  }
0xa: {  	s9 =	simm.s32 $0x4480;
	[sflag:s6] =	ssyncadd.s32 $0xFFFFE000  }
0xb: {  	[tilespmem:s9], [sflag:$0x1] =	stream.linear.gather [hbm4b:s1+s4], $0x30, $0x38;
	[tilespmem:$0x5D30] =	vst v63  }
0xc: {  	_ =	swait.ge [sflag:s6], $0x30  }
0xd: {  	s8 =	stileid.u32;
	s11 =	simm.s32 $0x2400;
	[sflag:s6] =	ssyncset.done $0x0  }
0xe: {  	s10 =	sadd.s32 $0xF600, s28;
	s12 =	smul.u32 $0x6000, s8;
	[sflag:s6] =	ssyncadd.s32 $0xFFFFFFD0  }
0xf: {  	[tilespmem:s11], [sflag:$0x1] =	stream.linear.gather [hbm4b:s10+s4], $0x40, $0x38;
	[tilespmem:$0x5D30] =	vst v63  }
0x10: {  	_ =	swait.ge [sflag:s6], $0x40  }
0x11: {  	s12 =	sshrl.u32 s12, $0x2;
	[sflag:s6] =	ssyncset.done $0x0  }
0x12: {  	s12 =	sadd.s32 s12, s2;
	[sflag:s6] =	ssyncadd.s32 $0xFFFFFFC0  }
0x13: {  	[spmem:s12] =	stream.linear.scatter [tilespmem:s7], [sflag:$0x1], $0x1800, $0x38;
	[tilespmem:$0x5D30] =	vst v63  }
0x14: {  	s13 =	srdreg.scid;
	s29 =	smul.u32 $0x30, s8;
	_ =	swait.ge [sflag:s6], $0x1800  }
0x15: {  	s30 =	sand.u32 $0x1, s13;
	s25 =	sshll.u32 s8, $0x1;
	[sflag:s6] =	ssyncset.done $0x0  }
0x16: {  	s14 =	sor.u32 s30, s25;
	s13 =	sadd.s32 s29, s3;
	[sflag:s6] =	ssyncadd.s32 $0xFFFFE800  }
0x17: {  	[spmem:s13] =	stream.linear.scatter [tilespmem:s9], [sflag:$0x1], $0x30, $0x38;
	[tilespmem:$0x5D30] =	vst v63  }
0x18: {  	s15 =	sshll.u32 s14, $0x7;
	_ =	swait.ge [sflag:s6], $0x30  }
0x19: {  	s15 =	sadd.s32 s15, s28;
	[sflag:s6] =	ssyncset.done $0x0  }
0x1a: {  	s16 =	smul.u32 $0xA000, s14;
	s14 =	sadd.s32 $0x93800, s15;
	[sflag:s6] =	ssyncadd.s32 $0xFFFFFFD0  }
0x1b: {  	[tilespmem:s4], [sflag:$0x1] =	stream.linear.gather [hbm4b:s14+s4], $0x280, $0x38;
	[tilespmem:$0x5D30] =	vst v63  }
0x1c: {  	_ =	swait.ge [sflag:s6], $0x280  }
0x1d: {  	s26 =	sshrl.u32 s16, $0x3;
	[sflag:s6] =	ssyncset.done $0x0  }
0x1e: {  	s24 =	sadd.s32 s26, s28;
	[sflag:s6] =	ssyncadd.s32 $0xFFFFFD80  }
0x1f: {  	s16 =	simm.s32 $0x400;
	s15 =	sadd.s32 $0xF800, s24;
	[bflag:$0x0] =	sbarrier.arrive $0xFFFF  }
0x20: {  	[tilespmem:s16], [sflag:$0x1] =	stream.linear.gather [hbm4b:s15+s4], $0x2000, $0x38;
	[tilespmem:$0x5D30] =	vst v63  }
0x21: {  	_ =	swait.ge [sflag:s6], $0x2000  }
0x22: {  	[sflag:s6] =	ssyncset.done $0x0  }
0x23: {  	s17 =	simm.s32 $0x40;
	[sflag:s6] =	ssyncadd.s32 $0xFFFFE000  }
0x24: {  	[spmem:s2] =	stream.indirect.scatter.add.f32 [tilespmem:s16], [sflag:$0x1], $0x80, s4, s17, $0xb8;
	[tilespmem:$0x5D30] =	vst v63  }
0x25: {  	_ =	swait.ge [sflag:s6], $0x2000  }
0x26: {  	[sflag:s6] =	ssyncset.done $0x0  }
0x27: {  	[sflag:s6] =	ssyncadd.s32 $0xFFFFE000  }
0x28: {  	[spmem:s3] =	stream.indirect.scatter.add.f32 [tilespmem:s11], [sflag:$0x1], $0x1, s4, s17, $0xb8;
	[tilespmem:$0x5D30] =	vst v63  }
0x29: {  	_ =	swait.ge [sflag:s6], $0x40  }
0x2a: {  	[sflag:s6] =	ssyncset.done $0x0  }
0x2b: {  	s18 =	sadd.s32 $0xFC00, s24;
	[sflag:s6] =	ssyncadd.s32 $0xFFFFFFC0  }
0x2c: {  	[tilespmem:s16], [sflag:$0x1] =	stream.linear.gather [hbm4b:s18+s4], $0x2000, $0x38;
	[tilespmem:$0x5D30] =	vst v63  }
0x2d: {  	_ =	swait.ge [sflag:s6], $0x2000  }
0x2e: {  	[sflag:s6] =	ssyncset.done $0x0  }
0x2f: {  	s19 =	simm.s32 $0x80;
	[sflag:s6] =	ssyncadd.s32 $0xFFFFE000  }
0x30: {  	[spmem:s2] =	stream.indirect.scatter.add.f32 [tilespmem:s16], [sflag:$0x1], $0x80, s19, s17, $0xb8;
	[tilespmem:$0x5D30] =	vst v63  }
0x31: {  	_ =	swait.ge [sflag:s6], $0x2000  }
0x32: {  	[sflag:s6] =	ssyncset.done $0x0  }
0x33: {  	[sflag:s6] =	ssyncadd.s32 $0xFFFFE000  }
0x34: {  	[spmem:s3] =	stream.indirect.scatter.add.f32 [tilespmem:s11], [sflag:$0x1], $0x1, s19, s17, $0xb8;
	[tilespmem:$0x5D30] =	vst v63  }
0x35: {  	_ =	swait.ge [sflag:s6], $0x40  }
0x36: {  	[sflag:s6] =	ssyncset.done $0x0  }
0x37: {  	s20 =	sadd.s32 $0x10000, s24;
	[sflag:s6] =	ssyncadd.s32 $0xFFFFFFC0  }
0x38: {  	[tilespmem:s16], [sflag:$0x1] =	stream.linear.gather [hbm4b:s20+s4], $0x2000, $0x38;
	[tilespmem:$0x5D30] =	vst v63  }
0x39: {  	_ =	swait.ge [sflag:s6], $0x2000  }
0x3a: {  	[sflag:s6] =	ssyncset.done $0x0  }
0x3b: {  	s21 =	simm.s32 $0x100;
	[sflag:s6] =	ssyncadd.s32 $0xFFFFE000  }
0x3c: {  	[spmem:s2] =	stream.indirect.scatter.add.f32 [tilespmem:s16], [sflag:$0x1], $0x80, s21, s17, $0xb8;
	[tilespmem:$0x5D30] =	vst v63  }
0x3d: {  	_ =	swait.ge [sflag:s6], $0x2000  }
0x3e: {  	[sflag:s6] =	ssyncset.done $0x0  }
0x3f: {  	[sflag:s6] =	ssyncadd.s32 $0xFFFFE000  }
0x40: {  	[spmem:s3] =	stream.indirect.scatter.add.f32 [tilespmem:s11], [sflag:$0x1], $0x1, s21, s17, $0xb8;
	[tilespmem:$0x5D30] =	vst v63  }
0x41: {  	_ =	swait.ge [sflag:s6], $0x40  }
0x42: {  	[sflag:s6] =	ssyncset.done $0x0  }
0x43: {  	s22 =	sadd.s32 $0x10400, s24;
	[sflag:s6] =	ssyncadd.s32 $0xFFFFFFC0  }
0x44: {  	[tilespmem:s16], [sflag:$0x1] =	stream.linear.gather [hbm4b:s22+s4], $0x2000, $0x38;
	[tilespmem:$0x5D30] =	vst v63  }
0x45: {  	_ =	swait.ge [sflag:s6], $0x2000  }
0x46: {  	[sflag:s6] =	ssyncset.done $0x0  }
0x47: {  	s23 =	simm.s32 $0x180;
	[sflag:s6] =	ssyncadd.s32 $0xFFFFE000  }
0x48: {  	[spmem:s2] =	stream.indirect.scatter.add.f32 [tilespmem:s16], [sflag:$0x1], $0x80, s23, s17, $0xb8;
	[tilespmem:$0x5D30] =	vst v63  }
0x49: {  	_ =	swait.ge [sflag:s6], $0x2000  }
0x4a: {  	[sflag:s6] =	ssyncset.done $0x0  }
0x4b: {  	[sflag:s6] =	ssyncadd.s32 $0xFFFFE000  }
0x4c: {  	[spmem:s3] =	stream.indirect.scatter.add.f32 [tilespmem:s11], [sflag:$0x1], $0x1, s23, s17, $0xb8;
	[tilespmem:$0x5D30] =	vst v63  }
0x4d: {  	_ =	swait.ge [sflag:s6], $0x40  }
0x4e: {  	[sflag:s6] =	ssyncset.done $0x0  }
0x4f: {  	s24 =	sadd.s32 $0x10800, s24;
	[sflag:s6] =	ssyncadd.s32 $0xFFFFFFC0  }
0x50: {  	[tilespmem:s16], [sflag:$0x1] =	stream.linear.gather [hbm4b:s24+s4], $0x2000, $0x38;
	[tilespmem:$0x5D30] =	vst v63  }
0x51: {  	_ =	swait.ge [sflag:s6], $0x2000  }
0x52: {  	[sflag:s6] =	ssyncset.done $0x0  }
0x53: {  	s25 =	simm.s32 $0x200;
	[sflag:s6] =	ssyncadd.s32 $0xFFFFE000  }
0x54: {  	[spmem:s2] =	stream.indirect.scatter.add.f32 [tilespmem:s16], [sflag:$0x1], $0x80, s25, s17, $0xb8;
	[tilespmem:$0x5D30] =	vst v63  }
0x55: {  	_ =	swait.ge [sflag:s6], $0x2000  }
0x56: {  	[sflag:s6] =	ssyncset.done $0x0  }
0x57: {  	[sflag:s6] =	ssyncadd.s32 $0xFFFFE000  }
0x58: {  	[spmem:s3] =	stream.indirect.scatter.add.f32 [tilespmem:s11], [sflag:$0x1], $0x1, s25, s17, $0xb8;
	[tilespmem:$0x5D30] =	vst v63  }
0x59: {  	s31 =	smul.u32 $0x1800, s8;
	_ =	swait.ge [sflag:s6], $0x40  }
0x5a: {  	s26 =	smul.u32 $0x18000, s30;
	[sflag:s6] =	ssyncset.done $0x0  }
0x5b: {  	[sflag:s6] =	ssyncadd.s32 $0xFFFFFFC0  }
0x5c: {  	s26 =	sadd.s32 s31, s26;
	[bflag:$0x0] =	sbarrier.arrive $0xFFFF  }
0x5d: {  	[tilespmem:s7], [sflag:$0x1] =	stream.linear.gather [spmem:s12], $0x1800, $0x38;
	[tilespmem:$0x5D30] =	vst v63  }
0x5e: {  	s26 =	sshrl.u32 s26, $0x3;
	_ =	swait.ge [sflag:s6], $0x1800  }
0x5f: {  	s26 =	sadd.s32 s26, s28;
	[sflag:s6] =	ssyncset.done $0x0  }
0x60: {  	s31 =	ssub.s32 $0x2, s30;
	s26 =	sadd.s32 $0x5800, s26;
	[sflag:s6] =	ssyncadd.s32 $0xFFFFE800  }
0x61: {  	[hbm4b:s26+s4] =	stream.linear.scatter [tilespmem:s7], [sflag:$0x1], $0x1800, $0x38;
	[tilespmem:$0x5D30] =	vst v63  }
0x62: {  	p0 =	seq.s32 s30, $0x1;
	s30 =	sshrl.u32 s31, $0x1;
	_ =	swait.ge [sflag:s6], $0x1800  }
0x63: {  	s0 =	simm.s32 $0x5600;
	s30 =	ssub.s32 s31, s30;
	[sflag:s6] =	ssyncset.done $0x0  }
0x64: {  	s0 =	simm.s32 @!p0 $0x5400;
	s31 =	smax.u32 s30, $0x1;
	[sflag:s6] =	ssyncadd.s32 $0xFFFFE800  }
0x65: {  	[tilespmem:s9], [sflag:$0x1] =	stream.linear.gather [spmem:s13], $0x30, $0x38;
	[tilespmem:$0x5D30] =	vst v63  }
0x66: {  	s0 =	sadd.s32 s0, s28;
	p0 =	sne.s32 s31, $0x1;
	_ =	swait.ge [sflag:s6], $0x30  }
.Ltmp0:
0x67: {  	s28 =	sshrl.u32 s29, $0x3;
	[sflag:s6] =	ssyncset.done $0x0;
	(pc) =	sbr.rel @!p0 .LBB2_2-.Ltmp0, $4  }
0x68: {  	s28 =	sadd.s32 s0, s28;
	[sflag:s6] =	ssyncadd.s32 $0xFFFFFFD0  }
0x69: {  	[hbm4b:s28+s4] =	stream.linear.scatter [tilespmem:s9], [sflag:$0x1], $0x30, $0x38;
	[tilespmem:$0x5D30] =	vst v63  }
0x6a: {  	_ =	swait.ge [sflag:s6], $0x30  }
0x6b: {  	s29 =	sadd.s32 $0xFFFFFFFF, s31;
	[sflag:s6] =	ssyncset.done $0x0  }
.LBB2_1:
0x6c: {  	p0 =	sne.s32 s29, $0x1;
	s29 =	sadd.s32 $0xFFFFFFFF, s29;
	[sflag:s6] =	ssyncadd.s32 $0xFFFFFFD0  }
0x6d: {  	[tilespmem:s7], [sflag:$0x1] =	stream.linear.gather [hbm4b:s5+s4], $0x2000, $0x38;
	[tilespmem:$0x5D30] =	vst v63  }
0x6e: {  	_ =	swait.ge [sflag:s6], $0x2000  }
0x6f: {  	[sflag:s6] =	ssyncset.done $0x0  }
0x70: {  	[sflag:s6] =	ssyncadd.s32 $0xFFFFE000  }
0x71: {  	[tilespmem:s9], [sflag:$0x1] =	stream.linear.gather [hbm4b:s1+s4], $0x30, $0x38;
	[tilespmem:$0x5D30] =	vst v63  }
0x72: {  	_ =	swait.ge [sflag:s6], $0x30  }
0x73: {  	[sflag:s6] =	ssyncset.done $0x0  }
0x74: {  	[sflag:s6] =	ssyncadd.s32 $0xFFFFFFD0  }
0x75: {  	[tilespmem:s11], [sflag:$0x1] =	stream.linear.gather [hbm4b:s10+s4], $0x40, $0x38;
	[tilespmem:$0x5D30] =	vst v63  }
0x76: {  	_ =	swait.ge [sflag:s6], $0x40  }
0x77: {  	[sflag:s6] =	ssyncset.done $0x0  }
0x78: {  	[sflag:s6] =	ssyncadd.s32 $0xFFFFFFC0  }
0x79: {  	[spmem:s12] =	stream.linear.scatter [tilespmem:s7], [sflag:$0x1], $0x1800, $0x38;
	[tilespmem:$0x5D30] =	vst v63  }
0x7a: {  	_ =	swait.ge [sflag:s6], $0x1800  }
0x7b: {  	[sflag:s6] =	ssyncset.done $0x0  }
0x7c: {  	[sflag:s6] =	ssyncadd.s32 $0xFFFFE800  }
0x7d: {  	[spmem:s13] =	stream.linear.scatter [tilespmem:s9], [sflag:$0x1], $0x30, $0x38;
	[tilespmem:$0x5D30] =	vst v63  }
0x7e: {  	_ =	swait.ge [sflag:s6], $0x30  }
0x7f: {  	[sflag:s6] =	ssyncset.done $0x0  }
0x80: {  	[sflag:s6] =	ssyncadd.s32 $0xFFFFFFD0  }
0x81: {  	[tilespmem:s4], [sflag:$0x1] =	stream.linear.gather [hbm4b:s14+s4], $0x280, $0x38;
	[tilespmem:$0x5D30] =	vst v63  }
0x82: {  	_ =	swait.ge [sflag:s6], $0x280  }
0x83: {  	[sflag:s6] =	ssyncset.done $0x0  }
0x84: {  	[sflag:s6] =	ssyncadd.s32 $0xFFFFFD80  }
0x85: {  	[bflag:$0x0] =	sbarrier.arrive $0xFFFF  }
0x86: {  	[tilespmem:s16], [sflag:$0x1] =	stream.linear.gather [hbm4b:s15+s4], $0x2000, $0x38;
	[tilespmem:$0x5D30] =	vst v63  }
0x87: {  	_ =	swait.ge [sflag:s6], $0x2000  }
0x88: {  	[sflag:s6] =	ssyncset.done $0x0  }
0x89: {  	[sflag:s6] =	ssyncadd.s32 $0xFFFFE000  }
0x8a: {  	[spmem:s2] =	stream.indirect.scatter.add.f32 [tilespmem:s16], [sflag:$0x1], $0x80, s4, s17, $0xb8;
	[tilespmem:$0x5D30] =	vst v63  }
0x8b: {  	_ =	swait.ge [sflag:s6], $0x2000  }
0x8c: {  	[sflag:s6] =	ssyncset.done $0x0  }
0x8d: {  	[sflag:s6] =	ssyncadd.s32 $0xFFFFE000  }
0x8e: {  	[spmem:s3] =	stream.indirect.scatter.add.f32 [tilespmem:s11], [sflag:$0x1], $0x1, s4, s17, $0xb8;
	[tilespmem:$0x5D30] =	vst v63  }
0x8f: {  	_ =	swait.ge [sflag:s6], $0x40  }
0x90: {  	[sflag:s6] =	ssyncset.done $0x0  }
0x91: {  	[sflag:s6] =	ssyncadd.s32 $0xFFFFFFC0  }
0x92: {  	[tilespmem:s16], [sflag:$0x1] =	stream.linear.gather [hbm4b:s18+s4], $0x2000, $0x38;
	[tilespmem:$0x5D30] =	vst v63  }
0x93: {  	_ =	swait.ge [sflag:s6], $0x2000  }
0x94: {  	[sflag:s6] =	ssyncset.done $0x0  }
0x95: {  	[sflag:s6] =	ssyncadd.s32 $0xFFFFE000  }
0x96: {  	[spmem:s2] =	stream.indirect.scatter.add.f32 [tilespmem:s16], [sflag:$0x1], $0x80, s19, s17, $0xb8;
	[tilespmem:$0x5D30] =	vst v63  }
0x97: {  	_ =	swait.ge [sflag:s6], $0x2000  }
0x98: {  	[sflag:s6] =	ssyncset.done $0x0  }
0x99: {  	[sflag:s6] =	ssyncadd.s32 $0xFFFFE000  }
0x9a: {  	[spmem:s3] =	stream.indirect.scatter.add.f32 [tilespmem:s11], [sflag:$0x1], $0x1, s19, s17, $0xb8;
	[tilespmem:$0x5D30] =	vst v63  }
0x9b: {  	_ =	swait.ge [sflag:s6], $0x40  }
0x9c: {  	[sflag:s6] =	ssyncset.done $0x0  }
0x9d: {  	[sflag:s6] =	ssyncadd.s32 $0xFFFFFFC0  }
0x9e: {  	[tilespmem:s16], [sflag:$0x1] =	stream.linear.gather [hbm4b:s20+s4], $0x2000, $0x38;
	[tilespmem:$0x5D30] =	vst v63  }
0x9f: {  	_ =	swait.ge [sflag:s6], $0x2000  }
0xa0: {  	[sflag:s6] =	ssyncset.done $0x0  }
0xa1: {  	[sflag:s6] =	ssyncadd.s32 $0xFFFFE000  }
0xa2: {  	[spmem:s2] =	stream.indirect.scatter.add.f32 [tilespmem:s16], [sflag:$0x1], $0x80, s21, s17, $0xb8;
	[tilespmem:$0x5D30] =	vst v63  }
0xa3: {  	_ =	swait.ge [sflag:s6], $0x2000  }
0xa4: {  	[sflag:s6] =	ssyncset.done $0x0  }
0xa5: {  	[sflag:s6] =	ssyncadd.s32 $0xFFFFE000  }
0xa6: {  	[spmem:s3] =	stream.indirect.scatter.add.f32 [tilespmem:s11], [sflag:$0x1], $0x1, s21, s17, $0xb8;
	[tilespmem:$0x5D30] =	vst v63  }
0xa7: {  	_ =	swait.ge [sflag:s6], $0x40  }
0xa8: {  	[sflag:s6] =	ssyncset.done $0x0  }
0xa9: {  	[sflag:s6] =	ssyncadd.s32 $0xFFFFFFC0  }
0xaa: {  	[tilespmem:s16], [sflag:$0x1] =	stream.linear.gather [hbm4b:s22+s4], $0x2000, $0x38;
	[tilespmem:$0x5D30] =	vst v63  }
0xab: {  	_ =	swait.ge [sflag:s6], $0x2000  }
0xac: {  	[sflag:s6] =	ssyncset.done $0x0  }
0xad: {  	[sflag:s6] =	ssyncadd.s32 $0xFFFFE000  }
0xae: {  	[spmem:s2] =	stream.indirect.scatter.add.f32 [tilespmem:s16], [sflag:$0x1], $0x80, s23, s17, $0xb8;
	[tilespmem:$0x5D30] =	vst v63  }
0xaf: {  	_ =	swait.ge [sflag:s6], $0x2000  }
0xb0: {  	[sflag:s6] =	ssyncset.done $0x0  }
0xb1: {  	[sflag:s6] =	ssyncadd.s32 $0xFFFFE000  }
0xb2: {  	[spmem:s3] =	stream.indirect.scatter.add.f32 [tilespmem:s11], [sflag:$0x1], $0x1, s23, s17, $0xb8;
	[tilespmem:$0x5D30] =	vst v63  }
0xb3: {  	_ =	swait.ge [sflag:s6], $0x40  }
0xb4: {  	[sflag:s6] =	ssyncset.done $0x0  }
0xb5: {  	[sflag:s6] =	ssyncadd.s32 $0xFFFFFFC0  }
0xb6: {  	[tilespmem:s16], [sflag:$0x1] =	stream.linear.gather [hbm4b:s24+s4], $0x2000, $0x38;
	[tilespmem:$0x5D30] =	vst v63  }
0xb7: {  	_ =	swait.ge [sflag:s6], $0x2000  }
0xb8: {  	[sflag:s6] =	ssyncset.done $0x0  }
0xb9: {  	[sflag:s6] =	ssyncadd.s32 $0xFFFFE000  }
0xba: {  	[spmem:s2] =	stream.indirect.scatter.add.f32 [tilespmem:s16], [sflag:$0x1], $0x80, s25, s17, $0xb8;
	[tilespmem:$0x5D30] =	vst v63  }
0xbb: {  	_ =	swait.ge [sflag:s6], $0x2000  }
0xbc: {  	[sflag:s6] =	ssyncset.done $0x0  }
0xbd: {  	[sflag:s6] =	ssyncadd.s32 $0xFFFFE000  }
0xbe: {  	[spmem:s3] =	stream.indirect.scatter.add.f32 [tilespmem:s11], [sflag:$0x1], $0x1, s25, s17, $0xb8;
	[tilespmem:$0x5D30] =	vst v63  }
0xbf: {  	_ =	swait.ge [sflag:s6], $0x40  }
0xc0: {  	[sflag:s6] =	ssyncset.done $0x0  }
0xc1: {  	[sflag:s6] =	ssyncadd.s32 $0xFFFFFFC0  }
0xc2: {  	[bflag:$0x0] =	sbarrier.arrive $0xFFFF  }
0xc3: {  	[tilespmem:s7], [sflag:$0x1] =	stream.linear.gather [spmem:s12], $0x1800, $0x38;
	[tilespmem:$0x5D30] =	vst v63  }
0xc4: {  	_ =	swait.ge [sflag:s6], $0x1800  }
0xc5: {  	[sflag:s6] =	ssyncset.done $0x0  }
0xc6: {  	[sflag:s6] =	ssyncadd.s32 $0xFFFFE800  }
0xc7: {  	[hbm4b:s26+s4] =	stream.linear.scatter [tilespmem:s7], [sflag:$0x1], $0x1800, $0x38;
	[tilespmem:$0x5D30] =	vst v63  }
0xc8: {  	_ =	swait.ge [sflag:s6], $0x1800  }
0xc9: {  	[sflag:s6] =	ssyncset.done $0x0  }
0xca: {  	[sflag:s6] =	ssyncadd.s32 $0xFFFFE800  }
0xcb: {  	[tilespmem:s9], [sflag:$0x1] =	stream.linear.gather [spmem:s13], $0x30, $0x38;
	[tilespmem:$0x5D30] =	vst v63  }
0xcc: {  	_ =	swait.ge [sflag:s6], $0x30  }
.Ltmp1:
0xcd: {  	[sflag:s6] =	ssyncset.done $0x0;
	(pc) =	sbr.rel @p0 .LBB2_1-.Ltmp1, $4  }
0xce: {  	[sflag:s6] =	ssyncadd.s32 $0xFFFFFFD0  }
0xcf: {  	[hbm4b:s28+s4] =	stream.linear.scatter [tilespmem:s9], [sflag:$0x1], $0x30, $0x38;
	[tilespmem:$0x5D30] =	vst v63  }
0xd0: {  	_ =	swait.ge [sflag:s6], $0x30  }
0xd1: {  	[sflag:s6] =	ssyncset.done $0x0  }
.LBB2_2:
0xd2: {  	[sflag:s6] =	ssyncadd.s32 $0xFFFFFFD0  }
0xd3: {  	_ =	sfence.sel $0x180000  }
0xd4: {  	[bflag:$0x0] =	sbarrier.arrive $0xFFFF  }
0xd5: {  	_ =	strace $0x90000056  }
0xd6: {  	[bflag:$0x2] =	sbarrier.arrive $0xFFFF  }
0xd7: {  	p0 =	sne.s32 s8, $0x0;
	s0 =	rddreg [dreg:$0x4]  }
0xd8: {  	s0 =	sadd.s32 @!p0 $0x100000, s0  }
0xd9: {  	[sflag:s0] =	ssyncadd.tile.s32 @!p0 $0x1;
	_ =	shalt  }
.Lfunc_end2:
_tile_overlayer_lowered:
.L_overlay_start_2:
0xda: {  	(tag) =	ssettag $0x2  }
0xdb: {  	s0 =	rddreg [dreg:$0x0];
	s2 =	stileid.u32  }
0xdc: {  	s1 =	rddreg [dreg:$0x1];
	p0 =	sne.s32 s2, $0x0  }
0xdd: {  	s3 =	rddreg [dreg:$0x2];
	[bflag:$0x3] =	sbarrier.arrive $0xFFFF;
	s2 =	simm.s32 @!p0 $0x1C01  }
0xde: {  	[timem:s3], [sflag:s2] =	dma.local @!p0 [hbm:s0], s1  }
0xdf: {  	s0 =	simm.s32 @!p0 $0x1  }
0xe0: {  	_ =	swait.ge @!p0 [sflag:s0], s1  }
0xe1: {  	s1 =	ssub.s32 @!p0 $0x0, s1;
	[sflag:s0] =	ssyncset.done @!p0 $0x0  }
0xe2: {  	[sflag:s0] =	ssyncadd.s32 @!p0 s1  }
0xe3: {  	[bflag:$0x3] =	sbarrier.arrive $0xFFFF  }
0xe4: {  	_ =	shalt  }

</sc_bundles>
